<compile_context>
chip_gen: v7x
topology: tpu7x:2x2x1
jax: 0.10.2.dev20260603
libtpu: 0.0.44.dev20260713+nightly
codegen_flags: <defaults>
</compile_context>

<pallas_src>
import functools

import jax
import jax.numpy as jnp
import numpy as np
from jax import lax
from jax.experimental import pallas as pl
from jax.experimental.pallas import tpu as pltpu
from jax.experimental.pallas import tpu_sc as plsc

FIELD_DIMS = [100000] * 26
EMBED_DIM = 16
BATCH = 4096
NUM_FIELDS = len(FIELD_DIMS)

NC, NS, L = 2, 16, 16
NW = NC * NS
B_PER_W = BATCH // NW
ROWS_PER_W = B_PER_W * NUM_FIELDS
ELEMS_PER_W = ROWS_PER_W * EMBED_DIM
CHUNK = 128
NCHUNK_E = ELEMS_PER_W // CHUNK
NCHUNK_L = ROWS_PER_W // CHUNK
GROUPS = B_PER_W // L
TOTAL_ROWS = sum(FIELD_DIMS)


def _fm_body(xie_hbm, xil_hbm, bias_hbm, emb_hbm, lin_hbm, out_hbm,
             idx_e, idx_l, rows_v, lin_v, out_v, bias_v, sem_e, sem_l):
  wid = lax.axis_index("s") * NC + lax.axis_index("c")

  pltpu.sync_copy(xie_hbm.at[wid], idx_e)
  pltpu.sync_copy(xil_hbm.at[wid], idx_l)
  pltpu.sync_copy(bias_hbm, bias_v)

  def fire_e(j, _):
    pltpu.make_async_copy(
        emb_hbm.at[idx_e.at[j]], rows_v.at[pl.ds(j * CHUNK, CHUNK)], sem_e
    ).start()
    return _

  lax.fori_loop(0, NCHUNK_L, fire_e, None)

  def fire_l(j, _):
    pltpu.make_async_copy(
        lin_hbm.at[idx_l.at[j]], lin_v.at[pl.ds(j * CHUNK, CHUNK)], sem_l
    ).start()
    return _

  lax.fori_loop(0, NCHUNK_L, fire_l, None)

  pltpu.make_async_copy(lin_hbm.at[pl.ds(0, ROWS_PER_W)], lin_v, sem_l).wait()
  pltpu.make_async_copy(emb_hbm.at[pl.ds(0, ROWS_PER_W)], rows_v, sem_e).wait()

  lane = lax.iota(jnp.int32, L)
  bias_vec = bias_v[:]

  def group(g, _):
    acc = bias_vec
    for f in range(NUM_FIELDS):
      acc = acc + lin_v[pl.ds(f * B_PER_W + g * L, L)]

    gbase = g * (L * NUM_FIELDS)
    fmv = jnp.zeros((L,), jnp.float32)
    for j in range(L):
      base = gbase + j * NUM_FIELDS
      r = rows_v[base, :]
      s = r
      sq = r * r
      for f in range(1, NUM_FIELDS):
        r = rows_v[base + f, :]
        s = s + r
        sq = sq + r * r
      fm = 0.5 * jnp.sum(s * s - sq)
      fmv = jnp.where(lane == j, fm, fmv)

    out_v[pl.ds(g * L, L)] = acc + fmv
    return _

  lax.fori_loop(0, GROUPS, group, None)

  pltpu.sync_copy(out_v, out_hbm.at[pl.ds(wid * B_PER_W, B_PER_W)])


_fm_call = functools.partial(
    pl.kernel,
    out_type=jax.ShapeDtypeStruct((BATCH,), jnp.float32),
    mesh=plsc.VectorSubcoreMesh(core_axis_name="c", subcore_axis_name="s"),
    compiler_params=pltpu.CompilerParams(
        needs_layout_passes=False, use_tc_tiling_on_sc=False
    ),
    scratch_types=[
        pltpu.VMEM((NCHUNK_L, CHUNK), jnp.int32),
        pltpu.VMEM((NCHUNK_L, CHUNK), jnp.int32),
        pltpu.VMEM((ROWS_PER_W, EMBED_DIM), jnp.float32),
        pltpu.VMEM((ROWS_PER_W,), jnp.float32),
        pltpu.VMEM((B_PER_W,), jnp.float32),
        pltpu.VMEM((L,), jnp.float32),
        pltpu.SemaphoreType.DMA,
        pltpu.SemaphoreType.DMA,
    ],
)(_fm_body)

_OFFSETS = np.concatenate([[0], np.cumsum(FIELD_DIMS)[:-1]]).astype(np.int32)


def kernel(x, W_emb, W_lin, bias):
  xi = (x - 1) + jnp.asarray(_OFFSETS)[None, :]
  xie = xi.reshape(NW, NCHUNK_L, CHUNK)
  xil = xi.reshape(NW, B_PER_W, NUM_FIELDS).transpose(0, 2, 1)
  xil = xil.reshape(NW, NCHUNK_L, CHUNK)
  bias16 = jnp.broadcast_to(bias, (L,)).astype(jnp.float32)
  return _fm_call(xie, xil, bias16, W_emb, W_lin.reshape(-1))

# --- scband reference (transcript-rebuilt; emitter-appended) ---
"""Pipeline reference for scband-fm-86629490360833 (READ-ONLY COPY).

The authoritative reference and input builder live on the scoring server;
editing this copy changes nothing except your own understanding.
"""

import jax, jax.numpy as jnp
import numpy as np

FIELD_DIMS = [100000] * 26
EMBED_DIM = 16
BATCH = 4096
TOTAL = sum(FIELD_DIMS)


def setup_inputs(seed: int = 0) -> dict:
    key = jax.random.key(seed)
    k1, k2, k3 = jax.random.split(key, 3)
    # Module does x = x - 1 internally (1-based feature ids), so sample indices in [1, vocab)
    x = jax.random.randint(k1, (BATCH, len(FIELD_DIMS)), 1, FIELD_DIMS[0], dtype=jnp.int32)
    # FeaturesEmbedding table (xavier-uniform-like init)
    a = float(np.sqrt(6.0 / (TOTAL + EMBED_DIM)))
    W_emb = jax.random.uniform(k2, (TOTAL, EMBED_DIM), jnp.float32, -a, a)
    # FeaturesLinear table + bias
    W_lin = jax.random.normal(k3, (TOTAL, 1), jnp.float32) * 0.01
    bias = jnp.zeros((1,), jnp.float32)
    return {"x": x, "W_emb": W_emb, "W_lin": W_lin, "bias": bias}


def reference(x, W_emb, W_lin, bias):
    offsets = jnp.asarray(
        np.concatenate([[0], np.cumsum(FIELD_DIMS)[:-1]]), dtype=x.dtype
    )
    xi = (x - 1) + offsets[None, :]  # (B, F) absolute row ids
    # FeaturesLinear: sum over fields of 1-dim embeddings + bias -> (B, 1)
    linear = jnp.sum(jnp.take(W_lin, xi, axis=0), axis=1) + bias
    # FeaturesEmbedding: (B, F, D)
    emb = jnp.take(W_emb, xi, axis=0)
    # FactorizationMachine with reduce_sum=True
    square_of_sum = jnp.sum(emb, axis=1) ** 2
    sum_of_square = jnp.sum(emb ** 2, axis=1)
    ix = 0.5 * jnp.sum(square_of_sum - sum_of_square, axis=1, keepdims=True)
    out = linear + ix  # (B, 1)
    return jnp.squeeze(out, axis=1)  # (B,)

if __name__ == "__main__":
    import jax
    _d = setup_inputs()
    print(jax.jit(kernel)(*tuple(_d.values())))

</pallas_src>

<mosaic_0001>
#map = affine_map<(d0, d1) -> (0, 0, 0)>
#map1 = affine_map<(d0, d1) -> (0)>
#map2 = affine_map<(d0, d1) -> (0, 0)>
module attributes {stable_mosaic.version = 14 : i64} {
  func.func @_fm_body(%arg0: i32, %arg1: i32, %arg2: memref<32x26x128xi32, #tpu.memory_space<hbm>>, %arg3: memref<32x26x128xi32, #tpu.memory_space<hbm>>, %arg4: memref<16xf32, #tpu.memory_space<hbm>>, %arg5: memref<2600000x16xf32, #tpu.memory_space<hbm>>, %arg6: memref<2600000xf32, #tpu.memory_space<hbm>>, %arg7: memref<4096xf32, #tpu.memory_space<hbm>>, %arg8: memref<26x128xi32, #tpu.memory_space<vmem>>, %arg9: memref<26x128xi32, #tpu.memory_space<vmem>>, %arg10: memref<3328x16xf32, #tpu.memory_space<vmem>>, %arg11: memref<3328xf32, #tpu.memory_space<vmem>>, %arg12: memref<128xf32, #tpu.memory_space<vmem>>, %arg13: memref<16xf32, #tpu.memory_space<vmem>>, %arg14: memref<!tpu.dma_semaphore, #tpu.memory_space<semaphore_mem>>, %arg15: memref<!tpu.dma_semaphore, #tpu.memory_space<semaphore_mem>>) attributes {dimension_semantics = [#tpu.dimension_semantics<core_parallel>, #tpu.dimension_semantics<subcore_parallel>], iteration_bounds = array<i64: 2, 16>, scalar_prefetch = 0 : i64, scratch_operands = 8 : i64, tpu.core_type = #tpu.core_type<sc_vector_subcore>, window_params = [{transform_indices = #map}, {transform_indices = #map}, {transform_indices = #map1}, {transform_indices = #map2}, {transform_indices = #map1}, {transform_indices = #map1}]} {
    %mul3A = arith.constant 2 : i32
    %mul3A_0 = arith.muli %arg1, %mul3A : i32
    %add3A = arith.addi %mul3A_0, %arg0 : i32
    "tpu.region"() ({
      %run_scoped3A = tpu.sem_alloc : memref<!tpu.dma_semaphore, #tpu.memory_space<semaphore_mem>>
      %dma_start3A = arith.constant 0 : i32
      %dma_start3A_27 = arith.constant 0 : i32
      %dma_start3A_28 = tpu.memref_slice %arg2[%add3A, %dma_start3A, %dma_start3A_27] : memref<32x26x128xi32, #tpu.memory_space<hbm>> -> memref<1x26x128xi32, #tpu.memory_space<hbm>>
      %dma_start3A_29 = tpu.memref_squeeze %dma_start3A_28 : memref<1x26x128xi32, #tpu.memory_space<hbm>> -> memref<26x128xi32, #tpu.memory_space<hbm>>
      %dma_start3A_30 = arith.constant 0 : i32
      %dma_start3A_31 = arith.constant 0 : i32
      %dma_start3A_32 = tpu.memref_slice %arg2[%add3A, %dma_start3A_30, %dma_start3A_31] : memref<32x26x128xi32, #tpu.memory_space<hbm>> -> memref<1x26x128xi32, #tpu.memory_space<hbm>>
      %dma_start3A_33 = tpu.memref_squeeze %dma_start3A_32 : memref<1x26x128xi32, #tpu.memory_space<hbm>> -> memref<26x128xi32, #tpu.memory_space<hbm>>
      tpu.enqueue_dma source(%dma_start3A_33 : memref<26x128xi32, #tpu.memory_space<hbm>>) target(%arg8 : memref<26x128xi32, #tpu.memory_space<vmem>>) target_semaphore(%run_scoped3A : memref<!tpu.dma_semaphore, #tpu.memory_space<semaphore_mem>>)
      %dma_wait3A_34 = arith.constant 0 : i32
      %dma_wait3A_35 = arith.constant 0 : i32
      %dma_wait3A_36 = tpu.memref_slice %arg2[%add3A, %dma_wait3A_34, %dma_wait3A_35] : memref<32x26x128xi32, #tpu.memory_space<hbm>> -> memref<1x26x128xi32, #tpu.memory_space<hbm>>
      %dma_wait3A_37 = tpu.memref_squeeze %dma_wait3A_36 : memref<1x26x128xi32, #tpu.memory_space<hbm>> -> memref<26x128xi32, #tpu.memory_space<hbm>>
      %dma_wait3A_38 = arith.constant 0 : i32
      %dma_wait3A_39 = arith.constant 0 : i32
      %dma_wait3A_40 = tpu.memref_slice %arg2[%add3A, %dma_wait3A_38, %dma_wait3A_39] : memref<32x26x128xi32, #tpu.memory_space<hbm>> -> memref<1x26x128xi32, #tpu.memory_space<hbm>>
      %dma_wait3A_41 = tpu.memref_squeeze %dma_wait3A_40 : memref<1x26x128xi32, #tpu.memory_space<hbm>> -> memref<26x128xi32, #tpu.memory_space<hbm>>
      tpu.wait_dma2 semaphore(%run_scoped3A : memref<!tpu.dma_semaphore, #tpu.memory_space<semaphore_mem>>) src(%dma_wait3A_41 : memref<26x128xi32, #tpu.memory_space<hbm>>) dst(%arg8 : memref<26x128xi32, #tpu.memory_space<vmem>>)
      tpu.yield
    }) : () -> ()
    "tpu.region"() ({
      %run_scoped3A = tpu.sem_alloc : memref<!tpu.dma_semaphore, #tpu.memory_space<semaphore_mem>>
      %dma_start3A = arith.constant 0 : i32
      %dma_start3A_27 = arith.constant 0 : i32
      %dma_start3A_28 = tpu.memref_slice %arg3[%add3A, %dma_start3A, %dma_start3A_27] : memref<32x26x128xi32, #tpu.memory_space<hbm>> -> memref<1x26x128xi32, #tpu.memory_space<hbm>>
      %dma_start3A_29 = tpu.memref_squeeze %dma_start3A_28 : memref<1x26x128xi32, #tpu.memory_space<hbm>> -> memref<26x128xi32, #tpu.memory_space<hbm>>
      %dma_start3A_30 = arith.constant 0 : i32
      %dma_start3A_31 = arith.constant 0 : i32
      %dma_start3A_32 = tpu.memref_slice %arg3[%add3A, %dma_start3A_30, %dma_start3A_31] : memref<32x26x128xi32, #tpu.memory_space<hbm>> -> memref<1x26x128xi32, #tpu.memory_space<hbm>>
      %dma_start3A_33 = tpu.memref_squeeze %dma_start3A_32 : memref<1x26x128xi32, #tpu.memory_space<hbm>> -> memref<26x128xi32, #tpu.memory_space<hbm>>
      tpu.enqueue_dma source(%dma_start3A_33 : memref<26x128xi32, #tpu.memory_space<hbm>>) target(%arg9 : memref<26x128xi32, #tpu.memory_space<vmem>>) target_semaphore(%run_scoped3A : memref<!tpu.dma_semaphore, #tpu.memory_space<semaphore_mem>>)
      %dma_wait3A_34 = arith.constant 0 : i32
      %dma_wait3A_35 = arith.constant 0 : i32
      %dma_wait3A_36 = tpu.memref_slice %arg3[%add3A, %dma_wait3A_34, %dma_wait3A_35] : memref<32x26x128xi32, #tpu.memory_space<hbm>> -> memref<1x26x128xi32, #tpu.memory_space<hbm>>
      %dma_wait3A_37 = tpu.memref_squeeze %dma_wait3A_36 : memref<1x26x128xi32, #tpu.memory_space<hbm>> -> memref<26x128xi32, #tpu.memory_space<hbm>>
      %dma_wait3A_38 = arith.constant 0 : i32
      %dma_wait3A_39 = arith.constant 0 : i32
      %dma_wait3A_40 = tpu.memref_slice %arg3[%add3A, %dma_wait3A_38, %dma_wait3A_39] : memref<32x26x128xi32, #tpu.memory_space<hbm>> -> memref<1x26x128xi32, #tpu.memory_space<hbm>>
      %dma_wait3A_41 = tpu.memref_squeeze %dma_wait3A_40 : memref<1x26x128xi32, #tpu.memory_space<hbm>> -> memref<26x128xi32, #tpu.memory_space<hbm>>
      tpu.wait_dma2 semaphore(%run_scoped3A : memref<!tpu.dma_semaphore, #tpu.memory_space<semaphore_mem>>) src(%dma_wait3A_41 : memref<26x128xi32, #tpu.memory_space<hbm>>) dst(%arg9 : memref<26x128xi32, #tpu.memory_space<vmem>>)
      tpu.yield
    }) : () -> ()
    "tpu.region"() ({
      %run_scoped3A = tpu.sem_alloc : memref<!tpu.dma_semaphore, #tpu.memory_space<semaphore_mem>>
      tpu.enqueue_dma source(%arg4 : memref<16xf32, #tpu.memory_space<hbm>>) target(%arg13 : memref<16xf32, #tpu.memory_space<vmem>>) target_semaphore(%run_scoped3A : memref<!tpu.dma_semaphore, #tpu.memory_space<semaphore_mem>>)
      tpu.wait_dma2 semaphore(%run_scoped3A : memref<!tpu.dma_semaphore, #tpu.memory_space<semaphore_mem>>) src(%arg4 : memref<16xf32, #tpu.memory_space<hbm>>) dst(%arg13 : memref<16xf32, #tpu.memory_space<vmem>>)
      tpu.yield
    }) : () -> ()
    %scan3A = arith.constant 0 : i32
    %scan3A_1 = arith.constant 26 : i32
    %scan3A_2 = arith.addi %scan3A, %scan3A_1 : i32
    %scan3A_3 = arith.constant 1 : i32
    scf.for %scan3A_27 = %scan3A to %scan3A_2 step %scan3A_3  : i32 {
      %mul3A_28 = arith.constant 128 : i32
      %mul3A_29 = arith.muli %scan3A_27, %mul3A_28 : i32
      %dma_start3A = arith.constant 0 : i32
      %dma_start3A_30 = tpu.memref_slice %arg10[%mul3A_29, %dma_start3A] : memref<3328x16xf32, #tpu.memory_space<vmem>> -> memref<128x16xf32, #tpu.memory_space<vmem>>
      %dma_start3A_31 = arith.constant 0 : i32
      %dma_start3A_32 = tpu.memref_slice %arg8[%scan3A_27, %dma_start3A_31] : memref<26x128xi32, #tpu.memory_space<vmem>> -> memref<1x128xi32, #tpu.memory_space<vmem>>
      %dma_start3A_33 = tpu.memref_squeeze %dma_start3A_32 : memref<1x128xi32, #tpu.memory_space<vmem>> -> memref<128xi32, #tpu.memory_space<vmem>>
      %dma_start3A_34 = arith.constant 0 : i32
      %dma_start3A_35 = arith.constant 0 : i32
      %dma_start3A_36 = tpu.memref_slice %arg5[%dma_start3A_34, %dma_start3A_35] : memref<2600000x16xf32, #tpu.memory_space<hbm>> -> memref<2600000x16xf32, #tpu.memory_space<hbm>>
      tpu.enqueue_indirect_dma source(%dma_start3A_36 : memref<2600000x16xf32, #tpu.memory_space<hbm>>) target(%dma_start3A_30 : memref<128x16xf32, #tpu.memory_space<vmem>>) offsets(%dma_start3A_33 : memref<128xi32, #tpu.memory_space<vmem>>) semaphore(%arg14 : memref<!tpu.dma_semaphore, #tpu.memory_space<semaphore_mem>>)
    }
    %scan3A_4 = arith.constant 26 : i32
    %scan3A_5 = arith.constant 0 : i32
    %scan3A_6 = arith.constant 26 : i32
    %scan3A_7 = arith.addi %scan3A_5, %scan3A_6 : i32
    %scan3A_8 = arith.constant 1 : i32
    scf.for %scan3A_27 = %scan3A_5 to %scan3A_7 step %scan3A_8  : i32 {
      %mul3A_28 = arith.constant 128 : i32
      %mul3A_29 = arith.muli %scan3A_27, %mul3A_28 : i32
      %dma_start3A = tpu.memref_slice %arg11[%mul3A_29] : memref<3328xf32, #tpu.memory_space<vmem>> -> memref<128xf32, #tpu.memory_space<vmem>>
      %dma_start3A_30 = arith.constant 0 : i32
      %dma_start3A_31 = tpu.memref_slice %arg9[%scan3A_27, %dma_start3A_30] : memref<26x128xi32, #tpu.memory_space<vmem>> -> memref<1x128xi32, #tpu.memory_space<vmem>>
      %dma_start3A_32 = tpu.memref_squeeze %dma_start3A_31 : memref<1x128xi32, #tpu.memory_space<vmem>> -> memref<128xi32, #tpu.memory_space<vmem>>
      %dma_start3A_33 = arith.constant 0 : i32
      %dma_start3A_34 = tpu.memref_slice %arg6[%dma_start3A_33] : memref<2600000xf32, #tpu.memory_space<hbm>> -> memref<2600000xf32, #tpu.memory_space<hbm>>
      tpu.enqueue_indirect_dma source(%dma_start3A_34 : memref<2600000xf32, #tpu.memory_space<hbm>>) target(%dma_start3A : memref<128xf32, #tpu.memory_space<vmem>>) offsets(%dma_start3A_32 : memref<128xi32, #tpu.memory_space<vmem>>) semaphore(%arg15 : memref<!tpu.dma_semaphore, #tpu.memory_space<semaphore_mem>>)
    }
    %scan3A_9 = arith.constant 26 : i32
    %dma_wait3A = arith.constant 0 : i32
    %dma_wait3A_10 = tpu.memref_slice %arg6[%dma_wait3A] : memref<2600000xf32, #tpu.memory_space<hbm>> -> memref<3328xf32, #tpu.memory_space<hbm>>
    %dma_wait3A_11 = arith.constant 0 : i32
    %dma_wait3A_12 = tpu.memref_slice %arg6[%dma_wait3A_11] : memref<2600000xf32, #tpu.memory_space<hbm>> -> memref<3328xf32, #tpu.memory_space<hbm>>
    tpu.wait_dma2 semaphore(%arg15 : memref<!tpu.dma_semaphore, #tpu.memory_space<semaphore_mem>>) src(%dma_wait3A_12 : memref<3328xf32, #tpu.memory_space<hbm>>) dst(%arg11 : memref<3328xf32, #tpu.memory_space<vmem>>)
    %dma_wait3A_13 = arith.constant 0 : i32
    %dma_wait3A_14 = arith.constant 0 : i32
    %dma_wait3A_15 = tpu.memref_slice %arg5[%dma_wait3A_13, %dma_wait3A_14] : memref<2600000x16xf32, #tpu.memory_space<hbm>> -> memref<3328x16xf32, #tpu.memory_space<hbm>>
    %dma_wait3A_16 = arith.constant 0 : i32
    %dma_wait3A_17 = arith.constant 0 : i32
    %dma_wait3A_18 = tpu.memref_slice %arg5[%dma_wait3A_16, %dma_wait3A_17] : memref<2600000x16xf32, #tpu.memory_space<hbm>> -> memref<3328x16xf32, #tpu.memory_space<hbm>>
    tpu.wait_dma2 semaphore(%arg14 : memref<!tpu.dma_semaphore, #tpu.memory_space<semaphore_mem>>) src(%dma_wait3A_18 : memref<3328x16xf32, #tpu.memory_space<hbm>>) dst(%arg10 : memref<3328x16xf32, #tpu.memory_space<vmem>>)
    %iota3A = tpu.iota {dimensions = array<i32: 0>} : vector<16xi32>
    %get3A = arith.constant 0 : index
    %get3A_19 = tpu.vector_load %arg13[%get3A] {strides = array<i32>} : memref<16xf32, #tpu.memory_space<vmem>>, vector<16xf32>,
    %scan3A_20 = arith.constant 0 : i32
    %scan3A_21 = arith.constant 8 : i32
    %scan3A_22 = arith.addi %scan3A_20, %scan3A_21 : i32
    %scan3A_23 = arith.constant 1 : i32
    scf.for %scan3A_27 = %scan3A_20 to %scan3A_22 step %scan3A_23  : i32 {
      %mul3A_28 = arith.constant 16 : i32
      %mul3A_29 = arith.muli %scan3A_27, %mul3A_28 : i32
      %add3A_30 = arith.constant 0 : i32
      %add3A_31 = arith.addi %add3A_30, %mul3A_29 : i32
      %get3A_32 = arith.index_cast %add3A_31 : i32 to index
      %get3A_33 = tpu.vector_load %arg11[%get3A_32] {strides = array<i32>} : memref<3328xf32, #tpu.memory_space<vmem>>, vector<16xf32>,
      %add3A_34 = arith.addf %get3A_19, %get3A_33 : vector<16xf32>
      %mul3A_35 = arith.constant 16 : i32
      %mul3A_36 = arith.muli %scan3A_27, %mul3A_35 : i32
      %add3A_37 = arith.constant 128 : i32
      %add3A_38 = arith.addi %add3A_37, %mul3A_36 : i32
      %get3A_39 = arith.index_cast %add3A_38 : i32 to index
      %get3A_40 = tpu.vector_load %arg11[%get3A_39] {strides = array<i32>} : memref<3328xf32, #tpu.memory_space<vmem>>, vector<16xf32>,
      %add3A_41 = arith.addf %add3A_34, %get3A_40 : vector<16xf32>
      %mul3A_42 = arith.constant 16 : i32
      %mul3A_43 = arith.muli %scan3A_27, %mul3A_42 : i32
      %add3A_44 = arith.constant 256 : i32
      %add3A_45 = arith.addi %add3A_44, %mul3A_43 : i32
      %get3A_46 = arith.index_cast %add3A_45 : i32 to index
      %get3A_47 = tpu.vector_load %arg11[%get3A_46] {strides = array<i32>} : memref<3328xf32, #tpu.memory_space<vmem>>, vector<16xf32>,
      %add3A_48 = arith.addf %add3A_41, %get3A_47 : vector<16xf32>
      %mul3A_49 = arith.constant 16 : i32
      %mul3A_50 = arith.muli %scan3A_27, %mul3A_49 : i32
      %add3A_51 = arith.constant 384 : i32
      %add3A_52 = arith.addi %add3A_51, %mul3A_50 : i32
      %get3A_53 = arith.index_cast %add3A_52 : i32 to index
      %get3A_54 = tpu.vector_load %arg11[%get3A_53] {strides = array<i32>} : memref<3328xf32, #tpu.memory_space<vmem>>, vector<16xf32>,
      %add3A_55 = arith.addf %add3A_48, %get3A_54 : vector<16xf32>
      %mul3A_56 = arith.constant 16 : i32
      %mul3A_57 = arith.muli %scan3A_27, %mul3A_56 : i32
      %add3A_58 = arith.constant 512 : i32
      %add3A_59 = arith.addi %add3A_58, %mul3A_57 : i32
      %get3A_60 = arith.index_cast %add3A_59 : i32 to index
      %get3A_61 = tpu.vector_load %arg11[%get3A_60] {strides = array<i32>} : memref<3328xf32, #tpu.memory_space<vmem>>, vector<16xf32>,
      %add3A_62 = arith.addf %add3A_55, %get3A_61 : vector<16xf32>
      %mul3A_63 = arith.constant 16 : i32
      %mul3A_64 = arith.muli %scan3A_27, %mul3A_63 : i32
      %add3A_65 = arith.constant 640 : i32
      %add3A_66 = arith.addi %add3A_65, %mul3A_64 : i32
      %get3A_67 = arith.index_cast %add3A_66 : i32 to index
      %get3A_68 = tpu.vector_load %arg11[%get3A_67] {strides = array<i32>} : memref<3328xf32, #tpu.memory_space<vmem>>, vector<16xf32>,
      %add3A_69 = arith.addf %add3A_62, %get3A_68 : vector<16xf32>
      %mul3A_70 = arith.constant 16 : i32
      %mul3A_71 = arith.muli %scan3A_27, %mul3A_70 : i32
      %add3A_72 = arith.constant 768 : i32
      %add3A_73 = arith.addi %add3A_72, %mul3A_71 : i32
      %get3A_74 = arith.index_cast %add3A_73 : i32 to index
      %get3A_75 = tpu.vector_load %arg11[%get3A_74] {strides = array<i32>} : memref<3328xf32, #tpu.memory_space<vmem>>, vector<16xf32>,
      %add3A_76 = arith.addf %add3A_69, %get3A_75 : vector<16xf32>
      %mul3A_77 = arith.constant 16 : i32
      %mul3A_78 = arith.muli %scan3A_27, %mul3A_77 : i32
      %add3A_79 = arith.constant 896 : i32
      %add3A_80 = arith.addi %add3A_79, %mul3A_78 : i32
      %get3A_81 = arith.index_cast %add3A_80 : i32 to index
      %get3A_82 = tpu.vector_load %arg11[%get3A_81] {strides = array<i32>} : memref<3328xf32, #tpu.memory_space<vmem>>, vector<16xf32>,
      %add3A_83 = arith.addf %add3A_76, %get3A_82 : vector<16xf32>
      %mul3A_84 = arith.constant 16 : i32
      %mul3A_85 = arith.muli %scan3A_27, %mul3A_84 : i32
      %add3A_86 = arith.constant 1024 : i32
      %add3A_87 = arith.addi %add3A_86, %mul3A_85 : i32
      %get3A_88 = arith.index_cast %add3A_87 : i32 to index
      %get3A_89 = tpu.vector_load %arg11[%get3A_88] {strides = array<i32>} : memref<3328xf32, #tpu.memory_space<vmem>>, vector<16xf32>,
      %add3A_90 = arith.addf %add3A_83, %get3A_89 : vector<16xf32>
      %mul3A_91 = arith.constant 16 : i32
      %mul3A_92 = arith.muli %scan3A_27, %mul3A_91 : i32
      %add3A_93 = arith.constant 1152 : i32
      %add3A_94 = arith.addi %add3A_93, %mul3A_92 : i32
      %get3A_95 = arith.index_cast %add3A_94 : i32 to index
      %get3A_96 = tpu.vector_load %arg11[%get3A_95] {strides = array<i32>} : memref<3328xf32, #tpu.memory_space<vmem>>, vector<16xf32>,
      %add3A_97 = arith.addf %add3A_90, %get3A_96 : vector<16xf32>
      %mul3A_98 = arith.constant 16 : i32
      %mul3A_99 = arith.muli %scan3A_27, %mul3A_98 : i32
      %add3A_100 = arith.constant 1280 : i32
      %add3A_101 = arith.addi %add3A_100, %mul3A_99 : i32
      %get3A_102 = arith.index_cast %add3A_101 : i32 to index
      %get3A_103 = tpu.vector_load %arg11[%get3A_102] {strides = array<i32>} : memref<3328xf32, #tpu.memory_space<vmem>>, vector<16xf32>,
      %add3A_104 = arith.addf %add3A_97, %get3A_103 : vector<16xf32>
      %mul3A_105 = arith.constant 16 : i32
      %mul3A_106 = arith.muli %scan3A_27, %mul3A_105 : i32
      %add3A_107 = arith.constant 1408 : i32
      %add3A_108 = arith.addi %add3A_107, %mul3A_106 : i32
      %get3A_109 = arith.index_cast %add3A_108 : i32 to index
      %get3A_110 = tpu.vector_load %arg11[%get3A_109] {strides = array<i32>} : memref<3328xf32, #tpu.memory_space<vmem>>, vector<16xf32>,
      %add3A_111 = arith.addf %add3A_104, %get3A_110 : vector<16xf32>
      %mul3A_112 = arith.constant 16 : i32
      %mul3A_113 = arith.muli %scan3A_27, %mul3A_112 : i32
      %add3A_114 = arith.constant 1536 : i32
      %add3A_115 = arith.addi %add3A_114, %mul3A_113 : i32
      %get3A_116 = arith.index_cast %add3A_115 : i32 to index
      %get3A_117 = tpu.vector_load %arg11[%get3A_116] {strides = array<i32>} : memref<3328xf32, #tpu.memory_space<vmem>>, vector<16xf32>,
      %add3A_118 = arith.addf %add3A_111, %get3A_117 : vector<16xf32>
      %mul3A_119 = arith.constant 16 : i32
      %mul3A_120 = arith.muli %scan3A_27, %mul3A_119 : i32
      %add3A_121 = arith.constant 1664 : i32
      %add3A_122 = arith.addi %add3A_121, %mul3A_120 : i32
      %get3A_123 = arith.index_cast %add3A_122 : i32 to index
      %get3A_124 = tpu.vector_load %arg11[%get3A_123] {strides = array<i32>} : memref<3328xf32, #tpu.memory_space<vmem>>, vector<16xf32>,
      %add3A_125 = arith.addf %add3A_118, %get3A_124 : vector<16xf32>
      %mul3A_126 = arith.constant 16 : i32
      %mul3A_127 = arith.muli %scan3A_27, %mul3A_126 : i32
      %add3A_128 = arith.constant 1792 : i32
      %add3A_129 = arith.addi %add3A_128, %mul3A_127 : i32
      %get3A_130 = arith.index_cast %add3A_129 : i32 to index
      %get3A_131 = tpu.vector_load %arg11[%get3A_130] {strides = array<i32>} : memref<3328xf32, #tpu.memory_space<vmem>>, vector<16xf32>,
      %add3A_132 = arith.addf %add3A_125, %get3A_131 : vector<16xf32>
      %mul3A_133 = arith.constant 16 : i32
      %mul3A_134 = arith.muli %scan3A_27, %mul3A_133 : i32
      %add3A_135 = arith.constant 1920 : i32
      %add3A_136 = arith.addi %add3A_135, %mul3A_134 : i32
      %get3A_137 = arith.index_cast %add3A_136 : i32 to index
      %get3A_138 = tpu.vector_load %arg11[%get3A_137] {strides = array<i32>} : memref<3328xf32, #tpu.memory_space<vmem>>, vector<16xf32>,
      %add3A_139 = arith.addf %add3A_132, %get3A_138 : vector<16xf32>
      %mul3A_140 = arith.constant 16 : i32
      %mul3A_141 = arith.muli %scan3A_27, %mul3A_140 : i32
      %add3A_142 = arith.constant 2048 : i32
      %add3A_143 = arith.addi %add3A_142, %mul3A_141 : i32
      %get3A_144 = arith.index_cast %add3A_143 : i32 to index
      %get3A_145 = tpu.vector_load %arg11[%get3A_144] {strides = array<i32>} : memref<3328xf32, #tpu.memory_space<vmem>>, vector<16xf32>,
      %add3A_146 = arith.addf %add3A_139, %get3A_145 : vector<16xf32>
      %mul3A_147 = arith.constant 16 : i32
      %mul3A_148 = arith.muli %scan3A_27, %mul3A_147 : i32
      %add3A_149 = arith.constant 2176 : i32
      %add3A_150 = arith.addi %add3A_149, %mul3A_148 : i32
      %get3A_151 = arith.index_cast %add3A_150 : i32 to index
      %get3A_152 = tpu.vector_load %arg11[%get3A_151] {strides = array<i32>} : memref<3328xf32, #tpu.memory_space<vmem>>, vector<16xf32>,
      %add3A_153 = arith.addf %add3A_146, %get3A_152 : vector<16xf32>
      %mul3A_154 = arith.constant 16 : i32
      %mul3A_155 = arith.muli %scan3A_27, %mul3A_154 : i32
      %add3A_156 = arith.constant 2304 : i32
      %add3A_157 = arith.addi %add3A_156, %mul3A_155 : i32
      %get3A_158 = arith.index_cast %add3A_157 : i32 to index
      %get3A_159 = tpu.vector_load %arg11[%get3A_158] {strides = array<i32>} : memref<3328xf32, #tpu.memory_space<vmem>>, vector<16xf32>,
      %add3A_160 = arith.addf %add3A_153, %get3A_159 : vector<16xf32>
      %mul3A_161 = arith.constant 16 : i32
      %mul3A_162 = arith.muli %scan3A_27, %mul3A_161 : i32
      %add3A_163 = arith.constant 2432 : i32
      %add3A_164 = arith.addi %add3A_163, %mul3A_162 : i32
      %get3A_165 = arith.index_cast %add3A_164 : i32 to index
      %get3A_166 = tpu.vector_load %arg11[%get3A_165] {strides = array<i32>} : memref<3328xf32, #tpu.memory_space<vmem>>, vector<16xf32>,
      %add3A_167 = arith.addf %add3A_160, %get3A_166 : vector<16xf32>
      %mul3A_168 = arith.constant 16 : i32
      %mul3A_169 = arith.muli %scan3A_27, %mul3A_168 : i32
      %add3A_170 = arith.constant 2560 : i32
      %add3A_171 = arith.addi %add3A_170, %mul3A_169 : i32
      %get3A_172 = arith.index_cast %add3A_171 : i32 to index
      %get3A_173 = tpu.vector_load %arg11[%get3A_172] {strides = array<i32>} : memref<3328xf32, #tpu.memory_space<vmem>>, vector<16xf32>,
      %add3A_174 = arith.addf %add3A_167, %get3A_173 : vector<16xf32>
      %mul3A_175 = arith.constant 16 : i32
      %mul3A_176 = arith.muli %scan3A_27, %mul3A_175 : i32
      %add3A_177 = arith.constant 2688 : i32
      %add3A_178 = arith.addi %add3A_177, %mul3A_176 : i32
      %get3A_179 = arith.index_cast %add3A_178 : i32 to index
      %get3A_180 = tpu.vector_load %arg11[%get3A_179] {strides = array<i32>} : memref<3328xf32, #tpu.memory_space<vmem>>, vector<16xf32>,
      %add3A_181 = arith.addf %add3A_174, %get3A_180 : vector<16xf32>
      %mul3A_182 = arith.constant 16 : i32
      %mul3A_183 = arith.muli %scan3A_27, %mul3A_182 : i32
      %add3A_184 = arith.constant 2816 : i32
      %add3A_185 = arith.addi %add3A_184, %mul3A_183 : i32
      %get3A_186 = arith.index_cast %add3A_185 : i32 to index
      %get3A_187 = tpu.vector_load %arg11[%get3A_186] {strides = array<i32>} : memref<3328xf32, #tpu.memory_space<vmem>>, vector<16xf32>,
      %add3A_188 = arith.addf %add3A_181, %get3A_187 : vector<16xf32>
      %mul3A_189 = arith.constant 16 : i32
      %mul3A_190 = arith.muli %scan3A_27, %mul3A_189 : i32
      %add3A_191 = arith.constant 2944 : i32
      %add3A_192 = arith.addi %add3A_191, %mul3A_190 : i32
      %get3A_193 = arith.index_cast %add3A_192 : i32 to index
      %get3A_194 = tpu.vector_load %arg11[%get3A_193] {strides = array<i32>} : memref<3328xf32, #tpu.memory_space<vmem>>, vector<16xf32>,
      %add3A_195 = arith.addf %add3A_188, %get3A_194 : vector<16xf32>
      %mul3A_196 = arith.constant 16 : i32
      %mul3A_197 = arith.muli %scan3A_27, %mul3A_196 : i32
      %add3A_198 = arith.constant 3072 : i32
      %add3A_199 = arith.addi %add3A_198, %mul3A_197 : i32
      %get3A_200 = arith.index_cast %add3A_199 : i32 to index
      %get3A_201 = tpu.vector_load %arg11[%get3A_200] {strides = array<i32>} : memref<3328xf32, #tpu.memory_space<vmem>>, vector<16xf32>,
      %add3A_202 = arith.addf %add3A_195, %get3A_201 : vector<16xf32>
      %mul3A_203 = arith.constant 16 : i32
      %mul3A_204 = arith.muli %scan3A_27, %mul3A_203 : i32
      %add3A_205 = arith.constant 3200 : i32
      %add3A_206 = arith.addi %add3A_205, %mul3A_204 : i32
      %get3A_207 = arith.index_cast %add3A_206 : i32 to index
      %get3A_208 = tpu.vector_load %arg11[%get3A_207] {strides = array<i32>} : memref<3328xf32, #tpu.memory_space<vmem>>, vector<16xf32>,
      %add3A_209 = arith.addf %add3A_202, %get3A_208 : vector<16xf32>
      %mul3A_210 = arith.constant 416 : i32
      %mul3A_211 = arith.muli %scan3A_27, %mul3A_210 : i32
      %broadcast_in_dim3A = arith.constant 0.000000e+00 : f32
      %broadcast_in_dim3A_212 = vector.broadcast %broadcast_in_dim3A : f32 to vector<16xf32>
      %add3A_213 = arith.constant 0 : i32
      %add3A_214 = arith.addi %mul3A_211, %add3A_213 : i32
      %get3A_215 = arith.index_cast %add3A_214 : i32 to index
      %get3A_216 = arith.constant 0 : index
      %get3A_217 = tpu.vector_load %arg10[%get3A_215, %get3A_216] {strides = array<i32>} : memref<3328x16xf32, #tpu.memory_space<vmem>>, vector<16xf32>,
      %mul3A_218 = arith.mulf %get3A_217, %get3A_217 : vector<16xf32>
      %add3A_219 = arith.constant 1 : i32
      %add3A_220 = arith.addi %add3A_214, %add3A_219 : i32
      %get3A_221 = arith.index_cast %add3A_220 : i32 to index
      %get3A_222 = arith.constant 0 : index
      %get3A_223 = tpu.vector_load %arg10[%get3A_221, %get3A_222] {strides = array<i32>} : memref<3328x16xf32, #tpu.memory_space<vmem>>, vector<16xf32>,
      %add3A_224 = arith.addf %get3A_217, %get3A_223 : vector<16xf32>
      %mul3A_225 = arith.mulf %get3A_223, %get3A_223 : vector<16xf32>
      %add3A_226 = arith.addf %mul3A_218, %mul3A_225 : vector<16xf32>
      %add3A_227 = arith.constant 2 : i32
      %add3A_228 = arith.addi %add3A_214, %add3A_227 : i32
      %get3A_229 = arith.index_cast %add3A_228 : i32 to index
      %get3A_230 = arith.constant 0 : index
      %get3A_231 = tpu.vector_load %arg10[%get3A_229, %get3A_230] {strides = array<i32>} : memref<3328x16xf32, #tpu.memory_space<vmem>>, vector<16xf32>,
      %add3A_232 = arith.addf %add3A_224, %get3A_231 : vector<16xf32>
      %mul3A_233 = arith.mulf %get3A_231, %get3A_231 : vector<16xf32>
      %add3A_234 = arith.addf %add3A_226, %mul3A_233 : vector<16xf32>
      %add3A_235 = arith.constant 3 : i32
      %add3A_236 = arith.addi %add3A_214, %add3A_235 : i32
      %get3A_237 = arith.index_cast %add3A_236 : i32 to index
      %get3A_238 = arith.constant 0 : index
      %get3A_239 = tpu.vector_load %arg10[%get3A_237, %get3A_238] {strides = array<i32>} : memref<3328x16xf32, #tpu.memory_space<vmem>>, vector<16xf32>,
      %add3A_240 = arith.addf %add3A_232, %get3A_239 : vector<16xf32>
      %mul3A_241 = arith.mulf %get3A_239, %get3A_239 : vector<16xf32>
      %add3A_242 = arith.addf %add3A_234, %mul3A_241 : vector<16xf32>
      %add3A_243 = arith.constant 4 : i32
      %add3A_244 = arith.addi %add3A_214, %add3A_243 : i32
      %get3A_245 = arith.index_cast %add3A_244 : i32 to index
      %get3A_246 = arith.constant 0 : index
      %get3A_247 = tpu.vector_load %arg10[%get3A_245, %get3A_246] {strides = array<i32>} : memref<3328x16xf32, #tpu.memory_space<vmem>>, vector<16xf32>,
      %add3A_248 = arith.addf %add3A_240, %get3A_247 : vector<16xf32>
      %mul3A_249 = arith.mulf %get3A_247, %get3A_247 : vector<16xf32>
      %add3A_250 = arith.addf %add3A_242, %mul3A_249 : vector<16xf32>
      %add3A_251 = arith.constant 5 : i32
      %add3A_252 = arith.addi %add3A_214, %add3A_251 : i32
      %get3A_253 = arith.index_cast %add3A_252 : i32 to index
      %get3A_254 = arith.constant 0 : index
      %get3A_255 = tpu.vector_load %arg10[%get3A_253, %get3A_254] {strides = array<i32>} : memref<3328x16xf32, #tpu.memory_space<vmem>>, vector<16xf32>,
      %add3A_256 = arith.addf %add3A_248, %get3A_255 : vector<16xf32>
      %mul3A_257 = arith.mulf %get3A_255, %get3A_255 : vector<16xf32>
      %add3A_258 = arith.addf %add3A_250, %mul3A_257 : vector<16xf32>
      %add3A_259 = arith.constant 6 : i32
      %add3A_260 = arith.addi %add3A_214, %add3A_259 : i32
      %get3A_261 = arith.index_cast %add3A_260 : i32 to index
      %get3A_262 = arith.constant 0 : index
      %get3A_263 = tpu.vector_load %arg10[%get3A_261, %get3A_262] {strides = array<i32>} : memref<3328x16xf32, #tpu.memory_space<vmem>>, vector<16xf32>,
      %add3A_264 = arith.addf %add3A_256, %get3A_263 : vector<16xf32>
      %mul3A_265 = arith.mulf %get3A_263, %get3A_263 : vector<16xf32>
      %add3A_266 = arith.addf %add3A_258, %mul3A_265 : vector<16xf32>
      %add3A_267 = arith.constant 7 : i32
      %add3A_268 = arith.addi %add3A_214, %add3A_267 : i32
      %get3A_269 = arith.index_cast %add3A_268 : i32 to index
      %get3A_270 = arith.constant 0 : index
      %get3A_271 = tpu.vector_load %arg10[%get3A_269, %get3A_270] {strides = array<i32>} : memref<3328x16xf32, #tpu.memory_space<vmem>>, vector<16xf32>,
      %add3A_272 = arith.addf %add3A_264, %get3A_271 : vector<16xf32>
      %mul3A_273 = arith.mulf %get3A_271, %get3A_271 : vector<16xf32>
      %add3A_274 = arith.addf %add3A_266, %mul3A_273 : vector<16xf32>
      %add3A_275 = arith.constant 8 : i32
      %add3A_276 = arith.addi %add3A_214, %add3A_275 : i32
      %get3A_277 = arith.index_cast %add3A_276 : i32 to index
      %get3A_278 = arith.constant 0 : index
      %get3A_279 = tpu.vector_load %arg10[%get3A_277, %get3A_278] {strides = array<i32>} : memref<3328x16xf32, #tpu.memory_space<vmem>>, vector<16xf32>,
      %add3A_280 = arith.addf %add3A_272, %get3A_279 : vector<16xf32>
      %mul3A_281 = arith.mulf %get3A_279, %get3A_279 : vector<16xf32>
      %add3A_282 = arith.addf %add3A_274, %mul3A_281 : vector<16xf32>
      %add3A_283 = arith.constant 9 : i32
      %add3A_284 = arith.addi %add3A_214, %add3A_283 : i32
      %get3A_285 = arith.index_cast %add3A_284 : i32 to index
      %get3A_286 = arith.constant 0 : index
      %get3A_287 = tpu.vector_load %arg10[%get3A_285, %get3A_286] {strides = array<i32>} : memref<3328x16xf32, #tpu.memory_space<vmem>>, vector<16xf32>,
      %add3A_288 = arith.addf %add3A_280, %get3A_287 : vector<16xf32>
      %mul3A_289 = arith.mulf %get3A_287, %get3A_287 : vector<16xf32>
      %add3A_290 = arith.addf %add3A_282, %mul3A_289 : vector<16xf32>
      %add3A_291 = arith.constant 10 : i32
      %add3A_292 = arith.addi %add3A_214, %add3A_291 : i32
      %get3A_293 = arith.index_cast %add3A_292 : i32 to index
      %get3A_294 = arith.constant 0 : index
      %get3A_295 = tpu.vector_load %arg10[%get3A_293, %get3A_294] {strides = array<i32>} : memref<3328x16xf32, #tpu.memory_space<vmem>>, vector<16xf32>,
      %add3A_296 = arith.addf %add3A_288, %get3A_295 : vector<16xf32>
      %mul3A_297 = arith.mulf %get3A_295, %get3A_295 : vector<16xf32>
      %add3A_298 = arith.addf %add3A_290, %mul3A_297 : vector<16xf32>
      %add3A_299 = arith.constant 11 : i32
      %add3A_300 = arith.addi %add3A_214, %add3A_299 : i32
      %get3A_301 = arith.index_cast %add3A_300 : i32 to index
      %get3A_302 = arith.constant 0 : index
      %get3A_303 = tpu.vector_load %arg10[%get3A_301, %get3A_302] {strides = array<i32>} : memref<3328x16xf32, #tpu.memory_space<vmem>>, vector<16xf32>,
      %add3A_304 = arith.addf %add3A_296, %get3A_303 : vector<16xf32>
      %mul3A_305 = arith.mulf %get3A_303, %get3A_303 : vector<16xf32>
      %add3A_306 = arith.addf %add3A_298, %mul3A_305 : vector<16xf32>
      %add3A_307 = arith.constant 12 : i32
      %add3A_308 = arith.addi %add3A_214, %add3A_307 : i32
      %get3A_309 = arith.index_cast %add3A_308 : i32 to index
      %get3A_310 = arith.constant 0 : index
      %get3A_311 = tpu.vector_load %arg10[%get3A_309, %get3A_310] {strides = array<i32>} : memref<3328x16xf32, #tpu.memory_space<vmem>>, vector<16xf32>,
      %add3A_312 = arith.addf %add3A_304, %get3A_311 : vector<16xf32>
      %mul3A_313 = arith.mulf %get3A_311, %get3A_311 : vector<16xf32>
      %add3A_314 = arith.addf %add3A_306, %mul3A_313 : vector<16xf32>
      %add3A_315 = arith.constant 13 : i32
      %add3A_316 = arith.addi %add3A_214, %add3A_315 : i32
      %get3A_317 = arith.index_cast %add3A_316 : i32 to index
      %get3A_318 = arith.constant 0 : index
      %get3A_319 = tpu.vector_load %arg10[%get3A_317, %get3A_318] {strides = array<i32>} : memref<3328x16xf32, #tpu.memory_space<vmem>>, vector<16xf32>,
      %add3A_320 = arith.addf %add3A_312, %get3A_319 : vector<16xf32>
      %mul3A_321 = arith.mulf %get3A_319, %get3A_319 : vector<16xf32>
      %add3A_322 = arith.addf %add3A_314, %mul3A_321 : vector<16xf32>
      %add3A_323 = arith.constant 14 : i32
      %add3A_324 = arith.addi %add3A_214, %add3A_323 : i32
      %get3A_325 = arith.index_cast %add3A_324 : i32 to index
      %get3A_326 = arith.constant 0 : index
      %get3A_327 = tpu.vector_load %arg10[%get3A_325, %get3A_326] {strides = array<i32>} : memref<3328x16xf32, #tpu.memory_space<vmem>>, vector<16xf32>,
      %add3A_328 = arith.addf %add3A_320, %get3A_327 : vector<16xf32>
      %mul3A_329 = arith.mulf %get3A_327, %get3A_327 : vector<16xf32>
      %add3A_330 = arith.addf %add3A_322, %mul3A_329 : vector<16xf32>
      %add3A_331 = arith.constant 15 : i32
      %add3A_332 = arith.addi %add3A_214, %add3A_331 : i32
      %get3A_333 = arith.index_cast %add3A_332 : i32 to index
      %get3A_334 = arith.constant 0 : index
      %get3A_335 = tpu.vector_load %arg10[%get3A_333, %get3A_334] {strides = array<i32>} : memref<3328x16xf32, #tpu.memory_space<vmem>>, vector<16xf32>,
      %add3A_336 = arith.addf %add3A_328, %get3A_335 : vector<16xf32>
      %mul3A_337 = arith.mulf %get3A_335, %get3A_335 : vector<16xf32>
      %add3A_338 = arith.addf %add3A_330, %mul3A_337 : vector<16xf32>
      %add3A_339 = arith.constant 16 : i32
      %add3A_340 = arith.addi %add3A_214, %add3A_339 : i32
      %get3A_341 = arith.index_cast %add3A_340 : i32 to index
      %get3A_342 = arith.constant 0 : index
      %get3A_343 = tpu.vector_load %arg10[%get3A_341, %get3A_342] {strides = array<i32>} : memref<3328x16xf32, #tpu.memory_space<vmem>>, vector<16xf32>,
      %add3A_344 = arith.addf %add3A_336, %get3A_343 : vector<16xf32>
      %mul3A_345 = arith.mulf %get3A_343, %get3A_343 : vector<16xf32>
      %add3A_346 = arith.addf %add3A_338, %mul3A_345 : vector<16xf32>
      %add3A_347 = arith.constant 17 : i32
      %add3A_348 = arith.addi %add3A_214, %add3A_347 : i32
      %get3A_349 = arith.index_cast %add3A_348 : i32 to index
      %get3A_350 = arith.constant 0 : index
      %get3A_351 = tpu.vector_load %arg10[%get3A_349, %get3A_350] {strides = array<i32>} : memref<3328x16xf32, #tpu.memory_space<vmem>>, vector<16xf32>,
      %add3A_352 = arith.addf %add3A_344, %get3A_351 : vector<16xf32>
      %mul3A_353 = arith.mulf %get3A_351, %get3A_351 : vector<16xf32>
      %add3A_354 = arith.addf %add3A_346, %mul3A_353 : vector<16xf32>
      %add3A_355 = arith.constant 18 : i32
      %add3A_356 = arith.addi %add3A_214, %add3A_355 : i32
      %get3A_357 = arith.index_cast %add3A_356 : i32 to index
      %get3A_358 = arith.constant 0 : index
      %get3A_359 = tpu.vector_load %arg10[%get3A_357, %get3A_358] {strides = array<i32>} : memref<3328x16xf32, #tpu.memory_space<vmem>>, vector<16xf32>,
      %add3A_360 = arith.addf %add3A_352, %get3A_359 : vector<16xf32>
      %mul3A_361 = arith.mulf %get3A_359, %get3A_359 : vector<16xf32>
      %add3A_362 = arith.addf %add3A_354, %mul3A_361 : vector<16xf32>
      %add3A_363 = arith.constant 19 : i32
      %add3A_364 = arith.addi %add3A_214, %add3A_363 : i32
      %get3A_365 = arith.index_cast %add3A_364 : i32 to index
      %get3A_366 = arith.constant 0 : index
      %get3A_367 = tpu.vector_load %arg10[%get3A_365, %get3A_366] {strides = array<i32>} : memref<3328x16xf32, #tpu.memory_space<vmem>>, vector<16xf32>,
      %add3A_368 = arith.addf %add3A_360, %get3A_367 : vector<16xf32>
      %mul3A_369 = arith.mulf %get3A_367, %get3A_367 : vector<16xf32>
      %add3A_370 = arith.addf %add3A_362, %mul3A_369 : vector<16xf32>
      %add3A_371 = arith.constant 20 : i32
      %add3A_372 = arith.addi %add3A_214, %add3A_371 : i32
      %get3A_373 = arith.index_cast %add3A_372 : i32 to index
      %get3A_374 = arith.constant 0 : index
      %get3A_375 = tpu.vector_load %arg10[%get3A_373, %get3A_374] {strides = array<i32>} : memref<3328x16xf32, #tpu.memory_space<vmem>>, vector<16xf32>,
      %add3A_376 = arith.addf %add3A_368, %get3A_375 : vector<16xf32>
      %mul3A_377 = arith.mulf %get3A_375, %get3A_375 : vector<16xf32>
      %add3A_378 = arith.addf %add3A_370, %mul3A_377 : vector<16xf32>
      %add3A_379 = arith.constant 21 : i32
      %add3A_380 = arith.addi %add3A_214, %add3A_379 : i32
      %get3A_381 = arith.index_cast %add3A_380 : i32 to index
      %get3A_382 = arith.constant 0 : index
      %get3A_383 = tpu.vector_load %arg10[%get3A_381, %get3A_382] {strides = array<i32>} : memref<3328x16xf32, #tpu.memory_space<vmem>>, vector<16xf32>,
      %add3A_384 = arith.addf %add3A_376, %get3A_383 : vector<16xf32>
      %mul3A_385 = arith.mulf %get3A_383, %get3A_383 : vector<16xf32>
      %add3A_386 = arith.addf %add3A_378, %mul3A_385 : vector<16xf32>
      %add3A_387 = arith.constant 22 : i32
      %add3A_388 = arith.addi %add3A_214, %add3A_387 : i32
      %get3A_389 = arith.index_cast %add3A_388 : i32 to index
      %get3A_390 = arith.constant 0 : index
      %get3A_391 = tpu.vector_load %arg10[%get3A_389, %get3A_390] {strides = array<i32>} : memref<3328x16xf32, #tpu.memory_space<vmem>>, vector<16xf32>,
      %add3A_392 = arith.addf %add3A_384, %get3A_391 : vector<16xf32>
      %mul3A_393 = arith.mulf %get3A_391, %get3A_391 : vector<16xf32>
      %add3A_394 = arith.addf %add3A_386, %mul3A_393 : vector<16xf32>
      %add3A_395 = arith.constant 23 : i32
      %add3A_396 = arith.addi %add3A_214, %add3A_395 : i32
      %get3A_397 = arith.index_cast %add3A_396 : i32 to index
      %get3A_398 = arith.constant 0 : index
      %get3A_399 = tpu.vector_load %arg10[%get3A_397, %get3A_398] {strides = array<i32>} : memref<3328x16xf32, #tpu.memory_space<vmem>>, vector<16xf32>,
      %add3A_400 = arith.addf %add3A_392, %get3A_399 : vector<16xf32>
      %mul3A_401 = arith.mulf %get3A_399, %get3A_399 : vector<16xf32>
      %add3A_402 = arith.addf %add3A_394, %mul3A_401 : vector<16xf32>
      %add3A_403 = arith.constant 24 : i32
      %add3A_404 = arith.addi %add3A_214, %add3A_403 : i32
      %get3A_405 = arith.index_cast %add3A_404 : i32 to index
      %get3A_406 = arith.constant 0 : index
      %get3A_407 = tpu.vector_load %arg10[%get3A_405, %get3A_406] {strides = array<i32>} : memref<3328x16xf32, #tpu.memory_space<vmem>>, vector<16xf32>,
      %add3A_408 = arith.addf %add3A_400, %get3A_407 : vector<16xf32>
      %mul3A_409 = arith.mulf %get3A_407, %get3A_407 : vector<16xf32>
      %add3A_410 = arith.addf %add3A_402, %mul3A_409 : vector<16xf32>
      %add3A_411 = arith.constant 25 : i32
      %add3A_412 = arith.addi %add3A_214, %add3A_411 : i32
      %get3A_413 = arith.index_cast %add3A_412 : i32 to index
      %get3A_414 = arith.constant 0 : index
      %get3A_415 = tpu.vector_load %arg10[%get3A_413, %get3A_414] {strides = array<i32>} : memref<3328x16xf32, #tpu.memory_space<vmem>>, vector<16xf32>,
      %add3A_416 = arith.addf %add3A_408, %get3A_415 : vector<16xf32>
      %mul3A_417 = arith.mulf %get3A_415, %get3A_415 : vector<16xf32>
      %add3A_418 = arith.addf %add3A_410, %mul3A_417 : vector<16xf32>
      %mul3A_419 = arith.mulf %add3A_416, %add3A_416 : vector<16xf32>
      %sub3A = arith.subf %mul3A_419, %add3A_418 : vector<16xf32>
      %reduce_sum3A = arith.constant true
      %reduce_sum3A_420 = vector.broadcast %reduce_sum3A : i1 to vector<16xi1>
      %reduce_sum3A_421 = tpu.scan <sum>, %sub3A masked %reduce_sum3A_420 : vector<16xf32>, vector<16xi1> -> vector<16xf32>
      %reduce_sum3A_422 = vector.extract %reduce_sum3A_421[15] : f32 from vector<16xf32>
      %mul3A_423 = arith.constant 5.000000e-01 : f32
      %mul3A_424 = arith.mulf %mul3A_423, %reduce_sum3A_422 : f32
      %eq3A = arith.constant 0 : i32
      %eq3A_425 = vector.broadcast %eq3A : i32 to vector<16xi32>
      %eq3A_426 = arith.cmpi eq, %iota3A, %eq3A_425 : vector<16xi32>
      %broadcast_in_dim3A_427 = vector.broadcast %mul3A_424 : f32 to vector<16xf32>
      %select_n3A = arith.select %eq3A_426, %broadcast_in_dim3A_427, %broadcast_in_dim3A_212 : vector<16xi1>, vector<16xf32>
      %add3A_428 = arith.constant 26 : i32
      %add3A_429 = arith.addi %mul3A_211, %add3A_428 : i32
      %get3A_430 = arith.index_cast %add3A_429 : i32 to index
      %get3A_431 = arith.constant 0 : index
      %get3A_432 = tpu.vector_load %arg10[%get3A_430, %get3A_431] {strides = array<i32>} : memref<3328x16xf32, #tpu.memory_space<vmem>>, vector<16xf32>,
      %mul3A_433 = arith.mulf %get3A_432, %get3A_432 : vector<16xf32>
      %add3A_434 = arith.constant 1 : i32
      %add3A_435 = arith.addi %add3A_429, %add3A_434 : i32
      %get3A_436 = arith.index_cast %add3A_435 : i32 to index
      %get3A_437 = arith.constant 0 : index
      %get3A_438 = tpu.vector_load %arg10[%get3A_436, %get3A_437] {strides = array<i32>} : memref<3328x16xf32, #tpu.memory_space<vmem>>, vector<16xf32>,
      %add3A_439 = arith.addf %get3A_432, %get3A_438 : vector<16xf32>
      %mul3A_440 = arith.mulf %get3A_438, %get3A_438 : vector<16xf32>
      %add3A_441 = arith.addf %mul3A_433, %mul3A_440 : vector<16xf32>
      %add3A_442 = arith.constant 2 : i32
      %add3A_443 = arith.addi %add3A_429, %add3A_442 : i32
      %get3A_444 = arith.index_cast %add3A_443 : i32 to index
      %get3A_445 = arith.constant 0 : index
      %get3A_446 = tpu.vector_load %arg10[%get3A_444, %get3A_445] {strides = array<i32>} : memref<3328x16xf32, #tpu.memory_space<vmem>>, vector<16xf32>,
      %add3A_447 = arith.addf %add3A_439, %get3A_446 : vector<16xf32>
      %mul3A_448 = arith.mulf %get3A_446, %get3A_446 : vector<16xf32>
      %add3A_449 = arith.addf %add3A_441, %mul3A_448 : vector<16xf32>
      %add3A_450 = arith.constant 3 : i32
      %add3A_451 = arith.addi %add3A_429, %add3A_450 : i32
      %get3A_452 = arith.index_cast %add3A_451 : i32 to index
      %get3A_453 = arith.constant 0 : index
      %get3A_454 = tpu.vector_load %arg10[%get3A_452, %get3A_453] {strides = array<i32>} : memref<3328x16xf32, #tpu.memory_space<vmem>>, vector<16xf32>,
      %add3A_455 = arith.addf %add3A_447, %get3A_454 : vector<16xf32>
      %mul3A_456 = arith.mulf %get3A_454, %get3A_454 : vector<16xf32>
      %add3A_457 = arith.addf %add3A_449, %mul3A_456 : vector<16xf32>
      %add3A_458 = arith.constant 4 : i32
      %add3A_459 = arith.addi %add3A_429, %add3A_458 : i32
      %get3A_460 = arith.index_cast %add3A_459 : i32 to index
      %get3A_461 = arith.constant 0 : index
      %get3A_462 = tpu.vector_load %arg10[%get3A_460, %get3A_461] {strides = array<i32>} : memref<3328x16xf32, #tpu.memory_space<vmem>>, vector<16xf32>,
      %add3A_463 = arith.addf %add3A_455, %get3A_462 : vector<16xf32>
      %mul3A_464 = arith.mulf %get3A_462, %get3A_462 : vector<16xf32>
      %add3A_465 = arith.addf %add3A_457, %mul3A_464 : vector<16xf32>
      %add3A_466 = arith.constant 5 : i32
      %add3A_467 = arith.addi %add3A_429, %add3A_466 : i32
      %get3A_468 = arith.index_cast %add3A_467 : i32 to index
      %get3A_469 = arith.constant 0 : index
      %get3A_470 = tpu.vector_load %arg10[%get3A_468, %get3A_469] {strides = array<i32>} : memref<3328x16xf32, #tpu.memory_space<vmem>>, vector<16xf32>,
      %add3A_471 = arith.addf %add3A_463, %get3A_470 : vector<16xf32>
      %mul3A_472 = arith.mulf %get3A_470, %get3A_470 : vector<16xf32>
      %add3A_473 = arith.addf %add3A_465, %mul3A_472 : vector<16xf32>
      %add3A_474 = arith.constant 6 : i32
      %add3A_475 = arith.addi %add3A_429, %add3A_474 : i32
      %get3A_476 = arith.index_cast %add3A_475 : i32 to index
      %get3A_477 = arith.constant 0 : index
      %get3A_478 = tpu.vector_load %arg10[%get3A_476, %get3A_477] {strides = array<i32>} : memref<3328x16xf32, #tpu.memory_space<vmem>>, vector<16xf32>,
      %add3A_479 = arith.addf %add3A_471, %get3A_478 : vector<16xf32>
      %mul3A_480 = arith.mulf %get3A_478, %get3A_478 : vector<16xf32>
      %add3A_481 = arith.addf %add3A_473, %mul3A_480 : vector<16xf32>
      %add3A_482 = arith.constant 7 : i32
      %add3A_483 = arith.addi %add3A_429, %add3A_482 : i32
      %get3A_484 = arith.index_cast %add3A_483 : i32 to index
      %get3A_485 = arith.constant 0 : index
      %get3A_486 = tpu.vector_load %arg10[%get3A_484, %get3A_485] {strides = array<i32>} : memref<3328x16xf32, #tpu.memory_space<vmem>>, vector<16xf32>,
      %add3A_487 = arith.addf %add3A_479, %get3A_486 : vector<16xf32>
      %mul3A_488 = arith.mulf %get3A_486, %get3A_486 : vector<16xf32>
      %add3A_489 = arith.addf %add3A_481, %mul3A_488 : vector<16xf32>
      %add3A_490 = arith.constant 8 : i32
      %add3A_491 = arith.addi %add3A_429, %add3A_490 : i32
      %get3A_492 = arith.index_cast %add3A_491 : i32 to index
      %get3A_493 = arith.constant 0 : index
      %get3A_494 = tpu.vector_load %arg10[%get3A_492, %get3A_493] {strides = array<i32>} : memref<3328x16xf32, #tpu.memory_space<vmem>>, vector<16xf32>,
      %add3A_495 = arith.addf %add3A_487, %get3A_494 : vector<16xf32>
      %mul3A_496 = arith.mulf %get3A_494, %get3A_494 : vector<16xf32>
      %add3A_497 = arith.addf %add3A_489, %mul3A_496 : vector<16xf32>
      %add3A_498 = arith.constant 9 : i32
      %add3A_499 = arith.addi %add3A_429, %add3A_498 : i32
      %get3A_500 = arith.index_cast %add3A_499 : i32 to index
      %get3A_501 = arith.constant 0 : index
      %get3A_502 = tpu.vector_load %arg10[%get3A_500, %get3A_501] {strides = array<i32>} : memref<3328x16xf32, #tpu.memory_space<vmem>>, vector<16xf32>,
      %add3A_503 = arith.addf %add3A_495, %get3A_502 : vector<16xf32>
      %mul3A_504 = arith.mulf %get3A_502, %get3A_502 : vector<16xf32>
      %add3A_505 = arith.addf %add3A_497, %mul3A_504 : vector<16xf32>
      %add3A_506 = arith.constant 10 : i32
      %add3A_507 = arith.addi %add3A_429, %add3A_506 : i32
      %get3A_508 = arith.index_cast %add3A_507 : i32 to index
      %get3A_509 = arith.constant 0 : index
      %get3A_510 = tpu.vector_load %arg10[%get3A_508, %get3A_509] {strides = array<i32>} : memref<3328x16xf32, #tpu.memory_space<vmem>>, vector<16xf32>,
      %add3A_511 = arith.addf %add3A_503, %get3A_510 : vector<16xf32>
      %mul3A_512 = arith.mulf %get3A_510, %get3A_510 : vector<16xf32>
      %add3A_513 = arith.addf %add3A_505, %mul3A_512 : vector<16xf32>
      %add3A_514 = arith.constant 11 : i32
      %add3A_515 = arith.addi %add3A_429, %add3A_514 : i32
      %get3A_516 = arith.index_cast %add3A_515 : i32 to index
      %get3A_517 = arith.constant 0 : index
      %get3A_518 = tpu.vector_load %arg10[%get3A_516, %get3A_517] {strides = array<i32>} : memref<3328x16xf32, #tpu.memory_space<vmem>>, vector<16xf32>,
      %add3A_519 = arith.addf %add3A_511, %get3A_518 : vector<16xf32>
      %mul3A_520 = arith.mulf %get3A_518, %get3A_518 : vector<16xf32>
      %add3A_521 = arith.addf %add3A_513, %mul3A_520 : vector<16xf32>
      %add3A_522 = arith.constant 12 : i32
      %add3A_523 = arith.addi %add3A_429, %add3A_522 : i32
      %get3A_524 = arith.index_cast %add3A_523 : i32 to index
      %get3A_525 = arith.constant 0 : index
      %get3A_526 = tpu.vector_load %arg10[%get3A_524, %get3A_525] {strides = array<i32>} : memref<3328x16xf32, #tpu.memory_space<vmem>>, vector<16xf32>,
      %add3A_527 = arith.addf %add3A_519, %get3A_526 : vector<16xf32>
      %mul3A_528 = arith.mulf %get3A_526, %get3A_526 : vector<16xf32>
      %add3A_529 = arith.addf %add3A_521, %mul3A_528 : vector<16xf32>
      %add3A_530 = arith.constant 13 : i32
      %add3A_531 = arith.addi %add3A_429, %add3A_530 : i32
      %get3A_532 = arith.index_cast %add3A_531 : i32 to index
      %get3A_533 = arith.constant 0 : index
      %get3A_534 = tpu.vector_load %arg10[%get3A_532, %get3A_533] {strides = array<i32>} : memref<3328x16xf32, #tpu.memory_space<vmem>>, vector<16xf32>,
      %add3A_535 = arith.addf %add3A_527, %get3A_534 : vector<16xf32>
      %mul3A_536 = arith.mulf %get3A_534, %get3A_534 : vector<16xf32>
      %add3A_537 = arith.addf %add3A_529, %mul3A_536 : vector<16xf32>
      %add3A_538 = arith.constant 14 : i32
      %add3A_539 = arith.addi %add3A_429, %add3A_538 : i32
      %get3A_540 = arith.index_cast %add3A_539 : i32 to index
      %get3A_541 = arith.constant 0 : index
      %get3A_542 = tpu.vector_load %arg10[%get3A_540, %get3A_541] {strides = array<i32>} : memref<3328x16xf32, #tpu.memory_space<vmem>>, vector<16xf32>,
      %add3A_543 = arith.addf %add3A_535, %get3A_542 : vector<16xf32>
      %mul3A_544 = arith.mulf %get3A_542, %get3A_542 : vector<16xf32>
      %add3A_545 = arith.addf %add3A_537, %mul3A_544 : vector<16xf32>
      %add3A_546 = arith.constant 15 : i32
      %add3A_547 = arith.addi %add3A_429, %add3A_546 : i32
      %get3A_548 = arith.index_cast %add3A_547 : i32 to index
      %get3A_549 = arith.constant 0 : index
      %get3A_550 = tpu.vector_load %arg10[%get3A_548, %get3A_549] {strides = array<i32>} : memref<3328x16xf32, #tpu.memory_space<vmem>>, vector<16xf32>,
      %add3A_551 = arith.addf %add3A_543, %get3A_550 : vector<16xf32>
      %mul3A_552 = arith.mulf %get3A_550, %get3A_550 : vector<16xf32>
      %add3A_553 = arith.addf %add3A_545, %mul3A_552 : vector<16xf32>
      %add3A_554 = arith.constant 16 : i32
      %add3A_555 = arith.addi %add3A_429, %add3A_554 : i32
      %get3A_556 = arith.index_cast %add3A_555 : i32 to index
      %get3A_557 = arith.constant 0 : index
      %get3A_558 = tpu.vector_load %arg10[%get3A_556, %get3A_557] {strides = array<i32>} : memref<3328x16xf32, #tpu.memory_space<vmem>>, vector<16xf32>,
      %add3A_559 = arith.addf %add3A_551, %get3A_558 : vector<16xf32>
      %mul3A_560 = arith.mulf %get3A_558, %get3A_558 : vector<16xf32>
      %add3A_561 = arith.addf %add3A_553, %mul3A_560 : vector<16xf32>
      %add3A_562 = arith.constant 17 : i32
      %add3A_563 = arith.addi %add3A_429, %add3A_562 : i32
      %get3A_564 = arith.index_cast %add3A_563 : i32 to index
      %get3A_565 = arith.constant 0 : index
      %get3A_566 = tpu.vector_load %arg10[%get3A_564, %get3A_565] {strides = array<i32>} : memref<3328x16xf32, #tpu.memory_space<vmem>>, vector<16xf32>,
      %add3A_567 = arith.addf %add3A_559, %get3A_566 : vector<16xf32>
      %mul3A_568 = arith.mulf %get3A_566, %get3A_566 : vector<16xf32>
      %add3A_569 = arith.addf %add3A_561, %mul3A_568 : vector<16xf32>
      %add3A_570 = arith.constant 18 : i32
      %add3A_571 = arith.addi %add3A_429, %add3A_570 : i32
      %get3A_572 = arith.index_cast %add3A_571 : i32 to index
      %get3A_573 = arith.constant 0 : index
      %get3A_574 = tpu.vector_load %arg10[%get3A_572, %get3A_573] {strides = array<i32>} : memref<3328x16xf32, #tpu.memory_space<vmem>>, vector<16xf32>,
      %add3A_575 = arith.addf %add3A_567, %get3A_574 : vector<16xf32>
      %mul3A_576 = arith.mulf %get3A_574, %get3A_574 : vector<16xf32>
      %add3A_577 = arith.addf %add3A_569, %mul3A_576 : vector<16xf32>
      %add3A_578 = arith.constant 19 : i32
      %add3A_579 = arith.addi %add3A_429, %add3A_578 : i32
      %get3A_580 = arith.index_cast %add3A_579 : i32 to index
      %get3A_581 = arith.constant 0 : index
      %get3A_582 = tpu.vector_load %arg10[%get3A_580, %get3A_581] {strides = array<i32>} : memref<3328x16xf32, #tpu.memory_space<vmem>>, vector<16xf32>,
      %add3A_583 = arith.addf %add3A_575, %get3A_582 : vector<16xf32>
      %mul3A_584 = arith.mulf %get3A_582, %get3A_582 : vector<16xf32>
      %add3A_585 = arith.addf %add3A_577, %mul3A_584 : vector<16xf32>
      %add3A_586 = arith.constant 20 : i32
      %add3A_587 = arith.addi %add3A_429, %add3A_586 : i32
      %get3A_588 = arith.index_cast %add3A_587 : i32 to index
      %get3A_589 = arith.constant 0 : index
      %get3A_590 = tpu.vector_load %arg10[%get3A_588, %get3A_589] {strides = array<i32>} : memref<3328x16xf32, #tpu.memory_space<vmem>>, vector<16xf32>,
      %add3A_591 = arith.addf %add3A_583, %get3A_590 : vector<16xf32>
      %mul3A_592 = arith.mulf %get3A_590, %get3A_590 : vector<16xf32>
      %add3A_593 = arith.addf %add3A_585, %mul3A_592 : vector<16xf32>
      %add3A_594 = arith.constant 21 : i32
      %add3A_595 = arith.addi %add3A_429, %add3A_594 : i32
      %get3A_596 = arith.index_cast %add3A_595 : i32 to index
      %get3A_597 = arith.constant 0 : index
      %get3A_598 = tpu.vector_load %arg10[%get3A_596, %get3A_597] {strides = array<i32>} : memref<3328x16xf32, #tpu.memory_space<vmem>>, vector<16xf32>,
      %add3A_599 = arith.addf %add3A_591, %get3A_598 : vector<16xf32>
      %mul3A_600 = arith.mulf %get3A_598, %get3A_598 : vector<16xf32>
      %add3A_601 = arith.addf %add3A_593, %mul3A_600 : vector<16xf32>
      %add3A_602 = arith.constant 22 : i32
      %add3A_603 = arith.addi %add3A_429, %add3A_602 : i32
      %get3A_604 = arith.index_cast %add3A_603 : i32 to index
      %get3A_605 = arith.constant 0 : index
      %get3A_606 = tpu.vector_load %arg10[%get3A_604, %get3A_605] {strides = array<i32>} : memref<3328x16xf32, #tpu.memory_space<vmem>>, vector<16xf32>,
      %add3A_607 = arith.addf %add3A_599, %get3A_606 : vector<16xf32>
      %mul3A_608 = arith.mulf %get3A_606, %get3A_606 : vector<16xf32>
      %add3A_609 = arith.addf %add3A_601, %mul3A_608 : vector<16xf32>
      %add3A_610 = arith.constant 23 : i32
      %add3A_611 = arith.addi %add3A_429, %add3A_610 : i32
      %get3A_612 = arith.index_cast %add3A_611 : i32 to index
      %get3A_613 = arith.constant 0 : index
      %get3A_614 = tpu.vector_load %arg10[%get3A_612, %get3A_613] {strides = array<i32>} : memref<3328x16xf32, #tpu.memory_space<vmem>>, vector<16xf32>,
      %add3A_615 = arith.addf %add3A_607, %get3A_614 : vector<16xf32>
      %mul3A_616 = arith.mulf %get3A_614, %get3A_614 : vector<16xf32>
      %add3A_617 = arith.addf %add3A_609, %mul3A_616 : vector<16xf32>
      %add3A_618 = arith.constant 24 : i32
      %add3A_619 = arith.addi %add3A_429, %add3A_618 : i32
      %get3A_620 = arith.index_cast %add3A_619 : i32 to index
      %get3A_621 = arith.constant 0 : index
      %get3A_622 = tpu.vector_load %arg10[%get3A_620, %get3A_621] {strides = array<i32>} : memref<3328x16xf32, #tpu.memory_space<vmem>>, vector<16xf32>,
      %add3A_623 = arith.addf %add3A_615, %get3A_622 : vector<16xf32>
      %mul3A_624 = arith.mulf %get3A_622, %get3A_622 : vector<16xf32>
      %add3A_625 = arith.addf %add3A_617, %mul3A_624 : vector<16xf32>
      %add3A_626 = arith.constant 25 : i32
      %add3A_627 = arith.addi %add3A_429, %add3A_626 : i32
      %get3A_628 = arith.index_cast %add3A_627 : i32 to index
      %get3A_629 = arith.constant 0 : index
      %get3A_630 = tpu.vector_load %arg10[%get3A_628, %get3A_629] {strides = array<i32>} : memref<3328x16xf32, #tpu.memory_space<vmem>>, vector<16xf32>,
      %add3A_631 = arith.addf %add3A_623, %get3A_630 : vector<16xf32>
      %mul3A_632 = arith.mulf %get3A_630, %get3A_630 : vector<16xf32>
      %add3A_633 = arith.addf %add3A_625, %mul3A_632 : vector<16xf32>
      %mul3A_634 = arith.mulf %add3A_631, %add3A_631 : vector<16xf32>
      %sub3A_635 = arith.subf %mul3A_634, %add3A_633 : vector<16xf32>
      %reduce_sum3A_636 = arith.constant true
      %reduce_sum3A_637 = vector.broadcast %reduce_sum3A_636 : i1 to vector<16xi1>
      %reduce_sum3A_638 = tpu.scan <sum>, %sub3A_635 masked %reduce_sum3A_637 : vector<16xf32>, vector<16xi1> -> vector<16xf32>
      %reduce_sum3A_639 = vector.extract %reduce_sum3A_638[15] : f32 from vector<16xf32>
      %mul3A_640 = arith.constant 5.000000e-01 : f32
      %mul3A_641 = arith.mulf %mul3A_640, %reduce_sum3A_639 : f32
      %eq3A_642 = arith.constant 1 : i32
      %eq3A_643 = vector.broadcast %eq3A_642 : i32 to vector<16xi32>
      %eq3A_644 = arith.cmpi eq, %iota3A, %eq3A_643 : vector<16xi32>
      %broadcast_in_dim3A_645 = vector.broadcast %mul3A_641 : f32 to vector<16xf32>
      %select_n3A_646 = arith.select %eq3A_644, %broadcast_in_dim3A_645, %select_n3A : vector<16xi1>, vector<16xf32>
      %add3A_647 = arith.constant 52 : i32
      %add3A_648 = arith.addi %mul3A_211, %add3A_647 : i32
      %get3A_649 = arith.index_cast %add3A_648 : i32 to index
      %get3A_650 = arith.constant 0 : index
      %get3A_651 = tpu.vector_load %arg10[%get3A_649, %get3A_650] {strides = array<i32>} : memref<3328x16xf32, #tpu.memory_space<vmem>>, vector<16xf32>,
      %mul3A_652 = arith.mulf %get3A_651, %get3A_651 : vector<16xf32>
      %add3A_653 = arith.constant 1 : i32
      %add3A_654 = arith.addi %add3A_648, %add3A_653 : i32
      %get3A_655 = arith.index_cast %add3A_654 : i32 to index
      %get3A_656 = arith.constant 0 : index
      %get3A_657 = tpu.vector_load %arg10[%get3A_655, %get3A_656] {strides = array<i32>} : memref<3328x16xf32, #tpu.memory_space<vmem>>, vector<16xf32>,
      %add3A_658 = arith.addf %get3A_651, %get3A_657 : vector<16xf32>
      %mul3A_659 = arith.mulf %get3A_657, %get3A_657 : vector<16xf32>
      %add3A_660 = arith.addf %mul3A_652, %mul3A_659 : vector<16xf32>
      %add3A_661 = arith.constant 2 : i32
      %add3A_662 = arith.addi %add3A_648, %add3A_661 : i32
      %get3A_663 = arith.index_cast %add3A_662 : i32 to index
      %get3A_664 = arith.constant 0 : index
      %get3A_665 = tpu.vector_load %arg10[%get3A_663, %get3A_664] {strides = array<i32>} : memref<3328x16xf32, #tpu.memory_space<vmem>>, vector<16xf32>,
      %add3A_666 = arith.addf %add3A_658, %get3A_665 : vector<16xf32>
      %mul3A_667 = arith.mulf %get3A_665, %get3A_665 : vector<16xf32>
      %add3A_668 = arith.addf %add3A_660, %mul3A_667 : vector<16xf32>
      %add3A_669 = arith.constant 3 : i32
      %add3A_670 = arith.addi %add3A_648, %add3A_669 : i32
      %get3A_671 = arith.index_cast %add3A_670 : i32 to index
      %get3A_672 = arith.constant 0 : index
      %get3A_673 = tpu.vector_load %arg10[%get3A_671, %get3A_672] {strides = array<i32>} : memref<3328x16xf32, #tpu.memory_space<vmem>>, vector<16xf32>,
      %add3A_674 = arith.addf %add3A_666, %get3A_673 : vector<16xf32>
      %mul3A_675 = arith.mulf %get3A_673, %get3A_673 : vector<16xf32>
      %add3A_676 = arith.addf %add3A_668, %mul3A_675 : vector<16xf32>
      %add3A_677 = arith.constant 4 : i32
      %add3A_678 = arith.addi %add3A_648, %add3A_677 : i32
      %get3A_679 = arith.index_cast %add3A_678 : i32 to index
      %get3A_680 = arith.constant 0 : index
      %get3A_681 = tpu.vector_load %arg10[%get3A_679, %get3A_680] {strides = array<i32>} : memref<3328x16xf32, #tpu.memory_space<vmem>>, vector<16xf32>,
      %add3A_682 = arith.addf %add3A_674, %get3A_681 : vector<16xf32>
      %mul3A_683 = arith.mulf %get3A_681, %get3A_681 : vector<16xf32>
      %add3A_684 = arith.addf %add3A_676, %mul3A_683 : vector<16xf32>
      %add3A_685 = arith.constant 5 : i32
      %add3A_686 = arith.addi %add3A_648, %add3A_685 : i32
      %get3A_687 = arith.index_cast %add3A_686 : i32 to index
      %get3A_688 = arith.constant 0 : index
      %get3A_689 = tpu.vector_load %arg10[%get3A_687, %get3A_688] {strides = array<i32>} : memref<3328x16xf32, #tpu.memory_space<vmem>>, vector<16xf32>,
      %add3A_690 = arith.addf %add3A_682, %get3A_689 : vector<16xf32>
      %mul3A_691 = arith.mulf %get3A_689, %get3A_689 : vector<16xf32>
      %add3A_692 = arith.addf %add3A_684, %mul3A_691 : vector<16xf32>
      %add3A_693 = arith.constant 6 : i32
      %add3A_694 = arith.addi %add3A_648, %add3A_693 : i32
      %get3A_695 = arith.index_cast %add3A_694 : i32 to index
      %get3A_696 = arith.constant 0 : index
      %get3A_697 = tpu.vector_load %arg10[%get3A_695, %get3A_696] {strides = array<i32>} : memref<3328x16xf32, #tpu.memory_space<vmem>>, vector<16xf32>,
      %add3A_698 = arith.addf %add3A_690, %get3A_697 : vector<16xf32>
      %mul3A_699 = arith.mulf %get3A_697, %get3A_697 : vector<16xf32>
      %add3A_700 = arith.addf %add3A_692, %mul3A_699 : vector<16xf32>
      %add3A_701 = arith.constant 7 : i32
      %add3A_702 = arith.addi %add3A_648, %add3A_701 : i32
      %get3A_703 = arith.index_cast %add3A_702 : i32 to index
      %get3A_704 = arith.constant 0 : index
      %get3A_705 = tpu.vector_load %arg10[%get3A_703, %get3A_704] {strides = array<i32>} : memref<3328x16xf32, #tpu.memory_space<vmem>>, vector<16xf32>,
      %add3A_706 = arith.addf %add3A_698, %get3A_705 : vector<16xf32>
      %mul3A_707 = arith.mulf %get3A_705, %get3A_705 : vector<16xf32>
      %add3A_708 = arith.addf %add3A_700, %mul3A_707 : vector<16xf32>
      %add3A_709 = arith.constant 8 : i32
      %add3A_710 = arith.addi %add3A_648, %add3A_709 : i32
      %get3A_711 = arith.index_cast %add3A_710 : i32 to index
      %get3A_712 = arith.constant 0 : index
      %get3A_713 = tpu.vector_load %arg10[%get3A_711, %get3A_712] {strides = array<i32>} : memref<3328x16xf32, #tpu.memory_space<vmem>>, vector<16xf32>,
      %add3A_714 = arith.addf %add3A_706, %get3A_713 : vector<16xf32>
      %mul3A_715 = arith.mulf %get3A_713, %get3A_713 : vector<16xf32>
      %add3A_716 = arith.addf %add3A_708, %mul3A_715 : vector<16xf32>
      %add3A_717 = arith.constant 9 : i32
      %add3A_718 = arith.addi %add3A_648, %add3A_717 : i32
      %get3A_719 = arith.index_cast %add3A_718 : i32 to index
      %get3A_720 = arith.constant 0 : index
      %get3A_721 = tpu.vector_load %arg10[%get3A_719, %get3A_720] {strides = array<i32>} : memref<3328x16xf32, #tpu.memory_space<vmem>>, vector<16xf32>,
      %add3A_722 = arith.addf %add3A_714, %get3A_721 : vector<16xf32>
      %mul3A_723 = arith.mulf %get3A_721, %get3A_721 : vector<16xf32>
      %add3A_724 = arith.addf %add3A_716, %mul3A_723 : vector<16xf32>
      %add3A_725 = arith.constant 10 : i32
      %add3A_726 = arith.addi %add3A_648, %add3A_725 : i32
      %get3A_727 = arith.index_cast %add3A_726 : i32 to index
      %get3A_728 = arith.constant 0 : index
      %get3A_729 = tpu.vector_load %arg10[%get3A_727, %get3A_728] {strides = array<i32>} : memref<3328x16xf32, #tpu.memory_space<vmem>>, vector<16xf32>,
      %add3A_730 = arith.addf %add3A_722, %get3A_729 : vector<16xf32>
      %mul3A_731 = arith.mulf %get3A_729, %get3A_729 : vector<16xf32>
      %add3A_732 = arith.addf %add3A_724, %mul3A_731 : vector<16xf32>
      %add3A_733 = arith.constant 11 : i32
      %add3A_734 = arith.addi %add3A_648, %add3A_733 : i32
      %get3A_735 = arith.index_cast %add3A_734 : i32 to index
      %get3A_736 = arith.constant 0 : index
      %get3A_737 = tpu.vector_load %arg10[%get3A_735, %get3A_736] {strides = array<i32>} : memref<3328x16xf32, #tpu.memory_space<vmem>>, vector<16xf32>,
      %add3A_738 = arith.addf %add3A_730, %get3A_737 : vector<16xf32>
      %mul3A_739 = arith.mulf %get3A_737, %get3A_737 : vector<16xf32>
      %add3A_740 = arith.addf %add3A_732, %mul3A_739 : vector<16xf32>
      %add3A_741 = arith.constant 12 : i32
      %add3A_742 = arith.addi %add3A_648, %add3A_741 : i32
      %get3A_743 = arith.index_cast %add3A_742 : i32 to index
      %get3A_744 = arith.constant 0 : index
      %get3A_745 = tpu.vector_load %arg10[%get3A_743, %get3A_744] {strides = array<i32>} : memref<3328x16xf32, #tpu.memory_space<vmem>>, vector<16xf32>,
      %add3A_746 = arith.addf %add3A_738, %get3A_745 : vector<16xf32>
      %mul3A_747 = arith.mulf %get3A_745, %get3A_745 : vector<16xf32>
      %add3A_748 = arith.addf %add3A_740, %mul3A_747 : vector<16xf32>
      %add3A_749 = arith.constant 13 : i32
      %add3A_750 = arith.addi %add3A_648, %add3A_749 : i32
      %get3A_751 = arith.index_cast %add3A_750 : i32 to index
      %get3A_752 = arith.constant 0 : index
      %get3A_753 = tpu.vector_load %arg10[%get3A_751, %get3A_752] {strides = array<i32>} : memref<3328x16xf32, #tpu.memory_space<vmem>>, vector<16xf32>,
      %add3A_754 = arith.addf %add3A_746, %get3A_753 : vector<16xf32>
      %mul3A_755 = arith.mulf %get3A_753, %get3A_753 : vector<16xf32>
      %add3A_756 = arith.addf %add3A_748, %mul3A_755 : vector<16xf32>
      %add3A_757 = arith.constant 14 : i32
      %add3A_758 = arith.addi %add3A_648, %add3A_757 : i32
      %get3A_759 = arith.index_cast %add3A_758 : i32 to index
      %get3A_760 = arith.constant 0 : index
      %get3A_761 = tpu.vector_load %arg10[%get3A_759, %get3A_760] {strides = array<i32>} : memref<3328x16xf32, #tpu.memory_space<vmem>>, vector<16xf32>,
      %add3A_762 = arith.addf %add3A_754, %get3A_761 : vector<16xf32>
      %mul3A_763 = arith.mulf %get3A_761, %get3A_761 : vector<16xf32>
      %add3A_764 = arith.addf %add3A_756, %mul3A_763 : vector<16xf32>
      %add3A_765 = arith.constant 15 : i32
      %add3A_766 = arith.addi %add3A_648, %add3A_765 : i32
      %get3A_767 = arith.index_cast %add3A_766 : i32 to index
      %get3A_768 = arith.constant 0 : index
      %get3A_769 = tpu.vector_load %arg10[%get3A_767, %get3A_768] {strides = array<i32>} : memref<3328x16xf32, #tpu.memory_space<vmem>>, vector<16xf32>,
      %add3A_770 = arith.addf %add3A_762, %get3A_769 : vector<16xf32>
      %mul3A_771 = arith.mulf %get3A_769, %get3A_769 : vector<16xf32>
      %add3A_772 = arith.addf %add3A_764, %mul3A_771 : vector<16xf32>
      %add3A_773 = arith.constant 16 : i32
      %add3A_774 = arith.addi %add3A_648, %add3A_773 : i32
      %get3A_775 = arith.index_cast %add3A_774 : i32 to index
      %get3A_776 = arith.constant 0 : index
      %get3A_777 = tpu.vector_load %arg10[%get3A_775, %get3A_776] {strides = array<i32>} : memref<3328x16xf32, #tpu.memory_space<vmem>>, vector<16xf32>,
      %add3A_778 = arith.addf %add3A_770, %get3A_777 : vector<16xf32>
      %mul3A_779 = arith.mulf %get3A_777, %get3A_777 : vector<16xf32>
      %add3A_780 = arith.addf %add3A_772, %mul3A_779 : vector<16xf32>
      %add3A_781 = arith.constant 17 : i32
      %add3A_782 = arith.addi %add3A_648, %add3A_781 : i32
      %get3A_783 = arith.index_cast %add3A_782 : i32 to index
      %get3A_784 = arith.constant 0 : index
      %get3A_785 = tpu.vector_load %arg10[%get3A_783, %get3A_784] {strides = array<i32>} : memref<3328x16xf32, #tpu.memory_space<vmem>>, vector<16xf32>,
      %add3A_786 = arith.addf %add3A_778, %get3A_785 : vector<16xf32>
      %mul3A_787 = arith.mulf %get3A_785, %get3A_785 : vector<16xf32>
      %add3A_788 = arith.addf %add3A_780, %mul3A_787 : vector<16xf32>
      %add3A_789 = arith.constant 18 : i32
      %add3A_790 = arith.addi %add3A_648, %add3A_789 : i32
      %get3A_791 = arith.index_cast %add3A_790 : i32 to index
      %get3A_792 = arith.constant 0 : index
      %get3A_793 = tpu.vector_load %arg10[%get3A_791, %get3A_792] {strides = array<i32>} : memref<3328x16xf32, #tpu.memory_space<vmem>>, vector<16xf32>,
      %add3A_794 = arith.addf %add3A_786, %get3A_793 : vector<16xf32>
      %mul3A_795 = arith.mulf %get3A_793, %get3A_793 : vector<16xf32>
      %add3A_796 = arith.addf %add3A_788, %mul3A_795 : vector<16xf32>
      %add3A_797 = arith.constant 19 : i32
      %add3A_798 = arith.addi %add3A_648, %add3A_797 : i32
      %get3A_799 = arith.index_cast %add3A_798 : i32 to index
      %get3A_800 = arith.constant 0 : index
      %get3A_801 = tpu.vector_load %arg10[%get3A_799, %get3A_800] {strides = array<i32>} : memref<3328x16xf32, #tpu.memory_space<vmem>>, vector<16xf32>,
      %add3A_802 = arith.addf %add3A_794, %get3A_801 : vector<16xf32>
      %mul3A_803 = arith.mulf %get3A_801, %get3A_801 : vector<16xf32>
      %add3A_804 = arith.addf %add3A_796, %mul3A_803 : vector<16xf32>
      %add3A_805 = arith.constant 20 : i32
      %add3A_806 = arith.addi %add3A_648, %add3A_805 : i32
      %get3A_807 = arith.index_cast %add3A_806 : i32 to index
      %get3A_808 = arith.constant 0 : index
      %get3A_809 = tpu.vector_load %arg10[%get3A_807, %get3A_808] {strides = array<i32>} : memref<3328x16xf32, #tpu.memory_space<vmem>>, vector<16xf32>,
      %add3A_810 = arith.addf %add3A_802, %get3A_809 : vector<16xf32>
      %mul3A_811 = arith.mulf %get3A_809, %get3A_809 : vector<16xf32>
      %add3A_812 = arith.addf %add3A_804, %mul3A_811 : vector<16xf32>
      %add3A_813 = arith.constant 21 : i32
      %add3A_814 = arith.addi %add3A_648, %add3A_813 : i32
      %get3A_815 = arith.index_cast %add3A_814 : i32 to index
      %get3A_816 = arith.constant 0 : index
      %get3A_817 = tpu.vector_load %arg10[%get3A_815, %get3A_816] {strides = array<i32>} : memref<3328x16xf32, #tpu.memory_space<vmem>>, vector<16xf32>,
      %add3A_818 = arith.addf %add3A_810, %get3A_817 : vector<16xf32>
      %mul3A_819 = arith.mulf %get3A_817, %get3A_817 : vector<16xf32>
      %add3A_820 = arith.addf %add3A_812, %mul3A_819 : vector<16xf32>
      %add3A_821 = arith.constant 22 : i32
      %add3A_822 = arith.addi %add3A_648, %add3A_821 : i32
      %get3A_823 = arith.index_cast %add3A_822 : i32 to index
      %get3A_824 = arith.constant 0 : index
      %get3A_825 = tpu.vector_load %arg10[%get3A_823, %get3A_824] {strides = array<i32>} : memref<3328x16xf32, #tpu.memory_space<vmem>>, vector<16xf32>,
      %add3A_826 = arith.addf %add3A_818, %get3A_825 : vector<16xf32>
      %mul3A_827 = arith.mulf %get3A_825, %get3A_825 : vector<16xf32>
      %add3A_828 = arith.addf %add3A_820, %mul3A_827 : vector<16xf32>
      %add3A_829 = arith.constant 23 : i32
      %add3A_830 = arith.addi %add3A_648, %add3A_829 : i32
      %get3A_831 = arith.index_cast %add3A_830 : i32 to index
      %get3A_832 = arith.constant 0 : index
      %get3A_833 = tpu.vector_load %arg10[%get3A_831, %get3A_832] {strides = array<i32>} : memref<3328x16xf32, #tpu.memory_space<vmem>>, vector<16xf32>,
      %add3A_834 = arith.addf %add3A_826, %get3A_833 : vector<16xf32>
      %mul3A_835 = arith.mulf %get3A_833, %get3A_833 : vector<16xf32>
      %add3A_836 = arith.addf %add3A_828, %mul3A_835 : vector<16xf32>
      %add3A_837 = arith.constant 24 : i32
      %add3A_838 = arith.addi %add3A_648, %add3A_837 : i32
      %get3A_839 = arith.index_cast %add3A_838 : i32 to index
      %get3A_840 = arith.constant 0 : index
      %get3A_841 = tpu.vector_load %arg10[%get3A_839, %get3A_840] {strides = array<i32>} : memref<3328x16xf32, #tpu.memory_space<vmem>>, vector<16xf32>,
      %add3A_842 = arith.addf %add3A_834, %get3A_841 : vector<16xf32>
      %mul3A_843 = arith.mulf %get3A_841, %get3A_841 : vector<16xf32>
      %add3A_844 = arith.addf %add3A_836, %mul3A_843 : vector<16xf32>
      %add3A_845 = arith.constant 25 : i32
      %add3A_846 = arith.addi %add3A_648, %add3A_845 : i32
      %get3A_847 = arith.index_cast %add3A_846 : i32 to index
      %get3A_848 = arith.constant 0 : index
      %get3A_849 = tpu.vector_load %arg10[%get3A_847, %get3A_848] {strides = array<i32>} : memref<3328x16xf32, #tpu.memory_space<vmem>>, vector<16xf32>,
      %add3A_850 = arith.addf %add3A_842, %get3A_849 : vector<16xf32>
      %mul3A_851 = arith.mulf %get3A_849, %get3A_849 : vector<16xf32>
      %add3A_852 = arith.addf %add3A_844, %mul3A_851 : vector<16xf32>
      %mul3A_853 = arith.mulf %add3A_850, %add3A_850 : vector<16xf32>
      %sub3A_854 = arith.subf %mul3A_853, %add3A_852 : vector<16xf32>
      %reduce_sum3A_855 = arith.constant true
      %reduce_sum3A_856 = vector.broadcast %reduce_sum3A_855 : i1 to vector<16xi1>
      %reduce_sum3A_857 = tpu.scan <sum>, %sub3A_854 masked %reduce_sum3A_856 : vector<16xf32>, vector<16xi1> -> vector<16xf32>
      %reduce_sum3A_858 = vector.extract %reduce_sum3A_857[15] : f32 from vector<16xf32>
      %mul3A_859 = arith.constant 5.000000e-01 : f32
      %mul3A_860 = arith.mulf %mul3A_859, %reduce_sum3A_858 : f32
      %eq3A_861 = arith.constant 2 : i32
      %eq3A_862 = vector.broadcast %eq3A_861 : i32 to vector<16xi32>
      %eq3A_863 = arith.cmpi eq, %iota3A, %eq3A_862 : vector<16xi32>
      %broadcast_in_dim3A_864 = vector.broadcast %mul3A_860 : f32 to vector<16xf32>
      %select_n3A_865 = arith.select %eq3A_863, %broadcast_in_dim3A_864, %select_n3A_646 : vector<16xi1>, vector<16xf32>
      %add3A_866 = arith.constant 78 : i32
      %add3A_867 = arith.addi %mul3A_211, %add3A_866 : i32
      %get3A_868 = arith.index_cast %add3A_867 : i32 to index
      %get3A_869 = arith.constant 0 : index
      %get3A_870 = tpu.vector_load %arg10[%get3A_868, %get3A_869] {strides = array<i32>} : memref<3328x16xf32, #tpu.memory_space<vmem>>, vector<16xf32>,
      %mul3A_871 = arith.mulf %get3A_870, %get3A_870 : vector<16xf32>
      %add3A_872 = arith.constant 1 : i32
      %add3A_873 = arith.addi %add3A_867, %add3A_872 : i32
      %get3A_874 = arith.index_cast %add3A_873 : i32 to index
      %get3A_875 = arith.constant 0 : index
      %get3A_876 = tpu.vector_load %arg10[%get3A_874, %get3A_875] {strides = array<i32>} : memref<3328x16xf32, #tpu.memory_space<vmem>>, vector<16xf32>,
      %add3A_877 = arith.addf %get3A_870, %get3A_876 : vector<16xf32>
      %mul3A_878 = arith.mulf %get3A_876, %get3A_876 : vector<16xf32>
      %add3A_879 = arith.addf %mul3A_871, %mul3A_878 : vector<16xf32>
      %add3A_880 = arith.constant 2 : i32
      %add3A_881 = arith.addi %add3A_867, %add3A_880 : i32
      %get3A_882 = arith.index_cast %add3A_881 : i32 to index
      %get3A_883 = arith.constant 0 : index
      %get3A_884 = tpu.vector_load %arg10[%get3A_882, %get3A_883] {strides = array<i32>} : memref<3328x16xf32, #tpu.memory_space<vmem>>, vector<16xf32>,
      %add3A_885 = arith.addf %add3A_877, %get3A_884 : vector<16xf32>
      %mul3A_886 = arith.mulf %get3A_884, %get3A_884 : vector<16xf32>
      %add3A_887 = arith.addf %add3A_879, %mul3A_886 : vector<16xf32>
      %add3A_888 = arith.constant 3 : i32
      %add3A_889 = arith.addi %add3A_867, %add3A_888 : i32
      %get3A_890 = arith.index_cast %add3A_889 : i32 to index
      %get3A_891 = arith.constant 0 : index
      %get3A_892 = tpu.vector_load %arg10[%get3A_890, %get3A_891] {strides = array<i32>} : memref<3328x16xf32, #tpu.memory_space<vmem>>, vector<16xf32>,
      %add3A_893 = arith.addf %add3A_885, %get3A_892 : vector<16xf32>
      %mul3A_894 = arith.mulf %get3A_892, %get3A_892 : vector<16xf32>
      %add3A_895 = arith.addf %add3A_887, %mul3A_894 : vector<16xf32>
      %add3A_896 = arith.constant 4 : i32
      %add3A_897 = arith.addi %add3A_867, %add3A_896 : i32
      %get3A_898 = arith.index_cast %add3A_897 : i32 to index
      %get3A_899 = arith.constant 0 : index
      %get3A_900 = tpu.vector_load %arg10[%get3A_898, %get3A_899] {strides = array<i32>} : memref<3328x16xf32, #tpu.memory_space<vmem>>, vector<16xf32>,
      %add3A_901 = arith.addf %add3A_893, %get3A_900 : vector<16xf32>
      %mul3A_902 = arith.mulf %get3A_900, %get3A_900 : vector<16xf32>
      %add3A_903 = arith.addf %add3A_895, %mul3A_902 : vector<16xf32>
      %add3A_904 = arith.constant 5 : i32
      %add3A_905 = arith.addi %add3A_867, %add3A_904 : i32
      %get3A_906 = arith.index_cast %add3A_905 : i32 to index
      %get3A_907 = arith.constant 0 : index
      %get3A_908 = tpu.vector_load %arg10[%get3A_906, %get3A_907] {strides = array<i32>} : memref<3328x16xf32, #tpu.memory_space<vmem>>, vector<16xf32>,
      %add3A_909 = arith.addf %add3A_901, %get3A_908 : vector<16xf32>
      %mul3A_910 = arith.mulf %get3A_908, %get3A_908 : vector<16xf32>
      %add3A_911 = arith.addf %add3A_903, %mul3A_910 : vector<16xf32>
      %add3A_912 = arith.constant 6 : i32
      %add3A_913 = arith.addi %add3A_867, %add3A_912 : i32
      %get3A_914 = arith.index_cast %add3A_913 : i32 to index
      %get3A_915 = arith.constant 0 : index
      %get3A_916 = tpu.vector_load %arg10[%get3A_914, %get3A_915] {strides = array<i32>} : memref<3328x16xf32, #tpu.memory_space<vmem>>, vector<16xf32>,
      %add3A_917 = arith.addf %add3A_909, %get3A_916 : vector<16xf32>
      %mul3A_918 = arith.mulf %get3A_916, %get3A_916 : vector<16xf32>
      %add3A_919 = arith.addf %add3A_911, %mul3A_918 : vector<16xf32>
      %add3A_920 = arith.constant 7 : i32
      %add3A_921 = arith.addi %add3A_867, %add3A_920 : i32
      %get3A_922 = arith.index_cast %add3A_921 : i32 to index
      %get3A_923 = arith.constant 0 : index
      %get3A_924 = tpu.vector_load %arg10[%get3A_922, %get3A_923] {strides = array<i32>} : memref<3328x16xf32, #tpu.memory_space<vmem>>, vector<16xf32>,
      %add3A_925 = arith.addf %add3A_917, %get3A_924 : vector<16xf32>
      %mul3A_926 = arith.mulf %get3A_924, %get3A_924 : vector<16xf32>
      %add3A_927 = arith.addf %add3A_919, %mul3A_926 : vector<16xf32>
      %add3A_928 = arith.constant 8 : i32
      %add3A_929 = arith.addi %add3A_867, %add3A_928 : i32
      %get3A_930 = arith.index_cast %add3A_929 : i32 to index
      %get3A_931 = arith.constant 0 : index
      %get3A_932 = tpu.vector_load %arg10[%get3A_930, %get3A_931] {strides = array<i32>} : memref<3328x16xf32, #tpu.memory_space<vmem>>, vector<16xf32>,
      %add3A_933 = arith.addf %add3A_925, %get3A_932 : vector<16xf32>
      %mul3A_934 = arith.mulf %get3A_932, %get3A_932 : vector<16xf32>
      %add3A_935 = arith.addf %add3A_927, %mul3A_934 : vector<16xf32>
      %add3A_936 = arith.constant 9 : i32
      %add3A_937 = arith.addi %add3A_867, %add3A_936 : i32
      %get3A_938 = arith.index_cast %add3A_937 : i32 to index
      %get3A_939 = arith.constant 0 : index
      %get3A_940 = tpu.vector_load %arg10[%get3A_938, %get3A_939] {strides = array<i32>} : memref<3328x16xf32, #tpu.memory_space<vmem>>, vector<16xf32>,
      %add3A_941 = arith.addf %add3A_933, %get3A_940 : vector<16xf32>
      %mul3A_942 = arith.mulf %get3A_940, %get3A_940 : vector<16xf32>
      %add3A_943 = arith.addf %add3A_935, %mul3A_942 : vector<16xf32>
      %add3A_944 = arith.constant 10 : i32
      %add3A_945 = arith.addi %add3A_867, %add3A_944 : i32
      %get3A_946 = arith.index_cast %add3A_945 : i32 to index
      %get3A_947 = arith.constant 0 : index
      %get3A_948 = tpu.vector_load %arg10[%get3A_946, %get3A_947] {strides = array<i32>} : memref<3328x16xf32, #tpu.memory_space<vmem>>, vector<16xf32>,
      %add3A_949 = arith.addf %add3A_941, %get3A_948 : vector<16xf32>
      %mul3A_950 = arith.mulf %get3A_948, %get3A_948 : vector<16xf32>
      %add3A_951 = arith.addf %add3A_943, %mul3A_950 : vector<16xf32>
      %add3A_952 = arith.constant 11 : i32
      %add3A_953 = arith.addi %add3A_867, %add3A_952 : i32
      %get3A_954 = arith.index_cast %add3A_953 : i32 to index
      %get3A_955 = arith.constant 0 : index
      %get3A_956 = tpu.vector_load %arg10[%get3A_954, %get3A_955] {strides = array<i32>} : memref<3328x16xf32, #tpu.memory_space<vmem>>, vector<16xf32>,
      %add3A_957 = arith.addf %add3A_949, %get3A_956 : vector<16xf32>
      %mul3A_958 = arith.mulf %get3A_956, %get3A_956 : vector<16xf32>
      %add3A_959 = arith.addf %add3A_951, %mul3A_958 : vector<16xf32>
      %add3A_960 = arith.constant 12 : i32
      %add3A_961 = arith.addi %add3A_867, %add3A_960 : i32
      %get3A_962 = arith.index_cast %add3A_961 : i32 to index
      %get3A_963 = arith.constant 0 : index
      %get3A_964 = tpu.vector_load %arg10[%get3A_962, %get3A_963] {strides = array<i32>} : memref<3328x16xf32, #tpu.memory_space<vmem>>, vector<16xf32>,
      %add3A_965 = arith.addf %add3A_957, %get3A_964 : vector<16xf32>
      %mul3A_966 = arith.mulf %get3A_964, %get3A_964 : vector<16xf32>
      %add3A_967 = arith.addf %add3A_959, %mul3A_966 : vector<16xf32>
      %add3A_968 = arith.constant 13 : i32
      %add3A_969 = arith.addi %add3A_867, %add3A_968 : i32
      %get3A_970 = arith.index_cast %add3A_969 : i32 to index
      %get3A_971 = arith.constant 0 : index
      %get3A_972 = tpu.vector_load %arg10[%get3A_970, %get3A_971] {strides = array<i32>} : memref<3328x16xf32, #tpu.memory_space<vmem>>, vector<16xf32>,
      %add3A_973 = arith.addf %add3A_965, %get3A_972 : vector<16xf32>
      %mul3A_974 = arith.mulf %get3A_972, %get3A_972 : vector<16xf32>
      %add3A_975 = arith.addf %add3A_967, %mul3A_974 : vector<16xf32>
      %add3A_976 = arith.constant 14 : i32
      %add3A_977 = arith.addi %add3A_867, %add3A_976 : i32
      %get3A_978 = arith.index_cast %add3A_977 : i32 to index
      %get3A_979 = arith.constant 0 : index
      %get3A_980 = tpu.vector_load %arg10[%get3A_978, %get3A_979] {strides = array<i32>} : memref<3328x16xf32, #tpu.memory_space<vmem>>, vector<16xf32>,
      %add3A_981 = arith.addf %add3A_973, %get3A_980 : vector<16xf32>
      %mul3A_982 = arith.mulf %get3A_980, %get3A_980 : vector<16xf32>
      %add3A_983 = arith.addf %add3A_975, %mul3A_982 : vector<16xf32>
      %add3A_984 = arith.constant 15 : i32
      %add3A_985 = arith.addi %add3A_867, %add3A_984 : i32
      %get3A_986 = arith.index_cast %add3A_985 : i32 to index
      %get3A_987 = arith.constant 0 : index
      %get3A_988 = tpu.vector_load %arg10[%get3A_986, %get3A_987] {strides = array<i32>} : memref<3328x16xf32, #tpu.memory_space<vmem>>, vector<16xf32>,
      %add3A_989 = arith.addf %add3A_981, %get3A_988 : vector<16xf32>
      %mul3A_990 = arith.mulf %get3A_988, %get3A_988 : vector<16xf32>
      %add3A_991 = arith.addf %add3A_983, %mul3A_990 : vector<16xf32>
      %add3A_992 = arith.constant 16 : i32
      %add3A_993 = arith.addi %add3A_867, %add3A_992 : i32
      %get3A_994 = arith.index_cast %add3A_993 : i32 to index
      %get3A_995 = arith.constant 0 : index
      %get3A_996 = tpu.vector_load %arg10[%get3A_994, %get3A_995] {strides = array<i32>} : memref<3328x16xf32, #tpu.memory_space<vmem>>, vector<16xf32>,
      %add3A_997 = arith.addf %add3A_989, %get3A_996 : vector<16xf32>
      %mul3A_998 = arith.mulf %get3A_996, %get3A_996 : vector<16xf32>
      %add3A_999 = arith.addf %add3A_991, %mul3A_998 : vector<16xf32>
      %add3A_1000 = arith.constant 17 : i32
      %add3A_1001 = arith.addi %add3A_867, %add3A_1000 : i32
      %get3A_1002 = arith.index_cast %add3A_1001 : i32 to index
      %get3A_1003 = arith.constant 0 : index
      %get3A_1004 = tpu.vector_load %arg10[%get3A_1002, %get3A_1003] {strides = array<i32>} : memref<3328x16xf32, #tpu.memory_space<vmem>>, vector<16xf32>,
      %add3A_1005 = arith.addf %add3A_997, %get3A_1004 : vector<16xf32>
      %mul3A_1006 = arith.mulf %get3A_1004, %get3A_1004 : vector<16xf32>
      %add3A_1007 = arith.addf %add3A_999, %mul3A_1006 : vector<16xf32>
      %add3A_1008 = arith.constant 18 : i32
      %add3A_1009 = arith.addi %add3A_867, %add3A_1008 : i32
      %get3A_1010 = arith.index_cast %add3A_1009 : i32 to index
      %get3A_1011 = arith.constant 0 : index
      %get3A_1012 = tpu.vector_load %arg10[%get3A_1010, %get3A_1011] {strides = array<i32>} : memref<3328x16xf32, #tpu.memory_space<vmem>>, vector<16xf32>,
      %add3A_1013 = arith.addf %add3A_1005, %get3A_1012 : vector<16xf32>
      %mul3A_1014 = arith.mulf %get3A_1012, %get3A_1012 : vector<16xf32>
      %add3A_1015 = arith.addf %add3A_1007, %mul3A_1014 : vector<16xf32>
      %add3A_1016 = arith.constant 19 : i32
      %add3A_1017 = arith.addi %add3A_867, %add3A_1016 : i32
      %get3A_1018 = arith.index_cast %add3A_1017 : i32 to index
      %get3A_1019 = arith.constant 0 : index
      %get3A_1020 = tpu.vector_load %arg10[%get3A_1018, %get3A_1019] {strides = array<i32>} : memref<3328x16xf32, #tpu.memory_space<vmem>>, vector<16xf32>,
      %add3A_1021 = arith.addf %add3A_1013, %get3A_1020 : vector<16xf32>
      %mul3A_1022 = arith.mulf %get3A_1020, %get3A_1020 : vector<16xf32>
      %add3A_1023 = arith.addf %add3A_1015, %mul3A_1022 : vector<16xf32>
      %add3A_1024 = arith.constant 20 : i32
      %add3A_1025 = arith.addi %add3A_867, %add3A_1024 : i32
      %get3A_1026 = arith.index_cast %add3A_1025 : i32 to index
      %get3A_1027 = arith.constant 0 : index
      %get3A_1028 = tpu.vector_load %arg10[%get3A_1026, %get3A_1027] {strides = array<i32>} : memref<3328x16xf32, #tpu.memory_space<vmem>>, vector<16xf32>,
      %add3A_1029 = arith.addf %add3A_1021, %get3A_1028 : vector<16xf32>
      %mul3A_1030 = arith.mulf %get3A_1028, %get3A_1028 : vector<16xf32>
      %add3A_1031 = arith.addf %add3A_1023, %mul3A_1030 : vector<16xf32>
      %add3A_1032 = arith.constant 21 : i32
      %add3A_1033 = arith.addi %add3A_867, %add3A_1032 : i32
      %get3A_1034 = arith.index_cast %add3A_1033 : i32 to index
      %get3A_1035 = arith.constant 0 : index
      %get3A_1036 = tpu.vector_load %arg10[%get3A_1034, %get3A_1035] {strides = array<i32>} : memref<3328x16xf32, #tpu.memory_space<vmem>>, vector<16xf32>,
      %add3A_1037 = arith.addf %add3A_1029, %get3A_1036 : vector<16xf32>
      %mul3A_1038 = arith.mulf %get3A_1036, %get3A_1036 : vector<16xf32>
      %add3A_1039 = arith.addf %add3A_1031, %mul3A_1038 : vector<16xf32>
      %add3A_1040 = arith.constant 22 : i32
      %add3A_1041 = arith.addi %add3A_867, %add3A_1040 : i32
      %get3A_1042 = arith.index_cast %add3A_1041 : i32 to index
      %get3A_1043 = arith.constant 0 : index
      %get3A_1044 = tpu.vector_load %arg10[%get3A_1042, %get3A_1043] {strides = array<i32>} : memref<3328x16xf32, #tpu.memory_space<vmem>>, vector<16xf32>,
      %add3A_1045 = arith.addf %add3A_1037, %get3A_1044 : vector<16xf32>
      %mul3A_1046 = arith.mulf %get3A_1044, %get3A_1044 : vector<16xf32>
      %add3A_1047 = arith.addf %add3A_1039, %mul3A_1046 : vector<16xf32>
      %add3A_1048 = arith.constant 23 : i32
      %add3A_1049 = arith.addi %add3A_867, %add3A_1048 : i32
      %get3A_1050 = arith.index_cast %add3A_1049 : i32 to index
      %get3A_1051 = arith.constant 0 : index
      %get3A_1052 = tpu.vector_load %arg10[%get3A_1050, %get3A_1051] {strides = array<i32>} : memref<3328x16xf32, #tpu.memory_space<vmem>>, vector<16xf32>,
      %add3A_1053 = arith.addf %add3A_1045, %get3A_1052 : vector<16xf32>
      %mul3A_1054 = arith.mulf %get3A_1052, %get3A_1052 : vector<16xf32>
      %add3A_1055 = arith.addf %add3A_1047, %mul3A_1054 : vector<16xf32>
      %add3A_1056 = arith.constant 24 : i32
      %add3A_1057 = arith.addi %add3A_867, %add3A_1056 : i32
      %get3A_1058 = arith.index_cast %add3A_1057 : i32 to index
      %get3A_1059 = arith.constant 0 : index
      %get3A_1060 = tpu.vector_load %arg10[%get3A_1058, %get3A_1059] {strides = array<i32>} : memref<3328x16xf32, #tpu.memory_space<vmem>>, vector<16xf32>,
      %add3A_1061 = arith.addf %add3A_1053, %get3A_1060 : vector<16xf32>
      %mul3A_1062 = arith.mulf %get3A_1060, %get3A_1060 : vector<16xf32>
      %add3A_1063 = arith.addf %add3A_1055, %mul3A_1062 : vector<16xf32>
      %add3A_1064 = arith.constant 25 : i32
      %add3A_1065 = arith.addi %add3A_867, %add3A_1064 : i32
      %get3A_1066 = arith.index_cast %add3A_1065 : i32 to index
      %get3A_1067 = arith.constant 0 : index
      %get3A_1068 = tpu.vector_load %arg10[%get3A_1066, %get3A_1067] {strides = array<i32>} : memref<3328x16xf32, #tpu.memory_space<vmem>>, vector<16xf32>,
      %add3A_1069 = arith.addf %add3A_1061, %get3A_1068 : vector<16xf32>
      %mul3A_1070 = arith.mulf %get3A_1068, %get3A_1068 : vector<16xf32>
      %add3A_1071 = arith.addf %add3A_1063, %mul3A_1070 : vector<16xf32>
      %mul3A_1072 = arith.mulf %add3A_1069, %add3A_1069 : vector<16xf32>
      %sub3A_1073 = arith.subf %mul3A_1072, %add3A_1071 : vector<16xf32>
      %reduce_sum3A_1074 = arith.constant true
      %reduce_sum3A_1075 = vector.broadcast %reduce_sum3A_1074 : i1 to vector<16xi1>
      %reduce_sum3A_1076 = tpu.scan <sum>, %sub3A_1073 masked %reduce_sum3A_1075 : vector<16xf32>, vector<16xi1> -> vector<16xf32>
      %reduce_sum3A_1077 = vector.extract %reduce_sum3A_1076[15] : f32 from vector<16xf32>
      %mul3A_1078 = arith.constant 5.000000e-01 : f32
      %mul3A_1079 = arith.mulf %mul3A_1078, %reduce_sum3A_1077 : f32
      %eq3A_1080 = arith.constant 3 : i32
      %eq3A_1081 = vector.broadcast %eq3A_1080 : i32 to vector<16xi32>
      %eq3A_1082 = arith.cmpi eq, %iota3A, %eq3A_1081 : vector<16xi32>
      %broadcast_in_dim3A_1083 = vector.broadcast %mul3A_1079 : f32 to vector<16xf32>
      %select_n3A_1084 = arith.select %eq3A_1082, %broadcast_in_dim3A_1083, %select_n3A_865 : vector<16xi1>, vector<16xf32>
      %add3A_1085 = arith.constant 104 : i32
      %add3A_1086 = arith.addi %mul3A_211, %add3A_1085 : i32
      %get3A_1087 = arith.index_cast %add3A_1086 : i32 to index
      %get3A_1088 = arith.constant 0 : index
      %get3A_1089 = tpu.vector_load %arg10[%get3A_1087, %get3A_1088] {strides = array<i32>} : memref<3328x16xf32, #tpu.memory_space<vmem>>, vector<16xf32>,
      %mul3A_1090 = arith.mulf %get3A_1089, %get3A_1089 : vector<16xf32>
      %add3A_1091 = arith.constant 1 : i32
      %add3A_1092 = arith.addi %add3A_1086, %add3A_1091 : i32
      %get3A_1093 = arith.index_cast %add3A_1092 : i32 to index
      %get3A_1094 = arith.constant 0 : index
      %get3A_1095 = tpu.vector_load %arg10[%get3A_1093, %get3A_1094] {strides = array<i32>} : memref<3328x16xf32, #tpu.memory_space<vmem>>, vector<16xf32>,
      %add3A_1096 = arith.addf %get3A_1089, %get3A_1095 : vector<16xf32>
      %mul3A_1097 = arith.mulf %get3A_1095, %get3A_1095 : vector<16xf32>
      %add3A_1098 = arith.addf %mul3A_1090, %mul3A_1097 : vector<16xf32>
      %add3A_1099 = arith.constant 2 : i32
      %add3A_1100 = arith.addi %add3A_1086, %add3A_1099 : i32
      %get3A_1101 = arith.index_cast %add3A_1100 : i32 to index
      %get3A_1102 = arith.constant 0 : index
      %get3A_1103 = tpu.vector_load %arg10[%get3A_1101, %get3A_1102] {strides = array<i32>} : memref<3328x16xf32, #tpu.memory_space<vmem>>, vector<16xf32>,
      %add3A_1104 = arith.addf %add3A_1096, %get3A_1103 : vector<16xf32>
      %mul3A_1105 = arith.mulf %get3A_1103, %get3A_1103 : vector<16xf32>
      %add3A_1106 = arith.addf %add3A_1098, %mul3A_1105 : vector<16xf32>
      %add3A_1107 = arith.constant 3 : i32
      %add3A_1108 = arith.addi %add3A_1086, %add3A_1107 : i32
      %get3A_1109 = arith.index_cast %add3A_1108 : i32 to index
      %get3A_1110 = arith.constant 0 : index
      %get3A_1111 = tpu.vector_load %arg10[%get3A_1109, %get3A_1110] {strides = array<i32>} : memref<3328x16xf32, #tpu.memory_space<vmem>>, vector<16xf32>,
      %add3A_1112 = arith.addf %add3A_1104, %get3A_1111 : vector<16xf32>
      %mul3A_1113 = arith.mulf %get3A_1111, %get3A_1111 : vector<16xf32>
      %add3A_1114 = arith.addf %add3A_1106, %mul3A_1113 : vector<16xf32>
      %add3A_1115 = arith.constant 4 : i32
      %add3A_1116 = arith.addi %add3A_1086, %add3A_1115 : i32
      %get3A_1117 = arith.index_cast %add3A_1116 : i32 to index
      %get3A_1118 = arith.constant 0 : index
      %get3A_1119 = tpu.vector_load %arg10[%get3A_1117, %get3A_1118] {strides = array<i32>} : memref<3328x16xf32, #tpu.memory_space<vmem>>, vector<16xf32>,
      %add3A_1120 = arith.addf %add3A_1112, %get3A_1119 : vector<16xf32>
      %mul3A_1121 = arith.mulf %get3A_1119, %get3A_1119 : vector<16xf32>
      %add3A_1122 = arith.addf %add3A_1114, %mul3A_1121 : vector<16xf32>
      %add3A_1123 = arith.constant 5 : i32
      %add3A_1124 = arith.addi %add3A_1086, %add3A_1123 : i32
      %get3A_1125 = arith.index_cast %add3A_1124 : i32 to index
      %get3A_1126 = arith.constant 0 : index
      %get3A_1127 = tpu.vector_load %arg10[%get3A_1125, %get3A_1126] {strides = array<i32>} : memref<3328x16xf32, #tpu.memory_space<vmem>>, vector<16xf32>,
      %add3A_1128 = arith.addf %add3A_1120, %get3A_1127 : vector<16xf32>
      %mul3A_1129 = arith.mulf %get3A_1127, %get3A_1127 : vector<16xf32>
      %add3A_1130 = arith.addf %add3A_1122, %mul3A_1129 : vector<16xf32>
      %add3A_1131 = arith.constant 6 : i32
      %add3A_1132 = arith.addi %add3A_1086, %add3A_1131 : i32
      %get3A_1133 = arith.index_cast %add3A_1132 : i32 to index
      %get3A_1134 = arith.constant 0 : index
      %get3A_1135 = tpu.vector_load %arg10[%get3A_1133, %get3A_1134] {strides = array<i32>} : memref<3328x16xf32, #tpu.memory_space<vmem>>, vector<16xf32>,
      %add3A_1136 = arith.addf %add3A_1128, %get3A_1135 : vector<16xf32>
      %mul3A_1137 = arith.mulf %get3A_1135, %get3A_1135 : vector<16xf32>
      %add3A_1138 = arith.addf %add3A_1130, %mul3A_1137 : vector<16xf32>
      %add3A_1139 = arith.constant 7 : i32
      %add3A_1140 = arith.addi %add3A_1086, %add3A_1139 : i32
      %get3A_1141 = arith.index_cast %add3A_1140 : i32 to index
      %get3A_1142 = arith.constant 0 : index
      %get3A_1143 = tpu.vector_load %arg10[%get3A_1141, %get3A_1142] {strides = array<i32>} : memref<3328x16xf32, #tpu.memory_space<vmem>>, vector<16xf32>,
      %add3A_1144 = arith.addf %add3A_1136, %get3A_1143 : vector<16xf32>
      %mul3A_1145 = arith.mulf %get3A_1143, %get3A_1143 : vector<16xf32>
      %add3A_1146 = arith.addf %add3A_1138, %mul3A_1145 : vector<16xf32>
      %add3A_1147 = arith.constant 8 : i32
      %add3A_1148 = arith.addi %add3A_1086, %add3A_1147 : i32
      %get3A_1149 = arith.index_cast %add3A_1148 : i32 to index
      %get3A_1150 = arith.constant 0 : index
      %get3A_1151 = tpu.vector_load %arg10[%get3A_1149, %get3A_1150] {strides = array<i32>} : memref<3328x16xf32, #tpu.memory_space<vmem>>, vector<16xf32>,
      %add3A_1152 = arith.addf %add3A_1144, %get3A_1151 : vector<16xf32>
      %mul3A_1153 = arith.mulf %get3A_1151, %get3A_1151 : vector<16xf32>
      %add3A_1154 = arith.addf %add3A_1146, %mul3A_1153 : vector<16xf32>
      %add3A_1155 = arith.constant 9 : i32
      %add3A_1156 = arith.addi %add3A_1086, %add3A_1155 : i32
      %get3A_1157 = arith.index_cast %add3A_1156 : i32 to index
      %get3A_1158 = arith.constant 0 : index
      %get3A_1159 = tpu.vector_load %arg10[%get3A_1157, %get3A_1158] {strides = array<i32>} : memref<3328x16xf32, #tpu.memory_space<vmem>>, vector<16xf32>,
      %add3A_1160 = arith.addf %add3A_1152, %get3A_1159 : vector<16xf32>
      %mul3A_1161 = arith.mulf %get3A_1159, %get3A_1159 : vector<16xf32>
      %add3A_1162 = arith.addf %add3A_1154, %mul3A_1161 : vector<16xf32>
      %add3A_1163 = arith.constant 10 : i32
      %add3A_1164 = arith.addi %add3A_1086, %add3A_1163 : i32
      %get3A_1165 = arith.index_cast %add3A_1164 : i32 to index
      %get3A_1166 = arith.constant 0 : index
      %get3A_1167 = tpu.vector_load %arg10[%get3A_1165, %get3A_1166] {strides = array<i32>} : memref<3328x16xf32, #tpu.memory_space<vmem>>, vector<16xf32>,
      %add3A_1168 = arith.addf %add3A_1160, %get3A_1167 : vector<16xf32>
      %mul3A_1169 = arith.mulf %get3A_1167, %get3A_1167 : vector<16xf32>
      %add3A_1170 = arith.addf %add3A_1162, %mul3A_1169 : vector<16xf32>
      %add3A_1171 = arith.constant 11 : i32
      %add3A_1172 = arith.addi %add3A_1086, %add3A_1171 : i32
      %get3A_1173 = arith.index_cast %add3A_1172 : i32 to index
      %get3A_1174 = arith.constant 0 : index
      %get3A_1175 = tpu.vector_load %arg10[%get3A_1173, %get3A_1174] {strides = array<i32>} : memref<3328x16xf32, #tpu.memory_space<vmem>>, vector<16xf32>,
      %add3A_1176 = arith.addf %add3A_1168, %get3A_1175 : vector<16xf32>
      %mul3A_1177 = arith.mulf %get3A_1175, %get3A_1175 : vector<16xf32>
      %add3A_1178 = arith.addf %add3A_1170, %mul3A_1177 : vector<16xf32>
      %add3A_1179 = arith.constant 12 : i32
      %add3A_1180 = arith.addi %add3A_1086, %add3A_1179 : i32
      %get3A_1181 = arith.index_cast %add3A_1180 : i32 to index
      %get3A_1182 = arith.constant 0 : index
      %get3A_1183 = tpu.vector_load %arg10[%get3A_1181, %get3A_1182] {strides = array<i32>} : memref<3328x16xf32, #tpu.memory_space<vmem>>, vector<16xf32>,
      %add3A_1184 = arith.addf %add3A_1176, %get3A_1183 : vector<16xf32>
      %mul3A_1185 = arith.mulf %get3A_1183, %get3A_1183 : vector<16xf32>
      %add3A_1186 = arith.addf %add3A_1178, %mul3A_1185 : vector<16xf32>
      %add3A_1187 = arith.constant 13 : i32
      %add3A_1188 = arith.addi %add3A_1086, %add3A_1187 : i32
      %get3A_1189 = arith.index_cast %add3A_1188 : i32 to index
      %get3A_1190 = arith.constant 0 : index
      %get3A_1191 = tpu.vector_load %arg10[%get3A_1189, %get3A_1190] {strides = array<i32>} : memref<3328x16xf32, #tpu.memory_space<vmem>>, vector<16xf32>,
      %add3A_1192 = arith.addf %add3A_1184, %get3A_1191 : vector<16xf32>
      %mul3A_1193 = arith.mulf %get3A_1191, %get3A_1191 : vector<16xf32>
      %add3A_1194 = arith.addf %add3A_1186, %mul3A_1193 : vector<16xf32>
      %add3A_1195 = arith.constant 14 : i32
      %add3A_1196 = arith.addi %add3A_1086, %add3A_1195 : i32
      %get3A_1197 = arith.index_cast %add3A_1196 : i32 to index
      %get3A_1198 = arith.constant 0 : index
      %get3A_1199 = tpu.vector_load %arg10[%get3A_1197, %get3A_1198] {strides = array<i32>} : memref<3328x16xf32, #tpu.memory_space<vmem>>, vector<16xf32>,
      %add3A_1200 = arith.addf %add3A_1192, %get3A_1199 : vector<16xf32>
      %mul3A_1201 = arith.mulf %get3A_1199, %get3A_1199 : vector<16xf32>
      %add3A_1202 = arith.addf %add3A_1194, %mul3A_1201 : vector<16xf32>
      %add3A_1203 = arith.constant 15 : i32
      %add3A_1204 = arith.addi %add3A_1086, %add3A_1203 : i32
      %get3A_1205 = arith.index_cast %add3A_1204 : i32 to index
      %get3A_1206 = arith.constant 0 : index
      %get3A_1207 = tpu.vector_load %arg10[%get3A_1205, %get3A_1206] {strides = array<i32>} : memref<3328x16xf32, #tpu.memory_space<vmem>>, vector<16xf32>,
      %add3A_1208 = arith.addf %add3A_1200, %get3A_1207 : vector<16xf32>
      %mul3A_1209 = arith.mulf %get3A_1207, %get3A_1207 : vector<16xf32>
      %add3A_1210 = arith.addf %add3A_1202, %mul3A_1209 : vector<16xf32>
      %add3A_1211 = arith.constant 16 : i32
      %add3A_1212 = arith.addi %add3A_1086, %add3A_1211 : i32
      %get3A_1213 = arith.index_cast %add3A_1212 : i32 to index
      %get3A_1214 = arith.constant 0 : index
      %get3A_1215 = tpu.vector_load %arg10[%get3A_1213, %get3A_1214] {strides = array<i32>} : memref<3328x16xf32, #tpu.memory_space<vmem>>, vector<16xf32>,
      %add3A_1216 = arith.addf %add3A_1208, %get3A_1215 : vector<16xf32>
      %mul3A_1217 = arith.mulf %get3A_1215, %get3A_1215 : vector<16xf32>
      %add3A_1218 = arith.addf %add3A_1210, %mul3A_1217 : vector<16xf32>
      %add3A_1219 = arith.constant 17 : i32
      %add3A_1220 = arith.addi %add3A_1086, %add3A_1219 : i32
      %get3A_1221 = arith.index_cast %add3A_1220 : i32 to index
      %get3A_1222 = arith.constant 0 : index
      %get3A_1223 = tpu.vector_load %arg10[%get3A_1221, %get3A_1222] {strides = array<i32>} : memref<3328x16xf32, #tpu.memory_space<vmem>>, vector<16xf32>,
      %add3A_1224 = arith.addf %add3A_1216, %get3A_1223 : vector<16xf32>
      %mul3A_1225 = arith.mulf %get3A_1223, %get3A_1223 : vector<16xf32>
      %add3A_1226 = arith.addf %add3A_1218, %mul3A_1225 : vector<16xf32>
      %add3A_1227 = arith.constant 18 : i32
      %add3A_1228 = arith.addi %add3A_1086, %add3A_1227 : i32
      %get3A_1229 = arith.index_cast %add3A_1228 : i32 to index
      %get3A_1230 = arith.constant 0 : index
      %get3A_1231 = tpu.vector_load %arg10[%get3A_1229, %get3A_1230] {strides = array<i32>} : memref<3328x16xf32, #tpu.memory_space<vmem>>, vector<16xf32>,
      %add3A_1232 = arith.addf %add3A_1224, %get3A_1231 : vector<16xf32>
      %mul3A_1233 = arith.mulf %get3A_1231, %get3A_1231 : vector<16xf32>
      %add3A_1234 = arith.addf %add3A_1226, %mul3A_1233 : vector<16xf32>
      %add3A_1235 = arith.constant 19 : i32
      %add3A_1236 = arith.addi %add3A_1086, %add3A_1235 : i32
      %get3A_1237 = arith.index_cast %add3A_1236 : i32 to index
      %get3A_1238 = arith.constant 0 : index
      %get3A_1239 = tpu.vector_load %arg10[%get3A_1237, %get3A_1238] {strides = array<i32>} : memref<3328x16xf32, #tpu.memory_space<vmem>>, vector<16xf32>,
      %add3A_1240 = arith.addf %add3A_1232, %get3A_1239 : vector<16xf32>
      %mul3A_1241 = arith.mulf %get3A_1239, %get3A_1239 : vector<16xf32>
      %add3A_1242 = arith.addf %add3A_1234, %mul3A_1241 : vector<16xf32>
      %add3A_1243 = arith.constant 20 : i32
      %add3A_1244 = arith.addi %add3A_1086, %add3A_1243 : i32
      %get3A_1245 = arith.index_cast %add3A_1244 : i32 to index
      %get3A_1246 = arith.constant 0 : index
      %get3A_1247 = tpu.vector_load %arg10[%get3A_1245, %get3A_1246] {strides = array<i32>} : memref<3328x16xf32, #tpu.memory_space<vmem>>, vector<16xf32>,
      %add3A_1248 = arith.addf %add3A_1240, %get3A_1247 : vector<16xf32>
      %mul3A_1249 = arith.mulf %get3A_1247, %get3A_1247 : vector<16xf32>
      %add3A_1250 = arith.addf %add3A_1242, %mul3A_1249 : vector<16xf32>
      %add3A_1251 = arith.constant 21 : i32
      %add3A_1252 = arith.addi %add3A_1086, %add3A_1251 : i32
      %get3A_1253 = arith.index_cast %add3A_1252 : i32 to index
      %get3A_1254 = arith.constant 0 : index
      %get3A_1255 = tpu.vector_load %arg10[%get3A_1253, %get3A_1254] {strides = array<i32>} : memref<3328x16xf32, #tpu.memory_space<vmem>>, vector<16xf32>,
      %add3A_1256 = arith.addf %add3A_1248, %get3A_1255 : vector<16xf32>
      %mul3A_1257 = arith.mulf %get3A_1255, %get3A_1255 : vector<16xf32>
      %add3A_1258 = arith.addf %add3A_1250, %mul3A_1257 : vector<16xf32>
      %add3A_1259 = arith.constant 22 : i32
      %add3A_1260 = arith.addi %add3A_1086, %add3A_1259 : i32
      %get3A_1261 = arith.index_cast %add3A_1260 : i32 to index
      %get3A_1262 = arith.constant 0 : index
      %get3A_1263 = tpu.vector_load %arg10[%get3A_1261, %get3A_1262] {strides = array<i32>} : memref<3328x16xf32, #tpu.memory_space<vmem>>, vector<16xf32>,
      %add3A_1264 = arith.addf %add3A_1256, %get3A_1263 : vector<16xf32>
      %mul3A_1265 = arith.mulf %get3A_1263, %get3A_1263 : vector<16xf32>
      %add3A_1266 = arith.addf %add3A_1258, %mul3A_1265 : vector<16xf32>
      %add3A_1267 = arith.constant 23 : i32
      %add3A_1268 = arith.addi %add3A_1086, %add3A_1267 : i32
      %get3A_1269 = arith.index_cast %add3A_1268 : i32 to index
      %get3A_1270 = arith.constant 0 : index
      %get3A_1271 = tpu.vector_load %arg10[%get3A_1269, %get3A_1270] {strides = array<i32>} : memref<3328x16xf32, #tpu.memory_space<vmem>>, vector<16xf32>,
      %add3A_1272 = arith.addf %add3A_1264, %get3A_1271 : vector<16xf32>
      %mul3A_1273 = arith.mulf %get3A_1271, %get3A_1271 : vector<16xf32>
      %add3A_1274 = arith.addf %add3A_1266, %mul3A_1273 : vector<16xf32>
      %add3A_1275 = arith.constant 24 : i32
      %add3A_1276 = arith.addi %add3A_1086, %add3A_1275 : i32
      %get3A_1277 = arith.index_cast %add3A_1276 : i32 to index
      %get3A_1278 = arith.constant 0 : index
      %get3A_1279 = tpu.vector_load %arg10[%get3A_1277, %get3A_1278] {strides = array<i32>} : memref<3328x16xf32, #tpu.memory_space<vmem>>, vector<16xf32>,
      %add3A_1280 = arith.addf %add3A_1272, %get3A_1279 : vector<16xf32>
      %mul3A_1281 = arith.mulf %get3A_1279, %get3A_1279 : vector<16xf32>
      %add3A_1282 = arith.addf %add3A_1274, %mul3A_1281 : vector<16xf32>
      %add3A_1283 = arith.constant 25 : i32
      %add3A_1284 = arith.addi %add3A_1086, %add3A_1283 : i32
      %get3A_1285 = arith.index_cast %add3A_1284 : i32 to index
      %get3A_1286 = arith.constant 0 : index
      %get3A_1287 = tpu.vector_load %arg10[%get3A_1285, %get3A_1286] {strides = array<i32>} : memref<3328x16xf32, #tpu.memory_space<vmem>>, vector<16xf32>,
      %add3A_1288 = arith.addf %add3A_1280, %get3A_1287 : vector<16xf32>
      %mul3A_1289 = arith.mulf %get3A_1287, %get3A_1287 : vector<16xf32>
      %add3A_1290 = arith.addf %add3A_1282, %mul3A_1289 : vector<16xf32>
      %mul3A_1291 = arith.mulf %add3A_1288, %add3A_1288 : vector<16xf32>
      %sub3A_1292 = arith.subf %mul3A_1291, %add3A_1290 : vector<16xf32>
      %reduce_sum3A_1293 = arith.constant true
      %reduce_sum3A_1294 = vector.broadcast %reduce_sum3A_1293 : i1 to vector<16xi1>
      %reduce_sum3A_1295 = tpu.scan <sum>, %sub3A_1292 masked %reduce_sum3A_1294 : vector<16xf32>, vector<16xi1> -> vector<16xf32>
      %reduce_sum3A_1296 = vector.extract %reduce_sum3A_1295[15] : f32 from vector<16xf32>
      %mul3A_1297 = arith.constant 5.000000e-01 : f32
      %mul3A_1298 = arith.mulf %mul3A_1297, %reduce_sum3A_1296 : f32
      %eq3A_1299 = arith.constant 4 : i32
      %eq3A_1300 = vector.broadcast %eq3A_1299 : i32 to vector<16xi32>
      %eq3A_1301 = arith.cmpi eq, %iota3A, %eq3A_1300 : vector<16xi32>
      %broadcast_in_dim3A_1302 = vector.broadcast %mul3A_1298 : f32 to vector<16xf32>
      %select_n3A_1303 = arith.select %eq3A_1301, %broadcast_in_dim3A_1302, %select_n3A_1084 : vector<16xi1>, vector<16xf32>
      %add3A_1304 = arith.constant 130 : i32
      %add3A_1305 = arith.addi %mul3A_211, %add3A_1304 : i32
      %get3A_1306 = arith.index_cast %add3A_1305 : i32 to index
      %get3A_1307 = arith.constant 0 : index
      %get3A_1308 = tpu.vector_load %arg10[%get3A_1306, %get3A_1307] {strides = array<i32>} : memref<3328x16xf32, #tpu.memory_space<vmem>>, vector<16xf32>,
      %mul3A_1309 = arith.mulf %get3A_1308, %get3A_1308 : vector<16xf32>
      %add3A_1310 = arith.constant 1 : i32
      %add3A_1311 = arith.addi %add3A_1305, %add3A_1310 : i32
      %get3A_1312 = arith.index_cast %add3A_1311 : i32 to index
      %get3A_1313 = arith.constant 0 : index
      %get3A_1314 = tpu.vector_load %arg10[%get3A_1312, %get3A_1313] {strides = array<i32>} : memref<3328x16xf32, #tpu.memory_space<vmem>>, vector<16xf32>,
      %add3A_1315 = arith.addf %get3A_1308, %get3A_1314 : vector<16xf32>
      %mul3A_1316 = arith.mulf %get3A_1314, %get3A_1314 : vector<16xf32>
      %add3A_1317 = arith.addf %mul3A_1309, %mul3A_1316 : vector<16xf32>
      %add3A_1318 = arith.constant 2 : i32
      %add3A_1319 = arith.addi %add3A_1305, %add3A_1318 : i32
      %get3A_1320 = arith.index_cast %add3A_1319 : i32 to index
      %get3A_1321 = arith.constant 0 : index
      %get3A_1322 = tpu.vector_load %arg10[%get3A_1320, %get3A_1321] {strides = array<i32>} : memref<3328x16xf32, #tpu.memory_space<vmem>>, vector<16xf32>,
      %add3A_1323 = arith.addf %add3A_1315, %get3A_1322 : vector<16xf32>
      %mul3A_1324 = arith.mulf %get3A_1322, %get3A_1322 : vector<16xf32>
      %add3A_1325 = arith.addf %add3A_1317, %mul3A_1324 : vector<16xf32>
      %add3A_1326 = arith.constant 3 : i32
      %add3A_1327 = arith.addi %add3A_1305, %add3A_1326 : i32
      %get3A_1328 = arith.index_cast %add3A_1327 : i32 to index
      %get3A_1329 = arith.constant 0 : index
      %get3A_1330 = tpu.vector_load %arg10[%get3A_1328, %get3A_1329] {strides = array<i32>} : memref<3328x16xf32, #tpu.memory_space<vmem>>, vector<16xf32>,
      %add3A_1331 = arith.addf %add3A_1323, %get3A_1330 : vector<16xf32>
      %mul3A_1332 = arith.mulf %get3A_1330, %get3A_1330 : vector<16xf32>
      %add3A_1333 = arith.addf %add3A_1325, %mul3A_1332 : vector<16xf32>
      %add3A_1334 = arith.constant 4 : i32
      %add3A_1335 = arith.addi %add3A_1305, %add3A_1334 : i32
      %get3A_1336 = arith.index_cast %add3A_1335 : i32 to index
      %get3A_1337 = arith.constant 0 : index
      %get3A_1338 = tpu.vector_load %arg10[%get3A_1336, %get3A_1337] {strides = array<i32>} : memref<3328x16xf32, #tpu.memory_space<vmem>>, vector<16xf32>,
      %add3A_1339 = arith.addf %add3A_1331, %get3A_1338 : vector<16xf32>
      %mul3A_1340 = arith.mulf %get3A_1338, %get3A_1338 : vector<16xf32>
      %add3A_1341 = arith.addf %add3A_1333, %mul3A_1340 : vector<16xf32>
      %add3A_1342 = arith.constant 5 : i32
      %add3A_1343 = arith.addi %add3A_1305, %add3A_1342 : i32
      %get3A_1344 = arith.index_cast %add3A_1343 : i32 to index
      %get3A_1345 = arith.constant 0 : index
      %get3A_1346 = tpu.vector_load %arg10[%get3A_1344, %get3A_1345] {strides = array<i32>} : memref<3328x16xf32, #tpu.memory_space<vmem>>, vector<16xf32>,
      %add3A_1347 = arith.addf %add3A_1339, %get3A_1346 : vector<16xf32>
      %mul3A_1348 = arith.mulf %get3A_1346, %get3A_1346 : vector<16xf32>
      %add3A_1349 = arith.addf %add3A_1341, %mul3A_1348 : vector<16xf32>
      %add3A_1350 = arith.constant 6 : i32
      %add3A_1351 = arith.addi %add3A_1305, %add3A_1350 : i32
      %get3A_1352 = arith.index_cast %add3A_1351 : i32 to index
      %get3A_1353 = arith.constant 0 : index
      %get3A_1354 = tpu.vector_load %arg10[%get3A_1352, %get3A_1353] {strides = array<i32>} : memref<3328x16xf32, #tpu.memory_space<vmem>>, vector<16xf32>,
      %add3A_1355 = arith.addf %add3A_1347, %get3A_1354 : vector<16xf32>
      %mul3A_1356 = arith.mulf %get3A_1354, %get3A_1354 : vector<16xf32>
      %add3A_1357 = arith.addf %add3A_1349, %mul3A_1356 : vector<16xf32>
      %add3A_1358 = arith.constant 7 : i32
      %add3A_1359 = arith.addi %add3A_1305, %add3A_1358 : i32
      %get3A_1360 = arith.index_cast %add3A_1359 : i32 to index
      %get3A_1361 = arith.constant 0 : index
      %get3A_1362 = tpu.vector_load %arg10[%get3A_1360, %get3A_1361] {strides = array<i32>} : memref<3328x16xf32, #tpu.memory_space<vmem>>, vector<16xf32>,
      %add3A_1363 = arith.addf %add3A_1355, %get3A_1362 : vector<16xf32>
      %mul3A_1364 = arith.mulf %get3A_1362, %get3A_1362 : vector<16xf32>
      %add3A_1365 = arith.addf %add3A_1357, %mul3A_1364 : vector<16xf32>
      %add3A_1366 = arith.constant 8 : i32
      %add3A_1367 = arith.addi %add3A_1305, %add3A_1366 : i32
      %get3A_1368 = arith.index_cast %add3A_1367 : i32 to index
      %get3A_1369 = arith.constant 0 : index
      %get3A_1370 = tpu.vector_load %arg10[%get3A_1368, %get3A_1369] {strides = array<i32>} : memref<3328x16xf32, #tpu.memory_space<vmem>>, vector<16xf32>,
      %add3A_1371 = arith.addf %add3A_1363, %get3A_1370 : vector<16xf32>
      %mul3A_1372 = arith.mulf %get3A_1370, %get3A_1370 : vector<16xf32>
      %add3A_1373 = arith.addf %add3A_1365, %mul3A_1372 : vector<16xf32>
      %add3A_1374 = arith.constant 9 : i32
      %add3A_1375 = arith.addi %add3A_1305, %add3A_1374 : i32
      %get3A_1376 = arith.index_cast %add3A_1375 : i32 to index
      %get3A_1377 = arith.constant 0 : index
      %get3A_1378 = tpu.vector_load %arg10[%get3A_1376, %get3A_1377] {strides = array<i32>} : memref<3328x16xf32, #tpu.memory_space<vmem>>, vector<16xf32>,
      %add3A_1379 = arith.addf %add3A_1371, %get3A_1378 : vector<16xf32>
      %mul3A_1380 = arith.mulf %get3A_1378, %get3A_1378 : vector<16xf32>
      %add3A_1381 = arith.addf %add3A_1373, %mul3A_1380 : vector<16xf32>
      %add3A_1382 = arith.constant 10 : i32
      %add3A_1383 = arith.addi %add3A_1305, %add3A_1382 : i32
      %get3A_1384 = arith.index_cast %add3A_1383 : i32 to index
      %get3A_1385 = arith.constant 0 : index
      %get3A_1386 = tpu.vector_load %arg10[%get3A_1384, %get3A_1385] {strides = array<i32>} : memref<3328x16xf32, #tpu.memory_space<vmem>>, vector<16xf32>,
      %add3A_1387 = arith.addf %add3A_1379, %get3A_1386 : vector<16xf32>
      %mul3A_1388 = arith.mulf %get3A_1386, %get3A_1386 : vector<16xf32>
      %add3A_1389 = arith.addf %add3A_1381, %mul3A_1388 : vector<16xf32>
      %add3A_1390 = arith.constant 11 : i32
      %add3A_1391 = arith.addi %add3A_1305, %add3A_1390 : i32
      %get3A_1392 = arith.index_cast %add3A_1391 : i32 to index
      %get3A_1393 = arith.constant 0 : index
      %get3A_1394 = tpu.vector_load %arg10[%get3A_1392, %get3A_1393] {strides = array<i32>} : memref<3328x16xf32, #tpu.memory_space<vmem>>, vector<16xf32>,
      %add3A_1395 = arith.addf %add3A_1387, %get3A_1394 : vector<16xf32>
      %mul3A_1396 = arith.mulf %get3A_1394, %get3A_1394 : vector<16xf32>
      %add3A_1397 = arith.addf %add3A_1389, %mul3A_1396 : vector<16xf32>
      %add3A_1398 = arith.constant 12 : i32
      %add3A_1399 = arith.addi %add3A_1305, %add3A_1398 : i32
      %get3A_1400 = arith.index_cast %add3A_1399 : i32 to index
      %get3A_1401 = arith.constant 0 : index
      %get3A_1402 = tpu.vector_load %arg10[%get3A_1400, %get3A_1401] {strides = array<i32>} : memref<3328x16xf32, #tpu.memory_space<vmem>>, vector<16xf32>,
      %add3A_1403 = arith.addf %add3A_1395, %get3A_1402 : vector<16xf32>
      %mul3A_1404 = arith.mulf %get3A_1402, %get3A_1402 : vector<16xf32>
      %add3A_1405 = arith.addf %add3A_1397, %mul3A_1404 : vector<16xf32>
      %add3A_1406 = arith.constant 13 : i32
      %add3A_1407 = arith.addi %add3A_1305, %add3A_1406 : i32
      %get3A_1408 = arith.index_cast %add3A_1407 : i32 to index
      %get3A_1409 = arith.constant 0 : index
      %get3A_1410 = tpu.vector_load %arg10[%get3A_1408, %get3A_1409] {strides = array<i32>} : memref<3328x16xf32, #tpu.memory_space<vmem>>, vector<16xf32>,
      %add3A_1411 = arith.addf %add3A_1403, %get3A_1410 : vector<16xf32>
      %mul3A_1412 = arith.mulf %get3A_1410, %get3A_1410 : vector<16xf32>
      %add3A_1413 = arith.addf %add3A_1405, %mul3A_1412 : vector<16xf32>
      %add3A_1414 = arith.constant 14 : i32
      %add3A_1415 = arith.addi %add3A_1305, %add3A_1414 : i32
      %get3A_1416 = arith.index_cast %add3A_1415 : i32 to index
      %get3A_1417 = arith.constant 0 : index
      %get3A_1418 = tpu.vector_load %arg10[%get3A_1416, %get3A_1417] {strides = array<i32>} : memref<3328x16xf32, #tpu.memory_space<vmem>>, vector<16xf32>,
      %add3A_1419 = arith.addf %add3A_1411, %get3A_1418 : vector<16xf32>
      %mul3A_1420 = arith.mulf %get3A_1418, %get3A_1418 : vector<16xf32>
      %add3A_1421 = arith.addf %add3A_1413, %mul3A_1420 : vector<16xf32>
      %add3A_1422 = arith.constant 15 : i32
      %add3A_1423 = arith.addi %add3A_1305, %add3A_1422 : i32
      %get3A_1424 = arith.index_cast %add3A_1423 : i32 to index
      %get3A_1425 = arith.constant 0 : index
      %get3A_1426 = tpu.vector_load %arg10[%get3A_1424, %get3A_1425] {strides = array<i32>} : memref<3328x16xf32, #tpu.memory_space<vmem>>, vector<16xf32>,
      %add3A_1427 = arith.addf %add3A_1419, %get3A_1426 : vector<16xf32>
      %mul3A_1428 = arith.mulf %get3A_1426, %get3A_1426 : vector<16xf32>
      %add3A_1429 = arith.addf %add3A_1421, %mul3A_1428 : vector<16xf32>
      %add3A_1430 = arith.constant 16 : i32
      %add3A_1431 = arith.addi %add3A_1305, %add3A_1430 : i32
      %get3A_1432 = arith.index_cast %add3A_1431 : i32 to index
      %get3A_1433 = arith.constant 0 : index
      %get3A_1434 = tpu.vector_load %arg10[%get3A_1432, %get3A_1433] {strides = array<i32>} : memref<3328x16xf32, #tpu.memory_space<vmem>>, vector<16xf32>,
      %add3A_1435 = arith.addf %add3A_1427, %get3A_1434 : vector<16xf32>
      %mul3A_1436 = arith.mulf %get3A_1434, %get3A_1434 : vector<16xf32>
      %add3A_1437 = arith.addf %add3A_1429, %mul3A_1436 : vector<16xf32>
      %add3A_1438 = arith.constant 17 : i32
      %add3A_1439 = arith.addi %add3A_1305, %add3A_1438 : i32
      %get3A_1440 = arith.index_cast %add3A_1439 : i32 to index
      %get3A_1441 = arith.constant 0 : index
      %get3A_1442 = tpu.vector_load %arg10[%get3A_1440, %get3A_1441] {strides = array<i32>} : memref<3328x16xf32, #tpu.memory_space<vmem>>, vector<16xf32>,
      %add3A_1443 = arith.addf %add3A_1435, %get3A_1442 : vector<16xf32>
      %mul3A_1444 = arith.mulf %get3A_1442, %get3A_1442 : vector<16xf32>
      %add3A_1445 = arith.addf %add3A_1437, %mul3A_1444 : vector<16xf32>
      %add3A_1446 = arith.constant 18 : i32
      %add3A_1447 = arith.addi %add3A_1305, %add3A_1446 : i32
      %get3A_1448 = arith.index_cast %add3A_1447 : i32 to index
      %get3A_1449 = arith.constant 0 : index
      %get3A_1450 = tpu.vector_load %arg10[%get3A_1448, %get3A_1449] {strides = array<i32>} : memref<3328x16xf32, #tpu.memory_space<vmem>>, vector<16xf32>,
      %add3A_1451 = arith.addf %add3A_1443, %get3A_1450 : vector<16xf32>
      %mul3A_1452 = arith.mulf %get3A_1450, %get3A_1450 : vector<16xf32>
      %add3A_1453 = arith.addf %add3A_1445, %mul3A_1452 : vector<16xf32>
      %add3A_1454 = arith.constant 19 : i32
      %add3A_1455 = arith.addi %add3A_1305, %add3A_1454 : i32
      %get3A_1456 = arith.index_cast %add3A_1455 : i32 to index
      %get3A_1457 = arith.constant 0 : index
      %get3A_1458 = tpu.vector_load %arg10[%get3A_1456, %get3A_1457] {strides = array<i32>} : memref<3328x16xf32, #tpu.memory_space<vmem>>, vector<16xf32>,
      %add3A_1459 = arith.addf %add3A_1451, %get3A_1458 : vector<16xf32>
      %mul3A_1460 = arith.mulf %get3A_1458, %get3A_1458 : vector<16xf32>
      %add3A_1461 = arith.addf %add3A_1453, %mul3A_1460 : vector<16xf32>
      %add3A_1462 = arith.constant 20 : i32
      %add3A_1463 = arith.addi %add3A_1305, %add3A_1462 : i32
      %get3A_1464 = arith.index_cast %add3A_1463 : i32 to index
      %get3A_1465 = arith.constant 0 : index
      %get3A_1466 = tpu.vector_load %arg10[%get3A_1464, %get3A_1465] {strides = array<i32>} : memref<3328x16xf32, #tpu.memory_space<vmem>>, vector<16xf32>,
      %add3A_1467 = arith.addf %add3A_1459, %get3A_1466 : vector<16xf32>
      %mul3A_1468 = arith.mulf %get3A_1466, %get3A_1466 : vector<16xf32>
      %add3A_1469 = arith.addf %add3A_1461, %mul3A_1468 : vector<16xf32>
      %add3A_1470 = arith.constant 21 : i32
      %add3A_1471 = arith.addi %add3A_1305, %add3A_1470 : i32
      %get3A_1472 = arith.index_cast %add3A_1471 : i32 to index
      %get3A_1473 = arith.constant 0 : index
      %get3A_1474 = tpu.vector_load %arg10[%get3A_1472, %get3A_1473] {strides = array<i32>} : memref<3328x16xf32, #tpu.memory_space<vmem>>, vector<16xf32>,
      %add3A_1475 = arith.addf %add3A_1467, %get3A_1474 : vector<16xf32>
      %mul3A_1476 = arith.mulf %get3A_1474, %get3A_1474 : vector<16xf32>
      %add3A_1477 = arith.addf %add3A_1469, %mul3A_1476 : vector<16xf32>
      %add3A_1478 = arith.constant 22 : i32
      %add3A_1479 = arith.addi %add3A_1305, %add3A_1478 : i32
      %get3A_1480 = arith.index_cast %add3A_1479 : i32 to index
      %get3A_1481 = arith.constant 0 : index
      %get3A_1482 = tpu.vector_load %arg10[%get3A_1480, %get3A_1481] {strides = array<i32>} : memref<3328x16xf32, #tpu.memory_space<vmem>>, vector<16xf32>,
      %add3A_1483 = arith.addf %add3A_1475, %get3A_1482 : vector<16xf32>
      %mul3A_1484 = arith.mulf %get3A_1482, %get3A_1482 : vector<16xf32>
      %add3A_1485 = arith.addf %add3A_1477, %mul3A_1484 : vector<16xf32>
      %add3A_1486 = arith.constant 23 : i32
      %add3A_1487 = arith.addi %add3A_1305, %add3A_1486 : i32
      %get3A_1488 = arith.index_cast %add3A_1487 : i32 to index
      %get3A_1489 = arith.constant 0 : index
      %get3A_1490 = tpu.vector_load %arg10[%get3A_1488, %get3A_1489] {strides = array<i32>} : memref<3328x16xf32, #tpu.memory_space<vmem>>, vector<16xf32>,
      %add3A_1491 = arith.addf %add3A_1483, %get3A_1490 : vector<16xf32>
      %mul3A_1492 = arith.mulf %get3A_1490, %get3A_1490 : vector<16xf32>
      %add3A_1493 = arith.addf %add3A_1485, %mul3A_1492 : vector<16xf32>
      %add3A_1494 = arith.constant 24 : i32
      %add3A_1495 = arith.addi %add3A_1305, %add3A_1494 : i32
      %get3A_1496 = arith.index_cast %add3A_1495 : i32 to index
      %get3A_1497 = arith.constant 0 : index
      %get3A_1498 = tpu.vector_load %arg10[%get3A_1496, %get3A_1497] {strides = array<i32>} : memref<3328x16xf32, #tpu.memory_space<vmem>>, vector<16xf32>,
      %add3A_1499 = arith.addf %add3A_1491, %get3A_1498 : vector<16xf32>
      %mul3A_1500 = arith.mulf %get3A_1498, %get3A_1498 : vector<16xf32>
      %add3A_1501 = arith.addf %add3A_1493, %mul3A_1500 : vector<16xf32>
      %add3A_1502 = arith.constant 25 : i32
      %add3A_1503 = arith.addi %add3A_1305, %add3A_1502 : i32
      %get3A_1504 = arith.index_cast %add3A_1503 : i32 to index
      %get3A_1505 = arith.constant 0 : index
      %get3A_1506 = tpu.vector_load %arg10[%get3A_1504, %get3A_1505] {strides = array<i32>} : memref<3328x16xf32, #tpu.memory_space<vmem>>, vector<16xf32>,
      %add3A_1507 = arith.addf %add3A_1499, %get3A_1506 : vector<16xf32>
      %mul3A_1508 = arith.mulf %get3A_1506, %get3A_1506 : vector<16xf32>
      %add3A_1509 = arith.addf %add3A_1501, %mul3A_1508 : vector<16xf32>
      %mul3A_1510 = arith.mulf %add3A_1507, %add3A_1507 : vector<16xf32>
      %sub3A_1511 = arith.subf %mul3A_1510, %add3A_1509 : vector<16xf32>
      %reduce_sum3A_1512 = arith.constant true
      %reduce_sum3A_1513 = vector.broadcast %reduce_sum3A_1512 : i1 to vector<16xi1>
      %reduce_sum3A_1514 = tpu.scan <sum>, %sub3A_1511 masked %reduce_sum3A_1513 : vector<16xf32>, vector<16xi1> -> vector<16xf32>
      %reduce_sum3A_1515 = vector.extract %reduce_sum3A_1514[15] : f32 from vector<16xf32>
      %mul3A_1516 = arith.constant 5.000000e-01 : f32
      %mul3A_1517 = arith.mulf %mul3A_1516, %reduce_sum3A_1515 : f32
      %eq3A_1518 = arith.constant 5 : i32
      %eq3A_1519 = vector.broadcast %eq3A_1518 : i32 to vector<16xi32>
      %eq3A_1520 = arith.cmpi eq, %iota3A, %eq3A_1519 : vector<16xi32>
      %broadcast_in_dim3A_1521 = vector.broadcast %mul3A_1517 : f32 to vector<16xf32>
      %select_n3A_1522 = arith.select %eq3A_1520, %broadcast_in_dim3A_1521, %select_n3A_1303 : vector<16xi1>, vector<16xf32>
      %add3A_1523 = arith.constant 156 : i32
      %add3A_1524 = arith.addi %mul3A_211, %add3A_1523 : i32
      %get3A_1525 = arith.index_cast %add3A_1524 : i32 to index
      %get3A_1526 = arith.constant 0 : index
      %get3A_1527 = tpu.vector_load %arg10[%get3A_1525, %get3A_1526] {strides = array<i32>} : memref<3328x16xf32, #tpu.memory_space<vmem>>, vector<16xf32>,
      %mul3A_1528 = arith.mulf %get3A_1527, %get3A_1527 : vector<16xf32>
      %add3A_1529 = arith.constant 1 : i32
      %add3A_1530 = arith.addi %add3A_1524, %add3A_1529 : i32
      %get3A_1531 = arith.index_cast %add3A_1530 : i32 to index
      %get3A_1532 = arith.constant 0 : index
      %get3A_1533 = tpu.vector_load %arg10[%get3A_1531, %get3A_1532] {strides = array<i32>} : memref<3328x16xf32, #tpu.memory_space<vmem>>, vector<16xf32>,
      %add3A_1534 = arith.addf %get3A_1527, %get3A_1533 : vector<16xf32>
      %mul3A_1535 = arith.mulf %get3A_1533, %get3A_1533 : vector<16xf32>
      %add3A_1536 = arith.addf %mul3A_1528, %mul3A_1535 : vector<16xf32>
      %add3A_1537 = arith.constant 2 : i32
      %add3A_1538 = arith.addi %add3A_1524, %add3A_1537 : i32
      %get3A_1539 = arith.index_cast %add3A_1538 : i32 to index
      %get3A_1540 = arith.constant 0 : index
      %get3A_1541 = tpu.vector_load %arg10[%get3A_1539, %get3A_1540] {strides = array<i32>} : memref<3328x16xf32, #tpu.memory_space<vmem>>, vector<16xf32>,
      %add3A_1542 = arith.addf %add3A_1534, %get3A_1541 : vector<16xf32>
      %mul3A_1543 = arith.mulf %get3A_1541, %get3A_1541 : vector<16xf32>
      %add3A_1544 = arith.addf %add3A_1536, %mul3A_1543 : vector<16xf32>
      %add3A_1545 = arith.constant 3 : i32
      %add3A_1546 = arith.addi %add3A_1524, %add3A_1545 : i32
      %get3A_1547 = arith.index_cast %add3A_1546 : i32 to index
      %get3A_1548 = arith.constant 0 : index
      %get3A_1549 = tpu.vector_load %arg10[%get3A_1547, %get3A_1548] {strides = array<i32>} : memref<3328x16xf32, #tpu.memory_space<vmem>>, vector<16xf32>,
      %add3A_1550 = arith.addf %add3A_1542, %get3A_1549 : vector<16xf32>
      %mul3A_1551 = arith.mulf %get3A_1549, %get3A_1549 : vector<16xf32>
      %add3A_1552 = arith.addf %add3A_1544, %mul3A_1551 : vector<16xf32>
      %add3A_1553 = arith.constant 4 : i32
      %add3A_1554 = arith.addi %add3A_1524, %add3A_1553 : i32
      %get3A_1555 = arith.index_cast %add3A_1554 : i32 to index
      %get3A_1556 = arith.constant 0 : index
      %get3A_1557 = tpu.vector_load %arg10[%get3A_1555, %get3A_1556] {strides = array<i32>} : memref<3328x16xf32, #tpu.memory_space<vmem>>, vector<16xf32>,
      %add3A_1558 = arith.addf %add3A_1550, %get3A_1557 : vector<16xf32>
      %mul3A_1559 = arith.mulf %get3A_1557, %get3A_1557 : vector<16xf32>
      %add3A_1560 = arith.addf %add3A_1552, %mul3A_1559 : vector<16xf32>
      %add3A_1561 = arith.constant 5 : i32
      %add3A_1562 = arith.addi %add3A_1524, %add3A_1561 : i32
      %get3A_1563 = arith.index_cast %add3A_1562 : i32 to index
      %get3A_1564 = arith.constant 0 : index
      %get3A_1565 = tpu.vector_load %arg10[%get3A_1563, %get3A_1564] {strides = array<i32>} : memref<3328x16xf32, #tpu.memory_space<vmem>>, vector<16xf32>,
      %add3A_1566 = arith.addf %add3A_1558, %get3A_1565 : vector<16xf32>
      %mul3A_1567 = arith.mulf %get3A_1565, %get3A_1565 : vector<16xf32>
      %add3A_1568 = arith.addf %add3A_1560, %mul3A_1567 : vector<16xf32>
      %add3A_1569 = arith.constant 6 : i32
      %add3A_1570 = arith.addi %add3A_1524, %add3A_1569 : i32
      %get3A_1571 = arith.index_cast %add3A_1570 : i32 to index
      %get3A_1572 = arith.constant 0 : index
      %get3A_1573 = tpu.vector_load %arg10[%get3A_1571, %get3A_1572] {strides = array<i32>} : memref<3328x16xf32, #tpu.memory_space<vmem>>, vector<16xf32>,
      %add3A_1574 = arith.addf %add3A_1566, %get3A_1573 : vector<16xf32>
      %mul3A_1575 = arith.mulf %get3A_1573, %get3A_1573 : vector<16xf32>
      %add3A_1576 = arith.addf %add3A_1568, %mul3A_1575 : vector<16xf32>
      %add3A_1577 = arith.constant 7 : i32
      %add3A_1578 = arith.addi %add3A_1524, %add3A_1577 : i32
      %get3A_1579 = arith.index_cast %add3A_1578 : i32 to index
      %get3A_1580 = arith.constant 0 : index
      %get3A_1581 = tpu.vector_load %arg10[%get3A_1579, %get3A_1580] {strides = array<i32>} : memref<3328x16xf32, #tpu.memory_space<vmem>>, vector<16xf32>,
      %add3A_1582 = arith.addf %add3A_1574, %get3A_1581 : vector<16xf32>
      %mul3A_1583 = arith.mulf %get3A_1581, %get3A_1581 : vector<16xf32>
      %add3A_1584 = arith.addf %add3A_1576, %mul3A_1583 : vector<16xf32>
      %add3A_1585 = arith.constant 8 : i32
      %add3A_1586 = arith.addi %add3A_1524, %add3A_1585 : i32
      %get3A_1587 = arith.index_cast %add3A_1586 : i32 to index
      %get3A_1588 = arith.constant 0 : index
      %get3A_1589 = tpu.vector_load %arg10[%get3A_1587, %get3A_1588] {strides = array<i32>} : memref<3328x16xf32, #tpu.memory_space<vmem>>, vector<16xf32>,
      %add3A_1590 = arith.addf %add3A_1582, %get3A_1589 : vector<16xf32>
      %mul3A_1591 = arith.mulf %get3A_1589, %get3A_1589 : vector<16xf32>
      %add3A_1592 = arith.addf %add3A_1584, %mul3A_1591 : vector<16xf32>
      %add3A_1593 = arith.constant 9 : i32
      %add3A_1594 = arith.addi %add3A_1524, %add3A_1593 : i32
      %get3A_1595 = arith.index_cast %add3A_1594 : i32 to index
      %get3A_1596 = arith.constant 0 : index
      %get3A_1597 = tpu.vector_load %arg10[%get3A_1595, %get3A_1596] {strides = array<i32>} : memref<3328x16xf32, #tpu.memory_space<vmem>>, vector<16xf32>,
      %add3A_1598 = arith.addf %add3A_1590, %get3A_1597 : vector<16xf32>
      %mul3A_1599 = arith.mulf %get3A_1597, %get3A_1597 : vector<16xf32>
      %add3A_1600 = arith.addf %add3A_1592, %mul3A_1599 : vector<16xf32>
      %add3A_1601 = arith.constant 10 : i32
      %add3A_1602 = arith.addi %add3A_1524, %add3A_1601 : i32
      %get3A_1603 = arith.index_cast %add3A_1602 : i32 to index
      %get3A_1604 = arith.constant 0 : index
      %get3A_1605 = tpu.vector_load %arg10[%get3A_1603, %get3A_1604] {strides = array<i32>} : memref<3328x16xf32, #tpu.memory_space<vmem>>, vector<16xf32>,
      %add3A_1606 = arith.addf %add3A_1598, %get3A_1605 : vector<16xf32>
      %mul3A_1607 = arith.mulf %get3A_1605, %get3A_1605 : vector<16xf32>
      %add3A_1608 = arith.addf %add3A_1600, %mul3A_1607 : vector<16xf32>
      %add3A_1609 = arith.constant 11 : i32
      %add3A_1610 = arith.addi %add3A_1524, %add3A_1609 : i32
      %get3A_1611 = arith.index_cast %add3A_1610 : i32 to index
      %get3A_1612 = arith.constant 0 : index
      %get3A_1613 = tpu.vector_load %arg10[%get3A_1611, %get3A_1612] {strides = array<i32>} : memref<3328x16xf32, #tpu.memory_space<vmem>>, vector<16xf32>,
      %add3A_1614 = arith.addf %add3A_1606, %get3A_1613 : vector<16xf32>
      %mul3A_1615 = arith.mulf %get3A_1613, %get3A_1613 : vector<16xf32>
      %add3A_1616 = arith.addf %add3A_1608, %mul3A_1615 : vector<16xf32>
      %add3A_1617 = arith.constant 12 : i32
      %add3A_1618 = arith.addi %add3A_1524, %add3A_1617 : i32
      %get3A_1619 = arith.index_cast %add3A_1618 : i32 to index
      %get3A_1620 = arith.constant 0 : index
      %get3A_1621 = tpu.vector_load %arg10[%get3A_1619, %get3A_1620] {strides = array<i32>} : memref<3328x16xf32, #tpu.memory_space<vmem>>, vector<16xf32>,
      %add3A_1622 = arith.addf %add3A_1614, %get3A_1621 : vector<16xf32>
      %mul3A_1623 = arith.mulf %get3A_1621, %get3A_1621 : vector<16xf32>
      %add3A_1624 = arith.addf %add3A_1616, %mul3A_1623 : vector<16xf32>
      %add3A_1625 = arith.constant 13 : i32
      %add3A_1626 = arith.addi %add3A_1524, %add3A_1625 : i32
      %get3A_1627 = arith.index_cast %add3A_1626 : i32 to index
      %get3A_1628 = arith.constant 0 : index
      %get3A_1629 = tpu.vector_load %arg10[%get3A_1627, %get3A_1628] {strides = array<i32>} : memref<3328x16xf32, #tpu.memory_space<vmem>>, vector<16xf32>,
      %add3A_1630 = arith.addf %add3A_1622, %get3A_1629 : vector<16xf32>
      %mul3A_1631 = arith.mulf %get3A_1629, %get3A_1629 : vector<16xf32>
      %add3A_1632 = arith.addf %add3A_1624, %mul3A_1631 : vector<16xf32>
      %add3A_1633 = arith.constant 14 : i32
      %add3A_1634 = arith.addi %add3A_1524, %add3A_1633 : i32
      %get3A_1635 = arith.index_cast %add3A_1634 : i32 to index
      %get3A_1636 = arith.constant 0 : index
      %get3A_1637 = tpu.vector_load %arg10[%get3A_1635, %get3A_1636] {strides = array<i32>} : memref<3328x16xf32, #tpu.memory_space<vmem>>, vector<16xf32>,
      %add3A_1638 = arith.addf %add3A_1630, %get3A_1637 : vector<16xf32>
      %mul3A_1639 = arith.mulf %get3A_1637, %get3A_1637 : vector<16xf32>
      %add3A_1640 = arith.addf %add3A_1632, %mul3A_1639 : vector<16xf32>
      %add3A_1641 = arith.constant 15 : i32
      %add3A_1642 = arith.addi %add3A_1524, %add3A_1641 : i32
      %get3A_1643 = arith.index_cast %add3A_1642 : i32 to index
      %get3A_1644 = arith.constant 0 : index
      %get3A_1645 = tpu.vector_load %arg10[%get3A_1643, %get3A_1644] {strides = array<i32>} : memref<3328x16xf32, #tpu.memory_space<vmem>>, vector<16xf32>,
      %add3A_1646 = arith.addf %add3A_1638, %get3A_1645 : vector<16xf32>
      %mul3A_1647 = arith.mulf %get3A_1645, %get3A_1645 : vector<16xf32>
      %add3A_1648 = arith.addf %add3A_1640, %mul3A_1647 : vector<16xf32>
      %add3A_1649 = arith.constant 16 : i32
      %add3A_1650 = arith.addi %add3A_1524, %add3A_1649 : i32
      %get3A_1651 = arith.index_cast %add3A_1650 : i32 to index
      %get3A_1652 = arith.constant 0 : index
      %get3A_1653 = tpu.vector_load %arg10[%get3A_1651, %get3A_1652] {strides = array<i32>} : memref<3328x16xf32, #tpu.memory_space<vmem>>, vector<16xf32>,
      %add3A_1654 = arith.addf %add3A_1646, %get3A_1653 : vector<16xf32>
      %mul3A_1655 = arith.mulf %get3A_1653, %get3A_1653 : vector<16xf32>
      %add3A_1656 = arith.addf %add3A_1648, %mul3A_1655 : vector<16xf32>
      %add3A_1657 = arith.constant 17 : i32
      %add3A_1658 = arith.addi %add3A_1524, %add3A_1657 : i32
      %get3A_1659 = arith.index_cast %add3A_1658 : i32 to index
      %get3A_1660 = arith.constant 0 : index
      %get3A_1661 = tpu.vector_load %arg10[%get3A_1659, %get3A_1660] {strides = array<i32>} : memref<3328x16xf32, #tpu.memory_space<vmem>>, vector<16xf32>,
      %add3A_1662 = arith.addf %add3A_1654, %get3A_1661 : vector<16xf32>
      %mul3A_1663 = arith.mulf %get3A_1661, %get3A_1661 : vector<16xf32>
      %add3A_1664 = arith.addf %add3A_1656, %mul3A_1663 : vector<16xf32>
      %add3A_1665 = arith.constant 18 : i32
      %add3A_1666 = arith.addi %add3A_1524, %add3A_1665 : i32
      %get3A_1667 = arith.index_cast %add3A_1666 : i32 to index
      %get3A_1668 = arith.constant 0 : index
      %get3A_1669 = tpu.vector_load %arg10[%get3A_1667, %get3A_1668] {strides = array<i32>} : memref<3328x16xf32, #tpu.memory_space<vmem>>, vector<16xf32>,
      %add3A_1670 = arith.addf %add3A_1662, %get3A_1669 : vector<16xf32>
      %mul3A_1671 = arith.mulf %get3A_1669, %get3A_1669 : vector<16xf32>
      %add3A_1672 = arith.addf %add3A_1664, %mul3A_1671 : vector<16xf32>
      %add3A_1673 = arith.constant 19 : i32
      %add3A_1674 = arith.addi %add3A_1524, %add3A_1673 : i32
      %get3A_1675 = arith.index_cast %add3A_1674 : i32 to index
      %get3A_1676 = arith.constant 0 : index
      %get3A_1677 = tpu.vector_load %arg10[%get3A_1675, %get3A_1676] {strides = array<i32>} : memref<3328x16xf32, #tpu.memory_space<vmem>>, vector<16xf32>,
      %add3A_1678 = arith.addf %add3A_1670, %get3A_1677 : vector<16xf32>
      %mul3A_1679 = arith.mulf %get3A_1677, %get3A_1677 : vector<16xf32>
      %add3A_1680 = arith.addf %add3A_1672, %mul3A_1679 : vector<16xf32>
      %add3A_1681 = arith.constant 20 : i32
      %add3A_1682 = arith.addi %add3A_1524, %add3A_1681 : i32
      %get3A_1683 = arith.index_cast %add3A_1682 : i32 to index
      %get3A_1684 = arith.constant 0 : index
      %get3A_1685 = tpu.vector_load %arg10[%get3A_1683, %get3A_1684] {strides = array<i32>} : memref<3328x16xf32, #tpu.memory_space<vmem>>, vector<16xf32>,
      %add3A_1686 = arith.addf %add3A_1678, %get3A_1685 : vector<16xf32>
      %mul3A_1687 = arith.mulf %get3A_1685, %get3A_1685 : vector<16xf32>
      %add3A_1688 = arith.addf %add3A_1680, %mul3A_1687 : vector<16xf32>
      %add3A_1689 = arith.constant 21 : i32
      %add3A_1690 = arith.addi %add3A_1524, %add3A_1689 : i32
      %get3A_1691 = arith.index_cast %add3A_1690 : i32 to index
      %get3A_1692 = arith.constant 0 : index
      %get3A_1693 = tpu.vector_load %arg10[%get3A_1691, %get3A_1692] {strides = array<i32>} : memref<3328x16xf32, #tpu.memory_space<vmem>>, vector<16xf32>,
      %add3A_1694 = arith.addf %add3A_1686, %get3A_1693 : vector<16xf32>
      %mul3A_1695 = arith.mulf %get3A_1693, %get3A_1693 : vector<16xf32>
      %add3A_1696 = arith.addf %add3A_1688, %mul3A_1695 : vector<16xf32>
      %add3A_1697 = arith.constant 22 : i32
      %add3A_1698 = arith.addi %add3A_1524, %add3A_1697 : i32
      %get3A_1699 = arith.index_cast %add3A_1698 : i32 to index
      %get3A_1700 = arith.constant 0 : index
      %get3A_1701 = tpu.vector_load %arg10[%get3A_1699, %get3A_1700] {strides = array<i32>} : memref<3328x16xf32, #tpu.memory_space<vmem>>, vector<16xf32>,
      %add3A_1702 = arith.addf %add3A_1694, %get3A_1701 : vector<16xf32>
      %mul3A_1703 = arith.mulf %get3A_1701, %get3A_1701 : vector<16xf32>
      %add3A_1704 = arith.addf %add3A_1696, %mul3A_1703 : vector<16xf32>
      %add3A_1705 = arith.constant 23 : i32
      %add3A_1706 = arith.addi %add3A_1524, %add3A_1705 : i32
      %get3A_1707 = arith.index_cast %add3A_1706 : i32 to index
      %get3A_1708 = arith.constant 0 : index
      %get3A_1709 = tpu.vector_load %arg10[%get3A_1707, %get3A_1708] {strides = array<i32>} : memref<3328x16xf32, #tpu.memory_space<vmem>>, vector<16xf32>,
      %add3A_1710 = arith.addf %add3A_1702, %get3A_1709 : vector<16xf32>
      %mul3A_1711 = arith.mulf %get3A_1709, %get3A_1709 : vector<16xf32>
      %add3A_1712 = arith.addf %add3A_1704, %mul3A_1711 : vector<16xf32>
      %add3A_1713 = arith.constant 24 : i32
      %add3A_1714 = arith.addi %add3A_1524, %add3A_1713 : i32
      %get3A_1715 = arith.index_cast %add3A_1714 : i32 to index
      %get3A_1716 = arith.constant 0 : index
      %get3A_1717 = tpu.vector_load %arg10[%get3A_1715, %get3A_1716] {strides = array<i32>} : memref<3328x16xf32, #tpu.memory_space<vmem>>, vector<16xf32>,
      %add3A_1718 = arith.addf %add3A_1710, %get3A_1717 : vector<16xf32>
      %mul3A_1719 = arith.mulf %get3A_1717, %get3A_1717 : vector<16xf32>
      %add3A_1720 = arith.addf %add3A_1712, %mul3A_1719 : vector<16xf32>
      %add3A_1721 = arith.constant 25 : i32
      %add3A_1722 = arith.addi %add3A_1524, %add3A_1721 : i32
      %get3A_1723 = arith.index_cast %add3A_1722 : i32 to index
      %get3A_1724 = arith.constant 0 : index
      %get3A_1725 = tpu.vector_load %arg10[%get3A_1723, %get3A_1724] {strides = array<i32>} : memref<3328x16xf32, #tpu.memory_space<vmem>>, vector<16xf32>,
      %add3A_1726 = arith.addf %add3A_1718, %get3A_1725 : vector<16xf32>
      %mul3A_1727 = arith.mulf %get3A_1725, %get3A_1725 : vector<16xf32>
      %add3A_1728 = arith.addf %add3A_1720, %mul3A_1727 : vector<16xf32>
      %mul3A_1729 = arith.mulf %add3A_1726, %add3A_1726 : vector<16xf32>
      %sub3A_1730 = arith.subf %mul3A_1729, %add3A_1728 : vector<16xf32>
      %reduce_sum3A_1731 = arith.constant true
      %reduce_sum3A_1732 = vector.broadcast %reduce_sum3A_1731 : i1 to vector<16xi1>
      %reduce_sum3A_1733 = tpu.scan <sum>, %sub3A_1730 masked %reduce_sum3A_1732 : vector<16xf32>, vector<16xi1> -> vector<16xf32>
      %reduce_sum3A_1734 = vector.extract %reduce_sum3A_1733[15] : f32 from vector<16xf32>
      %mul3A_1735 = arith.constant 5.000000e-01 : f32
      %mul3A_1736 = arith.mulf %mul3A_1735, %reduce_sum3A_1734 : f32
      %eq3A_1737 = arith.constant 6 : i32
      %eq3A_1738 = vector.broadcast %eq3A_1737 : i32 to vector<16xi32>
      %eq3A_1739 = arith.cmpi eq, %iota3A, %eq3A_1738 : vector<16xi32>
      %broadcast_in_dim3A_1740 = vector.broadcast %mul3A_1736 : f32 to vector<16xf32>
      %select_n3A_1741 = arith.select %eq3A_1739, %broadcast_in_dim3A_1740, %select_n3A_1522 : vector<16xi1>, vector<16xf32>
      %add3A_1742 = arith.constant 182 : i32
      %add3A_1743 = arith.addi %mul3A_211, %add3A_1742 : i32
      %get3A_1744 = arith.index_cast %add3A_1743 : i32 to index
      %get3A_1745 = arith.constant 0 : index
      %get3A_1746 = tpu.vector_load %arg10[%get3A_1744, %get3A_1745] {strides = array<i32>} : memref<3328x16xf32, #tpu.memory_space<vmem>>, vector<16xf32>,
      %mul3A_1747 = arith.mulf %get3A_1746, %get3A_1746 : vector<16xf32>
      %add3A_1748 = arith.constant 1 : i32
      %add3A_1749 = arith.addi %add3A_1743, %add3A_1748 : i32
      %get3A_1750 = arith.index_cast %add3A_1749 : i32 to index
      %get3A_1751 = arith.constant 0 : index
      %get3A_1752 = tpu.vector_load %arg10[%get3A_1750, %get3A_1751] {strides = array<i32>} : memref<3328x16xf32, #tpu.memory_space<vmem>>, vector<16xf32>,
      %add3A_1753 = arith.addf %get3A_1746, %get3A_1752 : vector<16xf32>
      %mul3A_1754 = arith.mulf %get3A_1752, %get3A_1752 : vector<16xf32>
      %add3A_1755 = arith.addf %mul3A_1747, %mul3A_1754 : vector<16xf32>
      %add3A_1756 = arith.constant 2 : i32
      %add3A_1757 = arith.addi %add3A_1743, %add3A_1756 : i32
      %get3A_1758 = arith.index_cast %add3A_1757 : i32 to index
      %get3A_1759 = arith.constant 0 : index
      %get3A_1760 = tpu.vector_load %arg10[%get3A_1758, %get3A_1759] {strides = array<i32>} : memref<3328x16xf32, #tpu.memory_space<vmem>>, vector<16xf32>,
      %add3A_1761 = arith.addf %add3A_1753, %get3A_1760 : vector<16xf32>
      %mul3A_1762 = arith.mulf %get3A_1760, %get3A_1760 : vector<16xf32>
      %add3A_1763 = arith.addf %add3A_1755, %mul3A_1762 : vector<16xf32>
      %add3A_1764 = arith.constant 3 : i32
      %add3A_1765 = arith.addi %add3A_1743, %add3A_1764 : i32
      %get3A_1766 = arith.index_cast %add3A_1765 : i32 to index
      %get3A_1767 = arith.constant 0 : index
      %get3A_1768 = tpu.vector_load %arg10[%get3A_1766, %get3A_1767] {strides = array<i32>} : memref<3328x16xf32, #tpu.memory_space<vmem>>, vector<16xf32>,
      %add3A_1769 = arith.addf %add3A_1761, %get3A_1768 : vector<16xf32>
      %mul3A_1770 = arith.mulf %get3A_1768, %get3A_1768 : vector<16xf32>
      %add3A_1771 = arith.addf %add3A_1763, %mul3A_1770 : vector<16xf32>
      %add3A_1772 = arith.constant 4 : i32
      %add3A_1773 = arith.addi %add3A_1743, %add3A_1772 : i32
      %get3A_1774 = arith.index_cast %add3A_1773 : i32 to index
      %get3A_1775 = arith.constant 0 : index
      %get3A_1776 = tpu.vector_load %arg10[%get3A_1774, %get3A_1775] {strides = array<i32>} : memref<3328x16xf32, #tpu.memory_space<vmem>>, vector<16xf32>,
      %add3A_1777 = arith.addf %add3A_1769, %get3A_1776 : vector<16xf32>
      %mul3A_1778 = arith.mulf %get3A_1776, %get3A_1776 : vector<16xf32>
      %add3A_1779 = arith.addf %add3A_1771, %mul3A_1778 : vector<16xf32>
      %add3A_1780 = arith.constant 5 : i32
      %add3A_1781 = arith.addi %add3A_1743, %add3A_1780 : i32
      %get3A_1782 = arith.index_cast %add3A_1781 : i32 to index
      %get3A_1783 = arith.constant 0 : index
      %get3A_1784 = tpu.vector_load %arg10[%get3A_1782, %get3A_1783] {strides = array<i32>} : memref<3328x16xf32, #tpu.memory_space<vmem>>, vector<16xf32>,
      %add3A_1785 = arith.addf %add3A_1777, %get3A_1784 : vector<16xf32>
      %mul3A_1786 = arith.mulf %get3A_1784, %get3A_1784 : vector<16xf32>
      %add3A_1787 = arith.addf %add3A_1779, %mul3A_1786 : vector<16xf32>
      %add3A_1788 = arith.constant 6 : i32
      %add3A_1789 = arith.addi %add3A_1743, %add3A_1788 : i32
      %get3A_1790 = arith.index_cast %add3A_1789 : i32 to index
      %get3A_1791 = arith.constant 0 : index
      %get3A_1792 = tpu.vector_load %arg10[%get3A_1790, %get3A_1791] {strides = array<i32>} : memref<3328x16xf32, #tpu.memory_space<vmem>>, vector<16xf32>,
      %add3A_1793 = arith.addf %add3A_1785, %get3A_1792 : vector<16xf32>
      %mul3A_1794 = arith.mulf %get3A_1792, %get3A_1792 : vector<16xf32>
      %add3A_1795 = arith.addf %add3A_1787, %mul3A_1794 : vector<16xf32>
      %add3A_1796 = arith.constant 7 : i32
      %add3A_1797 = arith.addi %add3A_1743, %add3A_1796 : i32
      %get3A_1798 = arith.index_cast %add3A_1797 : i32 to index
      %get3A_1799 = arith.constant 0 : index
      %get3A_1800 = tpu.vector_load %arg10[%get3A_1798, %get3A_1799] {strides = array<i32>} : memref<3328x16xf32, #tpu.memory_space<vmem>>, vector<16xf32>,
      %add3A_1801 = arith.addf %add3A_1793, %get3A_1800 : vector<16xf32>
      %mul3A_1802 = arith.mulf %get3A_1800, %get3A_1800 : vector<16xf32>
      %add3A_1803 = arith.addf %add3A_1795, %mul3A_1802 : vector<16xf32>
      %add3A_1804 = arith.constant 8 : i32
      %add3A_1805 = arith.addi %add3A_1743, %add3A_1804 : i32
      %get3A_1806 = arith.index_cast %add3A_1805 : i32 to index
      %get3A_1807 = arith.constant 0 : index
      %get3A_1808 = tpu.vector_load %arg10[%get3A_1806, %get3A_1807] {strides = array<i32>} : memref<3328x16xf32, #tpu.memory_space<vmem>>, vector<16xf32>,
      %add3A_1809 = arith.addf %add3A_1801, %get3A_1808 : vector<16xf32>
      %mul3A_1810 = arith.mulf %get3A_1808, %get3A_1808 : vector<16xf32>
      %add3A_1811 = arith.addf %add3A_1803, %mul3A_1810 : vector<16xf32>
      %add3A_1812 = arith.constant 9 : i32
      %add3A_1813 = arith.addi %add3A_1743, %add3A_1812 : i32
      %get3A_1814 = arith.index_cast %add3A_1813 : i32 to index
      %get3A_1815 = arith.constant 0 : index
      %get3A_1816 = tpu.vector_load %arg10[%get3A_1814, %get3A_1815] {strides = array<i32>} : memref<3328x16xf32, #tpu.memory_space<vmem>>, vector<16xf32>,
      %add3A_1817 = arith.addf %add3A_1809, %get3A_1816 : vector<16xf32>
      %mul3A_1818 = arith.mulf %get3A_1816, %get3A_1816 : vector<16xf32>
      %add3A_1819 = arith.addf %add3A_1811, %mul3A_1818 : vector<16xf32>
      %add3A_1820 = arith.constant 10 : i32
      %add3A_1821 = arith.addi %add3A_1743, %add3A_1820 : i32
      %get3A_1822 = arith.index_cast %add3A_1821 : i32 to index
      %get3A_1823 = arith.constant 0 : index
      %get3A_1824 = tpu.vector_load %arg10[%get3A_1822, %get3A_1823] {strides = array<i32>} : memref<3328x16xf32, #tpu.memory_space<vmem>>, vector<16xf32>,
      %add3A_1825 = arith.addf %add3A_1817, %get3A_1824 : vector<16xf32>
      %mul3A_1826 = arith.mulf %get3A_1824, %get3A_1824 : vector<16xf32>
      %add3A_1827 = arith.addf %add3A_1819, %mul3A_1826 : vector<16xf32>
      %add3A_1828 = arith.constant 11 : i32
      %add3A_1829 = arith.addi %add3A_1743, %add3A_1828 : i32
      %get3A_1830 = arith.index_cast %add3A_1829 : i32 to index
      %get3A_1831 = arith.constant 0 : index
      %get3A_1832 = tpu.vector_load %arg10[%get3A_1830, %get3A_1831] {strides = array<i32>} : memref<3328x16xf32, #tpu.memory_space<vmem>>, vector<16xf32>,
      %add3A_1833 = arith.addf %add3A_1825, %get3A_1832 : vector<16xf32>
      %mul3A_1834 = arith.mulf %get3A_1832, %get3A_1832 : vector<16xf32>
      %add3A_1835 = arith.addf %add3A_1827, %mul3A_1834 : vector<16xf32>
      %add3A_1836 = arith.constant 12 : i32
      %add3A_1837 = arith.addi %add3A_1743, %add3A_1836 : i32
      %get3A_1838 = arith.index_cast %add3A_1837 : i32 to index
      %get3A_1839 = arith.constant 0 : index
      %get3A_1840 = tpu.vector_load %arg10[%get3A_1838, %get3A_1839] {strides = array<i32>} : memref<3328x16xf32, #tpu.memory_space<vmem>>, vector<16xf32>,
      %add3A_1841 = arith.addf %add3A_1833, %get3A_1840 : vector<16xf32>
      %mul3A_1842 = arith.mulf %get3A_1840, %get3A_1840 : vector<16xf32>
      %add3A_1843 = arith.addf %add3A_1835, %mul3A_1842 : vector<16xf32>
      %add3A_1844 = arith.constant 13 : i32
      %add3A_1845 = arith.addi %add3A_1743, %add3A_1844 : i32
      %get3A_1846 = arith.index_cast %add3A_1845 : i32 to index
      %get3A_1847 = arith.constant 0 : index
      %get3A_1848 = tpu.vector_load %arg10[%get3A_1846, %get3A_1847] {strides = array<i32>} : memref<3328x16xf32, #tpu.memory_space<vmem>>, vector<16xf32>,
      %add3A_1849 = arith.addf %add3A_1841, %get3A_1848 : vector<16xf32>
      %mul3A_1850 = arith.mulf %get3A_1848, %get3A_1848 : vector<16xf32>
      %add3A_1851 = arith.addf %add3A_1843, %mul3A_1850 : vector<16xf32>
      %add3A_1852 = arith.constant 14 : i32
      %add3A_1853 = arith.addi %add3A_1743, %add3A_1852 : i32
      %get3A_1854 = arith.index_cast %add3A_1853 : i32 to index
      %get3A_1855 = arith.constant 0 : index
      %get3A_1856 = tpu.vector_load %arg10[%get3A_1854, %get3A_1855] {strides = array<i32>} : memref<3328x16xf32, #tpu.memory_space<vmem>>, vector<16xf32>,
      %add3A_1857 = arith.addf %add3A_1849, %get3A_1856 : vector<16xf32>
      %mul3A_1858 = arith.mulf %get3A_1856, %get3A_1856 : vector<16xf32>
      %add3A_1859 = arith.addf %add3A_1851, %mul3A_1858 : vector<16xf32>
      %add3A_1860 = arith.constant 15 : i32
      %add3A_1861 = arith.addi %add3A_1743, %add3A_1860 : i32
      %get3A_1862 = arith.index_cast %add3A_1861 : i32 to index
      %get3A_1863 = arith.constant 0 : index
      %get3A_1864 = tpu.vector_load %arg10[%get3A_1862, %get3A_1863] {strides = array<i32>} : memref<3328x16xf32, #tpu.memory_space<vmem>>, vector<16xf32>,
      %add3A_1865 = arith.addf %add3A_1857, %get3A_1864 : vector<16xf32>
      %mul3A_1866 = arith.mulf %get3A_1864, %get3A_1864 : vector<16xf32>
      %add3A_1867 = arith.addf %add3A_1859, %mul3A_1866 : vector<16xf32>
      %add3A_1868 = arith.constant 16 : i32
      %add3A_1869 = arith.addi %add3A_1743, %add3A_1868 : i32
      %get3A_1870 = arith.index_cast %add3A_1869 : i32 to index
      %get3A_1871 = arith.constant 0 : index
      %get3A_1872 = tpu.vector_load %arg10[%get3A_1870, %get3A_1871] {strides = array<i32>} : memref<3328x16xf32, #tpu.memory_space<vmem>>, vector<16xf32>,
      %add3A_1873 = arith.addf %add3A_1865, %get3A_1872 : vector<16xf32>
      %mul3A_1874 = arith.mulf %get3A_1872, %get3A_1872 : vector<16xf32>
      %add3A_1875 = arith.addf %add3A_1867, %mul3A_1874 : vector<16xf32>
      %add3A_1876 = arith.constant 17 : i32
      %add3A_1877 = arith.addi %add3A_1743, %add3A_1876 : i32
      %get3A_1878 = arith.index_cast %add3A_1877 : i32 to index
      %get3A_1879 = arith.constant 0 : index
      %get3A_1880 = tpu.vector_load %arg10[%get3A_1878, %get3A_1879] {strides = array<i32>} : memref<3328x16xf32, #tpu.memory_space<vmem>>, vector<16xf32>,
      %add3A_1881 = arith.addf %add3A_1873, %get3A_1880 : vector<16xf32>
      %mul3A_1882 = arith.mulf %get3A_1880, %get3A_1880 : vector<16xf32>
      %add3A_1883 = arith.addf %add3A_1875, %mul3A_1882 : vector<16xf32>
      %add3A_1884 = arith.constant 18 : i32
      %add3A_1885 = arith.addi %add3A_1743, %add3A_1884 : i32
      %get3A_1886 = arith.index_cast %add3A_1885 : i32 to index
      %get3A_1887 = arith.constant 0 : index
      %get3A_1888 = tpu.vector_load %arg10[%get3A_1886, %get3A_1887] {strides = array<i32>} : memref<3328x16xf32, #tpu.memory_space<vmem>>, vector<16xf32>,
      %add3A_1889 = arith.addf %add3A_1881, %get3A_1888 : vector<16xf32>
      %mul3A_1890 = arith.mulf %get3A_1888, %get3A_1888 : vector<16xf32>
      %add3A_1891 = arith.addf %add3A_1883, %mul3A_1890 : vector<16xf32>
      %add3A_1892 = arith.constant 19 : i32
      %add3A_1893 = arith.addi %add3A_1743, %add3A_1892 : i32
      %get3A_1894 = arith.index_cast %add3A_1893 : i32 to index
      %get3A_1895 = arith.constant 0 : index
      %get3A_1896 = tpu.vector_load %arg10[%get3A_1894, %get3A_1895] {strides = array<i32>} : memref<3328x16xf32, #tpu.memory_space<vmem>>, vector<16xf32>,
      %add3A_1897 = arith.addf %add3A_1889, %get3A_1896 : vector<16xf32>
      %mul3A_1898 = arith.mulf %get3A_1896, %get3A_1896 : vector<16xf32>
      %add3A_1899 = arith.addf %add3A_1891, %mul3A_1898 : vector<16xf32>
      %add3A_1900 = arith.constant 20 : i32
      %add3A_1901 = arith.addi %add3A_1743, %add3A_1900 : i32
      %get3A_1902 = arith.index_cast %add3A_1901 : i32 to index
      %get3A_1903 = arith.constant 0 : index
      %get3A_1904 = tpu.vector_load %arg10[%get3A_1902, %get3A_1903] {strides = array<i32>} : memref<3328x16xf32, #tpu.memory_space<vmem>>, vector<16xf32>,
      %add3A_1905 = arith.addf %add3A_1897, %get3A_1904 : vector<16xf32>
      %mul3A_1906 = arith.mulf %get3A_1904, %get3A_1904 : vector<16xf32>
      %add3A_1907 = arith.addf %add3A_1899, %mul3A_1906 : vector<16xf32>
      %add3A_1908 = arith.constant 21 : i32
      %add3A_1909 = arith.addi %add3A_1743, %add3A_1908 : i32
      %get3A_1910 = arith.index_cast %add3A_1909 : i32 to index
      %get3A_1911 = arith.constant 0 : index
      %get3A_1912 = tpu.vector_load %arg10[%get3A_1910, %get3A_1911] {strides = array<i32>} : memref<3328x16xf32, #tpu.memory_space<vmem>>, vector<16xf32>,
      %add3A_1913 = arith.addf %add3A_1905, %get3A_1912 : vector<16xf32>
      %mul3A_1914 = arith.mulf %get3A_1912, %get3A_1912 : vector<16xf32>
      %add3A_1915 = arith.addf %add3A_1907, %mul3A_1914 : vector<16xf32>
      %add3A_1916 = arith.constant 22 : i32
      %add3A_1917 = arith.addi %add3A_1743, %add3A_1916 : i32
      %get3A_1918 = arith.index_cast %add3A_1917 : i32 to index
      %get3A_1919 = arith.constant 0 : index
      %get3A_1920 = tpu.vector_load %arg10[%get3A_1918, %get3A_1919] {strides = array<i32>} : memref<3328x16xf32, #tpu.memory_space<vmem>>, vector<16xf32>,
      %add3A_1921 = arith.addf %add3A_1913, %get3A_1920 : vector<16xf32>
      %mul3A_1922 = arith.mulf %get3A_1920, %get3A_1920 : vector<16xf32>
      %add3A_1923 = arith.addf %add3A_1915, %mul3A_1922 : vector<16xf32>
      %add3A_1924 = arith.constant 23 : i32
      %add3A_1925 = arith.addi %add3A_1743, %add3A_1924 : i32
      %get3A_1926 = arith.index_cast %add3A_1925 : i32 to index
      %get3A_1927 = arith.constant 0 : index
      %get3A_1928 = tpu.vector_load %arg10[%get3A_1926, %get3A_1927] {strides = array<i32>} : memref<3328x16xf32, #tpu.memory_space<vmem>>, vector<16xf32>,
      %add3A_1929 = arith.addf %add3A_1921, %get3A_1928 : vector<16xf32>
      %mul3A_1930 = arith.mulf %get3A_1928, %get3A_1928 : vector<16xf32>
      %add3A_1931 = arith.addf %add3A_1923, %mul3A_1930 : vector<16xf32>
      %add3A_1932 = arith.constant 24 : i32
      %add3A_1933 = arith.addi %add3A_1743, %add3A_1932 : i32
      %get3A_1934 = arith.index_cast %add3A_1933 : i32 to index
      %get3A_1935 = arith.constant 0 : index
      %get3A_1936 = tpu.vector_load %arg10[%get3A_1934, %get3A_1935] {strides = array<i32>} : memref<3328x16xf32, #tpu.memory_space<vmem>>, vector<16xf32>,
      %add3A_1937 = arith.addf %add3A_1929, %get3A_1936 : vector<16xf32>
      %mul3A_1938 = arith.mulf %get3A_1936, %get3A_1936 : vector<16xf32>
      %add3A_1939 = arith.addf %add3A_1931, %mul3A_1938 : vector<16xf32>
      %add3A_1940 = arith.constant 25 : i32
      %add3A_1941 = arith.addi %add3A_1743, %add3A_1940 : i32
      %get3A_1942 = arith.index_cast %add3A_1941 : i32 to index
      %get3A_1943 = arith.constant 0 : index
      %get3A_1944 = tpu.vector_load %arg10[%get3A_1942, %get3A_1943] {strides = array<i32>} : memref<3328x16xf32, #tpu.memory_space<vmem>>, vector<16xf32>,
      %add3A_1945 = arith.addf %add3A_1937, %get3A_1944 : vector<16xf32>
      %mul3A_1946 = arith.mulf %get3A_1944, %get3A_1944 : vector<16xf32>
      %add3A_1947 = arith.addf %add3A_1939, %mul3A_1946 : vector<16xf32>
      %mul3A_1948 = arith.mulf %add3A_1945, %add3A_1945 : vector<16xf32>
      %sub3A_1949 = arith.subf %mul3A_1948, %add3A_1947 : vector<16xf32>
      %reduce_sum3A_1950 = arith.constant true
      %reduce_sum3A_1951 = vector.broadcast %reduce_sum3A_1950 : i1 to vector<16xi1>
      %reduce_sum3A_1952 = tpu.scan <sum>, %sub3A_1949 masked %reduce_sum3A_1951 : vector<16xf32>, vector<16xi1> -> vector<16xf32>
      %reduce_sum3A_1953 = vector.extract %reduce_sum3A_1952[15] : f32 from vector<16xf32>
      %mul3A_1954 = arith.constant 5.000000e-01 : f32
      %mul3A_1955 = arith.mulf %mul3A_1954, %reduce_sum3A_1953 : f32
      %eq3A_1956 = arith.constant 7 : i32
      %eq3A_1957 = vector.broadcast %eq3A_1956 : i32 to vector<16xi32>
      %eq3A_1958 = arith.cmpi eq, %iota3A, %eq3A_1957 : vector<16xi32>
      %broadcast_in_dim3A_1959 = vector.broadcast %mul3A_1955 : f32 to vector<16xf32>
      %select_n3A_1960 = arith.select %eq3A_1958, %broadcast_in_dim3A_1959, %select_n3A_1741 : vector<16xi1>, vector<16xf32>
      %add3A_1961 = arith.constant 208 : i32
      %add3A_1962 = arith.addi %mul3A_211, %add3A_1961 : i32
      %get3A_1963 = arith.index_cast %add3A_1962 : i32 to index
      %get3A_1964 = arith.constant 0 : index
      %get3A_1965 = tpu.vector_load %arg10[%get3A_1963, %get3A_1964] {strides = array<i32>} : memref<3328x16xf32, #tpu.memory_space<vmem>>, vector<16xf32>,
      %mul3A_1966 = arith.mulf %get3A_1965, %get3A_1965 : vector<16xf32>
      %add3A_1967 = arith.constant 1 : i32
      %add3A_1968 = arith.addi %add3A_1962, %add3A_1967 : i32
      %get3A_1969 = arith.index_cast %add3A_1968 : i32 to index
      %get3A_1970 = arith.constant 0 : index
      %get3A_1971 = tpu.vector_load %arg10[%get3A_1969, %get3A_1970] {strides = array<i32>} : memref<3328x16xf32, #tpu.memory_space<vmem>>, vector<16xf32>,
      %add3A_1972 = arith.addf %get3A_1965, %get3A_1971 : vector<16xf32>
      %mul3A_1973 = arith.mulf %get3A_1971, %get3A_1971 : vector<16xf32>
      %add3A_1974 = arith.addf %mul3A_1966, %mul3A_1973 : vector<16xf32>
      %add3A_1975 = arith.constant 2 : i32
      %add3A_1976 = arith.addi %add3A_1962, %add3A_1975 : i32
      %get3A_1977 = arith.index_cast %add3A_1976 : i32 to index
      %get3A_1978 = arith.constant 0 : index
      %get3A_1979 = tpu.vector_load %arg10[%get3A_1977, %get3A_1978] {strides = array<i32>} : memref<3328x16xf32, #tpu.memory_space<vmem>>, vector<16xf32>,
      %add3A_1980 = arith.addf %add3A_1972, %get3A_1979 : vector<16xf32>
      %mul3A_1981 = arith.mulf %get3A_1979, %get3A_1979 : vector<16xf32>
      %add3A_1982 = arith.addf %add3A_1974, %mul3A_1981 : vector<16xf32>
      %add3A_1983 = arith.constant 3 : i32
      %add3A_1984 = arith.addi %add3A_1962, %add3A_1983 : i32
      %get3A_1985 = arith.index_cast %add3A_1984 : i32 to index
      %get3A_1986 = arith.constant 0 : index
      %get3A_1987 = tpu.vector_load %arg10[%get3A_1985, %get3A_1986] {strides = array<i32>} : memref<3328x16xf32, #tpu.memory_space<vmem>>, vector<16xf32>,
      %add3A_1988 = arith.addf %add3A_1980, %get3A_1987 : vector<16xf32>
      %mul3A_1989 = arith.mulf %get3A_1987, %get3A_1987 : vector<16xf32>
      %add3A_1990 = arith.addf %add3A_1982, %mul3A_1989 : vector<16xf32>
      %add3A_1991 = arith.constant 4 : i32
      %add3A_1992 = arith.addi %add3A_1962, %add3A_1991 : i32
      %get3A_1993 = arith.index_cast %add3A_1992 : i32 to index
      %get3A_1994 = arith.constant 0 : index
      %get3A_1995 = tpu.vector_load %arg10[%get3A_1993, %get3A_1994] {strides = array<i32>} : memref<3328x16xf32, #tpu.memory_space<vmem>>, vector<16xf32>,
      %add3A_1996 = arith.addf %add3A_1988, %get3A_1995 : vector<16xf32>
      %mul3A_1997 = arith.mulf %get3A_1995, %get3A_1995 : vector<16xf32>
      %add3A_1998 = arith.addf %add3A_1990, %mul3A_1997 : vector<16xf32>
      %add3A_1999 = arith.constant 5 : i32
      %add3A_2000 = arith.addi %add3A_1962, %add3A_1999 : i32
      %get3A_2001 = arith.index_cast %add3A_2000 : i32 to index
      %get3A_2002 = arith.constant 0 : index
      %get3A_2003 = tpu.vector_load %arg10[%get3A_2001, %get3A_2002] {strides = array<i32>} : memref<3328x16xf32, #tpu.memory_space<vmem>>, vector<16xf32>,
      %add3A_2004 = arith.addf %add3A_1996, %get3A_2003 : vector<16xf32>
      %mul3A_2005 = arith.mulf %get3A_2003, %get3A_2003 : vector<16xf32>
      %add3A_2006 = arith.addf %add3A_1998, %mul3A_2005 : vector<16xf32>
      %add3A_2007 = arith.constant 6 : i32
      %add3A_2008 = arith.addi %add3A_1962, %add3A_2007 : i32
      %get3A_2009 = arith.index_cast %add3A_2008 : i32 to index
      %get3A_2010 = arith.constant 0 : index
      %get3A_2011 = tpu.vector_load %arg10[%get3A_2009, %get3A_2010] {strides = array<i32>} : memref<3328x16xf32, #tpu.memory_space<vmem>>, vector<16xf32>,
      %add3A_2012 = arith.addf %add3A_2004, %get3A_2011 : vector<16xf32>
      %mul3A_2013 = arith.mulf %get3A_2011, %get3A_2011 : vector<16xf32>
      %add3A_2014 = arith.addf %add3A_2006, %mul3A_2013 : vector<16xf32>
      %add3A_2015 = arith.constant 7 : i32
      %add3A_2016 = arith.addi %add3A_1962, %add3A_2015 : i32
      %get3A_2017 = arith.index_cast %add3A_2016 : i32 to index
      %get3A_2018 = arith.constant 0 : index
      %get3A_2019 = tpu.vector_load %arg10[%get3A_2017, %get3A_2018] {strides = array<i32>} : memref<3328x16xf32, #tpu.memory_space<vmem>>, vector<16xf32>,
      %add3A_2020 = arith.addf %add3A_2012, %get3A_2019 : vector<16xf32>
      %mul3A_2021 = arith.mulf %get3A_2019, %get3A_2019 : vector<16xf32>
      %add3A_2022 = arith.addf %add3A_2014, %mul3A_2021 : vector<16xf32>
      %add3A_2023 = arith.constant 8 : i32
      %add3A_2024 = arith.addi %add3A_1962, %add3A_2023 : i32
      %get3A_2025 = arith.index_cast %add3A_2024 : i32 to index
      %get3A_2026 = arith.constant 0 : index
      %get3A_2027 = tpu.vector_load %arg10[%get3A_2025, %get3A_2026] {strides = array<i32>} : memref<3328x16xf32, #tpu.memory_space<vmem>>, vector<16xf32>,
      %add3A_2028 = arith.addf %add3A_2020, %get3A_2027 : vector<16xf32>
      %mul3A_2029 = arith.mulf %get3A_2027, %get3A_2027 : vector<16xf32>
      %add3A_2030 = arith.addf %add3A_2022, %mul3A_2029 : vector<16xf32>
      %add3A_2031 = arith.constant 9 : i32
      %add3A_2032 = arith.addi %add3A_1962, %add3A_2031 : i32
      %get3A_2033 = arith.index_cast %add3A_2032 : i32 to index
      %get3A_2034 = arith.constant 0 : index
      %get3A_2035 = tpu.vector_load %arg10[%get3A_2033, %get3A_2034] {strides = array<i32>} : memref<3328x16xf32, #tpu.memory_space<vmem>>, vector<16xf32>,
      %add3A_2036 = arith.addf %add3A_2028, %get3A_2035 : vector<16xf32>
      %mul3A_2037 = arith.mulf %get3A_2035, %get3A_2035 : vector<16xf32>
      %add3A_2038 = arith.addf %add3A_2030, %mul3A_2037 : vector<16xf32>
      %add3A_2039 = arith.constant 10 : i32
      %add3A_2040 = arith.addi %add3A_1962, %add3A_2039 : i32
      %get3A_2041 = arith.index_cast %add3A_2040 : i32 to index
      %get3A_2042 = arith.constant 0 : index
      %get3A_2043 = tpu.vector_load %arg10[%get3A_2041, %get3A_2042] {strides = array<i32>} : memref<3328x16xf32, #tpu.memory_space<vmem>>, vector<16xf32>,
      %add3A_2044 = arith.addf %add3A_2036, %get3A_2043 : vector<16xf32>
      %mul3A_2045 = arith.mulf %get3A_2043, %get3A_2043 : vector<16xf32>
      %add3A_2046 = arith.addf %add3A_2038, %mul3A_2045 : vector<16xf32>
      %add3A_2047 = arith.constant 11 : i32
      %add3A_2048 = arith.addi %add3A_1962, %add3A_2047 : i32
      %get3A_2049 = arith.index_cast %add3A_2048 : i32 to index
      %get3A_2050 = arith.constant 0 : index
      %get3A_2051 = tpu.vector_load %arg10[%get3A_2049, %get3A_2050] {strides = array<i32>} : memref<3328x16xf32, #tpu.memory_space<vmem>>, vector<16xf32>,
      %add3A_2052 = arith.addf %add3A_2044, %get3A_2051 : vector<16xf32>
      %mul3A_2053 = arith.mulf %get3A_2051, %get3A_2051 : vector<16xf32>
      %add3A_2054 = arith.addf %add3A_2046, %mul3A_2053 : vector<16xf32>
      %add3A_2055 = arith.constant 12 : i32
      %add3A_2056 = arith.addi %add3A_1962, %add3A_2055 : i32
      %get3A_2057 = arith.index_cast %add3A_2056 : i32 to index
      %get3A_2058 = arith.constant 0 : index
      %get3A_2059 = tpu.vector_load %arg10[%get3A_2057, %get3A_2058] {strides = array<i32>} : memref<3328x16xf32, #tpu.memory_space<vmem>>, vector<16xf32>,
      %add3A_2060 = arith.addf %add3A_2052, %get3A_2059 : vector<16xf32>
      %mul3A_2061 = arith.mulf %get3A_2059, %get3A_2059 : vector<16xf32>
      %add3A_2062 = arith.addf %add3A_2054, %mul3A_2061 : vector<16xf32>
      %add3A_2063 = arith.constant 13 : i32
      %add3A_2064 = arith.addi %add3A_1962, %add3A_2063 : i32
      %get3A_2065 = arith.index_cast %add3A_2064 : i32 to index
      %get3A_2066 = arith.constant 0 : index
      %get3A_2067 = tpu.vector_load %arg10[%get3A_2065, %get3A_2066] {strides = array<i32>} : memref<3328x16xf32, #tpu.memory_space<vmem>>, vector<16xf32>,
      %add3A_2068 = arith.addf %add3A_2060, %get3A_2067 : vector<16xf32>
      %mul3A_2069 = arith.mulf %get3A_2067, %get3A_2067 : vector<16xf32>
      %add3A_2070 = arith.addf %add3A_2062, %mul3A_2069 : vector<16xf32>
      %add3A_2071 = arith.constant 14 : i32
      %add3A_2072 = arith.addi %add3A_1962, %add3A_2071 : i32
      %get3A_2073 = arith.index_cast %add3A_2072 : i32 to index
      %get3A_2074 = arith.constant 0 : index
      %get3A_2075 = tpu.vector_load %arg10[%get3A_2073, %get3A_2074] {strides = array<i32>} : memref<3328x16xf32, #tpu.memory_space<vmem>>, vector<16xf32>,
      %add3A_2076 = arith.addf %add3A_2068, %get3A_2075 : vector<16xf32>
      %mul3A_2077 = arith.mulf %get3A_2075, %get3A_2075 : vector<16xf32>
      %add3A_2078 = arith.addf %add3A_2070, %mul3A_2077 : vector<16xf32>
      %add3A_2079 = arith.constant 15 : i32
      %add3A_2080 = arith.addi %add3A_1962, %add3A_2079 : i32
      %get3A_2081 = arith.index_cast %add3A_2080 : i32 to index
      %get3A_2082 = arith.constant 0 : index
      %get3A_2083 = tpu.vector_load %arg10[%get3A_2081, %get3A_2082] {strides = array<i32>} : memref<3328x16xf32, #tpu.memory_space<vmem>>, vector<16xf32>,
      %add3A_2084 = arith.addf %add3A_2076, %get3A_2083 : vector<16xf32>
      %mul3A_2085 = arith.mulf %get3A_2083, %get3A_2083 : vector<16xf32>
      %add3A_2086 = arith.addf %add3A_2078, %mul3A_2085 : vector<16xf32>
      %add3A_2087 = arith.constant 16 : i32
      %add3A_2088 = arith.addi %add3A_1962, %add3A_2087 : i32
      %get3A_2089 = arith.index_cast %add3A_2088 : i32 to index
      %get3A_2090 = arith.constant 0 : index
      %get3A_2091 = tpu.vector_load %arg10[%get3A_2089, %get3A_2090] {strides = array<i32>} : memref<3328x16xf32, #tpu.memory_space<vmem>>, vector<16xf32>,
      %add3A_2092 = arith.addf %add3A_2084, %get3A_2091 : vector<16xf32>
      %mul3A_2093 = arith.mulf %get3A_2091, %get3A_2091 : vector<16xf32>
      %add3A_2094 = arith.addf %add3A_2086, %mul3A_2093 : vector<16xf32>
      %add3A_2095 = arith.constant 17 : i32
      %add3A_2096 = arith.addi %add3A_1962, %add3A_2095 : i32
      %get3A_2097 = arith.index_cast %add3A_2096 : i32 to index
      %get3A_2098 = arith.constant 0 : index
      %get3A_2099 = tpu.vector_load %arg10[%get3A_2097, %get3A_2098] {strides = array<i32>} : memref<3328x16xf32, #tpu.memory_space<vmem>>, vector<16xf32>,
      %add3A_2100 = arith.addf %add3A_2092, %get3A_2099 : vector<16xf32>
      %mul3A_2101 = arith.mulf %get3A_2099, %get3A_2099 : vector<16xf32>
      %add3A_2102 = arith.addf %add3A_2094, %mul3A_2101 : vector<16xf32>
      %add3A_2103 = arith.constant 18 : i32
      %add3A_2104 = arith.addi %add3A_1962, %add3A_2103 : i32
      %get3A_2105 = arith.index_cast %add3A_2104 : i32 to index
      %get3A_2106 = arith.constant 0 : index
      %get3A_2107 = tpu.vector_load %arg10[%get3A_2105, %get3A_2106] {strides = array<i32>} : memref<3328x16xf32, #tpu.memory_space<vmem>>, vector<16xf32>,
      %add3A_2108 = arith.addf %add3A_2100, %get3A_2107 : vector<16xf32>
      %mul3A_2109 = arith.mulf %get3A_2107, %get3A_2107 : vector<16xf32>
      %add3A_2110 = arith.addf %add3A_2102, %mul3A_2109 : vector<16xf32>
      %add3A_2111 = arith.constant 19 : i32
      %add3A_2112 = arith.addi %add3A_1962, %add3A_2111 : i32
      %get3A_2113 = arith.index_cast %add3A_2112 : i32 to index
      %get3A_2114 = arith.constant 0 : index
      %get3A_2115 = tpu.vector_load %arg10[%get3A_2113, %get3A_2114] {strides = array<i32>} : memref<3328x16xf32, #tpu.memory_space<vmem>>, vector<16xf32>,
      %add3A_2116 = arith.addf %add3A_2108, %get3A_2115 : vector<16xf32>
      %mul3A_2117 = arith.mulf %get3A_2115, %get3A_2115 : vector<16xf32>
      %add3A_2118 = arith.addf %add3A_2110, %mul3A_2117 : vector<16xf32>
      %add3A_2119 = arith.constant 20 : i32
      %add3A_2120 = arith.addi %add3A_1962, %add3A_2119 : i32
      %get3A_2121 = arith.index_cast %add3A_2120 : i32 to index
      %get3A_2122 = arith.constant 0 : index
      %get3A_2123 = tpu.vector_load %arg10[%get3A_2121, %get3A_2122] {strides = array<i32>} : memref<3328x16xf32, #tpu.memory_space<vmem>>, vector<16xf32>,
      %add3A_2124 = arith.addf %add3A_2116, %get3A_2123 : vector<16xf32>
      %mul3A_2125 = arith.mulf %get3A_2123, %get3A_2123 : vector<16xf32>
      %add3A_2126 = arith.addf %add3A_2118, %mul3A_2125 : vector<16xf32>
      %add3A_2127 = arith.constant 21 : i32
      %add3A_2128 = arith.addi %add3A_1962, %add3A_2127 : i32
      %get3A_2129 = arith.index_cast %add3A_2128 : i32 to index
      %get3A_2130 = arith.constant 0 : index
      %get3A_2131 = tpu.vector_load %arg10[%get3A_2129, %get3A_2130] {strides = array<i32>} : memref<3328x16xf32, #tpu.memory_space<vmem>>, vector<16xf32>,
      %add3A_2132 = arith.addf %add3A_2124, %get3A_2131 : vector<16xf32>
      %mul3A_2133 = arith.mulf %get3A_2131, %get3A_2131 : vector<16xf32>
      %add3A_2134 = arith.addf %add3A_2126, %mul3A_2133 : vector<16xf32>
      %add3A_2135 = arith.constant 22 : i32
      %add3A_2136 = arith.addi %add3A_1962, %add3A_2135 : i32
      %get3A_2137 = arith.index_cast %add3A_2136 : i32 to index
      %get3A_2138 = arith.constant 0 : index
      %get3A_2139 = tpu.vector_load %arg10[%get3A_2137, %get3A_2138] {strides = array<i32>} : memref<3328x16xf32, #tpu.memory_space<vmem>>, vector<16xf32>,
      %add3A_2140 = arith.addf %add3A_2132, %get3A_2139 : vector<16xf32>
      %mul3A_2141 = arith.mulf %get3A_2139, %get3A_2139 : vector<16xf32>
      %add3A_2142 = arith.addf %add3A_2134, %mul3A_2141 : vector<16xf32>
      %add3A_2143 = arith.constant 23 : i32
      %add3A_2144 = arith.addi %add3A_1962, %add3A_2143 : i32
      %get3A_2145 = arith.index_cast %add3A_2144 : i32 to index
      %get3A_2146 = arith.constant 0 : index
      %get3A_2147 = tpu.vector_load %arg10[%get3A_2145, %get3A_2146] {strides = array<i32>} : memref<3328x16xf32, #tpu.memory_space<vmem>>, vector<16xf32>,
      %add3A_2148 = arith.addf %add3A_2140, %get3A_2147 : vector<16xf32>
      %mul3A_2149 = arith.mulf %get3A_2147, %get3A_2147 : vector<16xf32>
      %add3A_2150 = arith.addf %add3A_2142, %mul3A_2149 : vector<16xf32>
      %add3A_2151 = arith.constant 24 : i32
      %add3A_2152 = arith.addi %add3A_1962, %add3A_2151 : i32
      %get3A_2153 = arith.index_cast %add3A_2152 : i32 to index
      %get3A_2154 = arith.constant 0 : index
      %get3A_2155 = tpu.vector_load %arg10[%get3A_2153, %get3A_2154] {strides = array<i32>} : memref<3328x16xf32, #tpu.memory_space<vmem>>, vector<16xf32>,
      %add3A_2156 = arith.addf %add3A_2148, %get3A_2155 : vector<16xf32>
      %mul3A_2157 = arith.mulf %get3A_2155, %get3A_2155 : vector<16xf32>
      %add3A_2158 = arith.addf %add3A_2150, %mul3A_2157 : vector<16xf32>
      %add3A_2159 = arith.constant 25 : i32
      %add3A_2160 = arith.addi %add3A_1962, %add3A_2159 : i32
      %get3A_2161 = arith.index_cast %add3A_2160 : i32 to index
      %get3A_2162 = arith.constant 0 : index
      %get3A_2163 = tpu.vector_load %arg10[%get3A_2161, %get3A_2162] {strides = array<i32>} : memref<3328x16xf32, #tpu.memory_space<vmem>>, vector<16xf32>,
      %add3A_2164 = arith.addf %add3A_2156, %get3A_2163 : vector<16xf32>
      %mul3A_2165 = arith.mulf %get3A_2163, %get3A_2163 : vector<16xf32>
      %add3A_2166 = arith.addf %add3A_2158, %mul3A_2165 : vector<16xf32>
      %mul3A_2167 = arith.mulf %add3A_2164, %add3A_2164 : vector<16xf32>
      %sub3A_2168 = arith.subf %mul3A_2167, %add3A_2166 : vector<16xf32>
      %reduce_sum3A_2169 = arith.constant true
      %reduce_sum3A_2170 = vector.broadcast %reduce_sum3A_2169 : i1 to vector<16xi1>
      %reduce_sum3A_2171 = tpu.scan <sum>, %sub3A_2168 masked %reduce_sum3A_2170 : vector<16xf32>, vector<16xi1> -> vector<16xf32>
      %reduce_sum3A_2172 = vector.extract %reduce_sum3A_2171[15] : f32 from vector<16xf32>
      %mul3A_2173 = arith.constant 5.000000e-01 : f32
      %mul3A_2174 = arith.mulf %mul3A_2173, %reduce_sum3A_2172 : f32
      %eq3A_2175 = arith.constant 8 : i32
      %eq3A_2176 = vector.broadcast %eq3A_2175 : i32 to vector<16xi32>
      %eq3A_2177 = arith.cmpi eq, %iota3A, %eq3A_2176 : vector<16xi32>
      %broadcast_in_dim3A_2178 = vector.broadcast %mul3A_2174 : f32 to vector<16xf32>
      %select_n3A_2179 = arith.select %eq3A_2177, %broadcast_in_dim3A_2178, %select_n3A_1960 : vector<16xi1>, vector<16xf32>
      %add3A_2180 = arith.constant 234 : i32
      %add3A_2181 = arith.addi %mul3A_211, %add3A_2180 : i32
      %get3A_2182 = arith.index_cast %add3A_2181 : i32 to index
      %get3A_2183 = arith.constant 0 : index
      %get3A_2184 = tpu.vector_load %arg10[%get3A_2182, %get3A_2183] {strides = array<i32>} : memref<3328x16xf32, #tpu.memory_space<vmem>>, vector<16xf32>,
      %mul3A_2185 = arith.mulf %get3A_2184, %get3A_2184 : vector<16xf32>
      %add3A_2186 = arith.constant 1 : i32
      %add3A_2187 = arith.addi %add3A_2181, %add3A_2186 : i32
      %get3A_2188 = arith.index_cast %add3A_2187 : i32 to index
      %get3A_2189 = arith.constant 0 : index
      %get3A_2190 = tpu.vector_load %arg10[%get3A_2188, %get3A_2189] {strides = array<i32>} : memref<3328x16xf32, #tpu.memory_space<vmem>>, vector<16xf32>,
      %add3A_2191 = arith.addf %get3A_2184, %get3A_2190 : vector<16xf32>
      %mul3A_2192 = arith.mulf %get3A_2190, %get3A_2190 : vector<16xf32>
      %add3A_2193 = arith.addf %mul3A_2185, %mul3A_2192 : vector<16xf32>
      %add3A_2194 = arith.constant 2 : i32
      %add3A_2195 = arith.addi %add3A_2181, %add3A_2194 : i32
      %get3A_2196 = arith.index_cast %add3A_2195 : i32 to index
      %get3A_2197 = arith.constant 0 : index
      %get3A_2198 = tpu.vector_load %arg10[%get3A_2196, %get3A_2197] {strides = array<i32>} : memref<3328x16xf32, #tpu.memory_space<vmem>>, vector<16xf32>,
      %add3A_2199 = arith.addf %add3A_2191, %get3A_2198 : vector<16xf32>
      %mul3A_2200 = arith.mulf %get3A_2198, %get3A_2198 : vector<16xf32>
      %add3A_2201 = arith.addf %add3A_2193, %mul3A_2200 : vector<16xf32>
      %add3A_2202 = arith.constant 3 : i32
      %add3A_2203 = arith.addi %add3A_2181, %add3A_2202 : i32
      %get3A_2204 = arith.index_cast %add3A_2203 : i32 to index
      %get3A_2205 = arith.constant 0 : index
      %get3A_2206 = tpu.vector_load %arg10[%get3A_2204, %get3A_2205] {strides = array<i32>} : memref<3328x16xf32, #tpu.memory_space<vmem>>, vector<16xf32>,
      %add3A_2207 = arith.addf %add3A_2199, %get3A_2206 : vector<16xf32>
      %mul3A_2208 = arith.mulf %get3A_2206, %get3A_2206 : vector<16xf32>
      %add3A_2209 = arith.addf %add3A_2201, %mul3A_2208 : vector<16xf32>
      %add3A_2210 = arith.constant 4 : i32
      %add3A_2211 = arith.addi %add3A_2181, %add3A_2210 : i32
      %get3A_2212 = arith.index_cast %add3A_2211 : i32 to index
      %get3A_2213 = arith.constant 0 : index
      %get3A_2214 = tpu.vector_load %arg10[%get3A_2212, %get3A_2213] {strides = array<i32>} : memref<3328x16xf32, #tpu.memory_space<vmem>>, vector<16xf32>,
      %add3A_2215 = arith.addf %add3A_2207, %get3A_2214 : vector<16xf32>
      %mul3A_2216 = arith.mulf %get3A_2214, %get3A_2214 : vector<16xf32>
      %add3A_2217 = arith.addf %add3A_2209, %mul3A_2216 : vector<16xf32>
      %add3A_2218 = arith.constant 5 : i32
      %add3A_2219 = arith.addi %add3A_2181, %add3A_2218 : i32
      %get3A_2220 = arith.index_cast %add3A_2219 : i32 to index
      %get3A_2221 = arith.constant 0 : index
      %get3A_2222 = tpu.vector_load %arg10[%get3A_2220, %get3A_2221] {strides = array<i32>} : memref<3328x16xf32, #tpu.memory_space<vmem>>, vector<16xf32>,
      %add3A_2223 = arith.addf %add3A_2215, %get3A_2222 : vector<16xf32>
      %mul3A_2224 = arith.mulf %get3A_2222, %get3A_2222 : vector<16xf32>
      %add3A_2225 = arith.addf %add3A_2217, %mul3A_2224 : vector<16xf32>
      %add3A_2226 = arith.constant 6 : i32
      %add3A_2227 = arith.addi %add3A_2181, %add3A_2226 : i32
      %get3A_2228 = arith.index_cast %add3A_2227 : i32 to index
      %get3A_2229 = arith.constant 0 : index
      %get3A_2230 = tpu.vector_load %arg10[%get3A_2228, %get3A_2229] {strides = array<i32>} : memref<3328x16xf32, #tpu.memory_space<vmem>>, vector<16xf32>,
      %add3A_2231 = arith.addf %add3A_2223, %get3A_2230 : vector<16xf32>
      %mul3A_2232 = arith.mulf %get3A_2230, %get3A_2230 : vector<16xf32>
      %add3A_2233 = arith.addf %add3A_2225, %mul3A_2232 : vector<16xf32>
      %add3A_2234 = arith.constant 7 : i32
      %add3A_2235 = arith.addi %add3A_2181, %add3A_2234 : i32
      %get3A_2236 = arith.index_cast %add3A_2235 : i32 to index
      %get3A_2237 = arith.constant 0 : index
      %get3A_2238 = tpu.vector_load %arg10[%get3A_2236, %get3A_2237] {strides = array<i32>} : memref<3328x16xf32, #tpu.memory_space<vmem>>, vector<16xf32>,
      %add3A_2239 = arith.addf %add3A_2231, %get3A_2238 : vector<16xf32>
      %mul3A_2240 = arith.mulf %get3A_2238, %get3A_2238 : vector<16xf32>
      %add3A_2241 = arith.addf %add3A_2233, %mul3A_2240 : vector<16xf32>
      %add3A_2242 = arith.constant 8 : i32
      %add3A_2243 = arith.addi %add3A_2181, %add3A_2242 : i32
      %get3A_2244 = arith.index_cast %add3A_2243 : i32 to index
      %get3A_2245 = arith.constant 0 : index
      %get3A_2246 = tpu.vector_load %arg10[%get3A_2244, %get3A_2245] {strides = array<i32>} : memref<3328x16xf32, #tpu.memory_space<vmem>>, vector<16xf32>,
      %add3A_2247 = arith.addf %add3A_2239, %get3A_2246 : vector<16xf32>
      %mul3A_2248 = arith.mulf %get3A_2246, %get3A_2246 : vector<16xf32>
      %add3A_2249 = arith.addf %add3A_2241, %mul3A_2248 : vector<16xf32>
      %add3A_2250 = arith.constant 9 : i32
      %add3A_2251 = arith.addi %add3A_2181, %add3A_2250 : i32
      %get3A_2252 = arith.index_cast %add3A_2251 : i32 to index
      %get3A_2253 = arith.constant 0 : index
      %get3A_2254 = tpu.vector_load %arg10[%get3A_2252, %get3A_2253] {strides = array<i32>} : memref<3328x16xf32, #tpu.memory_space<vmem>>, vector<16xf32>,
      %add3A_2255 = arith.addf %add3A_2247, %get3A_2254 : vector<16xf32>
      %mul3A_2256 = arith.mulf %get3A_2254, %get3A_2254 : vector<16xf32>
      %add3A_2257 = arith.addf %add3A_2249, %mul3A_2256 : vector<16xf32>
      %add3A_2258 = arith.constant 10 : i32
      %add3A_2259 = arith.addi %add3A_2181, %add3A_2258 : i32
      %get3A_2260 = arith.index_cast %add3A_2259 : i32 to index
      %get3A_2261 = arith.constant 0 : index
      %get3A_2262 = tpu.vector_load %arg10[%get3A_2260, %get3A_2261] {strides = array<i32>} : memref<3328x16xf32, #tpu.memory_space<vmem>>, vector<16xf32>,
      %add3A_2263 = arith.addf %add3A_2255, %get3A_2262 : vector<16xf32>
      %mul3A_2264 = arith.mulf %get3A_2262, %get3A_2262 : vector<16xf32>
      %add3A_2265 = arith.addf %add3A_2257, %mul3A_2264 : vector<16xf32>
      %add3A_2266 = arith.constant 11 : i32
      %add3A_2267 = arith.addi %add3A_2181, %add3A_2266 : i32
      %get3A_2268 = arith.index_cast %add3A_2267 : i32 to index
      %get3A_2269 = arith.constant 0 : index
      %get3A_2270 = tpu.vector_load %arg10[%get3A_2268, %get3A_2269] {strides = array<i32>} : memref<3328x16xf32, #tpu.memory_space<vmem>>, vector<16xf32>,
      %add3A_2271 = arith.addf %add3A_2263, %get3A_2270 : vector<16xf32>
      %mul3A_2272 = arith.mulf %get3A_2270, %get3A_2270 : vector<16xf32>
      %add3A_2273 = arith.addf %add3A_2265, %mul3A_2272 : vector<16xf32>
      %add3A_2274 = arith.constant 12 : i32
      %add3A_2275 = arith.addi %add3A_2181, %add3A_2274 : i32
      %get3A_2276 = arith.index_cast %add3A_2275 : i32 to index
      %get3A_2277 = arith.constant 0 : index
      %get3A_2278 = tpu.vector_load %arg10[%get3A_2276, %get3A_2277] {strides = array<i32>} : memref<3328x16xf32, #tpu.memory_space<vmem>>, vector<16xf32>,
      %add3A_2279 = arith.addf %add3A_2271, %get3A_2278 : vector<16xf32>
      %mul3A_2280 = arith.mulf %get3A_2278, %get3A_2278 : vector<16xf32>
      %add3A_2281 = arith.addf %add3A_2273, %mul3A_2280 : vector<16xf32>
      %add3A_2282 = arith.constant 13 : i32
      %add3A_2283 = arith.addi %add3A_2181, %add3A_2282 : i32
      %get3A_2284 = arith.index_cast %add3A_2283 : i32 to index
      %get3A_2285 = arith.constant 0 : index
      %get3A_2286 = tpu.vector_load %arg10[%get3A_2284, %get3A_2285] {strides = array<i32>} : memref<3328x16xf32, #tpu.memory_space<vmem>>, vector<16xf32>,
      %add3A_2287 = arith.addf %add3A_2279, %get3A_2286 : vector<16xf32>
      %mul3A_2288 = arith.mulf %get3A_2286, %get3A_2286 : vector<16xf32>
      %add3A_2289 = arith.addf %add3A_2281, %mul3A_2288 : vector<16xf32>
      %add3A_2290 = arith.constant 14 : i32
      %add3A_2291 = arith.addi %add3A_2181, %add3A_2290 : i32
      %get3A_2292 = arith.index_cast %add3A_2291 : i32 to index
      %get3A_2293 = arith.constant 0 : index
      %get3A_2294 = tpu.vector_load %arg10[%get3A_2292, %get3A_2293] {strides = array<i32>} : memref<3328x16xf32, #tpu.memory_space<vmem>>, vector<16xf32>,
      %add3A_2295 = arith.addf %add3A_2287, %get3A_2294 : vector<16xf32>
      %mul3A_2296 = arith.mulf %get3A_2294, %get3A_2294 : vector<16xf32>
      %add3A_2297 = arith.addf %add3A_2289, %mul3A_2296 : vector<16xf32>
      %add3A_2298 = arith.constant 15 : i32
      %add3A_2299 = arith.addi %add3A_2181, %add3A_2298 : i32
      %get3A_2300 = arith.index_cast %add3A_2299 : i32 to index
      %get3A_2301 = arith.constant 0 : index
      %get3A_2302 = tpu.vector_load %arg10[%get3A_2300, %get3A_2301] {strides = array<i32>} : memref<3328x16xf32, #tpu.memory_space<vmem>>, vector<16xf32>,
      %add3A_2303 = arith.addf %add3A_2295, %get3A_2302 : vector<16xf32>
      %mul3A_2304 = arith.mulf %get3A_2302, %get3A_2302 : vector<16xf32>
      %add3A_2305 = arith.addf %add3A_2297, %mul3A_2304 : vector<16xf32>
      %add3A_2306 = arith.constant 16 : i32
      %add3A_2307 = arith.addi %add3A_2181, %add3A_2306 : i32
      %get3A_2308 = arith.index_cast %add3A_2307 : i32 to index
      %get3A_2309 = arith.constant 0 : index
      %get3A_2310 = tpu.vector_load %arg10[%get3A_2308, %get3A_2309] {strides = array<i32>} : memref<3328x16xf32, #tpu.memory_space<vmem>>, vector<16xf32>,
      %add3A_2311 = arith.addf %add3A_2303, %get3A_2310 : vector<16xf32>
      %mul3A_2312 = arith.mulf %get3A_2310, %get3A_2310 : vector<16xf32>
      %add3A_2313 = arith.addf %add3A_2305, %mul3A_2312 : vector<16xf32>
      %add3A_2314 = arith.constant 17 : i32
      %add3A_2315 = arith.addi %add3A_2181, %add3A_2314 : i32
      %get3A_2316 = arith.index_cast %add3A_2315 : i32 to index
      %get3A_2317 = arith.constant 0 : index
      %get3A_2318 = tpu.vector_load %arg10[%get3A_2316, %get3A_2317] {strides = array<i32>} : memref<3328x16xf32, #tpu.memory_space<vmem>>, vector<16xf32>,
      %add3A_2319 = arith.addf %add3A_2311, %get3A_2318 : vector<16xf32>
      %mul3A_2320 = arith.mulf %get3A_2318, %get3A_2318 : vector<16xf32>
      %add3A_2321 = arith.addf %add3A_2313, %mul3A_2320 : vector<16xf32>
      %add3A_2322 = arith.constant 18 : i32
      %add3A_2323 = arith.addi %add3A_2181, %add3A_2322 : i32
      %get3A_2324 = arith.index_cast %add3A_2323 : i32 to index
      %get3A_2325 = arith.constant 0 : index
      %get3A_2326 = tpu.vector_load %arg10[%get3A_2324, %get3A_2325] {strides = array<i32>} : memref<3328x16xf32, #tpu.memory_space<vmem>>, vector<16xf32>,
      %add3A_2327 = arith.addf %add3A_2319, %get3A_2326 : vector<16xf32>
      %mul3A_2328 = arith.mulf %get3A_2326, %get3A_2326 : vector<16xf32>
      %add3A_2329 = arith.addf %add3A_2321, %mul3A_2328 : vector<16xf32>
      %add3A_2330 = arith.constant 19 : i32
      %add3A_2331 = arith.addi %add3A_2181, %add3A_2330 : i32
      %get3A_2332 = arith.index_cast %add3A_2331 : i32 to index
      %get3A_2333 = arith.constant 0 : index
      %get3A_2334 = tpu.vector_load %arg10[%get3A_2332, %get3A_2333] {strides = array<i32>} : memref<3328x16xf32, #tpu.memory_space<vmem>>, vector<16xf32>,
      %add3A_2335 = arith.addf %add3A_2327, %get3A_2334 : vector<16xf32>
      %mul3A_2336 = arith.mulf %get3A_2334, %get3A_2334 : vector<16xf32>
      %add3A_2337 = arith.addf %add3A_2329, %mul3A_2336 : vector<16xf32>
      %add3A_2338 = arith.constant 20 : i32
      %add3A_2339 = arith.addi %add3A_2181, %add3A_2338 : i32
      %get3A_2340 = arith.index_cast %add3A_2339 : i32 to index
      %get3A_2341 = arith.constant 0 : index
      %get3A_2342 = tpu.vector_load %arg10[%get3A_2340, %get3A_2341] {strides = array<i32>} : memref<3328x16xf32, #tpu.memory_space<vmem>>, vector<16xf32>,
      %add3A_2343 = arith.addf %add3A_2335, %get3A_2342 : vector<16xf32>
      %mul3A_2344 = arith.mulf %get3A_2342, %get3A_2342 : vector<16xf32>
      %add3A_2345 = arith.addf %add3A_2337, %mul3A_2344 : vector<16xf32>
      %add3A_2346 = arith.constant 21 : i32
      %add3A_2347 = arith.addi %add3A_2181, %add3A_2346 : i32
      %get3A_2348 = arith.index_cast %add3A_2347 : i32 to index
      %get3A_2349 = arith.constant 0 : index
      %get3A_2350 = tpu.vector_load %arg10[%get3A_2348, %get3A_2349] {strides = array<i32>} : memref<3328x16xf32, #tpu.memory_space<vmem>>, vector<16xf32>,
      %add3A_2351 = arith.addf %add3A_2343, %get3A_2350 : vector<16xf32>
      %mul3A_2352 = arith.mulf %get3A_2350, %get3A_2350 : vector<16xf32>
      %add3A_2353 = arith.addf %add3A_2345, %mul3A_2352 : vector<16xf32>
      %add3A_2354 = arith.constant 22 : i32
      %add3A_2355 = arith.addi %add3A_2181, %add3A_2354 : i32
      %get3A_2356 = arith.index_cast %add3A_2355 : i32 to index
      %get3A_2357 = arith.constant 0 : index
      %get3A_2358 = tpu.vector_load %arg10[%get3A_2356, %get3A_2357] {strides = array<i32>} : memref<3328x16xf32, #tpu.memory_space<vmem>>, vector<16xf32>,
      %add3A_2359 = arith.addf %add3A_2351, %get3A_2358 : vector<16xf32>
      %mul3A_2360 = arith.mulf %get3A_2358, %get3A_2358 : vector<16xf32>
      %add3A_2361 = arith.addf %add3A_2353, %mul3A_2360 : vector<16xf32>
      %add3A_2362 = arith.constant 23 : i32
      %add3A_2363 = arith.addi %add3A_2181, %add3A_2362 : i32
      %get3A_2364 = arith.index_cast %add3A_2363 : i32 to index
      %get3A_2365 = arith.constant 0 : index
      %get3A_2366 = tpu.vector_load %arg10[%get3A_2364, %get3A_2365] {strides = array<i32>} : memref<3328x16xf32, #tpu.memory_space<vmem>>, vector<16xf32>,
      %add3A_2367 = arith.addf %add3A_2359, %get3A_2366 : vector<16xf32>
      %mul3A_2368 = arith.mulf %get3A_2366, %get3A_2366 : vector<16xf32>
      %add3A_2369 = arith.addf %add3A_2361, %mul3A_2368 : vector<16xf32>
      %add3A_2370 = arith.constant 24 : i32
      %add3A_2371 = arith.addi %add3A_2181, %add3A_2370 : i32
      %get3A_2372 = arith.index_cast %add3A_2371 : i32 to index
      %get3A_2373 = arith.constant 0 : index
      %get3A_2374 = tpu.vector_load %arg10[%get3A_2372, %get3A_2373] {strides = array<i32>} : memref<3328x16xf32, #tpu.memory_space<vmem>>, vector<16xf32>,
      %add3A_2375 = arith.addf %add3A_2367, %get3A_2374 : vector<16xf32>
      %mul3A_2376 = arith.mulf %get3A_2374, %get3A_2374 : vector<16xf32>
      %add3A_2377 = arith.addf %add3A_2369, %mul3A_2376 : vector<16xf32>
      %add3A_2378 = arith.constant 25 : i32
      %add3A_2379 = arith.addi %add3A_2181, %add3A_2378 : i32
      %get3A_2380 = arith.index_cast %add3A_2379 : i32 to index
      %get3A_2381 = arith.constant 0 : index
      %get3A_2382 = tpu.vector_load %arg10[%get3A_2380, %get3A_2381] {strides = array<i32>} : memref<3328x16xf32, #tpu.memory_space<vmem>>, vector<16xf32>,
      %add3A_2383 = arith.addf %add3A_2375, %get3A_2382 : vector<16xf32>
      %mul3A_2384 = arith.mulf %get3A_2382, %get3A_2382 : vector<16xf32>
      %add3A_2385 = arith.addf %add3A_2377, %mul3A_2384 : vector<16xf32>
      %mul3A_2386 = arith.mulf %add3A_2383, %add3A_2383 : vector<16xf32>
      %sub3A_2387 = arith.subf %mul3A_2386, %add3A_2385 : vector<16xf32>
      %reduce_sum3A_2388 = arith.constant true
      %reduce_sum3A_2389 = vector.broadcast %reduce_sum3A_2388 : i1 to vector<16xi1>
      %reduce_sum3A_2390 = tpu.scan <sum>, %sub3A_2387 masked %reduce_sum3A_2389 : vector<16xf32>, vector<16xi1> -> vector<16xf32>
      %reduce_sum3A_2391 = vector.extract %reduce_sum3A_2390[15] : f32 from vector<16xf32>
      %mul3A_2392 = arith.constant 5.000000e-01 : f32
      %mul3A_2393 = arith.mulf %mul3A_2392, %reduce_sum3A_2391 : f32
      %eq3A_2394 = arith.constant 9 : i32
      %eq3A_2395 = vector.broadcast %eq3A_2394 : i32 to vector<16xi32>
      %eq3A_2396 = arith.cmpi eq, %iota3A, %eq3A_2395 : vector<16xi32>
      %broadcast_in_dim3A_2397 = vector.broadcast %mul3A_2393 : f32 to vector<16xf32>
      %select_n3A_2398 = arith.select %eq3A_2396, %broadcast_in_dim3A_2397, %select_n3A_2179 : vector<16xi1>, vector<16xf32>
      %add3A_2399 = arith.constant 260 : i32
      %add3A_2400 = arith.addi %mul3A_211, %add3A_2399 : i32
      %get3A_2401 = arith.index_cast %add3A_2400 : i32 to index
      %get3A_2402 = arith.constant 0 : index
      %get3A_2403 = tpu.vector_load %arg10[%get3A_2401, %get3A_2402] {strides = array<i32>} : memref<3328x16xf32, #tpu.memory_space<vmem>>, vector<16xf32>,
      %mul3A_2404 = arith.mulf %get3A_2403, %get3A_2403 : vector<16xf32>
      %add3A_2405 = arith.constant 1 : i32
      %add3A_2406 = arith.addi %add3A_2400, %add3A_2405 : i32
      %get3A_2407 = arith.index_cast %add3A_2406 : i32 to index
      %get3A_2408 = arith.constant 0 : index
      %get3A_2409 = tpu.vector_load %arg10[%get3A_2407, %get3A_2408] {strides = array<i32>} : memref<3328x16xf32, #tpu.memory_space<vmem>>, vector<16xf32>,
      %add3A_2410 = arith.addf %get3A_2403, %get3A_2409 : vector<16xf32>
      %mul3A_2411 = arith.mulf %get3A_2409, %get3A_2409 : vector<16xf32>
      %add3A_2412 = arith.addf %mul3A_2404, %mul3A_2411 : vector<16xf32>
      %add3A_2413 = arith.constant 2 : i32
      %add3A_2414 = arith.addi %add3A_2400, %add3A_2413 : i32
      %get3A_2415 = arith.index_cast %add3A_2414 : i32 to index
      %get3A_2416 = arith.constant 0 : index
      %get3A_2417 = tpu.vector_load %arg10[%get3A_2415, %get3A_2416] {strides = array<i32>} : memref<3328x16xf32, #tpu.memory_space<vmem>>, vector<16xf32>,
      %add3A_2418 = arith.addf %add3A_2410, %get3A_2417 : vector<16xf32>
      %mul3A_2419 = arith.mulf %get3A_2417, %get3A_2417 : vector<16xf32>
      %add3A_2420 = arith.addf %add3A_2412, %mul3A_2419 : vector<16xf32>
      %add3A_2421 = arith.constant 3 : i32
      %add3A_2422 = arith.addi %add3A_2400, %add3A_2421 : i32
      %get3A_2423 = arith.index_cast %add3A_2422 : i32 to index
      %get3A_2424 = arith.constant 0 : index
      %get3A_2425 = tpu.vector_load %arg10[%get3A_2423, %get3A_2424] {strides = array<i32>} : memref<3328x16xf32, #tpu.memory_space<vmem>>, vector<16xf32>,
      %add3A_2426 = arith.addf %add3A_2418, %get3A_2425 : vector<16xf32>
      %mul3A_2427 = arith.mulf %get3A_2425, %get3A_2425 : vector<16xf32>
      %add3A_2428 = arith.addf %add3A_2420, %mul3A_2427 : vector<16xf32>
      %add3A_2429 = arith.constant 4 : i32
      %add3A_2430 = arith.addi %add3A_2400, %add3A_2429 : i32
      %get3A_2431 = arith.index_cast %add3A_2430 : i32 to index
      %get3A_2432 = arith.constant 0 : index
      %get3A_2433 = tpu.vector_load %arg10[%get3A_2431, %get3A_2432] {strides = array<i32>} : memref<3328x16xf32, #tpu.memory_space<vmem>>, vector<16xf32>,
      %add3A_2434 = arith.addf %add3A_2426, %get3A_2433 : vector<16xf32>
      %mul3A_2435 = arith.mulf %get3A_2433, %get3A_2433 : vector<16xf32>
      %add3A_2436 = arith.addf %add3A_2428, %mul3A_2435 : vector<16xf32>
      %add3A_2437 = arith.constant 5 : i32
      %add3A_2438 = arith.addi %add3A_2400, %add3A_2437 : i32
      %get3A_2439 = arith.index_cast %add3A_2438 : i32 to index
      %get3A_2440 = arith.constant 0 : index
      %get3A_2441 = tpu.vector_load %arg10[%get3A_2439, %get3A_2440] {strides = array<i32>} : memref<3328x16xf32, #tpu.memory_space<vmem>>, vector<16xf32>,
      %add3A_2442 = arith.addf %add3A_2434, %get3A_2441 : vector<16xf32>
      %mul3A_2443 = arith.mulf %get3A_2441, %get3A_2441 : vector<16xf32>
      %add3A_2444 = arith.addf %add3A_2436, %mul3A_2443 : vector<16xf32>
      %add3A_2445 = arith.constant 6 : i32
      %add3A_2446 = arith.addi %add3A_2400, %add3A_2445 : i32
      %get3A_2447 = arith.index_cast %add3A_2446 : i32 to index
      %get3A_2448 = arith.constant 0 : index
      %get3A_2449 = tpu.vector_load %arg10[%get3A_2447, %get3A_2448] {strides = array<i32>} : memref<3328x16xf32, #tpu.memory_space<vmem>>, vector<16xf32>,
      %add3A_2450 = arith.addf %add3A_2442, %get3A_2449 : vector<16xf32>
      %mul3A_2451 = arith.mulf %get3A_2449, %get3A_2449 : vector<16xf32>
      %add3A_2452 = arith.addf %add3A_2444, %mul3A_2451 : vector<16xf32>
      %add3A_2453 = arith.constant 7 : i32
      %add3A_2454 = arith.addi %add3A_2400, %add3A_2453 : i32
      %get3A_2455 = arith.index_cast %add3A_2454 : i32 to index
      %get3A_2456 = arith.constant 0 : index
      %get3A_2457 = tpu.vector_load %arg10[%get3A_2455, %get3A_2456] {strides = array<i32>} : memref<3328x16xf32, #tpu.memory_space<vmem>>, vector<16xf32>,
      %add3A_2458 = arith.addf %add3A_2450, %get3A_2457 : vector<16xf32>
      %mul3A_2459 = arith.mulf %get3A_2457, %get3A_2457 : vector<16xf32>
      %add3A_2460 = arith.addf %add3A_2452, %mul3A_2459 : vector<16xf32>
      %add3A_2461 = arith.constant 8 : i32
      %add3A_2462 = arith.addi %add3A_2400, %add3A_2461 : i32
      %get3A_2463 = arith.index_cast %add3A_2462 : i32 to index
      %get3A_2464 = arith.constant 0 : index
      %get3A_2465 = tpu.vector_load %arg10[%get3A_2463, %get3A_2464] {strides = array<i32>} : memref<3328x16xf32, #tpu.memory_space<vmem>>, vector<16xf32>,
      %add3A_2466 = arith.addf %add3A_2458, %get3A_2465 : vector<16xf32>
      %mul3A_2467 = arith.mulf %get3A_2465, %get3A_2465 : vector<16xf32>
      %add3A_2468 = arith.addf %add3A_2460, %mul3A_2467 : vector<16xf32>
      %add3A_2469 = arith.constant 9 : i32
      %add3A_2470 = arith.addi %add3A_2400, %add3A_2469 : i32
      %get3A_2471 = arith.index_cast %add3A_2470 : i32 to index
      %get3A_2472 = arith.constant 0 : index
      %get3A_2473 = tpu.vector_load %arg10[%get3A_2471, %get3A_2472] {strides = array<i32>} : memref<3328x16xf32, #tpu.memory_space<vmem>>, vector<16xf32>,
      %add3A_2474 = arith.addf %add3A_2466, %get3A_2473 : vector<16xf32>
      %mul3A_2475 = arith.mulf %get3A_2473, %get3A_2473 : vector<16xf32>
      %add3A_2476 = arith.addf %add3A_2468, %mul3A_2475 : vector<16xf32>
      %add3A_2477 = arith.constant 10 : i32
      %add3A_2478 = arith.addi %add3A_2400, %add3A_2477 : i32
      %get3A_2479 = arith.index_cast %add3A_2478 : i32 to index
      %get3A_2480 = arith.constant 0 : index
      %get3A_2481 = tpu.vector_load %arg10[%get3A_2479, %get3A_2480] {strides = array<i32>} : memref<3328x16xf32, #tpu.memory_space<vmem>>, vector<16xf32>,
      %add3A_2482 = arith.addf %add3A_2474, %get3A_2481 : vector<16xf32>
      %mul3A_2483 = arith.mulf %get3A_2481, %get3A_2481 : vector<16xf32>
      %add3A_2484 = arith.addf %add3A_2476, %mul3A_2483 : vector<16xf32>
      %add3A_2485 = arith.constant 11 : i32
      %add3A_2486 = arith.addi %add3A_2400, %add3A_2485 : i32
      %get3A_2487 = arith.index_cast %add3A_2486 : i32 to index
      %get3A_2488 = arith.constant 0 : index
      %get3A_2489 = tpu.vector_load %arg10[%get3A_2487, %get3A_2488] {strides = array<i32>} : memref<3328x16xf32, #tpu.memory_space<vmem>>, vector<16xf32>,
      %add3A_2490 = arith.addf %add3A_2482, %get3A_2489 : vector<16xf32>
      %mul3A_2491 = arith.mulf %get3A_2489, %get3A_2489 : vector<16xf32>
      %add3A_2492 = arith.addf %add3A_2484, %mul3A_2491 : vector<16xf32>
      %add3A_2493 = arith.constant 12 : i32
      %add3A_2494 = arith.addi %add3A_2400, %add3A_2493 : i32
      %get3A_2495 = arith.index_cast %add3A_2494 : i32 to index
      %get3A_2496 = arith.constant 0 : index
      %get3A_2497 = tpu.vector_load %arg10[%get3A_2495, %get3A_2496] {strides = array<i32>} : memref<3328x16xf32, #tpu.memory_space<vmem>>, vector<16xf32>,
      %add3A_2498 = arith.addf %add3A_2490, %get3A_2497 : vector<16xf32>
      %mul3A_2499 = arith.mulf %get3A_2497, %get3A_2497 : vector<16xf32>
      %add3A_2500 = arith.addf %add3A_2492, %mul3A_2499 : vector<16xf32>
      %add3A_2501 = arith.constant 13 : i32
      %add3A_2502 = arith.addi %add3A_2400, %add3A_2501 : i32
      %get3A_2503 = arith.index_cast %add3A_2502 : i32 to index
      %get3A_2504 = arith.constant 0 : index
      %get3A_2505 = tpu.vector_load %arg10[%get3A_2503, %get3A_2504] {strides = array<i32>} : memref<3328x16xf32, #tpu.memory_space<vmem>>, vector<16xf32>,
      %add3A_2506 = arith.addf %add3A_2498, %get3A_2505 : vector<16xf32>
      %mul3A_2507 = arith.mulf %get3A_2505, %get3A_2505 : vector<16xf32>
      %add3A_2508 = arith.addf %add3A_2500, %mul3A_2507 : vector<16xf32>
      %add3A_2509 = arith.constant 14 : i32
      %add3A_2510 = arith.addi %add3A_2400, %add3A_2509 : i32
      %get3A_2511 = arith.index_cast %add3A_2510 : i32 to index
      %get3A_2512 = arith.constant 0 : index
      %get3A_2513 = tpu.vector_load %arg10[%get3A_2511, %get3A_2512] {strides = array<i32>} : memref<3328x16xf32, #tpu.memory_space<vmem>>, vector<16xf32>,
      %add3A_2514 = arith.addf %add3A_2506, %get3A_2513 : vector<16xf32>
      %mul3A_2515 = arith.mulf %get3A_2513, %get3A_2513 : vector<16xf32>
      %add3A_2516 = arith.addf %add3A_2508, %mul3A_2515 : vector<16xf32>
      %add3A_2517 = arith.constant 15 : i32
      %add3A_2518 = arith.addi %add3A_2400, %add3A_2517 : i32
      %get3A_2519 = arith.index_cast %add3A_2518 : i32 to index
      %get3A_2520 = arith.constant 0 : index
      %get3A_2521 = tpu.vector_load %arg10[%get3A_2519, %get3A_2520] {strides = array<i32>} : memref<3328x16xf32, #tpu.memory_space<vmem>>, vector<16xf32>,
      %add3A_2522 = arith.addf %add3A_2514, %get3A_2521 : vector<16xf32>
      %mul3A_2523 = arith.mulf %get3A_2521, %get3A_2521 : vector<16xf32>
      %add3A_2524 = arith.addf %add3A_2516, %mul3A_2523 : vector<16xf32>
      %add3A_2525 = arith.constant 16 : i32
      %add3A_2526 = arith.addi %add3A_2400, %add3A_2525 : i32
      %get3A_2527 = arith.index_cast %add3A_2526 : i32 to index
      %get3A_2528 = arith.constant 0 : index
      %get3A_2529 = tpu.vector_load %arg10[%get3A_2527, %get3A_2528] {strides = array<i32>} : memref<3328x16xf32, #tpu.memory_space<vmem>>, vector<16xf32>,
      %add3A_2530 = arith.addf %add3A_2522, %get3A_2529 : vector<16xf32>
      %mul3A_2531 = arith.mulf %get3A_2529, %get3A_2529 : vector<16xf32>
      %add3A_2532 = arith.addf %add3A_2524, %mul3A_2531 : vector<16xf32>
      %add3A_2533 = arith.constant 17 : i32
      %add3A_2534 = arith.addi %add3A_2400, %add3A_2533 : i32
      %get3A_2535 = arith.index_cast %add3A_2534 : i32 to index
      %get3A_2536 = arith.constant 0 : index
      %get3A_2537 = tpu.vector_load %arg10[%get3A_2535, %get3A_2536] {strides = array<i32>} : memref<3328x16xf32, #tpu.memory_space<vmem>>, vector<16xf32>,
      %add3A_2538 = arith.addf %add3A_2530, %get3A_2537 : vector<16xf32>
      %mul3A_2539 = arith.mulf %get3A_2537, %get3A_2537 : vector<16xf32>
      %add3A_2540 = arith.addf %add3A_2532, %mul3A_2539 : vector<16xf32>
      %add3A_2541 = arith.constant 18 : i32
      %add3A_2542 = arith.addi %add3A_2400, %add3A_2541 : i32
      %get3A_2543 = arith.index_cast %add3A_2542 : i32 to index
      %get3A_2544 = arith.constant 0 : index
      %get3A_2545 = tpu.vector_load %arg10[%get3A_2543, %get3A_2544] {strides = array<i32>} : memref<3328x16xf32, #tpu.memory_space<vmem>>, vector<16xf32>,
      %add3A_2546 = arith.addf %add3A_2538, %get3A_2545 : vector<16xf32>
      %mul3A_2547 = arith.mulf %get3A_2545, %get3A_2545 : vector<16xf32>
      %add3A_2548 = arith.addf %add3A_2540, %mul3A_2547 : vector<16xf32>
      %add3A_2549 = arith.constant 19 : i32
      %add3A_2550 = arith.addi %add3A_2400, %add3A_2549 : i32
      %get3A_2551 = arith.index_cast %add3A_2550 : i32 to index
      %get3A_2552 = arith.constant 0 : index
      %get3A_2553 = tpu.vector_load %arg10[%get3A_2551, %get3A_2552] {strides = array<i32>} : memref<3328x16xf32, #tpu.memory_space<vmem>>, vector<16xf32>,
      %add3A_2554 = arith.addf %add3A_2546, %get3A_2553 : vector<16xf32>
      %mul3A_2555 = arith.mulf %get3A_2553, %get3A_2553 : vector<16xf32>
      %add3A_2556 = arith.addf %add3A_2548, %mul3A_2555 : vector<16xf32>
      %add3A_2557 = arith.constant 20 : i32
      %add3A_2558 = arith.addi %add3A_2400, %add3A_2557 : i32
      %get3A_2559 = arith.index_cast %add3A_2558 : i32 to index
      %get3A_2560 = arith.constant 0 : index
      %get3A_2561 = tpu.vector_load %arg10[%get3A_2559, %get3A_2560] {strides = array<i32>} : memref<3328x16xf32, #tpu.memory_space<vmem>>, vector<16xf32>,
      %add3A_2562 = arith.addf %add3A_2554, %get3A_2561 : vector<16xf32>
      %mul3A_2563 = arith.mulf %get3A_2561, %get3A_2561 : vector<16xf32>
      %add3A_2564 = arith.addf %add3A_2556, %mul3A_2563 : vector<16xf32>
      %add3A_2565 = arith.constant 21 : i32
      %add3A_2566 = arith.addi %add3A_2400, %add3A_2565 : i32
      %get3A_2567 = arith.index_cast %add3A_2566 : i32 to index
      %get3A_2568 = arith.constant 0 : index
      %get3A_2569 = tpu.vector_load %arg10[%get3A_2567, %get3A_2568] {strides = array<i32>} : memref<3328x16xf32, #tpu.memory_space<vmem>>, vector<16xf32>,
      %add3A_2570 = arith.addf %add3A_2562, %get3A_2569 : vector<16xf32>
      %mul3A_2571 = arith.mulf %get3A_2569, %get3A_2569 : vector<16xf32>
      %add3A_2572 = arith.addf %add3A_2564, %mul3A_2571 : vector<16xf32>
      %add3A_2573 = arith.constant 22 : i32
      %add3A_2574 = arith.addi %add3A_2400, %add3A_2573 : i32
      %get3A_2575 = arith.index_cast %add3A_2574 : i32 to index
      %get3A_2576 = arith.constant 0 : index
      %get3A_2577 = tpu.vector_load %arg10[%get3A_2575, %get3A_2576] {strides = array<i32>} : memref<3328x16xf32, #tpu.memory_space<vmem>>, vector<16xf32>,
      %add3A_2578 = arith.addf %add3A_2570, %get3A_2577 : vector<16xf32>
      %mul3A_2579 = arith.mulf %get3A_2577, %get3A_2577 : vector<16xf32>
      %add3A_2580 = arith.addf %add3A_2572, %mul3A_2579 : vector<16xf32>
      %add3A_2581 = arith.constant 23 : i32
      %add3A_2582 = arith.addi %add3A_2400, %add3A_2581 : i32
      %get3A_2583 = arith.index_cast %add3A_2582 : i32 to index
      %get3A_2584 = arith.constant 0 : index
      %get3A_2585 = tpu.vector_load %arg10[%get3A_2583, %get3A_2584] {strides = array<i32>} : memref<3328x16xf32, #tpu.memory_space<vmem>>, vector<16xf32>,
      %add3A_2586 = arith.addf %add3A_2578, %get3A_2585 : vector<16xf32>
      %mul3A_2587 = arith.mulf %get3A_2585, %get3A_2585 : vector<16xf32>
      %add3A_2588 = arith.addf %add3A_2580, %mul3A_2587 : vector<16xf32>
      %add3A_2589 = arith.constant 24 : i32
      %add3A_2590 = arith.addi %add3A_2400, %add3A_2589 : i32
      %get3A_2591 = arith.index_cast %add3A_2590 : i32 to index
      %get3A_2592 = arith.constant 0 : index
      %get3A_2593 = tpu.vector_load %arg10[%get3A_2591, %get3A_2592] {strides = array<i32>} : memref<3328x16xf32, #tpu.memory_space<vmem>>, vector<16xf32>,
      %add3A_2594 = arith.addf %add3A_2586, %get3A_2593 : vector<16xf32>
      %mul3A_2595 = arith.mulf %get3A_2593, %get3A_2593 : vector<16xf32>
      %add3A_2596 = arith.addf %add3A_2588, %mul3A_2595 : vector<16xf32>
      %add3A_2597 = arith.constant 25 : i32
      %add3A_2598 = arith.addi %add3A_2400, %add3A_2597 : i32
      %get3A_2599 = arith.index_cast %add3A_2598 : i32 to index
      %get3A_2600 = arith.constant 0 : index
      %get3A_2601 = tpu.vector_load %arg10[%get3A_2599, %get3A_2600] {strides = array<i32>} : memref<3328x16xf32, #tpu.memory_space<vmem>>, vector<16xf32>,
      %add3A_2602 = arith.addf %add3A_2594, %get3A_2601 : vector<16xf32>
      %mul3A_2603 = arith.mulf %get3A_2601, %get3A_2601 : vector<16xf32>
      %add3A_2604 = arith.addf %add3A_2596, %mul3A_2603 : vector<16xf32>
      %mul3A_2605 = arith.mulf %add3A_2602, %add3A_2602 : vector<16xf32>
      %sub3A_2606 = arith.subf %mul3A_2605, %add3A_2604 : vector<16xf32>
      %reduce_sum3A_2607 = arith.constant true
      %reduce_sum3A_2608 = vector.broadcast %reduce_sum3A_2607 : i1 to vector<16xi1>
      %reduce_sum3A_2609 = tpu.scan <sum>, %sub3A_2606 masked %reduce_sum3A_2608 : vector<16xf32>, vector<16xi1> -> vector<16xf32>
      %reduce_sum3A_2610 = vector.extract %reduce_sum3A_2609[15] : f32 from vector<16xf32>
      %mul3A_2611 = arith.constant 5.000000e-01 : f32
      %mul3A_2612 = arith.mulf %mul3A_2611, %reduce_sum3A_2610 : f32
      %eq3A_2613 = arith.constant 10 : i32
      %eq3A_2614 = vector.broadcast %eq3A_2613 : i32 to vector<16xi32>
      %eq3A_2615 = arith.cmpi eq, %iota3A, %eq3A_2614 : vector<16xi32>
      %broadcast_in_dim3A_2616 = vector.broadcast %mul3A_2612 : f32 to vector<16xf32>
      %select_n3A_2617 = arith.select %eq3A_2615, %broadcast_in_dim3A_2616, %select_n3A_2398 : vector<16xi1>, vector<16xf32>
      %add3A_2618 = arith.constant 286 : i32
      %add3A_2619 = arith.addi %mul3A_211, %add3A_2618 : i32
      %get3A_2620 = arith.index_cast %add3A_2619 : i32 to index
      %get3A_2621 = arith.constant 0 : index
      %get3A_2622 = tpu.vector_load %arg10[%get3A_2620, %get3A_2621] {strides = array<i32>} : memref<3328x16xf32, #tpu.memory_space<vmem>>, vector<16xf32>,
      %mul3A_2623 = arith.mulf %get3A_2622, %get3A_2622 : vector<16xf32>
      %add3A_2624 = arith.constant 1 : i32
      %add3A_2625 = arith.addi %add3A_2619, %add3A_2624 : i32
      %get3A_2626 = arith.index_cast %add3A_2625 : i32 to index
      %get3A_2627 = arith.constant 0 : index
      %get3A_2628 = tpu.vector_load %arg10[%get3A_2626, %get3A_2627] {strides = array<i32>} : memref<3328x16xf32, #tpu.memory_space<vmem>>, vector<16xf32>,
      %add3A_2629 = arith.addf %get3A_2622, %get3A_2628 : vector<16xf32>
      %mul3A_2630 = arith.mulf %get3A_2628, %get3A_2628 : vector<16xf32>
      %add3A_2631 = arith.addf %mul3A_2623, %mul3A_2630 : vector<16xf32>
      %add3A_2632 = arith.constant 2 : i32
      %add3A_2633 = arith.addi %add3A_2619, %add3A_2632 : i32
      %get3A_2634 = arith.index_cast %add3A_2633 : i32 to index
      %get3A_2635 = arith.constant 0 : index
      %get3A_2636 = tpu.vector_load %arg10[%get3A_2634, %get3A_2635] {strides = array<i32>} : memref<3328x16xf32, #tpu.memory_space<vmem>>, vector<16xf32>,
      %add3A_2637 = arith.addf %add3A_2629, %get3A_2636 : vector<16xf32>
      %mul3A_2638 = arith.mulf %get3A_2636, %get3A_2636 : vector<16xf32>
      %add3A_2639 = arith.addf %add3A_2631, %mul3A_2638 : vector<16xf32>
      %add3A_2640 = arith.constant 3 : i32
      %add3A_2641 = arith.addi %add3A_2619, %add3A_2640 : i32
      %get3A_2642 = arith.index_cast %add3A_2641 : i32 to index
      %get3A_2643 = arith.constant 0 : index
      %get3A_2644 = tpu.vector_load %arg10[%get3A_2642, %get3A_2643] {strides = array<i32>} : memref<3328x16xf32, #tpu.memory_space<vmem>>, vector<16xf32>,
      %add3A_2645 = arith.addf %add3A_2637, %get3A_2644 : vector<16xf32>
      %mul3A_2646 = arith.mulf %get3A_2644, %get3A_2644 : vector<16xf32>
      %add3A_2647 = arith.addf %add3A_2639, %mul3A_2646 : vector<16xf32>
      %add3A_2648 = arith.constant 4 : i32
      %add3A_2649 = arith.addi %add3A_2619, %add3A_2648 : i32
      %get3A_2650 = arith.index_cast %add3A_2649 : i32 to index
      %get3A_2651 = arith.constant 0 : index
      %get3A_2652 = tpu.vector_load %arg10[%get3A_2650, %get3A_2651] {strides = array<i32>} : memref<3328x16xf32, #tpu.memory_space<vmem>>, vector<16xf32>,
      %add3A_2653 = arith.addf %add3A_2645, %get3A_2652 : vector<16xf32>
      %mul3A_2654 = arith.mulf %get3A_2652, %get3A_2652 : vector<16xf32>
      %add3A_2655 = arith.addf %add3A_2647, %mul3A_2654 : vector<16xf32>
      %add3A_2656 = arith.constant 5 : i32
      %add3A_2657 = arith.addi %add3A_2619, %add3A_2656 : i32
      %get3A_2658 = arith.index_cast %add3A_2657 : i32 to index
      %get3A_2659 = arith.constant 0 : index
      %get3A_2660 = tpu.vector_load %arg10[%get3A_2658, %get3A_2659] {strides = array<i32>} : memref<3328x16xf32, #tpu.memory_space<vmem>>, vector<16xf32>,
      %add3A_2661 = arith.addf %add3A_2653, %get3A_2660 : vector<16xf32>
      %mul3A_2662 = arith.mulf %get3A_2660, %get3A_2660 : vector<16xf32>
      %add3A_2663 = arith.addf %add3A_2655, %mul3A_2662 : vector<16xf32>
      %add3A_2664 = arith.constant 6 : i32
      %add3A_2665 = arith.addi %add3A_2619, %add3A_2664 : i32
      %get3A_2666 = arith.index_cast %add3A_2665 : i32 to index
      %get3A_2667 = arith.constant 0 : index
      %get3A_2668 = tpu.vector_load %arg10[%get3A_2666, %get3A_2667] {strides = array<i32>} : memref<3328x16xf32, #tpu.memory_space<vmem>>, vector<16xf32>,
      %add3A_2669 = arith.addf %add3A_2661, %get3A_2668 : vector<16xf32>
      %mul3A_2670 = arith.mulf %get3A_2668, %get3A_2668 : vector<16xf32>
      %add3A_2671 = arith.addf %add3A_2663, %mul3A_2670 : vector<16xf32>
      %add3A_2672 = arith.constant 7 : i32
      %add3A_2673 = arith.addi %add3A_2619, %add3A_2672 : i32
      %get3A_2674 = arith.index_cast %add3A_2673 : i32 to index
      %get3A_2675 = arith.constant 0 : index
      %get3A_2676 = tpu.vector_load %arg10[%get3A_2674, %get3A_2675] {strides = array<i32>} : memref<3328x16xf32, #tpu.memory_space<vmem>>, vector<16xf32>,
      %add3A_2677 = arith.addf %add3A_2669, %get3A_2676 : vector<16xf32>
      %mul3A_2678 = arith.mulf %get3A_2676, %get3A_2676 : vector<16xf32>
      %add3A_2679 = arith.addf %add3A_2671, %mul3A_2678 : vector<16xf32>
      %add3A_2680 = arith.constant 8 : i32
      %add3A_2681 = arith.addi %add3A_2619, %add3A_2680 : i32
      %get3A_2682 = arith.index_cast %add3A_2681 : i32 to index
      %get3A_2683 = arith.constant 0 : index
      %get3A_2684 = tpu.vector_load %arg10[%get3A_2682, %get3A_2683] {strides = array<i32>} : memref<3328x16xf32, #tpu.memory_space<vmem>>, vector<16xf32>,
      %add3A_2685 = arith.addf %add3A_2677, %get3A_2684 : vector<16xf32>
      %mul3A_2686 = arith.mulf %get3A_2684, %get3A_2684 : vector<16xf32>
      %add3A_2687 = arith.addf %add3A_2679, %mul3A_2686 : vector<16xf32>
      %add3A_2688 = arith.constant 9 : i32
      %add3A_2689 = arith.addi %add3A_2619, %add3A_2688 : i32
      %get3A_2690 = arith.index_cast %add3A_2689 : i32 to index
      %get3A_2691 = arith.constant 0 : index
      %get3A_2692 = tpu.vector_load %arg10[%get3A_2690, %get3A_2691] {strides = array<i32>} : memref<3328x16xf32, #tpu.memory_space<vmem>>, vector<16xf32>,
      %add3A_2693 = arith.addf %add3A_2685, %get3A_2692 : vector<16xf32>
      %mul3A_2694 = arith.mulf %get3A_2692, %get3A_2692 : vector<16xf32>
      %add3A_2695 = arith.addf %add3A_2687, %mul3A_2694 : vector<16xf32>
      %add3A_2696 = arith.constant 10 : i32
      %add3A_2697 = arith.addi %add3A_2619, %add3A_2696 : i32
      %get3A_2698 = arith.index_cast %add3A_2697 : i32 to index
      %get3A_2699 = arith.constant 0 : index
      %get3A_2700 = tpu.vector_load %arg10[%get3A_2698, %get3A_2699] {strides = array<i32>} : memref<3328x16xf32, #tpu.memory_space<vmem>>, vector<16xf32>,
      %add3A_2701 = arith.addf %add3A_2693, %get3A_2700 : vector<16xf32>
      %mul3A_2702 = arith.mulf %get3A_2700, %get3A_2700 : vector<16xf32>
      %add3A_2703 = arith.addf %add3A_2695, %mul3A_2702 : vector<16xf32>
      %add3A_2704 = arith.constant 11 : i32
      %add3A_2705 = arith.addi %add3A_2619, %add3A_2704 : i32
      %get3A_2706 = arith.index_cast %add3A_2705 : i32 to index
      %get3A_2707 = arith.constant 0 : index
      %get3A_2708 = tpu.vector_load %arg10[%get3A_2706, %get3A_2707] {strides = array<i32>} : memref<3328x16xf32, #tpu.memory_space<vmem>>, vector<16xf32>,
      %add3A_2709 = arith.addf %add3A_2701, %get3A_2708 : vector<16xf32>
      %mul3A_2710 = arith.mulf %get3A_2708, %get3A_2708 : vector<16xf32>
      %add3A_2711 = arith.addf %add3A_2703, %mul3A_2710 : vector<16xf32>
      %add3A_2712 = arith.constant 12 : i32
      %add3A_2713 = arith.addi %add3A_2619, %add3A_2712 : i32
      %get3A_2714 = arith.index_cast %add3A_2713 : i32 to index
      %get3A_2715 = arith.constant 0 : index
      %get3A_2716 = tpu.vector_load %arg10[%get3A_2714, %get3A_2715] {strides = array<i32>} : memref<3328x16xf32, #tpu.memory_space<vmem>>, vector<16xf32>,
      %add3A_2717 = arith.addf %add3A_2709, %get3A_2716 : vector<16xf32>
      %mul3A_2718 = arith.mulf %get3A_2716, %get3A_2716 : vector<16xf32>
      %add3A_2719 = arith.addf %add3A_2711, %mul3A_2718 : vector<16xf32>
      %add3A_2720 = arith.constant 13 : i32
      %add3A_2721 = arith.addi %add3A_2619, %add3A_2720 : i32
      %get3A_2722 = arith.index_cast %add3A_2721 : i32 to index
      %get3A_2723 = arith.constant 0 : index
      %get3A_2724 = tpu.vector_load %arg10[%get3A_2722, %get3A_2723] {strides = array<i32>} : memref<3328x16xf32, #tpu.memory_space<vmem>>, vector<16xf32>,
      %add3A_2725 = arith.addf %add3A_2717, %get3A_2724 : vector<16xf32>
      %mul3A_2726 = arith.mulf %get3A_2724, %get3A_2724 : vector<16xf32>
      %add3A_2727 = arith.addf %add3A_2719, %mul3A_2726 : vector<16xf32>
      %add3A_2728 = arith.constant 14 : i32
      %add3A_2729 = arith.addi %add3A_2619, %add3A_2728 : i32
      %get3A_2730 = arith.index_cast %add3A_2729 : i32 to index
      %get3A_2731 = arith.constant 0 : index
      %get3A_2732 = tpu.vector_load %arg10[%get3A_2730, %get3A_2731] {strides = array<i32>} : memref<3328x16xf32, #tpu.memory_space<vmem>>, vector<16xf32>,
      %add3A_2733 = arith.addf %add3A_2725, %get3A_2732 : vector<16xf32>
      %mul3A_2734 = arith.mulf %get3A_2732, %get3A_2732 : vector<16xf32>
      %add3A_2735 = arith.addf %add3A_2727, %mul3A_2734 : vector<16xf32>
      %add3A_2736 = arith.constant 15 : i32
      %add3A_2737 = arith.addi %add3A_2619, %add3A_2736 : i32
      %get3A_2738 = arith.index_cast %add3A_2737 : i32 to index
      %get3A_2739 = arith.constant 0 : index
      %get3A_2740 = tpu.vector_load %arg10[%get3A_2738, %get3A_2739] {strides = array<i32>} : memref<3328x16xf32, #tpu.memory_space<vmem>>, vector<16xf32>,
      %add3A_2741 = arith.addf %add3A_2733, %get3A_2740 : vector<16xf32>
      %mul3A_2742 = arith.mulf %get3A_2740, %get3A_2740 : vector<16xf32>
      %add3A_2743 = arith.addf %add3A_2735, %mul3A_2742 : vector<16xf32>
      %add3A_2744 = arith.constant 16 : i32
      %add3A_2745 = arith.addi %add3A_2619, %add3A_2744 : i32
      %get3A_2746 = arith.index_cast %add3A_2745 : i32 to index
      %get3A_2747 = arith.constant 0 : index
      %get3A_2748 = tpu.vector_load %arg10[%get3A_2746, %get3A_2747] {strides = array<i32>} : memref<3328x16xf32, #tpu.memory_space<vmem>>, vector<16xf32>,
      %add3A_2749 = arith.addf %add3A_2741, %get3A_2748 : vector<16xf32>
      %mul3A_2750 = arith.mulf %get3A_2748, %get3A_2748 : vector<16xf32>
      %add3A_2751 = arith.addf %add3A_2743, %mul3A_2750 : vector<16xf32>
      %add3A_2752 = arith.constant 17 : i32
      %add3A_2753 = arith.addi %add3A_2619, %add3A_2752 : i32
      %get3A_2754 = arith.index_cast %add3A_2753 : i32 to index
      %get3A_2755 = arith.constant 0 : index
      %get3A_2756 = tpu.vector_load %arg10[%get3A_2754, %get3A_2755] {strides = array<i32>} : memref<3328x16xf32, #tpu.memory_space<vmem>>, vector<16xf32>,
      %add3A_2757 = arith.addf %add3A_2749, %get3A_2756 : vector<16xf32>
      %mul3A_2758 = arith.mulf %get3A_2756, %get3A_2756 : vector<16xf32>
      %add3A_2759 = arith.addf %add3A_2751, %mul3A_2758 : vector<16xf32>
      %add3A_2760 = arith.constant 18 : i32
      %add3A_2761 = arith.addi %add3A_2619, %add3A_2760 : i32
      %get3A_2762 = arith.index_cast %add3A_2761 : i32 to index
      %get3A_2763 = arith.constant 0 : index
      %get3A_2764 = tpu.vector_load %arg10[%get3A_2762, %get3A_2763] {strides = array<i32>} : memref<3328x16xf32, #tpu.memory_space<vmem>>, vector<16xf32>,
      %add3A_2765 = arith.addf %add3A_2757, %get3A_2764 : vector<16xf32>
      %mul3A_2766 = arith.mulf %get3A_2764, %get3A_2764 : vector<16xf32>
      %add3A_2767 = arith.addf %add3A_2759, %mul3A_2766 : vector<16xf32>
      %add3A_2768 = arith.constant 19 : i32
      %add3A_2769 = arith.addi %add3A_2619, %add3A_2768 : i32
      %get3A_2770 = arith.index_cast %add3A_2769 : i32 to index
      %get3A_2771 = arith.constant 0 : index
      %get3A_2772 = tpu.vector_load %arg10[%get3A_2770, %get3A_2771] {strides = array<i32>} : memref<3328x16xf32, #tpu.memory_space<vmem>>, vector<16xf32>,
      %add3A_2773 = arith.addf %add3A_2765, %get3A_2772 : vector<16xf32>
      %mul3A_2774 = arith.mulf %get3A_2772, %get3A_2772 : vector<16xf32>
      %add3A_2775 = arith.addf %add3A_2767, %mul3A_2774 : vector<16xf32>
      %add3A_2776 = arith.constant 20 : i32
      %add3A_2777 = arith.addi %add3A_2619, %add3A_2776 : i32
      %get3A_2778 = arith.index_cast %add3A_2777 : i32 to index
      %get3A_2779 = arith.constant 0 : index
      %get3A_2780 = tpu.vector_load %arg10[%get3A_2778, %get3A_2779] {strides = array<i32>} : memref<3328x16xf32, #tpu.memory_space<vmem>>, vector<16xf32>,
      %add3A_2781 = arith.addf %add3A_2773, %get3A_2780 : vector<16xf32>
      %mul3A_2782 = arith.mulf %get3A_2780, %get3A_2780 : vector<16xf32>
      %add3A_2783 = arith.addf %add3A_2775, %mul3A_2782 : vector<16xf32>
      %add3A_2784 = arith.constant 21 : i32
      %add3A_2785 = arith.addi %add3A_2619, %add3A_2784 : i32
      %get3A_2786 = arith.index_cast %add3A_2785 : i32 to index
      %get3A_2787 = arith.constant 0 : index
      %get3A_2788 = tpu.vector_load %arg10[%get3A_2786, %get3A_2787] {strides = array<i32>} : memref<3328x16xf32, #tpu.memory_space<vmem>>, vector<16xf32>,
      %add3A_2789 = arith.addf %add3A_2781, %get3A_2788 : vector<16xf32>
      %mul3A_2790 = arith.mulf %get3A_2788, %get3A_2788 : vector<16xf32>
      %add3A_2791 = arith.addf %add3A_2783, %mul3A_2790 : vector<16xf32>
      %add3A_2792 = arith.constant 22 : i32
      %add3A_2793 = arith.addi %add3A_2619, %add3A_2792 : i32
      %get3A_2794 = arith.index_cast %add3A_2793 : i32 to index
      %get3A_2795 = arith.constant 0 : index
      %get3A_2796 = tpu.vector_load %arg10[%get3A_2794, %get3A_2795] {strides = array<i32>} : memref<3328x16xf32, #tpu.memory_space<vmem>>, vector<16xf32>,
      %add3A_2797 = arith.addf %add3A_2789, %get3A_2796 : vector<16xf32>
      %mul3A_2798 = arith.mulf %get3A_2796, %get3A_2796 : vector<16xf32>
      %add3A_2799 = arith.addf %add3A_2791, %mul3A_2798 : vector<16xf32>
      %add3A_2800 = arith.constant 23 : i32
      %add3A_2801 = arith.addi %add3A_2619, %add3A_2800 : i32
      %get3A_2802 = arith.index_cast %add3A_2801 : i32 to index
      %get3A_2803 = arith.constant 0 : index
      %get3A_2804 = tpu.vector_load %arg10[%get3A_2802, %get3A_2803] {strides = array<i32>} : memref<3328x16xf32, #tpu.memory_space<vmem>>, vector<16xf32>,
      %add3A_2805 = arith.addf %add3A_2797, %get3A_2804 : vector<16xf32>
      %mul3A_2806 = arith.mulf %get3A_2804, %get3A_2804 : vector<16xf32>
      %add3A_2807 = arith.addf %add3A_2799, %mul3A_2806 : vector<16xf32>
      %add3A_2808 = arith.constant 24 : i32
      %add3A_2809 = arith.addi %add3A_2619, %add3A_2808 : i32
      %get3A_2810 = arith.index_cast %add3A_2809 : i32 to index
      %get3A_2811 = arith.constant 0 : index
      %get3A_2812 = tpu.vector_load %arg10[%get3A_2810, %get3A_2811] {strides = array<i32>} : memref<3328x16xf32, #tpu.memory_space<vmem>>, vector<16xf32>,
      %add3A_2813 = arith.addf %add3A_2805, %get3A_2812 : vector<16xf32>
      %mul3A_2814 = arith.mulf %get3A_2812, %get3A_2812 : vector<16xf32>
      %add3A_2815 = arith.addf %add3A_2807, %mul3A_2814 : vector<16xf32>
      %add3A_2816 = arith.constant 25 : i32
      %add3A_2817 = arith.addi %add3A_2619, %add3A_2816 : i32
      %get3A_2818 = arith.index_cast %add3A_2817 : i32 to index
      %get3A_2819 = arith.constant 0 : index
      %get3A_2820 = tpu.vector_load %arg10[%get3A_2818, %get3A_2819] {strides = array<i32>} : memref<3328x16xf32, #tpu.memory_space<vmem>>, vector<16xf32>,
      %add3A_2821 = arith.addf %add3A_2813, %get3A_2820 : vector<16xf32>
      %mul3A_2822 = arith.mulf %get3A_2820, %get3A_2820 : vector<16xf32>
      %add3A_2823 = arith.addf %add3A_2815, %mul3A_2822 : vector<16xf32>
      %mul3A_2824 = arith.mulf %add3A_2821, %add3A_2821 : vector<16xf32>
      %sub3A_2825 = arith.subf %mul3A_2824, %add3A_2823 : vector<16xf32>
      %reduce_sum3A_2826 = arith.constant true
      %reduce_sum3A_2827 = vector.broadcast %reduce_sum3A_2826 : i1 to vector<16xi1>
      %reduce_sum3A_2828 = tpu.scan <sum>, %sub3A_2825 masked %reduce_sum3A_2827 : vector<16xf32>, vector<16xi1> -> vector<16xf32>
      %reduce_sum3A_2829 = vector.extract %reduce_sum3A_2828[15] : f32 from vector<16xf32>
      %mul3A_2830 = arith.constant 5.000000e-01 : f32
      %mul3A_2831 = arith.mulf %mul3A_2830, %reduce_sum3A_2829 : f32
      %eq3A_2832 = arith.constant 11 : i32
      %eq3A_2833 = vector.broadcast %eq3A_2832 : i32 to vector<16xi32>
      %eq3A_2834 = arith.cmpi eq, %iota3A, %eq3A_2833 : vector<16xi32>
      %broadcast_in_dim3A_2835 = vector.broadcast %mul3A_2831 : f32 to vector<16xf32>
      %select_n3A_2836 = arith.select %eq3A_2834, %broadcast_in_dim3A_2835, %select_n3A_2617 : vector<16xi1>, vector<16xf32>
      %add3A_2837 = arith.constant 312 : i32
      %add3A_2838 = arith.addi %mul3A_211, %add3A_2837 : i32
      %get3A_2839 = arith.index_cast %add3A_2838 : i32 to index
      %get3A_2840 = arith.constant 0 : index
      %get3A_2841 = tpu.vector_load %arg10[%get3A_2839, %get3A_2840] {strides = array<i32>} : memref<3328x16xf32, #tpu.memory_space<vmem>>, vector<16xf32>,
      %mul3A_2842 = arith.mulf %get3A_2841, %get3A_2841 : vector<16xf32>
      %add3A_2843 = arith.constant 1 : i32
      %add3A_2844 = arith.addi %add3A_2838, %add3A_2843 : i32
      %get3A_2845 = arith.index_cast %add3A_2844 : i32 to index
      %get3A_2846 = arith.constant 0 : index
      %get3A_2847 = tpu.vector_load %arg10[%get3A_2845, %get3A_2846] {strides = array<i32>} : memref<3328x16xf32, #tpu.memory_space<vmem>>, vector<16xf32>,
      %add3A_2848 = arith.addf %get3A_2841, %get3A_2847 : vector<16xf32>
      %mul3A_2849 = arith.mulf %get3A_2847, %get3A_2847 : vector<16xf32>
      %add3A_2850 = arith.addf %mul3A_2842, %mul3A_2849 : vector<16xf32>
      %add3A_2851 = arith.constant 2 : i32
      %add3A_2852 = arith.addi %add3A_2838, %add3A_2851 : i32
      %get3A_2853 = arith.index_cast %add3A_2852 : i32 to index
      %get3A_2854 = arith.constant 0 : index
      %get3A_2855 = tpu.vector_load %arg10[%get3A_2853, %get3A_2854] {strides = array<i32>} : memref<3328x16xf32, #tpu.memory_space<vmem>>, vector<16xf32>,
      %add3A_2856 = arith.addf %add3A_2848, %get3A_2855 : vector<16xf32>
      %mul3A_2857 = arith.mulf %get3A_2855, %get3A_2855 : vector<16xf32>
      %add3A_2858 = arith.addf %add3A_2850, %mul3A_2857 : vector<16xf32>
      %add3A_2859 = arith.constant 3 : i32
      %add3A_2860 = arith.addi %add3A_2838, %add3A_2859 : i32
      %get3A_2861 = arith.index_cast %add3A_2860 : i32 to index
      %get3A_2862 = arith.constant 0 : index
      %get3A_2863 = tpu.vector_load %arg10[%get3A_2861, %get3A_2862] {strides = array<i32>} : memref<3328x16xf32, #tpu.memory_space<vmem>>, vector<16xf32>,
      %add3A_2864 = arith.addf %add3A_2856, %get3A_2863 : vector<16xf32>
      %mul3A_2865 = arith.mulf %get3A_2863, %get3A_2863 : vector<16xf32>
      %add3A_2866 = arith.addf %add3A_2858, %mul3A_2865 : vector<16xf32>
      %add3A_2867 = arith.constant 4 : i32
      %add3A_2868 = arith.addi %add3A_2838, %add3A_2867 : i32
      %get3A_2869 = arith.index_cast %add3A_2868 : i32 to index
      %get3A_2870 = arith.constant 0 : index
      %get3A_2871 = tpu.vector_load %arg10[%get3A_2869, %get3A_2870] {strides = array<i32>} : memref<3328x16xf32, #tpu.memory_space<vmem>>, vector<16xf32>,
      %add3A_2872 = arith.addf %add3A_2864, %get3A_2871 : vector<16xf32>
      %mul3A_2873 = arith.mulf %get3A_2871, %get3A_2871 : vector<16xf32>
      %add3A_2874 = arith.addf %add3A_2866, %mul3A_2873 : vector<16xf32>
      %add3A_2875 = arith.constant 5 : i32
      %add3A_2876 = arith.addi %add3A_2838, %add3A_2875 : i32
      %get3A_2877 = arith.index_cast %add3A_2876 : i32 to index
      %get3A_2878 = arith.constant 0 : index
      %get3A_2879 = tpu.vector_load %arg10[%get3A_2877, %get3A_2878] {strides = array<i32>} : memref<3328x16xf32, #tpu.memory_space<vmem>>, vector<16xf32>,
      %add3A_2880 = arith.addf %add3A_2872, %get3A_2879 : vector<16xf32>
      %mul3A_2881 = arith.mulf %get3A_2879, %get3A_2879 : vector<16xf32>
      %add3A_2882 = arith.addf %add3A_2874, %mul3A_2881 : vector<16xf32>
      %add3A_2883 = arith.constant 6 : i32
      %add3A_2884 = arith.addi %add3A_2838, %add3A_2883 : i32
      %get3A_2885 = arith.index_cast %add3A_2884 : i32 to index
      %get3A_2886 = arith.constant 0 : index
      %get3A_2887 = tpu.vector_load %arg10[%get3A_2885, %get3A_2886] {strides = array<i32>} : memref<3328x16xf32, #tpu.memory_space<vmem>>, vector<16xf32>,
      %add3A_2888 = arith.addf %add3A_2880, %get3A_2887 : vector<16xf32>
      %mul3A_2889 = arith.mulf %get3A_2887, %get3A_2887 : vector<16xf32>
      %add3A_2890 = arith.addf %add3A_2882, %mul3A_2889 : vector<16xf32>
      %add3A_2891 = arith.constant 7 : i32
      %add3A_2892 = arith.addi %add3A_2838, %add3A_2891 : i32
      %get3A_2893 = arith.index_cast %add3A_2892 : i32 to index
      %get3A_2894 = arith.constant 0 : index
      %get3A_2895 = tpu.vector_load %arg10[%get3A_2893, %get3A_2894] {strides = array<i32>} : memref<3328x16xf32, #tpu.memory_space<vmem>>, vector<16xf32>,
      %add3A_2896 = arith.addf %add3A_2888, %get3A_2895 : vector<16xf32>
      %mul3A_2897 = arith.mulf %get3A_2895, %get3A_2895 : vector<16xf32>
      %add3A_2898 = arith.addf %add3A_2890, %mul3A_2897 : vector<16xf32>
      %add3A_2899 = arith.constant 8 : i32
      %add3A_2900 = arith.addi %add3A_2838, %add3A_2899 : i32
      %get3A_2901 = arith.index_cast %add3A_2900 : i32 to index
      %get3A_2902 = arith.constant 0 : index
      %get3A_2903 = tpu.vector_load %arg10[%get3A_2901, %get3A_2902] {strides = array<i32>} : memref<3328x16xf32, #tpu.memory_space<vmem>>, vector<16xf32>,
      %add3A_2904 = arith.addf %add3A_2896, %get3A_2903 : vector<16xf32>
      %mul3A_2905 = arith.mulf %get3A_2903, %get3A_2903 : vector<16xf32>
      %add3A_2906 = arith.addf %add3A_2898, %mul3A_2905 : vector<16xf32>
      %add3A_2907 = arith.constant 9 : i32
      %add3A_2908 = arith.addi %add3A_2838, %add3A_2907 : i32
      %get3A_2909 = arith.index_cast %add3A_2908 : i32 to index
      %get3A_2910 = arith.constant 0 : index
      %get3A_2911 = tpu.vector_load %arg10[%get3A_2909, %get3A_2910] {strides = array<i32>} : memref<3328x16xf32, #tpu.memory_space<vmem>>, vector<16xf32>,
      %add3A_2912 = arith.addf %add3A_2904, %get3A_2911 : vector<16xf32>
      %mul3A_2913 = arith.mulf %get3A_2911, %get3A_2911 : vector<16xf32>
      %add3A_2914 = arith.addf %add3A_2906, %mul3A_2913 : vector<16xf32>
      %add3A_2915 = arith.constant 10 : i32
      %add3A_2916 = arith.addi %add3A_2838, %add3A_2915 : i32
      %get3A_2917 = arith.index_cast %add3A_2916 : i32 to index
      %get3A_2918 = arith.constant 0 : index
      %get3A_2919 = tpu.vector_load %arg10[%get3A_2917, %get3A_2918] {strides = array<i32>} : memref<3328x16xf32, #tpu.memory_space<vmem>>, vector<16xf32>,
      %add3A_2920 = arith.addf %add3A_2912, %get3A_2919 : vector<16xf32>
      %mul3A_2921 = arith.mulf %get3A_2919, %get3A_2919 : vector<16xf32>
      %add3A_2922 = arith.addf %add3A_2914, %mul3A_2921 : vector<16xf32>
      %add3A_2923 = arith.constant 11 : i32
      %add3A_2924 = arith.addi %add3A_2838, %add3A_2923 : i32
      %get3A_2925 = arith.index_cast %add3A_2924 : i32 to index
      %get3A_2926 = arith.constant 0 : index
      %get3A_2927 = tpu.vector_load %arg10[%get3A_2925, %get3A_2926] {strides = array<i32>} : memref<3328x16xf32, #tpu.memory_space<vmem>>, vector<16xf32>,
      %add3A_2928 = arith.addf %add3A_2920, %get3A_2927 : vector<16xf32>
      %mul3A_2929 = arith.mulf %get3A_2927, %get3A_2927 : vector<16xf32>
      %add3A_2930 = arith.addf %add3A_2922, %mul3A_2929 : vector<16xf32>
      %add3A_2931 = arith.constant 12 : i32
      %add3A_2932 = arith.addi %add3A_2838, %add3A_2931 : i32
      %get3A_2933 = arith.index_cast %add3A_2932 : i32 to index
      %get3A_2934 = arith.constant 0 : index
      %get3A_2935 = tpu.vector_load %arg10[%get3A_2933, %get3A_2934] {strides = array<i32>} : memref<3328x16xf32, #tpu.memory_space<vmem>>, vector<16xf32>,
      %add3A_2936 = arith.addf %add3A_2928, %get3A_2935 : vector<16xf32>
      %mul3A_2937 = arith.mulf %get3A_2935, %get3A_2935 : vector<16xf32>
      %add3A_2938 = arith.addf %add3A_2930, %mul3A_2937 : vector<16xf32>
      %add3A_2939 = arith.constant 13 : i32
      %add3A_2940 = arith.addi %add3A_2838, %add3A_2939 : i32
      %get3A_2941 = arith.index_cast %add3A_2940 : i32 to index
      %get3A_2942 = arith.constant 0 : index
      %get3A_2943 = tpu.vector_load %arg10[%get3A_2941, %get3A_2942] {strides = array<i32>} : memref<3328x16xf32, #tpu.memory_space<vmem>>, vector<16xf32>,
      %add3A_2944 = arith.addf %add3A_2936, %get3A_2943 : vector<16xf32>
      %mul3A_2945 = arith.mulf %get3A_2943, %get3A_2943 : vector<16xf32>
      %add3A_2946 = arith.addf %add3A_2938, %mul3A_2945 : vector<16xf32>
      %add3A_2947 = arith.constant 14 : i32
      %add3A_2948 = arith.addi %add3A_2838, %add3A_2947 : i32
      %get3A_2949 = arith.index_cast %add3A_2948 : i32 to index
      %get3A_2950 = arith.constant 0 : index
      %get3A_2951 = tpu.vector_load %arg10[%get3A_2949, %get3A_2950] {strides = array<i32>} : memref<3328x16xf32, #tpu.memory_space<vmem>>, vector<16xf32>,
      %add3A_2952 = arith.addf %add3A_2944, %get3A_2951 : vector<16xf32>
      %mul3A_2953 = arith.mulf %get3A_2951, %get3A_2951 : vector<16xf32>
      %add3A_2954 = arith.addf %add3A_2946, %mul3A_2953 : vector<16xf32>
      %add3A_2955 = arith.constant 15 : i32
      %add3A_2956 = arith.addi %add3A_2838, %add3A_2955 : i32
      %get3A_2957 = arith.index_cast %add3A_2956 : i32 to index
      %get3A_2958 = arith.constant 0 : index
      %get3A_2959 = tpu.vector_load %arg10[%get3A_2957, %get3A_2958] {strides = array<i32>} : memref<3328x16xf32, #tpu.memory_space<vmem>>, vector<16xf32>,
      %add3A_2960 = arith.addf %add3A_2952, %get3A_2959 : vector<16xf32>
      %mul3A_2961 = arith.mulf %get3A_2959, %get3A_2959 : vector<16xf32>
      %add3A_2962 = arith.addf %add3A_2954, %mul3A_2961 : vector<16xf32>
      %add3A_2963 = arith.constant 16 : i32
      %add3A_2964 = arith.addi %add3A_2838, %add3A_2963 : i32
      %get3A_2965 = arith.index_cast %add3A_2964 : i32 to index
      %get3A_2966 = arith.constant 0 : index
      %get3A_2967 = tpu.vector_load %arg10[%get3A_2965, %get3A_2966] {strides = array<i32>} : memref<3328x16xf32, #tpu.memory_space<vmem>>, vector<16xf32>,
      %add3A_2968 = arith.addf %add3A_2960, %get3A_2967 : vector<16xf32>
      %mul3A_2969 = arith.mulf %get3A_2967, %get3A_2967 : vector<16xf32>
      %add3A_2970 = arith.addf %add3A_2962, %mul3A_2969 : vector<16xf32>
      %add3A_2971 = arith.constant 17 : i32
      %add3A_2972 = arith.addi %add3A_2838, %add3A_2971 : i32
      %get3A_2973 = arith.index_cast %add3A_2972 : i32 to index
      %get3A_2974 = arith.constant 0 : index
      %get3A_2975 = tpu.vector_load %arg10[%get3A_2973, %get3A_2974] {strides = array<i32>} : memref<3328x16xf32, #tpu.memory_space<vmem>>, vector<16xf32>,
      %add3A_2976 = arith.addf %add3A_2968, %get3A_2975 : vector<16xf32>
      %mul3A_2977 = arith.mulf %get3A_2975, %get3A_2975 : vector<16xf32>
      %add3A_2978 = arith.addf %add3A_2970, %mul3A_2977 : vector<16xf32>
      %add3A_2979 = arith.constant 18 : i32
      %add3A_2980 = arith.addi %add3A_2838, %add3A_2979 : i32
      %get3A_2981 = arith.index_cast %add3A_2980 : i32 to index
      %get3A_2982 = arith.constant 0 : index
      %get3A_2983 = tpu.vector_load %arg10[%get3A_2981, %get3A_2982] {strides = array<i32>} : memref<3328x16xf32, #tpu.memory_space<vmem>>, vector<16xf32>,
      %add3A_2984 = arith.addf %add3A_2976, %get3A_2983 : vector<16xf32>
      %mul3A_2985 = arith.mulf %get3A_2983, %get3A_2983 : vector<16xf32>
      %add3A_2986 = arith.addf %add3A_2978, %mul3A_2985 : vector<16xf32>
      %add3A_2987 = arith.constant 19 : i32
      %add3A_2988 = arith.addi %add3A_2838, %add3A_2987 : i32
      %get3A_2989 = arith.index_cast %add3A_2988 : i32 to index
      %get3A_2990 = arith.constant 0 : index
      %get3A_2991 = tpu.vector_load %arg10[%get3A_2989, %get3A_2990] {strides = array<i32>} : memref<3328x16xf32, #tpu.memory_space<vmem>>, vector<16xf32>,
      %add3A_2992 = arith.addf %add3A_2984, %get3A_2991 : vector<16xf32>
      %mul3A_2993 = arith.mulf %get3A_2991, %get3A_2991 : vector<16xf32>
      %add3A_2994 = arith.addf %add3A_2986, %mul3A_2993 : vector<16xf32>
      %add3A_2995 = arith.constant 20 : i32
      %add3A_2996 = arith.addi %add3A_2838, %add3A_2995 : i32
      %get3A_2997 = arith.index_cast %add3A_2996 : i32 to index
      %get3A_2998 = arith.constant 0 : index
      %get3A_2999 = tpu.vector_load %arg10[%get3A_2997, %get3A_2998] {strides = array<i32>} : memref<3328x16xf32, #tpu.memory_space<vmem>>, vector<16xf32>,
      %add3A_3000 = arith.addf %add3A_2992, %get3A_2999 : vector<16xf32>
      %mul3A_3001 = arith.mulf %get3A_2999, %get3A_2999 : vector<16xf32>
      %add3A_3002 = arith.addf %add3A_2994, %mul3A_3001 : vector<16xf32>
      %add3A_3003 = arith.constant 21 : i32
      %add3A_3004 = arith.addi %add3A_2838, %add3A_3003 : i32
      %get3A_3005 = arith.index_cast %add3A_3004 : i32 to index
      %get3A_3006 = arith.constant 0 : index
      %get3A_3007 = tpu.vector_load %arg10[%get3A_3005, %get3A_3006] {strides = array<i32>} : memref<3328x16xf32, #tpu.memory_space<vmem>>, vector<16xf32>,
      %add3A_3008 = arith.addf %add3A_3000, %get3A_3007 : vector<16xf32>
      %mul3A_3009 = arith.mulf %get3A_3007, %get3A_3007 : vector<16xf32>
      %add3A_3010 = arith.addf %add3A_3002, %mul3A_3009 : vector<16xf32>
      %add3A_3011 = arith.constant 22 : i32
      %add3A_3012 = arith.addi %add3A_2838, %add3A_3011 : i32
      %get3A_3013 = arith.index_cast %add3A_3012 : i32 to index
      %get3A_3014 = arith.constant 0 : index
      %get3A_3015 = tpu.vector_load %arg10[%get3A_3013, %get3A_3014] {strides = array<i32>} : memref<3328x16xf32, #tpu.memory_space<vmem>>, vector<16xf32>,
      %add3A_3016 = arith.addf %add3A_3008, %get3A_3015 : vector<16xf32>
      %mul3A_3017 = arith.mulf %get3A_3015, %get3A_3015 : vector<16xf32>
      %add3A_3018 = arith.addf %add3A_3010, %mul3A_3017 : vector<16xf32>
      %add3A_3019 = arith.constant 23 : i32
      %add3A_3020 = arith.addi %add3A_2838, %add3A_3019 : i32
      %get3A_3021 = arith.index_cast %add3A_3020 : i32 to index
      %get3A_3022 = arith.constant 0 : index
      %get3A_3023 = tpu.vector_load %arg10[%get3A_3021, %get3A_3022] {strides = array<i32>} : memref<3328x16xf32, #tpu.memory_space<vmem>>, vector<16xf32>,
      %add3A_3024 = arith.addf %add3A_3016, %get3A_3023 : vector<16xf32>
      %mul3A_3025 = arith.mulf %get3A_3023, %get3A_3023 : vector<16xf32>
      %add3A_3026 = arith.addf %add3A_3018, %mul3A_3025 : vector<16xf32>
      %add3A_3027 = arith.constant 24 : i32
      %add3A_3028 = arith.addi %add3A_2838, %add3A_3027 : i32
      %get3A_3029 = arith.index_cast %add3A_3028 : i32 to index
      %get3A_3030 = arith.constant 0 : index
      %get3A_3031 = tpu.vector_load %arg10[%get3A_3029, %get3A_3030] {strides = array<i32>} : memref<3328x16xf32, #tpu.memory_space<vmem>>, vector<16xf32>,
      %add3A_3032 = arith.addf %add3A_3024, %get3A_3031 : vector<16xf32>
      %mul3A_3033 = arith.mulf %get3A_3031, %get3A_3031 : vector<16xf32>
      %add3A_3034 = arith.addf %add3A_3026, %mul3A_3033 : vector<16xf32>
      %add3A_3035 = arith.constant 25 : i32
      %add3A_3036 = arith.addi %add3A_2838, %add3A_3035 : i32
      %get3A_3037 = arith.index_cast %add3A_3036 : i32 to index
      %get3A_3038 = arith.constant 0 : index
      %get3A_3039 = tpu.vector_load %arg10[%get3A_3037, %get3A_3038] {strides = array<i32>} : memref<3328x16xf32, #tpu.memory_space<vmem>>, vector<16xf32>,
      %add3A_3040 = arith.addf %add3A_3032, %get3A_3039 : vector<16xf32>
      %mul3A_3041 = arith.mulf %get3A_3039, %get3A_3039 : vector<16xf32>
      %add3A_3042 = arith.addf %add3A_3034, %mul3A_3041 : vector<16xf32>
      %mul3A_3043 = arith.mulf %add3A_3040, %add3A_3040 : vector<16xf32>
      %sub3A_3044 = arith.subf %mul3A_3043, %add3A_3042 : vector<16xf32>
      %reduce_sum3A_3045 = arith.constant true
      %reduce_sum3A_3046 = vector.broadcast %reduce_sum3A_3045 : i1 to vector<16xi1>
      %reduce_sum3A_3047 = tpu.scan <sum>, %sub3A_3044 masked %reduce_sum3A_3046 : vector<16xf32>, vector<16xi1> -> vector<16xf32>
      %reduce_sum3A_3048 = vector.extract %reduce_sum3A_3047[15] : f32 from vector<16xf32>
      %mul3A_3049 = arith.constant 5.000000e-01 : f32
      %mul3A_3050 = arith.mulf %mul3A_3049, %reduce_sum3A_3048 : f32
      %eq3A_3051 = arith.constant 12 : i32
      %eq3A_3052 = vector.broadcast %eq3A_3051 : i32 to vector<16xi32>
      %eq3A_3053 = arith.cmpi eq, %iota3A, %eq3A_3052 : vector<16xi32>
      %broadcast_in_dim3A_3054 = vector.broadcast %mul3A_3050 : f32 to vector<16xf32>
      %select_n3A_3055 = arith.select %eq3A_3053, %broadcast_in_dim3A_3054, %select_n3A_2836 : vector<16xi1>, vector<16xf32>
      %add3A_3056 = arith.constant 338 : i32
      %add3A_3057 = arith.addi %mul3A_211, %add3A_3056 : i32
      %get3A_3058 = arith.index_cast %add3A_3057 : i32 to index
      %get3A_3059 = arith.constant 0 : index
      %get3A_3060 = tpu.vector_load %arg10[%get3A_3058, %get3A_3059] {strides = array<i32>} : memref<3328x16xf32, #tpu.memory_space<vmem>>, vector<16xf32>,
      %mul3A_3061 = arith.mulf %get3A_3060, %get3A_3060 : vector<16xf32>
      %add3A_3062 = arith.constant 1 : i32
      %add3A_3063 = arith.addi %add3A_3057, %add3A_3062 : i32
      %get3A_3064 = arith.index_cast %add3A_3063 : i32 to index
      %get3A_3065 = arith.constant 0 : index
      %get3A_3066 = tpu.vector_load %arg10[%get3A_3064, %get3A_3065] {strides = array<i32>} : memref<3328x16xf32, #tpu.memory_space<vmem>>, vector<16xf32>,
      %add3A_3067 = arith.addf %get3A_3060, %get3A_3066 : vector<16xf32>
      %mul3A_3068 = arith.mulf %get3A_3066, %get3A_3066 : vector<16xf32>
      %add3A_3069 = arith.addf %mul3A_3061, %mul3A_3068 : vector<16xf32>
      %add3A_3070 = arith.constant 2 : i32
      %add3A_3071 = arith.addi %add3A_3057, %add3A_3070 : i32
      %get3A_3072 = arith.index_cast %add3A_3071 : i32 to index
      %get3A_3073 = arith.constant 0 : index
      %get3A_3074 = tpu.vector_load %arg10[%get3A_3072, %get3A_3073] {strides = array<i32>} : memref<3328x16xf32, #tpu.memory_space<vmem>>, vector<16xf32>,
      %add3A_3075 = arith.addf %add3A_3067, %get3A_3074 : vector<16xf32>
      %mul3A_3076 = arith.mulf %get3A_3074, %get3A_3074 : vector<16xf32>
      %add3A_3077 = arith.addf %add3A_3069, %mul3A_3076 : vector<16xf32>
      %add3A_3078 = arith.constant 3 : i32
      %add3A_3079 = arith.addi %add3A_3057, %add3A_3078 : i32
      %get3A_3080 = arith.index_cast %add3A_3079 : i32 to index
      %get3A_3081 = arith.constant 0 : index
      %get3A_3082 = tpu.vector_load %arg10[%get3A_3080, %get3A_3081] {strides = array<i32>} : memref<3328x16xf32, #tpu.memory_space<vmem>>, vector<16xf32>,
      %add3A_3083 = arith.addf %add3A_3075, %get3A_3082 : vector<16xf32>
      %mul3A_3084 = arith.mulf %get3A_3082, %get3A_3082 : vector<16xf32>
      %add3A_3085 = arith.addf %add3A_3077, %mul3A_3084 : vector<16xf32>
      %add3A_3086 = arith.constant 4 : i32
      %add3A_3087 = arith.addi %add3A_3057, %add3A_3086 : i32
      %get3A_3088 = arith.index_cast %add3A_3087 : i32 to index
      %get3A_3089 = arith.constant 0 : index
      %get3A_3090 = tpu.vector_load %arg10[%get3A_3088, %get3A_3089] {strides = array<i32>} : memref<3328x16xf32, #tpu.memory_space<vmem>>, vector<16xf32>,
      %add3A_3091 = arith.addf %add3A_3083, %get3A_3090 : vector<16xf32>
      %mul3A_3092 = arith.mulf %get3A_3090, %get3A_3090 : vector<16xf32>
      %add3A_3093 = arith.addf %add3A_3085, %mul3A_3092 : vector<16xf32>
      %add3A_3094 = arith.constant 5 : i32
      %add3A_3095 = arith.addi %add3A_3057, %add3A_3094 : i32
      %get3A_3096 = arith.index_cast %add3A_3095 : i32 to index
      %get3A_3097 = arith.constant 0 : index
      %get3A_3098 = tpu.vector_load %arg10[%get3A_3096, %get3A_3097] {strides = array<i32>} : memref<3328x16xf32, #tpu.memory_space<vmem>>, vector<16xf32>,
      %add3A_3099 = arith.addf %add3A_3091, %get3A_3098 : vector<16xf32>
      %mul3A_3100 = arith.mulf %get3A_3098, %get3A_3098 : vector<16xf32>
      %add3A_3101 = arith.addf %add3A_3093, %mul3A_3100 : vector<16xf32>
      %add3A_3102 = arith.constant 6 : i32
      %add3A_3103 = arith.addi %add3A_3057, %add3A_3102 : i32
      %get3A_3104 = arith.index_cast %add3A_3103 : i32 to index
      %get3A_3105 = arith.constant 0 : index
      %get3A_3106 = tpu.vector_load %arg10[%get3A_3104, %get3A_3105] {strides = array<i32>} : memref<3328x16xf32, #tpu.memory_space<vmem>>, vector<16xf32>,
      %add3A_3107 = arith.addf %add3A_3099, %get3A_3106 : vector<16xf32>
      %mul3A_3108 = arith.mulf %get3A_3106, %get3A_3106 : vector<16xf32>
      %add3A_3109 = arith.addf %add3A_3101, %mul3A_3108 : vector<16xf32>
      %add3A_3110 = arith.constant 7 : i32
      %add3A_3111 = arith.addi %add3A_3057, %add3A_3110 : i32
      %get3A_3112 = arith.index_cast %add3A_3111 : i32 to index
      %get3A_3113 = arith.constant 0 : index
      %get3A_3114 = tpu.vector_load %arg10[%get3A_3112, %get3A_3113] {strides = array<i32>} : memref<3328x16xf32, #tpu.memory_space<vmem>>, vector<16xf32>,
      %add3A_3115 = arith.addf %add3A_3107, %get3A_3114 : vector<16xf32>
      %mul3A_3116 = arith.mulf %get3A_3114, %get3A_3114 : vector<16xf32>
      %add3A_3117 = arith.addf %add3A_3109, %mul3A_3116 : vector<16xf32>
      %add3A_3118 = arith.constant 8 : i32
      %add3A_3119 = arith.addi %add3A_3057, %add3A_3118 : i32
      %get3A_3120 = arith.index_cast %add3A_3119 : i32 to index
      %get3A_3121 = arith.constant 0 : index
      %get3A_3122 = tpu.vector_load %arg10[%get3A_3120, %get3A_3121] {strides = array<i32>} : memref<3328x16xf32, #tpu.memory_space<vmem>>, vector<16xf32>,
      %add3A_3123 = arith.addf %add3A_3115, %get3A_3122 : vector<16xf32>
      %mul3A_3124 = arith.mulf %get3A_3122, %get3A_3122 : vector<16xf32>
      %add3A_3125 = arith.addf %add3A_3117, %mul3A_3124 : vector<16xf32>
      %add3A_3126 = arith.constant 9 : i32
      %add3A_3127 = arith.addi %add3A_3057, %add3A_3126 : i32
      %get3A_3128 = arith.index_cast %add3A_3127 : i32 to index
      %get3A_3129 = arith.constant 0 : index
      %get3A_3130 = tpu.vector_load %arg10[%get3A_3128, %get3A_3129] {strides = array<i32>} : memref<3328x16xf32, #tpu.memory_space<vmem>>, vector<16xf32>,
      %add3A_3131 = arith.addf %add3A_3123, %get3A_3130 : vector<16xf32>
      %mul3A_3132 = arith.mulf %get3A_3130, %get3A_3130 : vector<16xf32>
      %add3A_3133 = arith.addf %add3A_3125, %mul3A_3132 : vector<16xf32>
      %add3A_3134 = arith.constant 10 : i32
      %add3A_3135 = arith.addi %add3A_3057, %add3A_3134 : i32
      %get3A_3136 = arith.index_cast %add3A_3135 : i32 to index
      %get3A_3137 = arith.constant 0 : index
      %get3A_3138 = tpu.vector_load %arg10[%get3A_3136, %get3A_3137] {strides = array<i32>} : memref<3328x16xf32, #tpu.memory_space<vmem>>, vector<16xf32>,
      %add3A_3139 = arith.addf %add3A_3131, %get3A_3138 : vector<16xf32>
      %mul3A_3140 = arith.mulf %get3A_3138, %get3A_3138 : vector<16xf32>
      %add3A_3141 = arith.addf %add3A_3133, %mul3A_3140 : vector<16xf32>
      %add3A_3142 = arith.constant 11 : i32
      %add3A_3143 = arith.addi %add3A_3057, %add3A_3142 : i32
      %get3A_3144 = arith.index_cast %add3A_3143 : i32 to index
      %get3A_3145 = arith.constant 0 : index
      %get3A_3146 = tpu.vector_load %arg10[%get3A_3144, %get3A_3145] {strides = array<i32>} : memref<3328x16xf32, #tpu.memory_space<vmem>>, vector<16xf32>,
      %add3A_3147 = arith.addf %add3A_3139, %get3A_3146 : vector<16xf32>
      %mul3A_3148 = arith.mulf %get3A_3146, %get3A_3146 : vector<16xf32>
      %add3A_3149 = arith.addf %add3A_3141, %mul3A_3148 : vector<16xf32>
      %add3A_3150 = arith.constant 12 : i32
      %add3A_3151 = arith.addi %add3A_3057, %add3A_3150 : i32
      %get3A_3152 = arith.index_cast %add3A_3151 : i32 to index
      %get3A_3153 = arith.constant 0 : index
      %get3A_3154 = tpu.vector_load %arg10[%get3A_3152, %get3A_3153] {strides = array<i32>} : memref<3328x16xf32, #tpu.memory_space<vmem>>, vector<16xf32>,
      %add3A_3155 = arith.addf %add3A_3147, %get3A_3154 : vector<16xf32>
      %mul3A_3156 = arith.mulf %get3A_3154, %get3A_3154 : vector<16xf32>
      %add3A_3157 = arith.addf %add3A_3149, %mul3A_3156 : vector<16xf32>
      %add3A_3158 = arith.constant 13 : i32
      %add3A_3159 = arith.addi %add3A_3057, %add3A_3158 : i32
      %get3A_3160 = arith.index_cast %add3A_3159 : i32 to index
      %get3A_3161 = arith.constant 0 : index
      %get3A_3162 = tpu.vector_load %arg10[%get3A_3160, %get3A_3161] {strides = array<i32>} : memref<3328x16xf32, #tpu.memory_space<vmem>>, vector<16xf32>,
      %add3A_3163 = arith.addf %add3A_3155, %get3A_3162 : vector<16xf32>
      %mul3A_3164 = arith.mulf %get3A_3162, %get3A_3162 : vector<16xf32>
      %add3A_3165 = arith.addf %add3A_3157, %mul3A_3164 : vector<16xf32>
      %add3A_3166 = arith.constant 14 : i32
      %add3A_3167 = arith.addi %add3A_3057, %add3A_3166 : i32
      %get3A_3168 = arith.index_cast %add3A_3167 : i32 to index
      %get3A_3169 = arith.constant 0 : index
      %get3A_3170 = tpu.vector_load %arg10[%get3A_3168, %get3A_3169] {strides = array<i32>} : memref<3328x16xf32, #tpu.memory_space<vmem>>, vector<16xf32>,
      %add3A_3171 = arith.addf %add3A_3163, %get3A_3170 : vector<16xf32>
      %mul3A_3172 = arith.mulf %get3A_3170, %get3A_3170 : vector<16xf32>
      %add3A_3173 = arith.addf %add3A_3165, %mul3A_3172 : vector<16xf32>
      %add3A_3174 = arith.constant 15 : i32
      %add3A_3175 = arith.addi %add3A_3057, %add3A_3174 : i32
      %get3A_3176 = arith.index_cast %add3A_3175 : i32 to index
      %get3A_3177 = arith.constant 0 : index
      %get3A_3178 = tpu.vector_load %arg10[%get3A_3176, %get3A_3177] {strides = array<i32>} : memref<3328x16xf32, #tpu.memory_space<vmem>>, vector<16xf32>,
      %add3A_3179 = arith.addf %add3A_3171, %get3A_3178 : vector<16xf32>
      %mul3A_3180 = arith.mulf %get3A_3178, %get3A_3178 : vector<16xf32>
      %add3A_3181 = arith.addf %add3A_3173, %mul3A_3180 : vector<16xf32>
      %add3A_3182 = arith.constant 16 : i32
      %add3A_3183 = arith.addi %add3A_3057, %add3A_3182 : i32
      %get3A_3184 = arith.index_cast %add3A_3183 : i32 to index
      %get3A_3185 = arith.constant 0 : index
      %get3A_3186 = tpu.vector_load %arg10[%get3A_3184, %get3A_3185] {strides = array<i32>} : memref<3328x16xf32, #tpu.memory_space<vmem>>, vector<16xf32>,
      %add3A_3187 = arith.addf %add3A_3179, %get3A_3186 : vector<16xf32>
      %mul3A_3188 = arith.mulf %get3A_3186, %get3A_3186 : vector<16xf32>
      %add3A_3189 = arith.addf %add3A_3181, %mul3A_3188 : vector<16xf32>
      %add3A_3190 = arith.constant 17 : i32
      %add3A_3191 = arith.addi %add3A_3057, %add3A_3190 : i32
      %get3A_3192 = arith.index_cast %add3A_3191 : i32 to index
      %get3A_3193 = arith.constant 0 : index
      %get3A_3194 = tpu.vector_load %arg10[%get3A_3192, %get3A_3193] {strides = array<i32>} : memref<3328x16xf32, #tpu.memory_space<vmem>>, vector<16xf32>,
      %add3A_3195 = arith.addf %add3A_3187, %get3A_3194 : vector<16xf32>
      %mul3A_3196 = arith.mulf %get3A_3194, %get3A_3194 : vector<16xf32>
      %add3A_3197 = arith.addf %add3A_3189, %mul3A_3196 : vector<16xf32>
      %add3A_3198 = arith.constant 18 : i32
      %add3A_3199 = arith.addi %add3A_3057, %add3A_3198 : i32
      %get3A_3200 = arith.index_cast %add3A_3199 : i32 to index
      %get3A_3201 = arith.constant 0 : index
      %get3A_3202 = tpu.vector_load %arg10[%get3A_3200, %get3A_3201] {strides = array<i32>} : memref<3328x16xf32, #tpu.memory_space<vmem>>, vector<16xf32>,
      %add3A_3203 = arith.addf %add3A_3195, %get3A_3202 : vector<16xf32>
      %mul3A_3204 = arith.mulf %get3A_3202, %get3A_3202 : vector<16xf32>
      %add3A_3205 = arith.addf %add3A_3197, %mul3A_3204 : vector<16xf32>
      %add3A_3206 = arith.constant 19 : i32
      %add3A_3207 = arith.addi %add3A_3057, %add3A_3206 : i32
      %get3A_3208 = arith.index_cast %add3A_3207 : i32 to index
      %get3A_3209 = arith.constant 0 : index
      %get3A_3210 = tpu.vector_load %arg10[%get3A_3208, %get3A_3209] {strides = array<i32>} : memref<3328x16xf32, #tpu.memory_space<vmem>>, vector<16xf32>,
      %add3A_3211 = arith.addf %add3A_3203, %get3A_3210 : vector<16xf32>
      %mul3A_3212 = arith.mulf %get3A_3210, %get3A_3210 : vector<16xf32>
      %add3A_3213 = arith.addf %add3A_3205, %mul3A_3212 : vector<16xf32>
      %add3A_3214 = arith.constant 20 : i32
      %add3A_3215 = arith.addi %add3A_3057, %add3A_3214 : i32
      %get3A_3216 = arith.index_cast %add3A_3215 : i32 to index
      %get3A_3217 = arith.constant 0 : index
      %get3A_3218 = tpu.vector_load %arg10[%get3A_3216, %get3A_3217] {strides = array<i32>} : memref<3328x16xf32, #tpu.memory_space<vmem>>, vector<16xf32>,
      %add3A_3219 = arith.addf %add3A_3211, %get3A_3218 : vector<16xf32>
      %mul3A_3220 = arith.mulf %get3A_3218, %get3A_3218 : vector<16xf32>
      %add3A_3221 = arith.addf %add3A_3213, %mul3A_3220 : vector<16xf32>
      %add3A_3222 = arith.constant 21 : i32
      %add3A_3223 = arith.addi %add3A_3057, %add3A_3222 : i32
      %get3A_3224 = arith.index_cast %add3A_3223 : i32 to index
      %get3A_3225 = arith.constant 0 : index
      %get3A_3226 = tpu.vector_load %arg10[%get3A_3224, %get3A_3225] {strides = array<i32>} : memref<3328x16xf32, #tpu.memory_space<vmem>>, vector<16xf32>,
      %add3A_3227 = arith.addf %add3A_3219, %get3A_3226 : vector<16xf32>
      %mul3A_3228 = arith.mulf %get3A_3226, %get3A_3226 : vector<16xf32>
      %add3A_3229 = arith.addf %add3A_3221, %mul3A_3228 : vector<16xf32>
      %add3A_3230 = arith.constant 22 : i32
      %add3A_3231 = arith.addi %add3A_3057, %add3A_3230 : i32
      %get3A_3232 = arith.index_cast %add3A_3231 : i32 to index
      %get3A_3233 = arith.constant 0 : index
      %get3A_3234 = tpu.vector_load %arg10[%get3A_3232, %get3A_3233] {strides = array<i32>} : memref<3328x16xf32, #tpu.memory_space<vmem>>, vector<16xf32>,
      %add3A_3235 = arith.addf %add3A_3227, %get3A_3234 : vector<16xf32>
      %mul3A_3236 = arith.mulf %get3A_3234, %get3A_3234 : vector<16xf32>
      %add3A_3237 = arith.addf %add3A_3229, %mul3A_3236 : vector<16xf32>
      %add3A_3238 = arith.constant 23 : i32
      %add3A_3239 = arith.addi %add3A_3057, %add3A_3238 : i32
      %get3A_3240 = arith.index_cast %add3A_3239 : i32 to index
      %get3A_3241 = arith.constant 0 : index
      %get3A_3242 = tpu.vector_load %arg10[%get3A_3240, %get3A_3241] {strides = array<i32>} : memref<3328x16xf32, #tpu.memory_space<vmem>>, vector<16xf32>,
      %add3A_3243 = arith.addf %add3A_3235, %get3A_3242 : vector<16xf32>
      %mul3A_3244 = arith.mulf %get3A_3242, %get3A_3242 : vector<16xf32>
      %add3A_3245 = arith.addf %add3A_3237, %mul3A_3244 : vector<16xf32>
      %add3A_3246 = arith.constant 24 : i32
      %add3A_3247 = arith.addi %add3A_3057, %add3A_3246 : i32
      %get3A_3248 = arith.index_cast %add3A_3247 : i32 to index
      %get3A_3249 = arith.constant 0 : index
      %get3A_3250 = tpu.vector_load %arg10[%get3A_3248, %get3A_3249] {strides = array<i32>} : memref<3328x16xf32, #tpu.memory_space<vmem>>, vector<16xf32>,
      %add3A_3251 = arith.addf %add3A_3243, %get3A_3250 : vector<16xf32>
      %mul3A_3252 = arith.mulf %get3A_3250, %get3A_3250 : vector<16xf32>
      %add3A_3253 = arith.addf %add3A_3245, %mul3A_3252 : vector<16xf32>
      %add3A_3254 = arith.constant 25 : i32
      %add3A_3255 = arith.addi %add3A_3057, %add3A_3254 : i32
      %get3A_3256 = arith.index_cast %add3A_3255 : i32 to index
      %get3A_3257 = arith.constant 0 : index
      %get3A_3258 = tpu.vector_load %arg10[%get3A_3256, %get3A_3257] {strides = array<i32>} : memref<3328x16xf32, #tpu.memory_space<vmem>>, vector<16xf32>,
      %add3A_3259 = arith.addf %add3A_3251, %get3A_3258 : vector<16xf32>
      %mul3A_3260 = arith.mulf %get3A_3258, %get3A_3258 : vector<16xf32>
      %add3A_3261 = arith.addf %add3A_3253, %mul3A_3260 : vector<16xf32>
      %mul3A_3262 = arith.mulf %add3A_3259, %add3A_3259 : vector<16xf32>
      %sub3A_3263 = arith.subf %mul3A_3262, %add3A_3261 : vector<16xf32>
      %reduce_sum3A_3264 = arith.constant true
      %reduce_sum3A_3265 = vector.broadcast %reduce_sum3A_3264 : i1 to vector<16xi1>
      %reduce_sum3A_3266 = tpu.scan <sum>, %sub3A_3263 masked %reduce_sum3A_3265 : vector<16xf32>, vector<16xi1> -> vector<16xf32>
      %reduce_sum3A_3267 = vector.extract %reduce_sum3A_3266[15] : f32 from vector<16xf32>
      %mul3A_3268 = arith.constant 5.000000e-01 : f32
      %mul3A_3269 = arith.mulf %mul3A_3268, %reduce_sum3A_3267 : f32
      %eq3A_3270 = arith.constant 13 : i32
      %eq3A_3271 = vector.broadcast %eq3A_3270 : i32 to vector<16xi32>
      %eq3A_3272 = arith.cmpi eq, %iota3A, %eq3A_3271 : vector<16xi32>
      %broadcast_in_dim3A_3273 = vector.broadcast %mul3A_3269 : f32 to vector<16xf32>
      %select_n3A_3274 = arith.select %eq3A_3272, %broadcast_in_dim3A_3273, %select_n3A_3055 : vector<16xi1>, vector<16xf32>
      %add3A_3275 = arith.constant 364 : i32
      %add3A_3276 = arith.addi %mul3A_211, %add3A_3275 : i32
      %get3A_3277 = arith.index_cast %add3A_3276 : i32 to index
      %get3A_3278 = arith.constant 0 : index
      %get3A_3279 = tpu.vector_load %arg10[%get3A_3277, %get3A_3278] {strides = array<i32>} : memref<3328x16xf32, #tpu.memory_space<vmem>>, vector<16xf32>,
      %mul3A_3280 = arith.mulf %get3A_3279, %get3A_3279 : vector<16xf32>
      %add3A_3281 = arith.constant 1 : i32
      %add3A_3282 = arith.addi %add3A_3276, %add3A_3281 : i32
      %get3A_3283 = arith.index_cast %add3A_3282 : i32 to index
      %get3A_3284 = arith.constant 0 : index
      %get3A_3285 = tpu.vector_load %arg10[%get3A_3283, %get3A_3284] {strides = array<i32>} : memref<3328x16xf32, #tpu.memory_space<vmem>>, vector<16xf32>,
      %add3A_3286 = arith.addf %get3A_3279, %get3A_3285 : vector<16xf32>
      %mul3A_3287 = arith.mulf %get3A_3285, %get3A_3285 : vector<16xf32>
      %add3A_3288 = arith.addf %mul3A_3280, %mul3A_3287 : vector<16xf32>
      %add3A_3289 = arith.constant 2 : i32
      %add3A_3290 = arith.addi %add3A_3276, %add3A_3289 : i32
      %get3A_3291 = arith.index_cast %add3A_3290 : i32 to index
      %get3A_3292 = arith.constant 0 : index
      %get3A_3293 = tpu.vector_load %arg10[%get3A_3291, %get3A_3292] {strides = array<i32>} : memref<3328x16xf32, #tpu.memory_space<vmem>>, vector<16xf32>,
      %add3A_3294 = arith.addf %add3A_3286, %get3A_3293 : vector<16xf32>
      %mul3A_3295 = arith.mulf %get3A_3293, %get3A_3293 : vector<16xf32>
      %add3A_3296 = arith.addf %add3A_3288, %mul3A_3295 : vector<16xf32>
      %add3A_3297 = arith.constant 3 : i32
      %add3A_3298 = arith.addi %add3A_3276, %add3A_3297 : i32
      %get3A_3299 = arith.index_cast %add3A_3298 : i32 to index
      %get3A_3300 = arith.constant 0 : index
      %get3A_3301 = tpu.vector_load %arg10[%get3A_3299, %get3A_3300] {strides = array<i32>} : memref<3328x16xf32, #tpu.memory_space<vmem>>, vector<16xf32>,
      %add3A_3302 = arith.addf %add3A_3294, %get3A_3301 : vector<16xf32>
      %mul3A_3303 = arith.mulf %get3A_3301, %get3A_3301 : vector<16xf32>
      %add3A_3304 = arith.addf %add3A_3296, %mul3A_3303 : vector<16xf32>
      %add3A_3305 = arith.constant 4 : i32
      %add3A_3306 = arith.addi %add3A_3276, %add3A_3305 : i32
      %get3A_3307 = arith.index_cast %add3A_3306 : i32 to index
      %get3A_3308 = arith.constant 0 : index
      %get3A_3309 = tpu.vector_load %arg10[%get3A_3307, %get3A_3308] {strides = array<i32>} : memref<3328x16xf32, #tpu.memory_space<vmem>>, vector<16xf32>,
      %add3A_3310 = arith.addf %add3A_3302, %get3A_3309 : vector<16xf32>
      %mul3A_3311 = arith.mulf %get3A_3309, %get3A_3309 : vector<16xf32>
      %add3A_3312 = arith.addf %add3A_3304, %mul3A_3311 : vector<16xf32>
      %add3A_3313 = arith.constant 5 : i32
      %add3A_3314 = arith.addi %add3A_3276, %add3A_3313 : i32
      %get3A_3315 = arith.index_cast %add3A_3314 : i32 to index
      %get3A_3316 = arith.constant 0 : index
      %get3A_3317 = tpu.vector_load %arg10[%get3A_3315, %get3A_3316] {strides = array<i32>} : memref<3328x16xf32, #tpu.memory_space<vmem>>, vector<16xf32>,
      %add3A_3318 = arith.addf %add3A_3310, %get3A_3317 : vector<16xf32>
      %mul3A_3319 = arith.mulf %get3A_3317, %get3A_3317 : vector<16xf32>
      %add3A_3320 = arith.addf %add3A_3312, %mul3A_3319 : vector<16xf32>
      %add3A_3321 = arith.constant 6 : i32
      %add3A_3322 = arith.addi %add3A_3276, %add3A_3321 : i32
      %get3A_3323 = arith.index_cast %add3A_3322 : i32 to index
      %get3A_3324 = arith.constant 0 : index
      %get3A_3325 = tpu.vector_load %arg10[%get3A_3323, %get3A_3324] {strides = array<i32>} : memref<3328x16xf32, #tpu.memory_space<vmem>>, vector<16xf32>,
      %add3A_3326 = arith.addf %add3A_3318, %get3A_3325 : vector<16xf32>
      %mul3A_3327 = arith.mulf %get3A_3325, %get3A_3325 : vector<16xf32>
      %add3A_3328 = arith.addf %add3A_3320, %mul3A_3327 : vector<16xf32>
      %add3A_3329 = arith.constant 7 : i32
      %add3A_3330 = arith.addi %add3A_3276, %add3A_3329 : i32
      %get3A_3331 = arith.index_cast %add3A_3330 : i32 to index
      %get3A_3332 = arith.constant 0 : index
      %get3A_3333 = tpu.vector_load %arg10[%get3A_3331, %get3A_3332] {strides = array<i32>} : memref<3328x16xf32, #tpu.memory_space<vmem>>, vector<16xf32>,
      %add3A_3334 = arith.addf %add3A_3326, %get3A_3333 : vector<16xf32>
      %mul3A_3335 = arith.mulf %get3A_3333, %get3A_3333 : vector<16xf32>
      %add3A_3336 = arith.addf %add3A_3328, %mul3A_3335 : vector<16xf32>
      %add3A_3337 = arith.constant 8 : i32
      %add3A_3338 = arith.addi %add3A_3276, %add3A_3337 : i32
      %get3A_3339 = arith.index_cast %add3A_3338 : i32 to index
      %get3A_3340 = arith.constant 0 : index
      %get3A_3341 = tpu.vector_load %arg10[%get3A_3339, %get3A_3340] {strides = array<i32>} : memref<3328x16xf32, #tpu.memory_space<vmem>>, vector<16xf32>,
      %add3A_3342 = arith.addf %add3A_3334, %get3A_3341 : vector<16xf32>
      %mul3A_3343 = arith.mulf %get3A_3341, %get3A_3341 : vector<16xf32>
      %add3A_3344 = arith.addf %add3A_3336, %mul3A_3343 : vector<16xf32>
      %add3A_3345 = arith.constant 9 : i32
      %add3A_3346 = arith.addi %add3A_3276, %add3A_3345 : i32
      %get3A_3347 = arith.index_cast %add3A_3346 : i32 to index
      %get3A_3348 = arith.constant 0 : index
      %get3A_3349 = tpu.vector_load %arg10[%get3A_3347, %get3A_3348] {strides = array<i32>} : memref<3328x16xf32, #tpu.memory_space<vmem>>, vector<16xf32>,
      %add3A_3350 = arith.addf %add3A_3342, %get3A_3349 : vector<16xf32>
      %mul3A_3351 = arith.mulf %get3A_3349, %get3A_3349 : vector<16xf32>
      %add3A_3352 = arith.addf %add3A_3344, %mul3A_3351 : vector<16xf32>
      %add3A_3353 = arith.constant 10 : i32
      %add3A_3354 = arith.addi %add3A_3276, %add3A_3353 : i32
      %get3A_3355 = arith.index_cast %add3A_3354 : i32 to index
      %get3A_3356 = arith.constant 0 : index
      %get3A_3357 = tpu.vector_load %arg10[%get3A_3355, %get3A_3356] {strides = array<i32>} : memref<3328x16xf32, #tpu.memory_space<vmem>>, vector<16xf32>,
      %add3A_3358 = arith.addf %add3A_3350, %get3A_3357 : vector<16xf32>
      %mul3A_3359 = arith.mulf %get3A_3357, %get3A_3357 : vector<16xf32>
      %add3A_3360 = arith.addf %add3A_3352, %mul3A_3359 : vector<16xf32>
      %add3A_3361 = arith.constant 11 : i32
      %add3A_3362 = arith.addi %add3A_3276, %add3A_3361 : i32
      %get3A_3363 = arith.index_cast %add3A_3362 : i32 to index
      %get3A_3364 = arith.constant 0 : index
      %get3A_3365 = tpu.vector_load %arg10[%get3A_3363, %get3A_3364] {strides = array<i32>} : memref<3328x16xf32, #tpu.memory_space<vmem>>, vector<16xf32>,
      %add3A_3366 = arith.addf %add3A_3358, %get3A_3365 : vector<16xf32>
      %mul3A_3367 = arith.mulf %get3A_3365, %get3A_3365 : vector<16xf32>
      %add3A_3368 = arith.addf %add3A_3360, %mul3A_3367 : vector<16xf32>
      %add3A_3369 = arith.constant 12 : i32
      %add3A_3370 = arith.addi %add3A_3276, %add3A_3369 : i32
      %get3A_3371 = arith.index_cast %add3A_3370 : i32 to index
      %get3A_3372 = arith.constant 0 : index
      %get3A_3373 = tpu.vector_load %arg10[%get3A_3371, %get3A_3372] {strides = array<i32>} : memref<3328x16xf32, #tpu.memory_space<vmem>>, vector<16xf32>,
      %add3A_3374 = arith.addf %add3A_3366, %get3A_3373 : vector<16xf32>
      %mul3A_3375 = arith.mulf %get3A_3373, %get3A_3373 : vector<16xf32>
      %add3A_3376 = arith.addf %add3A_3368, %mul3A_3375 : vector<16xf32>
      %add3A_3377 = arith.constant 13 : i32
      %add3A_3378 = arith.addi %add3A_3276, %add3A_3377 : i32
      %get3A_3379 = arith.index_cast %add3A_3378 : i32 to index
      %get3A_3380 = arith.constant 0 : index
      %get3A_3381 = tpu.vector_load %arg10[%get3A_3379, %get3A_3380] {strides = array<i32>} : memref<3328x16xf32, #tpu.memory_space<vmem>>, vector<16xf32>,
      %add3A_3382 = arith.addf %add3A_3374, %get3A_3381 : vector<16xf32>
      %mul3A_3383 = arith.mulf %get3A_3381, %get3A_3381 : vector<16xf32>
      %add3A_3384 = arith.addf %add3A_3376, %mul3A_3383 : vector<16xf32>
      %add3A_3385 = arith.constant 14 : i32
      %add3A_3386 = arith.addi %add3A_3276, %add3A_3385 : i32
      %get3A_3387 = arith.index_cast %add3A_3386 : i32 to index
      %get3A_3388 = arith.constant 0 : index
      %get3A_3389 = tpu.vector_load %arg10[%get3A_3387, %get3A_3388] {strides = array<i32>} : memref<3328x16xf32, #tpu.memory_space<vmem>>, vector<16xf32>,
      %add3A_3390 = arith.addf %add3A_3382, %get3A_3389 : vector<16xf32>
      %mul3A_3391 = arith.mulf %get3A_3389, %get3A_3389 : vector<16xf32>
      %add3A_3392 = arith.addf %add3A_3384, %mul3A_3391 : vector<16xf32>
      %add3A_3393 = arith.constant 15 : i32
      %add3A_3394 = arith.addi %add3A_3276, %add3A_3393 : i32
      %get3A_3395 = arith.index_cast %add3A_3394 : i32 to index
      %get3A_3396 = arith.constant 0 : index
      %get3A_3397 = tpu.vector_load %arg10[%get3A_3395, %get3A_3396] {strides = array<i32>} : memref<3328x16xf32, #tpu.memory_space<vmem>>, vector<16xf32>,
      %add3A_3398 = arith.addf %add3A_3390, %get3A_3397 : vector<16xf32>
      %mul3A_3399 = arith.mulf %get3A_3397, %get3A_3397 : vector<16xf32>
      %add3A_3400 = arith.addf %add3A_3392, %mul3A_3399 : vector<16xf32>
      %add3A_3401 = arith.constant 16 : i32
      %add3A_3402 = arith.addi %add3A_3276, %add3A_3401 : i32
      %get3A_3403 = arith.index_cast %add3A_3402 : i32 to index
      %get3A_3404 = arith.constant 0 : index
      %get3A_3405 = tpu.vector_load %arg10[%get3A_3403, %get3A_3404] {strides = array<i32>} : memref<3328x16xf32, #tpu.memory_space<vmem>>, vector<16xf32>,
      %add3A_3406 = arith.addf %add3A_3398, %get3A_3405 : vector<16xf32>
      %mul3A_3407 = arith.mulf %get3A_3405, %get3A_3405 : vector<16xf32>
      %add3A_3408 = arith.addf %add3A_3400, %mul3A_3407 : vector<16xf32>
      %add3A_3409 = arith.constant 17 : i32
      %add3A_3410 = arith.addi %add3A_3276, %add3A_3409 : i32
      %get3A_3411 = arith.index_cast %add3A_3410 : i32 to index
      %get3A_3412 = arith.constant 0 : index
      %get3A_3413 = tpu.vector_load %arg10[%get3A_3411, %get3A_3412] {strides = array<i32>} : memref<3328x16xf32, #tpu.memory_space<vmem>>, vector<16xf32>,
      %add3A_3414 = arith.addf %add3A_3406, %get3A_3413 : vector<16xf32>
      %mul3A_3415 = arith.mulf %get3A_3413, %get3A_3413 : vector<16xf32>
      %add3A_3416 = arith.addf %add3A_3408, %mul3A_3415 : vector<16xf32>
      %add3A_3417 = arith.constant 18 : i32
      %add3A_3418 = arith.addi %add3A_3276, %add3A_3417 : i32
      %get3A_3419 = arith.index_cast %add3A_3418 : i32 to index
      %get3A_3420 = arith.constant 0 : index
      %get3A_3421 = tpu.vector_load %arg10[%get3A_3419, %get3A_3420] {strides = array<i32>} : memref<3328x16xf32, #tpu.memory_space<vmem>>, vector<16xf32>,
      %add3A_3422 = arith.addf %add3A_3414, %get3A_3421 : vector<16xf32>
      %mul3A_3423 = arith.mulf %get3A_3421, %get3A_3421 : vector<16xf32>
      %add3A_3424 = arith.addf %add3A_3416, %mul3A_3423 : vector<16xf32>
      %add3A_3425 = arith.constant 19 : i32
      %add3A_3426 = arith.addi %add3A_3276, %add3A_3425 : i32
      %get3A_3427 = arith.index_cast %add3A_3426 : i32 to index
      %get3A_3428 = arith.constant 0 : index
      %get3A_3429 = tpu.vector_load %arg10[%get3A_3427, %get3A_3428] {strides = array<i32>} : memref<3328x16xf32, #tpu.memory_space<vmem>>, vector<16xf32>,
      %add3A_3430 = arith.addf %add3A_3422, %get3A_3429 : vector<16xf32>
      %mul3A_3431 = arith.mulf %get3A_3429, %get3A_3429 : vector<16xf32>
      %add3A_3432 = arith.addf %add3A_3424, %mul3A_3431 : vector<16xf32>
      %add3A_3433 = arith.constant 20 : i32
      %add3A_3434 = arith.addi %add3A_3276, %add3A_3433 : i32
      %get3A_3435 = arith.index_cast %add3A_3434 : i32 to index
      %get3A_3436 = arith.constant 0 : index
      %get3A_3437 = tpu.vector_load %arg10[%get3A_3435, %get3A_3436] {strides = array<i32>} : memref<3328x16xf32, #tpu.memory_space<vmem>>, vector<16xf32>,
      %add3A_3438 = arith.addf %add3A_3430, %get3A_3437 : vector<16xf32>
      %mul3A_3439 = arith.mulf %get3A_3437, %get3A_3437 : vector<16xf32>
      %add3A_3440 = arith.addf %add3A_3432, %mul3A_3439 : vector<16xf32>
      %add3A_3441 = arith.constant 21 : i32
      %add3A_3442 = arith.addi %add3A_3276, %add3A_3441 : i32
      %get3A_3443 = arith.index_cast %add3A_3442 : i32 to index
      %get3A_3444 = arith.constant 0 : index
      %get3A_3445 = tpu.vector_load %arg10[%get3A_3443, %get3A_3444] {strides = array<i32>} : memref<3328x16xf32, #tpu.memory_space<vmem>>, vector<16xf32>,
      %add3A_3446 = arith.addf %add3A_3438, %get3A_3445 : vector<16xf32>
      %mul3A_3447 = arith.mulf %get3A_3445, %get3A_3445 : vector<16xf32>
      %add3A_3448 = arith.addf %add3A_3440, %mul3A_3447 : vector<16xf32>
      %add3A_3449 = arith.constant 22 : i32
      %add3A_3450 = arith.addi %add3A_3276, %add3A_3449 : i32
      %get3A_3451 = arith.index_cast %add3A_3450 : i32 to index
      %get3A_3452 = arith.constant 0 : index
      %get3A_3453 = tpu.vector_load %arg10[%get3A_3451, %get3A_3452] {strides = array<i32>} : memref<3328x16xf32, #tpu.memory_space<vmem>>, vector<16xf32>,
      %add3A_3454 = arith.addf %add3A_3446, %get3A_3453 : vector<16xf32>
      %mul3A_3455 = arith.mulf %get3A_3453, %get3A_3453 : vector<16xf32>
      %add3A_3456 = arith.addf %add3A_3448, %mul3A_3455 : vector<16xf32>
      %add3A_3457 = arith.constant 23 : i32
      %add3A_3458 = arith.addi %add3A_3276, %add3A_3457 : i32
      %get3A_3459 = arith.index_cast %add3A_3458 : i32 to index
      %get3A_3460 = arith.constant 0 : index
      %get3A_3461 = tpu.vector_load %arg10[%get3A_3459, %get3A_3460] {strides = array<i32>} : memref<3328x16xf32, #tpu.memory_space<vmem>>, vector<16xf32>,
      %add3A_3462 = arith.addf %add3A_3454, %get3A_3461 : vector<16xf32>
      %mul3A_3463 = arith.mulf %get3A_3461, %get3A_3461 : vector<16xf32>
      %add3A_3464 = arith.addf %add3A_3456, %mul3A_3463 : vector<16xf32>
      %add3A_3465 = arith.constant 24 : i32
      %add3A_3466 = arith.addi %add3A_3276, %add3A_3465 : i32
      %get3A_3467 = arith.index_cast %add3A_3466 : i32 to index
      %get3A_3468 = arith.constant 0 : index
      %get3A_3469 = tpu.vector_load %arg10[%get3A_3467, %get3A_3468] {strides = array<i32>} : memref<3328x16xf32, #tpu.memory_space<vmem>>, vector<16xf32>,
      %add3A_3470 = arith.addf %add3A_3462, %get3A_3469 : vector<16xf32>
      %mul3A_3471 = arith.mulf %get3A_3469, %get3A_3469 : vector<16xf32>
      %add3A_3472 = arith.addf %add3A_3464, %mul3A_3471 : vector<16xf32>
      %add3A_3473 = arith.constant 25 : i32
      %add3A_3474 = arith.addi %add3A_3276, %add3A_3473 : i32
      %get3A_3475 = arith.index_cast %add3A_3474 : i32 to index
      %get3A_3476 = arith.constant 0 : index
      %get3A_3477 = tpu.vector_load %arg10[%get3A_3475, %get3A_3476] {strides = array<i32>} : memref<3328x16xf32, #tpu.memory_space<vmem>>, vector<16xf32>,
      %add3A_3478 = arith.addf %add3A_3470, %get3A_3477 : vector<16xf32>
      %mul3A_3479 = arith.mulf %get3A_3477, %get3A_3477 : vector<16xf32>
      %add3A_3480 = arith.addf %add3A_3472, %mul3A_3479 : vector<16xf32>
      %mul3A_3481 = arith.mulf %add3A_3478, %add3A_3478 : vector<16xf32>
      %sub3A_3482 = arith.subf %mul3A_3481, %add3A_3480 : vector<16xf32>
      %reduce_sum3A_3483 = arith.constant true
      %reduce_sum3A_3484 = vector.broadcast %reduce_sum3A_3483 : i1 to vector<16xi1>
      %reduce_sum3A_3485 = tpu.scan <sum>, %sub3A_3482 masked %reduce_sum3A_3484 : vector<16xf32>, vector<16xi1> -> vector<16xf32>
      %reduce_sum3A_3486 = vector.extract %reduce_sum3A_3485[15] : f32 from vector<16xf32>
      %mul3A_3487 = arith.constant 5.000000e-01 : f32
      %mul3A_3488 = arith.mulf %mul3A_3487, %reduce_sum3A_3486 : f32
      %eq3A_3489 = arith.constant 14 : i32
      %eq3A_3490 = vector.broadcast %eq3A_3489 : i32 to vector<16xi32>
      %eq3A_3491 = arith.cmpi eq, %iota3A, %eq3A_3490 : vector<16xi32>
      %broadcast_in_dim3A_3492 = vector.broadcast %mul3A_3488 : f32 to vector<16xf32>
      %select_n3A_3493 = arith.select %eq3A_3491, %broadcast_in_dim3A_3492, %select_n3A_3274 : vector<16xi1>, vector<16xf32>
      %add3A_3494 = arith.constant 390 : i32
      %add3A_3495 = arith.addi %mul3A_211, %add3A_3494 : i32
      %get3A_3496 = arith.index_cast %add3A_3495 : i32 to index
      %get3A_3497 = arith.constant 0 : index
      %get3A_3498 = tpu.vector_load %arg10[%get3A_3496, %get3A_3497] {strides = array<i32>} : memref<3328x16xf32, #tpu.memory_space<vmem>>, vector<16xf32>,
      %mul3A_3499 = arith.mulf %get3A_3498, %get3A_3498 : vector<16xf32>
      %add3A_3500 = arith.constant 1 : i32
      %add3A_3501 = arith.addi %add3A_3495, %add3A_3500 : i32
      %get3A_3502 = arith.index_cast %add3A_3501 : i32 to index
      %get3A_3503 = arith.constant 0 : index
      %get3A_3504 = tpu.vector_load %arg10[%get3A_3502, %get3A_3503] {strides = array<i32>} : memref<3328x16xf32, #tpu.memory_space<vmem>>, vector<16xf32>,
      %add3A_3505 = arith.addf %get3A_3498, %get3A_3504 : vector<16xf32>
      %mul3A_3506 = arith.mulf %get3A_3504, %get3A_3504 : vector<16xf32>
      %add3A_3507 = arith.addf %mul3A_3499, %mul3A_3506 : vector<16xf32>
      %add3A_3508 = arith.constant 2 : i32
      %add3A_3509 = arith.addi %add3A_3495, %add3A_3508 : i32
      %get3A_3510 = arith.index_cast %add3A_3509 : i32 to index
      %get3A_3511 = arith.constant 0 : index
      %get3A_3512 = tpu.vector_load %arg10[%get3A_3510, %get3A_3511] {strides = array<i32>} : memref<3328x16xf32, #tpu.memory_space<vmem>>, vector<16xf32>,
      %add3A_3513 = arith.addf %add3A_3505, %get3A_3512 : vector<16xf32>
      %mul3A_3514 = arith.mulf %get3A_3512, %get3A_3512 : vector<16xf32>
      %add3A_3515 = arith.addf %add3A_3507, %mul3A_3514 : vector<16xf32>
      %add3A_3516 = arith.constant 3 : i32
      %add3A_3517 = arith.addi %add3A_3495, %add3A_3516 : i32
      %get3A_3518 = arith.index_cast %add3A_3517 : i32 to index
      %get3A_3519 = arith.constant 0 : index
      %get3A_3520 = tpu.vector_load %arg10[%get3A_3518, %get3A_3519] {strides = array<i32>} : memref<3328x16xf32, #tpu.memory_space<vmem>>, vector<16xf32>,
      %add3A_3521 = arith.addf %add3A_3513, %get3A_3520 : vector<16xf32>
      %mul3A_3522 = arith.mulf %get3A_3520, %get3A_3520 : vector<16xf32>
      %add3A_3523 = arith.addf %add3A_3515, %mul3A_3522 : vector<16xf32>
      %add3A_3524 = arith.constant 4 : i32
      %add3A_3525 = arith.addi %add3A_3495, %add3A_3524 : i32
      %get3A_3526 = arith.index_cast %add3A_3525 : i32 to index
      %get3A_3527 = arith.constant 0 : index
      %get3A_3528 = tpu.vector_load %arg10[%get3A_3526, %get3A_3527] {strides = array<i32>} : memref<3328x16xf32, #tpu.memory_space<vmem>>, vector<16xf32>,
      %add3A_3529 = arith.addf %add3A_3521, %get3A_3528 : vector<16xf32>
      %mul3A_3530 = arith.mulf %get3A_3528, %get3A_3528 : vector<16xf32>
      %add3A_3531 = arith.addf %add3A_3523, %mul3A_3530 : vector<16xf32>
      %add3A_3532 = arith.constant 5 : i32
      %add3A_3533 = arith.addi %add3A_3495, %add3A_3532 : i32
      %get3A_3534 = arith.index_cast %add3A_3533 : i32 to index
      %get3A_3535 = arith.constant 0 : index
      %get3A_3536 = tpu.vector_load %arg10[%get3A_3534, %get3A_3535] {strides = array<i32>} : memref<3328x16xf32, #tpu.memory_space<vmem>>, vector<16xf32>,
      %add3A_3537 = arith.addf %add3A_3529, %get3A_3536 : vector<16xf32>
      %mul3A_3538 = arith.mulf %get3A_3536, %get3A_3536 : vector<16xf32>
      %add3A_3539 = arith.addf %add3A_3531, %mul3A_3538 : vector<16xf32>
      %add3A_3540 = arith.constant 6 : i32
      %add3A_3541 = arith.addi %add3A_3495, %add3A_3540 : i32
      %get3A_3542 = arith.index_cast %add3A_3541 : i32 to index
      %get3A_3543 = arith.constant 0 : index
      %get3A_3544 = tpu.vector_load %arg10[%get3A_3542, %get3A_3543] {strides = array<i32>} : memref<3328x16xf32, #tpu.memory_space<vmem>>, vector<16xf32>,
      %add3A_3545 = arith.addf %add3A_3537, %get3A_3544 : vector<16xf32>
      %mul3A_3546 = arith.mulf %get3A_3544, %get3A_3544 : vector<16xf32>
      %add3A_3547 = arith.addf %add3A_3539, %mul3A_3546 : vector<16xf32>
      %add3A_3548 = arith.constant 7 : i32
      %add3A_3549 = arith.addi %add3A_3495, %add3A_3548 : i32
      %get3A_3550 = arith.index_cast %add3A_3549 : i32 to index
      %get3A_3551 = arith.constant 0 : index
      %get3A_3552 = tpu.vector_load %arg10[%get3A_3550, %get3A_3551] {strides = array<i32>} : memref<3328x16xf32, #tpu.memory_space<vmem>>, vector<16xf32>,
      %add3A_3553 = arith.addf %add3A_3545, %get3A_3552 : vector<16xf32>
      %mul3A_3554 = arith.mulf %get3A_3552, %get3A_3552 : vector<16xf32>
      %add3A_3555 = arith.addf %add3A_3547, %mul3A_3554 : vector<16xf32>
      %add3A_3556 = arith.constant 8 : i32
      %add3A_3557 = arith.addi %add3A_3495, %add3A_3556 : i32
      %get3A_3558 = arith.index_cast %add3A_3557 : i32 to index
      %get3A_3559 = arith.constant 0 : index
      %get3A_3560 = tpu.vector_load %arg10[%get3A_3558, %get3A_3559] {strides = array<i32>} : memref<3328x16xf32, #tpu.memory_space<vmem>>, vector<16xf32>,
      %add3A_3561 = arith.addf %add3A_3553, %get3A_3560 : vector<16xf32>
      %mul3A_3562 = arith.mulf %get3A_3560, %get3A_3560 : vector<16xf32>
      %add3A_3563 = arith.addf %add3A_3555, %mul3A_3562 : vector<16xf32>
      %add3A_3564 = arith.constant 9 : i32
      %add3A_3565 = arith.addi %add3A_3495, %add3A_3564 : i32
      %get3A_3566 = arith.index_cast %add3A_3565 : i32 to index
      %get3A_3567 = arith.constant 0 : index
      %get3A_3568 = tpu.vector_load %arg10[%get3A_3566, %get3A_3567] {strides = array<i32>} : memref<3328x16xf32, #tpu.memory_space<vmem>>, vector<16xf32>,
      %add3A_3569 = arith.addf %add3A_3561, %get3A_3568 : vector<16xf32>
      %mul3A_3570 = arith.mulf %get3A_3568, %get3A_3568 : vector<16xf32>
      %add3A_3571 = arith.addf %add3A_3563, %mul3A_3570 : vector<16xf32>
      %add3A_3572 = arith.constant 10 : i32
      %add3A_3573 = arith.addi %add3A_3495, %add3A_3572 : i32
      %get3A_3574 = arith.index_cast %add3A_3573 : i32 to index
      %get3A_3575 = arith.constant 0 : index
      %get3A_3576 = tpu.vector_load %arg10[%get3A_3574, %get3A_3575] {strides = array<i32>} : memref<3328x16xf32, #tpu.memory_space<vmem>>, vector<16xf32>,
      %add3A_3577 = arith.addf %add3A_3569, %get3A_3576 : vector<16xf32>
      %mul3A_3578 = arith.mulf %get3A_3576, %get3A_3576 : vector<16xf32>
      %add3A_3579 = arith.addf %add3A_3571, %mul3A_3578 : vector<16xf32>
      %add3A_3580 = arith.constant 11 : i32
      %add3A_3581 = arith.addi %add3A_3495, %add3A_3580 : i32
      %get3A_3582 = arith.index_cast %add3A_3581 : i32 to index
      %get3A_3583 = arith.constant 0 : index
      %get3A_3584 = tpu.vector_load %arg10[%get3A_3582, %get3A_3583] {strides = array<i32>} : memref<3328x16xf32, #tpu.memory_space<vmem>>, vector<16xf32>,
      %add3A_3585 = arith.addf %add3A_3577, %get3A_3584 : vector<16xf32>
      %mul3A_3586 = arith.mulf %get3A_3584, %get3A_3584 : vector<16xf32>
      %add3A_3587 = arith.addf %add3A_3579, %mul3A_3586 : vector<16xf32>
      %add3A_3588 = arith.constant 12 : i32
      %add3A_3589 = arith.addi %add3A_3495, %add3A_3588 : i32
      %get3A_3590 = arith.index_cast %add3A_3589 : i32 to index
      %get3A_3591 = arith.constant 0 : index
      %get3A_3592 = tpu.vector_load %arg10[%get3A_3590, %get3A_3591] {strides = array<i32>} : memref<3328x16xf32, #tpu.memory_space<vmem>>, vector<16xf32>,
      %add3A_3593 = arith.addf %add3A_3585, %get3A_3592 : vector<16xf32>
      %mul3A_3594 = arith.mulf %get3A_3592, %get3A_3592 : vector<16xf32>
      %add3A_3595 = arith.addf %add3A_3587, %mul3A_3594 : vector<16xf32>
      %add3A_3596 = arith.constant 13 : i32
      %add3A_3597 = arith.addi %add3A_3495, %add3A_3596 : i32
      %get3A_3598 = arith.index_cast %add3A_3597 : i32 to index
      %get3A_3599 = arith.constant 0 : index
      %get3A_3600 = tpu.vector_load %arg10[%get3A_3598, %get3A_3599] {strides = array<i32>} : memref<3328x16xf32, #tpu.memory_space<vmem>>, vector<16xf32>,
      %add3A_3601 = arith.addf %add3A_3593, %get3A_3600 : vector<16xf32>
      %mul3A_3602 = arith.mulf %get3A_3600, %get3A_3600 : vector<16xf32>
      %add3A_3603 = arith.addf %add3A_3595, %mul3A_3602 : vector<16xf32>
      %add3A_3604 = arith.constant 14 : i32
      %add3A_3605 = arith.addi %add3A_3495, %add3A_3604 : i32
      %get3A_3606 = arith.index_cast %add3A_3605 : i32 to index
      %get3A_3607 = arith.constant 0 : index
      %get3A_3608 = tpu.vector_load %arg10[%get3A_3606, %get3A_3607] {strides = array<i32>} : memref<3328x16xf32, #tpu.memory_space<vmem>>, vector<16xf32>,
      %add3A_3609 = arith.addf %add3A_3601, %get3A_3608 : vector<16xf32>
      %mul3A_3610 = arith.mulf %get3A_3608, %get3A_3608 : vector<16xf32>
      %add3A_3611 = arith.addf %add3A_3603, %mul3A_3610 : vector<16xf32>
      %add3A_3612 = arith.constant 15 : i32
      %add3A_3613 = arith.addi %add3A_3495, %add3A_3612 : i32
      %get3A_3614 = arith.index_cast %add3A_3613 : i32 to index
      %get3A_3615 = arith.constant 0 : index
      %get3A_3616 = tpu.vector_load %arg10[%get3A_3614, %get3A_3615] {strides = array<i32>} : memref<3328x16xf32, #tpu.memory_space<vmem>>, vector<16xf32>,
      %add3A_3617 = arith.addf %add3A_3609, %get3A_3616 : vector<16xf32>
      %mul3A_3618 = arith.mulf %get3A_3616, %get3A_3616 : vector<16xf32>
      %add3A_3619 = arith.addf %add3A_3611, %mul3A_3618 : vector<16xf32>
      %add3A_3620 = arith.constant 16 : i32
      %add3A_3621 = arith.addi %add3A_3495, %add3A_3620 : i32
      %get3A_3622 = arith.index_cast %add3A_3621 : i32 to index
      %get3A_3623 = arith.constant 0 : index
      %get3A_3624 = tpu.vector_load %arg10[%get3A_3622, %get3A_3623] {strides = array<i32>} : memref<3328x16xf32, #tpu.memory_space<vmem>>, vector<16xf32>,
      %add3A_3625 = arith.addf %add3A_3617, %get3A_3624 : vector<16xf32>
      %mul3A_3626 = arith.mulf %get3A_3624, %get3A_3624 : vector<16xf32>
      %add3A_3627 = arith.addf %add3A_3619, %mul3A_3626 : vector<16xf32>
      %add3A_3628 = arith.constant 17 : i32
      %add3A_3629 = arith.addi %add3A_3495, %add3A_3628 : i32
      %get3A_3630 = arith.index_cast %add3A_3629 : i32 to index
      %get3A_3631 = arith.constant 0 : index
      %get3A_3632 = tpu.vector_load %arg10[%get3A_3630, %get3A_3631] {strides = array<i32>} : memref<3328x16xf32, #tpu.memory_space<vmem>>, vector<16xf32>,
      %add3A_3633 = arith.addf %add3A_3625, %get3A_3632 : vector<16xf32>
      %mul3A_3634 = arith.mulf %get3A_3632, %get3A_3632 : vector<16xf32>
      %add3A_3635 = arith.addf %add3A_3627, %mul3A_3634 : vector<16xf32>
      %add3A_3636 = arith.constant 18 : i32
      %add3A_3637 = arith.addi %add3A_3495, %add3A_3636 : i32
      %get3A_3638 = arith.index_cast %add3A_3637 : i32 to index
      %get3A_3639 = arith.constant 0 : index
      %get3A_3640 = tpu.vector_load %arg10[%get3A_3638, %get3A_3639] {strides = array<i32>} : memref<3328x16xf32, #tpu.memory_space<vmem>>, vector<16xf32>,
      %add3A_3641 = arith.addf %add3A_3633, %get3A_3640 : vector<16xf32>
      %mul3A_3642 = arith.mulf %get3A_3640, %get3A_3640 : vector<16xf32>
      %add3A_3643 = arith.addf %add3A_3635, %mul3A_3642 : vector<16xf32>
      %add3A_3644 = arith.constant 19 : i32
      %add3A_3645 = arith.addi %add3A_3495, %add3A_3644 : i32
      %get3A_3646 = arith.index_cast %add3A_3645 : i32 to index
      %get3A_3647 = arith.constant 0 : index
      %get3A_3648 = tpu.vector_load %arg10[%get3A_3646, %get3A_3647] {strides = array<i32>} : memref<3328x16xf32, #tpu.memory_space<vmem>>, vector<16xf32>,
      %add3A_3649 = arith.addf %add3A_3641, %get3A_3648 : vector<16xf32>
      %mul3A_3650 = arith.mulf %get3A_3648, %get3A_3648 : vector<16xf32>
      %add3A_3651 = arith.addf %add3A_3643, %mul3A_3650 : vector<16xf32>
      %add3A_3652 = arith.constant 20 : i32
      %add3A_3653 = arith.addi %add3A_3495, %add3A_3652 : i32
      %get3A_3654 = arith.index_cast %add3A_3653 : i32 to index
      %get3A_3655 = arith.constant 0 : index
      %get3A_3656 = tpu.vector_load %arg10[%get3A_3654, %get3A_3655] {strides = array<i32>} : memref<3328x16xf32, #tpu.memory_space<vmem>>, vector<16xf32>,
      %add3A_3657 = arith.addf %add3A_3649, %get3A_3656 : vector<16xf32>
      %mul3A_3658 = arith.mulf %get3A_3656, %get3A_3656 : vector<16xf32>
      %add3A_3659 = arith.addf %add3A_3651, %mul3A_3658 : vector<16xf32>
      %add3A_3660 = arith.constant 21 : i32
      %add3A_3661 = arith.addi %add3A_3495, %add3A_3660 : i32
      %get3A_3662 = arith.index_cast %add3A_3661 : i32 to index
      %get3A_3663 = arith.constant 0 : index
      %get3A_3664 = tpu.vector_load %arg10[%get3A_3662, %get3A_3663] {strides = array<i32>} : memref<3328x16xf32, #tpu.memory_space<vmem>>, vector<16xf32>,
      %add3A_3665 = arith.addf %add3A_3657, %get3A_3664 : vector<16xf32>
      %mul3A_3666 = arith.mulf %get3A_3664, %get3A_3664 : vector<16xf32>
      %add3A_3667 = arith.addf %add3A_3659, %mul3A_3666 : vector<16xf32>
      %add3A_3668 = arith.constant 22 : i32
      %add3A_3669 = arith.addi %add3A_3495, %add3A_3668 : i32
      %get3A_3670 = arith.index_cast %add3A_3669 : i32 to index
      %get3A_3671 = arith.constant 0 : index
      %get3A_3672 = tpu.vector_load %arg10[%get3A_3670, %get3A_3671] {strides = array<i32>} : memref<3328x16xf32, #tpu.memory_space<vmem>>, vector<16xf32>,
      %add3A_3673 = arith.addf %add3A_3665, %get3A_3672 : vector<16xf32>
      %mul3A_3674 = arith.mulf %get3A_3672, %get3A_3672 : vector<16xf32>
      %add3A_3675 = arith.addf %add3A_3667, %mul3A_3674 : vector<16xf32>
      %add3A_3676 = arith.constant 23 : i32
      %add3A_3677 = arith.addi %add3A_3495, %add3A_3676 : i32
      %get3A_3678 = arith.index_cast %add3A_3677 : i32 to index
      %get3A_3679 = arith.constant 0 : index
      %get3A_3680 = tpu.vector_load %arg10[%get3A_3678, %get3A_3679] {strides = array<i32>} : memref<3328x16xf32, #tpu.memory_space<vmem>>, vector<16xf32>,
      %add3A_3681 = arith.addf %add3A_3673, %get3A_3680 : vector<16xf32>
      %mul3A_3682 = arith.mulf %get3A_3680, %get3A_3680 : vector<16xf32>
      %add3A_3683 = arith.addf %add3A_3675, %mul3A_3682 : vector<16xf32>
      %add3A_3684 = arith.constant 24 : i32
      %add3A_3685 = arith.addi %add3A_3495, %add3A_3684 : i32
      %get3A_3686 = arith.index_cast %add3A_3685 : i32 to index
      %get3A_3687 = arith.constant 0 : index
      %get3A_3688 = tpu.vector_load %arg10[%get3A_3686, %get3A_3687] {strides = array<i32>} : memref<3328x16xf32, #tpu.memory_space<vmem>>, vector<16xf32>,
      %add3A_3689 = arith.addf %add3A_3681, %get3A_3688 : vector<16xf32>
      %mul3A_3690 = arith.mulf %get3A_3688, %get3A_3688 : vector<16xf32>
      %add3A_3691 = arith.addf %add3A_3683, %mul3A_3690 : vector<16xf32>
      %add3A_3692 = arith.constant 25 : i32
      %add3A_3693 = arith.addi %add3A_3495, %add3A_3692 : i32
      %get3A_3694 = arith.index_cast %add3A_3693 : i32 to index
      %get3A_3695 = arith.constant 0 : index
      %get3A_3696 = tpu.vector_load %arg10[%get3A_3694, %get3A_3695] {strides = array<i32>} : memref<3328x16xf32, #tpu.memory_space<vmem>>, vector<16xf32>,
      %add3A_3697 = arith.addf %add3A_3689, %get3A_3696 : vector<16xf32>
      %mul3A_3698 = arith.mulf %get3A_3696, %get3A_3696 : vector<16xf32>
      %add3A_3699 = arith.addf %add3A_3691, %mul3A_3698 : vector<16xf32>
      %mul3A_3700 = arith.mulf %add3A_3697, %add3A_3697 : vector<16xf32>
      %sub3A_3701 = arith.subf %mul3A_3700, %add3A_3699 : vector<16xf32>
      %reduce_sum3A_3702 = arith.constant true
      %reduce_sum3A_3703 = vector.broadcast %reduce_sum3A_3702 : i1 to vector<16xi1>
      %reduce_sum3A_3704 = tpu.scan <sum>, %sub3A_3701 masked %reduce_sum3A_3703 : vector<16xf32>, vector<16xi1> -> vector<16xf32>
      %reduce_sum3A_3705 = vector.extract %reduce_sum3A_3704[15] : f32 from vector<16xf32>
      %mul3A_3706 = arith.constant 5.000000e-01 : f32
      %mul3A_3707 = arith.mulf %mul3A_3706, %reduce_sum3A_3705 : f32
      %eq3A_3708 = arith.constant 15 : i32
      %eq3A_3709 = vector.broadcast %eq3A_3708 : i32 to vector<16xi32>
      %eq3A_3710 = arith.cmpi eq, %iota3A, %eq3A_3709 : vector<16xi32>
      %broadcast_in_dim3A_3711 = vector.broadcast %mul3A_3707 : f32 to vector<16xf32>
      %select_n3A_3712 = arith.select %eq3A_3710, %broadcast_in_dim3A_3711, %select_n3A_3493 : vector<16xi1>, vector<16xf32>
      %add3A_3713 = arith.addf %add3A_209, %select_n3A_3712 : vector<16xf32>
      %mul3A_3714 = arith.constant 16 : i32
      %mul3A_3715 = arith.muli %scan3A_27, %mul3A_3714 : i32
      %swap3A = arith.index_cast %mul3A_3715 : i32 to index
      %swap3A_3716 = tpu.vector_load %arg12[%swap3A] {strides = array<i32>} : memref<128xf32, #tpu.memory_space<vmem>>, vector<16xf32>,
      tpu.vector_store %arg12[%swap3A], %add3A_3713 {strides = array<i32>} : memref<128xf32, #tpu.memory_space<vmem>>, vector<16xf32>,
    }
    %scan3A_24 = arith.constant 8 : i32
    %mul3A_25 = arith.constant 128 : i32
    %mul3A_26 = arith.muli %add3A, %mul3A_25 : i32
    "tpu.region"() ({
      %run_scoped3A = tpu.sem_alloc : memref<!tpu.dma_semaphore, #tpu.memory_space<semaphore_mem>>
      %dma_start3A = tpu.memref_slice %arg7[%mul3A_26] : memref<4096xf32, #tpu.memory_space<hbm>> -> memref<128xf32, #tpu.memory_space<hbm>>
      %dma_start3A_27 = tpu.memref_slice %arg7[%mul3A_26] : memref<4096xf32, #tpu.memory_space<hbm>> -> memref<128xf32, #tpu.memory_space<hbm>>
      tpu.enqueue_dma source(%arg12 : memref<128xf32, #tpu.memory_space<vmem>>) target(%dma_start3A_27 : memref<128xf32, #tpu.memory_space<hbm>>) target_semaphore(%run_scoped3A : memref<!tpu.dma_semaphore, #tpu.memory_space<semaphore_mem>>)
      %dma_wait3A_28 = tpu.memref_slice %arg7[%mul3A_26] : memref<4096xf32, #tpu.memory_space<hbm>> -> memref<128xf32, #tpu.memory_space<hbm>>
      %dma_wait3A_29 = tpu.memref_slice %arg7[%mul3A_26] : memref<4096xf32, #tpu.memory_space<hbm>> -> memref<128xf32, #tpu.memory_space<hbm>>
      tpu.wait_dma2 semaphore(%run_scoped3A : memref<!tpu.dma_semaphore, #tpu.memory_space<semaphore_mem>>) src(%arg12 : memref<128xf32, #tpu.memory_space<vmem>>) dst(%dma_wait3A_29 : memref<128xf32, #tpu.memory_space<hbm>>)
      tpu.yield
    }) : () -> ()
    return
  }
}

</mosaic_0001>

<sc_bundles>
// kernel: kernel.3.cloned.1.call-start
scs
__scs_entry_jumppad:
0x0: {  	(pc) =	sbr.rel $0x88, $3  }
0x1: {  	(tag) =	ssettag $0x0;
	lr =	simm.s32 $0x1  }
0x2: {  	[smem:$0x3F9D] =	sst lr;
	_ =	strace $0xD0000000  }
0x3: {  	_ = 	snop  }
0x4: {  	_ = 	snop  }
0x5: {  	_ = 	snop  }
0x6: {  	_ = 	snop  }
0x7: {  	_ = 	snop  }
__scs_overlays_trampoline_lowered:
0x8: {  	[smem:$0x3FAC] =	sst s0  }
0x9: {  	[smem:$0x3FAD] =	sst s1  }
0xa: {  	[smem:$0x3FAE] =	sst s2  }
0xb: {  	[smem:$0x3FAF] =	sst s3  }
0xc: {  	[smem:$0x3FB0] =	sst s4  }
0xd: {  	[smem:$0x3FB1] =	sst s5  }
0xe: {  	[smem:$0x3FB2] =	sst s6  }
0xf: {  	[smem:$0x3FB3] =	sst s7  }
0x10: {  	[smem:$0x3FB4] =	sst s8  }
0x11: {  	[smem:$0x3FB5] =	sst s9;
	s0 =	simm.s32 @!p0 $0x0  }
0x12: {  	s1 =	sld [smem:$0x3F9B];
	s0 =	simm.s32 @p0 $0x1  }
0x13: {  	[smem:$0x3FB6] =	sst s0;
	s0 =	simm.s32 @!p1 $0x0  }
0x14: {  	s2 =	sld [smem:$0x3F9A];
	s0 =	simm.s32 @p1 $0x1  }
0x15: {  	[smem:$0x3FB7] =	sst s0;
	s0 =	simm.s32 @!p2 $0x0  }
0x16: {  	s3 =	sld [smem:$0x3FDB];
	s0 =	simm.s32 @p2 $0x1  }
0x17: {  	s4 =	simm.s32 $0x1BF5;
	[smem:$0x3FB9] =	sst s0  }
0x18: {  	s0 =	sld [smem:$0x3F9C];
	_ =	swait.ge [sflag:s4], $0x0  }
0x19: {  	s7 =	sld [smem:$0x3F9D]  }
0x1a: {  	s8 =	sadd.s32 $0xFFFFE003, lr  }
0x1b: {  	s9 =	sadd.s32 $0xFFFFFEF7, lr;
	s5 =	simm.s32 $0xFFFFFFFF;
	p2 =	slt.u32 s8, $0xFFFFF086  }
0x1c: {  	p1 =	slt.u32 s9, $0xF7A;
	s5 =	simm.s32 @!p2 $0x0  }
0x1d: {  	s5 =	simm.s32 @p1 $0x1;
	p0 =	seq.s32 s7, s2  }
0x1e: {  	s7 =	smul.u32 @!p0 $0xF7A, s2;
	p2 =	seq.s32 @!p0 s5, $0x0  }
0x1f: {  	s9 =	smul.u32 $0xF7A, s1;
	s8 =	simm.s32 @!p0 $0x1BF5;
	p2 =	por !p2, p0  }
0x20: {  	[sflag:s8] =	ssyncset.s32 @!p0 $0xFFFFF086;
	s6 =	sadd.s32 @!p0 s3, s7;
	s7 =	simm.s32 @!p0 $0x108  }
0x21: {  	s3 =	sadd.s32 s3, s9;
	s6 =	sadd.s32 @!p0 $0x88, s6;
	s7 =	simm.s32 @p2 $0x1082  }
0x22: {  	[simem:s7], [sflag:s8] =	dma.local @!p0 [hbm:s6], $0xF7A  }
0x23: {  	s9 =	sor.u32 $0xD0000000, s2;
	s6 =	simm.s32 $0x108;
	_ =	swait.ge @!p0 [sflag:s8], $0x0  }
0x24: {  	s3 =	sadd.s32 $0x88, s3;
	s6 =	simm.s32 @!p1 $0x1082;
	[sflag:s4] =	ssyncset.s32 $0xFFFFF086  }
0x25: {  	[simem:s6], [sflag:s4] =	dma.local [hbm:s3], $0xF7A  }
0x26: {  	[smem:$0x3F9D] =	sst s1;
	(tag) =	ssettag s2;
	_ =	strace s9  }
0x27: {  	s1 =	sld [smem:$0x3FAD]  }
0x28: {  	s2 =	sld [smem:$0x3FAE]  }
0x29: {  	s4 =	sld [smem:$0x3FB0]  }
0x2a: {  	p0 =	seq.s32 s5, $0x0;
	s5 =	sld [smem:$0x3FB1]  }
0x2b: {  	s6 =	sld [smem:$0x3FB2]  }
0x2c: {  	s7 =	sld [smem:$0x3FB3]  }
0x2d: {  	s3 =	simm.s32 $0x108;
	s8 =	sld [smem:$0x3FB4]  }
0x2e: {  	s3 =	simm.s32 @!p0 $0x1082;
	s9 =	sld [smem:$0x3FB5]  }
0x2f: {  	lr =	sadd.s32 s0, s3;
	s0 =	sld [smem:$0x3FAC]  }
0x30: {  	s3 =	sld [smem:$0x3FAF]  }
0x31: {  	[smem:$0x3FB8] =	sst s10  }
0x32: {  	s10 =	sld [smem:$0x3FB6];
	_ =	sdelay $0x3  }
0x33: {  	p0 =	seq.s32 s10, $0x1;
	s10 =	sld [smem:$0x3FB8];
	_ =	sdelay $0x3  }
0x34: {  	[smem:$0x3FB8] =	sst s10  }
0x35: {  	s10 =	sld [smem:$0x3FB7];
	_ =	sdelay $0x3  }
0x36: {  	p1 =	seq.s32 s10, $0x1;
	s10 =	sld [smem:$0x3FB8];
	_ =	sdelay $0x3  }
0x37: {  	[smem:$0x3FB8] =	sst s10  }
0x38: {  	s10 =	sld [smem:$0x3FB9]  }
0x39: {  	_ = 	snop;
	(pc) =	sbr.ind lr, $3  }
0x3a: {  	_ = 	snop  }
0x3b: {  	_ = 	snop  }
0x3c: {  	p2 =	seq.s32 s10, $0x1;
	s10 =	sld [smem:$0x3FB8]  }
0x3d: {  	_ =	shalt  }
0x3e: {  	_ =	shalt  }
0x3f: {  	_ =	shalt  }
0x40: {  	_ =	shalt  }
0x41: {  	_ =	shalt  }
0x42: {  	_ =	shalt  }
0x43: {  	_ =	shalt  }
0x44: {  	_ =	shalt  }
0x45: {  	_ =	shalt  }
0x46: {  	_ =	shalt  }
0x47: {  	_ =	shalt  }
0x48: {  	_ =	shalt  }
0x49: {  	_ =	shalt  }
0x4a: {  	_ =	shalt  }
0x4b: {  	_ =	shalt  }
0x4c: {  	_ =	shalt  }
0x4d: {  	_ =	shalt  }
0x4e: {  	_ =	shalt  }
0x4f: {  	_ =	shalt  }
0x50: {  	_ =	shalt  }
0x51: {  	_ =	shalt  }
0x52: {  	_ =	shalt  }
0x53: {  	_ =	shalt  }
0x54: {  	_ =	shalt  }
0x55: {  	_ =	shalt  }
0x56: {  	_ =	shalt  }
0x57: {  	_ =	shalt  }
0x58: {  	_ =	shalt  }
0x59: {  	_ =	shalt  }
0x5a: {  	_ =	shalt  }
0x5b: {  	_ =	shalt  }
0x5c: {  	_ =	shalt  }
0x5d: {  	_ =	shalt  }
0x5e: {  	_ =	shalt  }
0x5f: {  	_ =	shalt  }
0x60: {  	_ =	shalt  }
0x61: {  	_ =	shalt  }
0x62: {  	_ =	shalt  }
0x63: {  	_ =	shalt  }
0x64: {  	_ =	shalt  }
0x65: {  	_ =	shalt  }
0x66: {  	_ =	shalt  }
0x67: {  	_ =	shalt  }
0x68: {  	_ =	shalt  }
0x69: {  	_ =	shalt  }
0x6a: {  	_ =	shalt  }
0x6b: {  	_ =	shalt  }
0x6c: {  	_ =	shalt  }
0x6d: {  	_ =	shalt  }
0x6e: {  	_ =	shalt  }
0x6f: {  	_ =	shalt  }
0x70: {  	_ =	shalt  }
0x71: {  	_ =	shalt  }
0x72: {  	_ =	shalt  }
0x73: {  	_ =	shalt  }
0x74: {  	_ =	shalt  }
0x75: {  	_ =	shalt  }
0x76: {  	_ =	shalt  }
0x77: {  	_ =	shalt  }
0x78: {  	_ =	shalt  }
0x79: {  	_ =	shalt  }
0x7a: {  	_ =	shalt  }
0x7b: {  	_ =	shalt  }
0x7c: {  	_ =	shalt  }
0x7d: {  	_ =	shalt  }
0x7e: {  	_ =	shalt  }
0x7f: {  	_ =	shalt  }
0x80: {  	_ =	shalt  }
0x81: {  	_ =	shalt  }
0x82: {  	_ =	shalt  }
0x83: {  	_ =	shalt  }
0x84: {  	_ =	shalt  }
0x85: {  	_ =	shalt  }
0x86: {  	_ =	shalt  }
0x87: {  	_ =	shalt  }
.Lfunc_end0:
.L_simem_size_0:
called_computation_lowered:
.L_overlay_start_0:
0x88: {  	s2 =	sld [smem:$0x3FD9]  }
0x89: {  	s3 =	sld [smem:$0x3FFE];
	_ =	sdelay $0x1  }
0x8a: {  	s1 =	srdreg.scid  }
0x8b: {  	s0 =	sand.u32 $0x1, s1  }
0x8c: {  	s17 =	sshll.u32 s0, $0xA;
	s2 =	sadd.s32 s3, s2  }
0x8d: {  	s2 =	sadd.s32 s2, s17  }
0x8e: {  	[smem:$0x3FC4] =	sst s2  }
0x8f: {  	_ = 	snop  }
0x90: {  	s2 =	sld [smem:$0x3FD0];
	(tm) =	ssettm $0x1  }
0x91: {  	s18 =	sld [smem:$0x3FFB];
	_ =	sdelay $0x3  }
0x92: {  	_ =	strace s18  }
0x93: {  	s3 =	sld [smem:$0x3FFC];
	_ =	sdelay $0x3  }
0x94: {  	_ =	strace s3  }
0x95: {  	s3 =	sld [smem:$0x3FFD];
	_ =	sdelay $0x3  }
0x96: {  	_ =	strace s3  }
0x97: {  	_ =	strace $0x8FFFFFFF  }
0x98: {  	s19 =	sld [smem:$0x3FDB];
	_ =	sdelay $0x1  }
0x99: {  	s4 =	simm.s32 $_scs_section_size  }
0x9a: {  	s5 =	simm.s32 $_size__tile_overlayer_lowered;
	s6 =	simm.s32 $_tile_overlayer_lowered  }
0x9b: {  	s22 =	simm.s32 $0x1BFF;
	s21 =	sshll.u32 s6, $0x1;
	s3 =	sadd.s32 s4, s19  }
0x9c: {  	s7 =	simm.s32 $0x0;
	s20 =	sshll.u32 s5, $0x1;
	s5 =	sadd.s32 s21, s3  }
0x9d: {  	[timem:s7], [sflag:s22] =	dma.local [hbm:s5], s20  }
0x9e: {  	_ =	swait.ge [sflag:s22], s20  }
0x9f: {  	s4 =	ssub.s32 $0x0, s20;
	[sflag:s22] =	ssyncset.done $0x0  }
0xa0: {  	[sflag:s22] =	ssyncadd.s32 s4;
	_ =	sdelay $0x1  }
0xa1: {  	s23 =	simm.s32 $0x1B8B  }
0xa2: {  	_ =	swait.ge [sflag:s23], $0x1  }
0xa3: {  	[sflag:s23] =	ssyncset.done $0x0  }
0xa4: {  	s25 =	simm.s32 $0x1B8E;
	s24 =	sld [smem:$0x3FFE];
	[sflag:s23] =	ssyncadd.s32 $0xFFFFFFFF  }
0xa5: {  	s26 =	simm.s32 $execute0_lowered;
	[smem:$0x3FD2] =	sst s25  }
0xa6: {  	s5 =	sshll.u32 s26, $0x1;
	_ =	strace $0x80000046;
	[dreg:$0x1] =	wrdreg $0xFFFFFFFF  }
0xa7: {  	s28 =	simm.s32 $_size_execute0_lowered;
	s3 =	sadd.s32 s3, s5;
	[dreg:$0x0] =	wrdreg $0x0  }
0xa8: {  	s5 =	sshll.u32 s28, $0x1;
	[dreg:$0x2] =	wrdreg s3  }
0xa9: {  	[dreg:$0x3] =	wrdreg s5  }
0xaa: {  	[dreg:$0x4] =	wrdreg $0xC0  }
0xab: {  	_ =	task [dreg:s7], $0x5FFFF  }
0xac: {  	[dreg:$0x1] =	wrdreg $0xFFFFFFFF  }
0xad: {  	[dreg:$0x0] =	wrdreg $0x60  }
0xae: {  	[dreg:$0x2] =	wrdreg s24  }
0xaf: {  	[dreg:$0x3] =	wrdreg s2  }
0xb0: {  	[dreg:$0x4] =	wrdreg $0x9  }
0xb1: {  	_ =	task.clear_ibuf [dreg:s7], $0x5FFFF;
	_ =	strace $0x90000046  }
0xb2: {  	s29 =	simm.s32 $0x9;
	_ =	strace $0x80000048  }
0xb3: {  	_ =	swait.ge [sflag:s29], $0x1  }
0xb4: {  	[sflag:s29] =	ssyncadd.s32 $0xFFFFFFFF  }
0xb5: {  	_ =	strace $0x90000048  }
0xb6: {  	_ =	sfence  }
0xb7: {  	s30 =	sld [smem:$0x0];
	_ =	sdelay $0x2  }
0xb8: {  	s31 =	sshll.u32 s1, $0xD;
	s1 =	sshrl.u32 s1, $0x2  }
0xb9: {  	s3 =	sand.u32 $0x4000, s31;
	s1 =	sadd.s32 s1, s30  }
0xba: {  	s0 =	sor.u32 s3, s0;
	s1 =	sshll.u32 s1, $0x11  }
0xbb: {  	s0 =	sor.u32 s1, s0  }
0xbc: {  	s0 =	sadd.s32 $0x8F2B, s0  }
0xbd: {  	[sflag:s0] =	ssyncadd.remote.s32 $0x1  }
0xbe: {  	_ =	sfence.sel $0xFFFF  }
0xbf: {  	[dreg:$0x0] =	wrdreg $0xFFFFFFFF;
	(pc) =	sbr.abs _section_cstart, $3  }
0xc0: {  	[dreg:$0x1] =	wrdreg $0xFFFFFFFF  }
0xc1: {  	_ =	task.clear_ibuf [dreg:s7], $0x2FFFF;
	_ =	strace $0x9FFFFFFF  }
0xc2: {  	(tm) =	ssettm $0x7FFFFFFF  }
0xc3: {  	_ =	shalt  }
tec
execute0_lowered:
.L_overlay_start_1:
0x0: {  	(tag) =	ssettag $0x1  }
0x1: {  	s0 =	rddreg [dreg:$0x0];
	s1 =	srdreg.scid  }
0x2: {  	s2 =	stileid.u32;
	s8 =	rddreg [dreg:$0x1]  }
0x3: {  	s10 =	simm.s32 $0x3;
	s13 =	simm.s32 $0x80;
	s15 =	simm.s32 $0x2  }
0x4: {  	s16 =	simm.s32 $0x1;
	s18 =	simm.s32 $0x0;
	s1 =	sand.u32 $0x1, s1  }
0x5: {  	s3 =	sshll.u32 s2, $0x1;
	s2 =	simm.s32 $0x0;
	s4 =	sadd.s32 $0x27B2E00, s0  }
0x6: {  	vm0 =	vcmask $0x300;
	vm1 =	vcmask $0x704;
	vm2 =	vcmask $0xB08;
	s5 =	sadd.s32 $0x6A00, s0;
	s9 =	sor.u32 s1, s3;
	s1 =	ssub.s32 $0x2, s1  }
0x7: {  	vm3 =	vcmask $0xF0C;
	vm4 =	vcmask $0x1310;
	vm5 =	vcmask $0x1714;
	[smem:$0x7FF] =	sst s2;
	s3 =	smul.u32 $0x1A0, s9;
	s6 =	sshrl.u32 s1, $0x1  }
0x8: {  	vm6 =	vcmask $0x1B18;
	vm7 =	vcmask $0x1F1C;
	vm8 =	vcmask $0x2320;
	_ =	strace $0x80000047;
	s31 =	sshll.u32 s9, $0x4;
	s30 =	ssub.s32 s1, s6  }
0x9: {  	vm9 =	vcmask $0x2724;
	vm10 =	vcmask $0x2B28;
	vm11 =	vcmask $0x2F2C;
	s8 =	sadd.s32 s8, s31;
	s7 =	sadd.s32 s3, s0;
	s3 =	sadd.s32 $0x56000, s0  }
0xa: {  	vm12 =	vcmask $0x3330;
	vm13 =	vcmask $0x3734;
	vm14 =	vcmask $0x3B38;
	s9 =	smax.u32 s30, $0x1;
	s6 =	sadd.s32 $0x200, s7;
	s7 =	sadd.s32 $0x3600, s7  }
.LBB2_1:
0xb: {  	[tilespmem:s2], [sflag:$0x3] =	stream.linear.gather [hbm4b:s6+s2], $0xD00, $0x38;
	[tilespmem:$0xF790] =	vst v63  }
0xc: {  	_ =	swait.ge [sflag:s10], $0xD00  }
0xd: {  	[sflag:s10] =	ssyncset.done $0x0  }
0xe: {  	s0 =	simm.s32 $0xD00;
	[sflag:s10] =	ssyncadd.s32 $0xFFFFF300  }
0xf: {  	[tilespmem:s0], [sflag:$0x3] =	stream.linear.gather [hbm4b:s7+s2], $0xD00, $0x38;
	[tilespmem:$0xF790] =	vst v63  }
0x10: {  	_ =	swait.ge [sflag:s10], $0xD00  }
0x11: {  	[sflag:s10] =	ssyncset.done $0x0  }
0x12: {  	s1 =	simm.s32 $0xF780;
	[sflag:s10] =	ssyncadd.s32 $0xFFFFF300  }
0x13: {  	[tilespmem:s1], [sflag:$0x3] =	stream.linear.gather [hbm4b:s3+s2], $0x10, $0x38;
	[tilespmem:$0xF790] =	vst v63  }
0x14: {  	_ =	swait.ge [sflag:s10], $0x10  }
0x15: {  	[sflag:s10] =	ssyncset.done $0x0  }
0x16: {  	s26 =	simm.s32 $0x1A00;
	[sflag:s10] =	ssyncadd.s32 $0xFFFFFFF0  }
0x17: {  	[tilespmem:s26], [sflag:$0x1] =	stream.indirect.gather [hbm4b:s4+s13], $0x10, s2, s13, $0xb8;
	[tilespmem:$0xF790] =	vst v63  }
0x18: {  	s28 =	simm.s32 $0x2200  }
0x19: {  	[tilespmem:s28], [sflag:$0x1] =	stream.indirect.gather [hbm4b:s4+s13], $0x10, s13, s13, $0xb8;
	[tilespmem:$0xF790] =	vst v63  }
0x1a: {  	s29 =	simm.s32 $0x100;
	s11 =	simm.s32 $0x2A00  }
0x1b: {  	[tilespmem:s11], [sflag:$0x1] =	stream.indirect.gather [hbm4b:s4+s13], $0x10, s29, s13, $0xb8;
	[tilespmem:$0xF790] =	vst v63  }
0x1c: {  	s30 =	simm.s32 $0x180;
	s31 =	simm.s32 $0x3200  }
0x1d: {  	[tilespmem:s31], [sflag:$0x1] =	stream.indirect.gather [hbm4b:s4+s13], $0x10, s30, s13, $0xb8;
	[tilespmem:$0xF790] =	vst v63  }
0x1e: {  	s12 =	simm.s32 $0x3A00;
	s11 =	simm.s32 $0x200  }
0x1f: {  	[tilespmem:s12], [sflag:$0x1] =	stream.indirect.gather [hbm4b:s4+s13], $0x10, s11, s13, $0xb8;
	[tilespmem:$0xF790] =	vst v63  }
0x20: {  	s14 =	simm.s32 $0x280;
	s17 =	simm.s32 $0x4200  }
0x21: {  	[tilespmem:s17], [sflag:$0x1] =	stream.indirect.gather [hbm4b:s4+s13], $0x10, s14, s13, $0xb8;
	[tilespmem:$0xF790] =	vst v63  }
0x22: {  	s19 =	simm.s32 $0x300;
	s20 =	simm.s32 $0x4A00  }
0x23: {  	[tilespmem:s20], [sflag:$0x1] =	stream.indirect.gather [hbm4b:s4+s13], $0x10, s19, s13, $0xb8;
	[tilespmem:$0xF790] =	vst v63  }
0x24: {  	s21 =	simm.s32 $0x380;
	s22 =	simm.s32 $0x5200  }
0x25: {  	[tilespmem:s22], [sflag:$0x1] =	stream.indirect.gather [hbm4b:s4+s13], $0x10, s21, s13, $0xb8;
	[tilespmem:$0xF790] =	vst v63  }
0x26: {  	s23 =	simm.s32 $0x400;
	s24 =	simm.s32 $0x5A00  }
0x27: {  	[tilespmem:s24], [sflag:$0x1] =	stream.indirect.gather [hbm4b:s4+s13], $0x10, s23, s13, $0xb8;
	[tilespmem:$0xF790] =	vst v63  }
0x28: {  	s25 =	simm.s32 $0x480;
	s26 =	simm.s32 $0x6200  }
0x29: {  	[tilespmem:s26], [sflag:$0x1] =	stream.indirect.gather [hbm4b:s4+s13], $0x10, s25, s13, $0xb8;
	[tilespmem:$0xF790] =	vst v63  }
0x2a: {  	s28 =	simm.s32 $0x500;
	s29 =	simm.s32 $0x6A00  }
0x2b: {  	[tilespmem:s29], [sflag:$0x1] =	stream.indirect.gather [hbm4b:s4+s13], $0x10, s28, s13, $0xb8;
	[tilespmem:$0xF790] =	vst v63  }
0x2c: {  	s30 =	simm.s32 $0x580;
	s31 =	simm.s32 $0x7200  }
0x2d: {  	[tilespmem:s31], [sflag:$0x1] =	stream.indirect.gather [hbm4b:s4+s13], $0x10, s30, s13, $0xb8;
	[tilespmem:$0xF790] =	vst v63  }
0x2e: {  	s11 =	simm.s32 $0x600;
	s12 =	simm.s32 $0x7A00  }
0x2f: {  	[tilespmem:s12], [sflag:$0x1] =	stream.indirect.gather [hbm4b:s4+s13], $0x10, s11, s13, $0xb8;
	[tilespmem:$0xF790] =	vst v63  }
0x30: {  	s14 =	simm.s32 $0x680;
	s17 =	simm.s32 $0x8200  }
0x31: {  	[tilespmem:s17], [sflag:$0x1] =	stream.indirect.gather [hbm4b:s4+s13], $0x10, s14, s13, $0xb8;
	[tilespmem:$0xF790] =	vst v63  }
0x32: {  	s19 =	simm.s32 $0x700;
	s20 =	simm.s32 $0x8A00  }
0x33: {  	[tilespmem:s20], [sflag:$0x1] =	stream.indirect.gather [hbm4b:s4+s13], $0x10, s19, s13, $0xb8;
	[tilespmem:$0xF790] =	vst v63  }
0x34: {  	s21 =	simm.s32 $0x780;
	s22 =	simm.s32 $0x9200  }
0x35: {  	[tilespmem:s22], [sflag:$0x1] =	stream.indirect.gather [hbm4b:s4+s13], $0x10, s21, s13, $0xb8;
	[tilespmem:$0xF790] =	vst v63  }
0x36: {  	s23 =	simm.s32 $0x800;
	s24 =	simm.s32 $0x9A00  }
0x37: {  	[tilespmem:s24], [sflag:$0x1] =	stream.indirect.gather [hbm4b:s4+s13], $0x10, s23, s13, $0xb8;
	[tilespmem:$0xF790] =	vst v63  }
0x38: {  	s25 =	simm.s32 $0x880;
	s26 =	simm.s32 $0xA200  }
0x39: {  	[tilespmem:s26], [sflag:$0x1] =	stream.indirect.gather [hbm4b:s4+s13], $0x10, s25, s13, $0xb8;
	[tilespmem:$0xF790] =	vst v63  }
0x3a: {  	s28 =	simm.s32 $0x900;
	s29 =	simm.s32 $0xAA00  }
0x3b: {  	[tilespmem:s29], [sflag:$0x1] =	stream.indirect.gather [hbm4b:s4+s13], $0x10, s28, s13, $0xb8;
	[tilespmem:$0xF790] =	vst v63  }
0x3c: {  	s30 =	simm.s32 $0x980;
	s31 =	simm.s32 $0xB200  }
0x3d: {  	[tilespmem:s31], [sflag:$0x1] =	stream.indirect.gather [hbm4b:s4+s13], $0x10, s30, s13, $0xb8;
	[tilespmem:$0xF790] =	vst v63  }
0x3e: {  	s12 =	simm.s32 $0xA00;
	s14 =	simm.s32 $0xBA00  }
0x3f: {  	[tilespmem:s14], [sflag:$0x1] =	stream.indirect.gather [hbm4b:s4+s13], $0x10, s12, s13, $0xb8;
	[tilespmem:$0xF790] =	vst v63  }
0x40: {  	s17 =	simm.s32 $0xA80;
	s19 =	simm.s32 $0xC200  }
0x41: {  	[tilespmem:s19], [sflag:$0x1] =	stream.indirect.gather [hbm4b:s4+s13], $0x10, s17, s13, $0xb8;
	[tilespmem:$0xF790] =	vst v63  }
0x42: {  	s20 =	simm.s32 $0xB00;
	s21 =	simm.s32 $0xCA00  }
0x43: {  	[tilespmem:s21], [sflag:$0x1] =	stream.indirect.gather [hbm4b:s4+s13], $0x10, s20, s13, $0xb8;
	[tilespmem:$0xF790] =	vst v63  }
0x44: {  	s22 =	simm.s32 $0xB80;
	s23 =	simm.s32 $0xD200  }
0x45: {  	[tilespmem:s23], [sflag:$0x1] =	stream.indirect.gather [hbm4b:s4+s13], $0x10, s22, s13, $0xb8;
	[tilespmem:$0xF790] =	vst v63  }
0x46: {  	s24 =	simm.s32 $0xC00;
	s25 =	simm.s32 $0xDA00  }
0x47: {  	[tilespmem:s25], [sflag:$0x1] =	stream.indirect.gather [hbm4b:s4+s13], $0x10, s24, s13, $0xb8;
	[tilespmem:$0xF790] =	vst v63  }
0x48: {  	s26 =	simm.s32 $0xC80;
	s28 =	simm.s32 $0xE200  }
0x49: {  	[tilespmem:s28], [sflag:$0x1] =	stream.indirect.gather [hbm4b:s4+s13], $0x10, s26, s13, $0xb8;
	[tilespmem:$0xF790] =	vst v63  }
0x4a: {  	s29 =	simm.s32 $0xEA00  }
0x4b: {  	[tilespmem:s29], [sflag:$0x2] =	stream.indirect.gather [hbm4b:s5+s13], $0x1, s0, s13, $0xb8;
	[tilespmem:$0xF790] =	vst v63  }
0x4c: {  	s30 =	simm.s32 $0xD80;
	s31 =	simm.s32 $0xEA80  }
0x4d: {  	[tilespmem:s31], [sflag:$0x2] =	stream.indirect.gather [hbm4b:s5+s13], $0x1, s30, s13, $0xb8;
	[tilespmem:$0xF790] =	vst v63  }
0x4e: {  	s11 =	simm.s32 $0xE00;
	s12 =	simm.s32 $0xEB00  }
0x4f: {  	[tilespmem:s12], [sflag:$0x2] =	stream.indirect.gather [hbm4b:s5+s13], $0x1, s11, s13, $0xb8;
	[tilespmem:$0xF790] =	vst v63  }
0x50: {  	s14 =	simm.s32 $0xE80;
	s17 =	simm.s32 $0xEB80  }
0x51: {  	[tilespmem:s17], [sflag:$0x2] =	stream.indirect.gather [hbm4b:s5+s13], $0x1, s14, s13, $0xb8;
	[tilespmem:$0xF790] =	vst v63  }
0x52: {  	s19 =	simm.s32 $0xF00;
	s20 =	simm.s32 $0xEC00  }
0x53: {  	[tilespmem:s20], [sflag:$0x2] =	stream.indirect.gather [hbm4b:s5+s13], $0x1, s19, s13, $0xb8;
	[tilespmem:$0xF790] =	vst v63  }
0x54: {  	s21 =	simm.s32 $0xF80;
	s22 =	simm.s32 $0xEC80  }
0x55: {  	[tilespmem:s22], [sflag:$0x2] =	stream.indirect.gather [hbm4b:s5+s13], $0x1, s21, s13, $0xb8;
	[tilespmem:$0xF790] =	vst v63  }
0x56: {  	s23 =	simm.s32 $0x1000;
	s24 =	simm.s32 $0xED00  }
0x57: {  	[tilespmem:s24], [sflag:$0x2] =	stream.indirect.gather [hbm4b:s5+s13], $0x1, s23, s13, $0xb8;
	[tilespmem:$0xF790] =	vst v63  }
0x58: {  	s25 =	simm.s32 $0x1080;
	s26 =	simm.s32 $0xED80  }
0x59: {  	[tilespmem:s26], [sflag:$0x2] =	stream.indirect.gather [hbm4b:s5+s13], $0x1, s25, s13, $0xb8;
	[tilespmem:$0xF790] =	vst v63  }
0x5a: {  	s28 =	simm.s32 $0x1100;
	s29 =	simm.s32 $0xEE00  }
0x5b: {  	[tilespmem:s29], [sflag:$0x2] =	stream.indirect.gather [hbm4b:s5+s13], $0x1, s28, s13, $0xb8;
	[tilespmem:$0xF790] =	vst v63  }
0x5c: {  	s30 =	simm.s32 $0x1180;
	s31 =	simm.s32 $0xEE80  }
0x5d: {  	[tilespmem:s31], [sflag:$0x2] =	stream.indirect.gather [hbm4b:s5+s13], $0x1, s30, s13, $0xb8;
	[tilespmem:$0xF790] =	vst v63  }
0x5e: {  	s11 =	simm.s32 $0x1200;
	s12 =	simm.s32 $0xEF00  }
0x5f: {  	[tilespmem:s12], [sflag:$0x2] =	stream.indirect.gather [hbm4b:s5+s13], $0x1, s11, s13, $0xb8;
	[tilespmem:$0xF790] =	vst v63  }
0x60: {  	s14 =	simm.s32 $0x1280;
	s17 =	simm.s32 $0xEF80  }
0x61: {  	[tilespmem:s17], [sflag:$0x2] =	stream.indirect.gather [hbm4b:s5+s13], $0x1, s14, s13, $0xb8;
	[tilespmem:$0xF790] =	vst v63  }
0x62: {  	s19 =	simm.s32 $0x1300;
	s20 =	simm.s32 $0xF000  }
0x63: {  	[tilespmem:s20], [sflag:$0x2] =	stream.indirect.gather [hbm4b:s5+s13], $0x1, s19, s13, $0xb8;
	[tilespmem:$0xF790] =	vst v63  }
0x64: {  	s21 =	simm.s32 $0x1380;
	s22 =	simm.s32 $0xF080  }
0x65: {  	[tilespmem:s22], [sflag:$0x2] =	stream.indirect.gather [hbm4b:s5+s13], $0x1, s21, s13, $0xb8;
	[tilespmem:$0xF790] =	vst v63  }
0x66: {  	s23 =	simm.s32 $0x1400;
	s24 =	simm.s32 $0xF100  }
0x67: {  	[tilespmem:s24], [sflag:$0x2] =	stream.indirect.gather [hbm4b:s5+s13], $0x1, s23, s13, $0xb8;
	[tilespmem:$0xF790] =	vst v63  }
0x68: {  	s25 =	simm.s32 $0x1480;
	s26 =	simm.s32 $0xF180  }
0x69: {  	[tilespmem:s26], [sflag:$0x2] =	stream.indirect.gather [hbm4b:s5+s13], $0x1, s25, s13, $0xb8;
	[tilespmem:$0xF790] =	vst v63  }
0x6a: {  	s28 =	simm.s32 $0x1500;
	s29 =	simm.s32 $0xF200  }
0x6b: {  	[tilespmem:s29], [sflag:$0x2] =	stream.indirect.gather [hbm4b:s5+s13], $0x1, s28, s13, $0xb8;
	[tilespmem:$0xF790] =	vst v63  }
0x6c: {  	s30 =	simm.s32 $0x1580;
	s31 =	simm.s32 $0xF280  }
0x6d: {  	[tilespmem:s31], [sflag:$0x2] =	stream.indirect.gather [hbm4b:s5+s13], $0x1, s30, s13, $0xb8;
	[tilespmem:$0xF790] =	vst v63  }
0x6e: {  	s11 =	simm.s32 $0x1600;
	s12 =	simm.s32 $0xF300  }
0x6f: {  	[tilespmem:s12], [sflag:$0x2] =	stream.indirect.gather [hbm4b:s5+s13], $0x1, s11, s13, $0xb8;
	[tilespmem:$0xF790] =	vst v63  }
0x70: {  	s14 =	simm.s32 $0x1680;
	s17 =	simm.s32 $0xF380  }
0x71: {  	[tilespmem:s17], [sflag:$0x2] =	stream.indirect.gather [hbm4b:s5+s13], $0x1, s14, s13, $0xb8;
	[tilespmem:$0xF790] =	vst v63  }
0x72: {  	s19 =	simm.s32 $0x1700;
	s20 =	simm.s32 $0xF400  }
0x73: {  	[tilespmem:s20], [sflag:$0x2] =	stream.indirect.gather [hbm4b:s5+s13], $0x1, s19, s13, $0xb8;
	[tilespmem:$0xF790] =	vst v63  }
0x74: {  	s21 =	simm.s32 $0x1780;
	s22 =	simm.s32 $0xF480  }
0x75: {  	[tilespmem:s22], [sflag:$0x2] =	stream.indirect.gather [hbm4b:s5+s13], $0x1, s21, s13, $0xb8;
	[tilespmem:$0xF790] =	vst v63  }
0x76: {  	s23 =	simm.s32 $0x1800;
	s24 =	simm.s32 $0xF500  }
0x77: {  	[tilespmem:s24], [sflag:$0x2] =	stream.indirect.gather [hbm4b:s5+s13], $0x1, s23, s13, $0xb8;
	[tilespmem:$0xF790] =	vst v63  }
0x78: {  	s25 =	simm.s32 $0x1880;
	s26 =	simm.s32 $0xF580  }
0x79: {  	[tilespmem:s26], [sflag:$0x2] =	stream.indirect.gather [hbm4b:s5+s13], $0x1, s25, s13, $0xb8;
	[tilespmem:$0xF790] =	vst v63  }
0x7a: {  	s28 =	simm.s32 $0x1900;
	s29 =	simm.s32 $0xF600  }
0x7b: {  	[tilespmem:s29], [sflag:$0x2] =	stream.indirect.gather [hbm4b:s5+s13], $0x1, s28, s13, $0xb8;
	[tilespmem:$0xF790] =	vst v63  }
0x7c: {  	s30 =	simm.s32 $0x1980;
	s31 =	simm.s32 $0xF680  }
0x7d: {  	[tilespmem:s31], [sflag:$0x2] =	stream.indirect.gather [hbm4b:s5+s13], $0x1, s30, s13, $0xb8;
	[tilespmem:$0xF790] =	vst v63  }
0x7e: {  	_ =	swait.ge [sflag:s15], $0xD00  }
0x7f: {  	[sflag:s15] =	ssyncset.done $0x0  }
0x80: {  	[sflag:s15] =	ssyncadd.s32 $0xFFFFF300  }
0x81: {  	_ =	swait.ge [sflag:s16], $0xD000  }
0x82: {  	[sflag:s16] =	ssyncset.done $0x0  }
0x83: {  	[sflag:s16] =	ssyncadd.s32 $0xFFFF3000  }
0x84: {  	s19 =	simm.s32 $0x0;
	v0 =	vld [tilespmem:$0xF780]  }
.LBB2_2:
0x85: {  	s20 =	sshll.u32 s19, $0x4  }
0x86: {  	v8 =	vld [tilespmem:s20+$0xEA00]  }
0x87: {  	v7 =	vld [tilespmem:s20+$0xEA80]  }
0x88: {  	v6 =	vld [tilespmem:s20+$0xEB00]  }
0x89: {  	v5 =	vld [tilespmem:s20+$0xEB80]  }
0x8a: {  	v4 =	vld [tilespmem:s20+$0xEC00]  }
0x8b: {  	s21 =	smul.u32 $0x6800, s19;
	v3 =	vld [tilespmem:s20+$0xEC80]  }
0x8c: {  	v2 =	vld [tilespmem:s20+$0xED00]  }
0x8d: {  	v1 =	vld [tilespmem:s20+$0xED80];
	s21 =	sshra.s32 s21, $0x2  }
0x8e: {  	v9 =	vld [tilespmem:s21+$0x1A00]  }
0x8f: {  	v10 =	vld [tilespmem:s21+$0x1A10]  }
0x90: {  	v11 =	vld [tilespmem:s21+$0x1A20]  }
0x91: {  	v12 =	vld [tilespmem:s21+$0x1A30]  }
0x92: {  	v54 =	vld [tilespmem:s21+$0x1A40]  }
0x93: {  	v56 =	vld [tilespmem:s21+$0x1A50]  }
0x94: {  	v58 =	vld [tilespmem:s21+$0x1A60]  }
0x95: {  	v60 =	vld [tilespmem:s21+$0x1A70]  }
0x96: {  	v62 =	vld [tilespmem:s21+$0x1A80]  }
0x97: {  	v16 =	vld [tilespmem:s21+$0x1A90];
	v13 =	vmul.f32 v9, v9;
	v14 =	vmul.f32 v10, v10;
	v9 =	vadd.f32 v10, v9  }
0x98: {  	v18 =	vld [tilespmem:s21+$0x1AA0]  }
0x99: {  	v20 =	vld [tilespmem:s21+$0x1AB0];
	v55 =	vmul.f32 v11, v11;
	v13 =	vadd.f32 v14, v13;
	v9 =	vadd.f32 v11, v9  }
0x9a: {  	v22 =	vld [tilespmem:s21+$0x1AC0]  }
0x9b: {  	v24 =	vld [tilespmem:s21+$0x1AD0];
	v57 =	vmul.f32 v12, v12;
	v13 =	vadd.f32 v55, v13;
	v9 =	vadd.f32 v12, v9  }
0x9c: {  	v15 =	vld [tilespmem:s21+$0x1AE0]  }
0x9d: {  	v26 =	vld [tilespmem:s21+$0x1BA0];
	v59 =	vmul.f32 v54, v54;
	v13 =	vadd.f32 v57, v13;
	v9 =	vadd.f32 v54, v9  }
0x9e: {  	v28 =	vld [tilespmem:s21+$0x1AF0]  }
0x9f: {  	v30 =	vld [tilespmem:s21+$0x1B00];
	v61 =	vmul.f32 v56, v56;
	v13 =	vadd.f32 v59, v13;
	v9 =	vadd.f32 v56, v9  }
0xa0: {  	v32 =	vld [tilespmem:s21+$0x1B10]  }
0xa1: {  	v34 =	vld [tilespmem:s21+$0x1BE0];
	v63 =	vmul.f32 v58, v58;
	v13 =	vadd.f32 v61, v13;
	v9 =	vadd.f32 v58, v9  }
0xa2: {  	v35 =	vld [tilespmem:s21+$0x1B20];
	v17 =	vmul.f32 v60, v60  }
0xa3: {  	v38 =	vld [tilespmem:s21+$0x1BF0];
	v19 =	vmul.f32 v62, v62;
	v13 =	vadd.f32 v63, v13;
	v9 =	vadd.f32 v60, v9  }
0xa4: {  	v39 =	vld [tilespmem:s21+$0x1B30];
	v8 =	vadd.f32 v8, v0;
	v21 =	vmul.f32 v16, v16;
	v23 =	vmul.f32 v18, v18  }
0xa5: {  	v42 =	vld [tilespmem:s21+$0x1C00];
	v25 =	vmul.f32 v20, v20;
	v13 =	vadd.f32 v17, v13;
	v9 =	vadd.f32 v62, v9  }
0xa6: {  	v43 =	vld [tilespmem:s21+$0x1B40];
	v27 =	vmul.f32 v22, v22;
	v29 =	vmul.f32 v24, v24;
	v7 =	vadd.f32 v7, v8  }
0xa7: {  	v31 =	vmul.f32 v15, v15;
	v13 =	vadd.f32 v19, v13;
	v9 =	vadd.f32 v16, v9;
	v16 =	vld [tilespmem:s21+$0x1BB0]  }
0xa8: {  	v46 =	vld [tilespmem:s21+$0x1C10];
	v33 =	vmul.f32 v28, v28;
	v37 =	vmul.f32 v30, v30  }
0xa9: {  	v41 =	vmul.f32 v32, v32;
	v6 =	vadd.f32 v6, v7;
	v17 =	vld [tilespmem:s21+$0x1BC0];
	v13 =	vadd.f32 v21, v13  }
0xaa: {  	v47 =	vld [tilespmem:s21+$0x1B50];
	v44 =	vmul.f32 v34, v34;
	v45 =	vmul.f32 v35, v35;
	v9 =	vadd.f32 v18, v9  }
0xab: {  	v48 =	vmul.f32 v38, v38;
	v5 =	vadd.f32 v5, v6;
	v18 =	vld [tilespmem:s21+$0x1BD0];
	v13 =	vadd.f32 v23, v13  }
0xac: {  	v50 =	vld [tilespmem:s21+$0x1C20];
	v19 =	vmul.f32 v26, v26;
	v9 =	vadd.f32 v20, v9;
	v20 =	vmul.f32 v16, v16  }
0xad: {  	v51 =	vld [tilespmem:s21+$0x1B60];
	v49 =	vmul.f32 v39, v39;
	v11 =	vadd.f32 v16, v26;
	v13 =	vadd.f32 v25, v13  }
0xae: {  	v55 =	vld [tilespmem:s21+$0x1B70];
	v36 =	vmul.f32 v17, v17;
	v9 =	vadd.f32 v22, v9;
	v19 =	vadd.f32 v20, v19  }
0xaf: {  	v52 =	vmul.f32 v42, v42;
	v54 =	vld [tilespmem:s21+$0x1C30];
	v11 =	vadd.f32 v17, v11;
	v13 =	vadd.f32 v27, v13  }
0xb0: {  	v59 =	vld [tilespmem:s21+$0x1B80];
	v40 =	vmul.f32 v18, v18;
	v9 =	vadd.f32 v24, v9;
	v19 =	vadd.f32 v36, v19  }
0xb1: {  	v53 =	vmul.f32 v43, v43;
	v58 =	vld [tilespmem:s21+$0x1C40];
	v11 =	vadd.f32 v18, v11;
	v13 =	vadd.f32 v29, v13  }
0xb2: {  	v57 =	vmul.f32 v47, v47;
	v62 =	vld [tilespmem:s21+$0x1C50];
	v9 =	vadd.f32 v15, v9;
	v19 =	vadd.f32 v40, v19  }
0xb3: {  	v56 =	vmul.f32 v46, v46;
	v23 =	vld [tilespmem:s21+$0x1C60];
	v11 =	vadd.f32 v34, v11;
	v13 =	vadd.f32 v31, v13  }
0xb4: {  	v61 =	vmul.f32 v51, v51;
	v26 =	vld [tilespmem:s21+$0x1C70];
	v9 =	vadd.f32 v28, v9;
	v19 =	vadd.f32 v44, v19  }
0xb5: {  	v60 =	vmul.f32 v50, v50;
	v24 =	vld [tilespmem:s21+$0x1B90];
	v11 =	vadd.f32 v38, v11;
	v13 =	vadd.f32 v33, v13  }
0xb6: {  	v21 =	vmul.f32 v54, v54;
	v29 =	vld [tilespmem:s21+$0x1C80];
	v9 =	vadd.f32 v30, v9;
	v19 =	vadd.f32 v48, v19  }
0xb7: {  	v22 =	vmul.f32 v55, v55;
	v40 =	vld [tilespmem:s21+$0x1CD0];
	v11 =	vadd.f32 v42, v11;
	v13 =	vadd.f32 v37, v13  }
0xb8: {  	v25 =	vmul.f32 v58, v58;
	v31 =	vld [tilespmem:s21+$0x1C90];
	v9 =	vadd.f32 v32, v9;
	v19 =	vadd.f32 v52, v19  }
0xb9: {  	v27 =	vmul.f32 v59, v59;
	v38 =	vld [tilespmem:s21+$0x1CC0];
	v11 =	vadd.f32 v46, v11;
	v13 =	vadd.f32 v41, v13  }
0xba: {  	v28 =	vmul.f32 v62, v62;
	v44 =	vld [tilespmem:s21+$0x1CF0];
	v9 =	vadd.f32 v35, v9;
	v19 =	vadd.f32 v56, v19  }
0xbb: {  	v15 =	vmul.f32 v24, v24;
	v33 =	vld [tilespmem:s21+$0x1CA0];
	v11 =	vadd.f32 v50, v11;
	v13 =	vadd.f32 v45, v13  }
0xbc: {  	v30 =	vmul.f32 v23, v23;
	v42 =	vld [tilespmem:s21+$0x1CE0];
	v9 =	vadd.f32 v39, v9;
	v63 =	vadd.f32 v60, v19  }
0xbd: {  	v34 =	vmul.f32 v29, v29;
	v35 =	vld [tilespmem:s21+$0x1CB0];
	v11 =	vadd.f32 v54, v11;
	v13 =	vadd.f32 v49, v13  }
0xbe: {  	v32 =	vmul.f32 v26, v26;
	v56 =	vld [tilespmem:s21+$0x1D70];
	v9 =	vadd.f32 v43, v9;
	v10 =	vadd.f32 v21, v63  }
0xbf: {  	v36 =	vmul.f32 v31, v31;
	v45 =	vld [tilespmem:s21+$0x1D40];
	v11 =	vadd.f32 v58, v11;
	v13 =	vadd.f32 v53, v13  }
0xc0: {  	v46 =	vmul.f32 v40, v40;
	v49 =	vld [tilespmem:s21+$0x1D00];
	v9 =	vadd.f32 v47, v9;
	v10 =	vadd.f32 v25, v10  }
0xc1: {  	v39 =	vmul.f32 v33, v33;
	v47 =	vld [tilespmem:s21+$0x1D50];
	v11 =	vadd.f32 v62, v11;
	v13 =	vadd.f32 v57, v13  }
0xc2: {  	v50 =	vmul.f32 v42, v42;
	v53 =	vld [tilespmem:s21+$0x1D10];
	v9 =	vadd.f32 v51, v9;
	v10 =	vadd.f32 v28, v10  }
0xc3: {  	v43 =	vmul.f32 v38, v38;
	v62 =	vld [tilespmem:s21+$0x1D30];
	v11 =	vadd.f32 v23, v11;
	v13 =	vadd.f32 v61, v13  }
0xc4: {  	v41 =	vmul.f32 v35, v35;
	v51 =	vld [tilespmem:s21+$0x1D60];
	v9 =	vadd.f32 v55, v9;
	v10 =	vadd.f32 v30, v10  }
0xc5: {  	v58 =	vmul.f32 v45, v45;
	v25 =	vld [tilespmem:s21+$0x1DA0];
	v11 =	vadd.f32 v26, v11;
	v13 =	vadd.f32 v22, v13  }
0xc6: {  	v57 =	vld [tilespmem:s21+$0x1D20];
	v9 =	vadd.f32 v59, v9;
	v59 =	vmul.f32 v47, v47;
	v10 =	vadd.f32 v32, v10  }
0xc7: {  	v60 =	vmul.f32 v49, v49;
	v61 =	vld [tilespmem:s21+$0x1D80];
	v11 =	vadd.f32 v29, v11;
	v13 =	vadd.f32 v27, v13  }
0xc8: {  	v55 =	vmul.f32 v44, v44;
	v22 =	vld [tilespmem:s21+$0x1D90];
	v9 =	vadd.f32 v24, v9;
	v17 =	vadd.f32 v59, v58  }
0xc9: {  	v63 =	vmul.f32 v51, v51;
	v29 =	vld [tilespmem:s21+$0x1EF0];
	v10 =	vadd.f32 v34, v10;
	v37 =	vadd.f32 v31, v11  }
0xca: {  	v27 =	vld [tilespmem:s21+$0x1EE0];
	v11 =	vadd.f32 v47, v45;
	v13 =	vadd.f32 v15, v13;
	v9 =	vmul.f32 v9, v9  }
0xcb: {  	v24 =	vmul.f32 v56, v56;
	v59 =	vld [tilespmem:s21+$0x1F60];
	v23 =	vadd.f32 v63, v17;
	v10 =	vadd.f32 v36, v10  }
0xcc: {  	v21 =	vmul.f32 v53, v53;
	v34 =	vld [tilespmem:s21+$0x1F00];
	v11 =	vadd.f32 v51, v11;
	v9 =	vsub.f32 v9, v13  }
0xcd: {  	v28 =	vmul.f32 v61, v61;
	v31 =	vld [tilespmem:s21+$0x1DB0];
	v12 =	vadd.f32 v24, v23;
	v10 =	vadd.f32 v39, v10  }
0xce: {  	v26 =	vmul.f32 v57, v57;
	v47 =	vld [tilespmem:s21+$0x1F30];
	v11 =	vadd.f32 v56, v11;
	(xrf2) =	vadd.scan.msk.f32 $0xffff, v9;
	v9 =	vadd.f32 v33, v37  }
0xcf: {  	v32 =	vmul.f32 v62, v62;
	v63 =	vld [tilespmem:s21+$0x1F70];
	v13 =	vadd.f32 v29, v27;
	v12 =	vadd.f32 v28, v12  }
0xd0: {  	v36 =	vld [tilespmem:s21+$0x1DC0];
	v33 =	vmul.f32 v22, v22;
	v10 =	vadd.f32 v41, v10;
	v9 =	vadd.f32 v35, v9  }
0xd1: {  	v51 =	vld [tilespmem:s21+$0x1F40];
	v37 =	vmul.f32 v25, v25;
	v30 =	vadd.f32 v61, v11;
	v13 =	vadd.f32 v34, v13  }
0xd2: {  	v24 =	vld [tilespmem:s21+$0x1E30];
	v45 =	vmul.f32 v34, v34;
	v10 =	vadd.f32 v43, v10;
	v9 =	vadd.f32 v38, v9  }
0xd3: {  	v41 =	vmul.f32 v29, v29;
	v12 =	vadd.f32 v33, v12;
	v35 =	vadd.f32 v22, v30;
	v38 =	vld [tilespmem:s21+$0x1F10]  }
0xd4: {  	v39 =	vld [tilespmem:s21+$0x1DD0];
	v29 =	vmul.f32 v59, v59;
	v10 =	vadd.f32 v46, v10;
	v48 =	vadd.f32 v40, v9  }
0xd5: {  	v43 =	vld [tilespmem:s21+$0x1F20];
	v12 =	vadd.f32 v37, v12;
	v9 =	vadd.f32 v25, v35;
	v40 =	vmul.f32 v27, v27  }
0xd6: {  	v61 =	vmul.f32 v51, v51;
	v27 =	vld [tilespmem:s21+$0x1F80];
	v54 =	vadd.f32 v50, v10;
	v8 =	vadd.f32 v42, v48  }
0xd7: {  	v35 =	vld [tilespmem:s21+$0x1FA0];
	v42 =	vmul.f32 v31, v31;
	v9 =	vadd.f32 v31, v9;
	v18 =	vadd.f32 v41, v40  }
0xd8: {  	v28 =	vld [tilespmem:s21+$0x1E40];
	v33 =	vmul.f32 v63, v63;
	v7 =	vadd.f32 v55, v54;
	v13 =	vadd.f32 v38, v13  }
0xd9: {  	v34 =	vmul.f32 v24, v24;
	v48 =	vld [tilespmem:s21+$0x1DF0];
	v8 =	vadd.f32 v44, v8;
	v12 =	vadd.f32 v42, v12  }
0xda: {  	v46 =	vmul.f32 v36, v36;
	v31 =	vld [tilespmem:s21+$0x1F90];
	v52, _, _ =	vpop (xrf2);
	v9 =	vadd.f32 v36, v9;
	v18 =	vadd.f32 v45, v18  }
0xdb: {  	v50 =	vmul.f32 v39, v39;
	(v2sf) =	vpush v52, $0xF;
	v7 =	vadd.f32 v60, v7  }
0xdc: {  	v55 =	vld [tilespmem:s21+$0x1F50];
	v13 =	vadd.f32 v43, v13;
	v37 =	vmul.f32 v27, v27;
	v45 =	vmul.f32 v35, v35  }
0xdd: {  	v44 =	vld [tilespmem:s21+$0x1DE0];
	v8 =	vadd.f32 v49, v8;
	v49 =	vmul.f32 v38, v38;
	v12 =	vadd.f32 v46, v12  }
0xde: {  	v40 =	vld [tilespmem:s21+$0x1E70];
	v9 =	vadd.f32 v39, v9;
	v38 =	vmul.f32 v28, v28;
	v7 =	vadd.f32 v21, v7  }
0xdf: {  	v56 =	vld [tilespmem:s21+$0x1E10];
	v58 =	vmul.f32 v48, v48;
	v13 =	vadd.f32 v47, v13;
	v41 =	vmul.f32 v31, v31  }
0xe0: {  	v36 =	vld [tilespmem:s21+$0x1E60];
	v8 =	vadd.f32 v53, v8;
	v18 =	vadd.f32 v49, v18;
	v53 =	vmul.f32 v43, v43  }
0xe1: {  	v52 =	vld [tilespmem:s21+$0x1E00];
	v12 =	vadd.f32 v50, v12;
	v25 =	vmul.f32 v55, v55;
	v7 =	vadd.f32 v26, v7  }
0xe2: {  	v60 =	vld [tilespmem:s21+$0x1E20];
	v54 =	vmul.f32 v44, v44;
	v9 =	vadd.f32 v44, v9;
	v13 =	vadd.f32 v51, v13  }
0xe3: {  	v39 =	vld [tilespmem:s21+$0x1FB0];
	v50 =	vmul.f32 v40, v40;
	v8 =	vadd.f32 v57, v8;
	v18 =	vadd.f32 v53, v18  }
0xe4: {  	v43 =	vld [tilespmem:s21+$0x1FC0];
	v57 =	vmul.f32 v47, v47;
	v7 =	vadd.f32 v32, v7;
	v12 =	vadd.f32 v54, v12  }
0xe5: {  	v26 =	vmul.f32 v56, v56;
	v44 =	vld [tilespmem:s21+$0x1E80];
	v9 =	vadd.f32 v48, v9;
	v13 =	vadd.f32 v55, v13  }
0xe6: {  	v46 =	vmul.f32 v36, v36;
	v51 =	vld [tilespmem:s21+$0x1FE0];
	v8 =	vadd.f32 v62, v8;
	v18 =	vadd.f32 v57, v18  }
0xe7: {  	v47 =	vld [tilespmem:s21+$0x1FD0];
	v62 =	vmul.f32 v52, v52;
	v12 =	vadd.f32 v58, v12;
	v9 =	vadd.f32 v52, v9  }
0xe8: {  	v30 =	vmul.f32 v60, v60;
	v32 =	vld [tilespmem:s21+$0x1E50];
	v13 =	vadd.f32 v59, v13;
	v18 =	vadd.f32 v61, v18  }
0xe9: {  	v48 =	vld [tilespmem:s21+$0x1E90];
	v8 =	vmul.f32 v8, v8;
	v12 =	vadd.f32 v62, v12;
	v9 =	vadd.f32 v56, v9  }
0xea: {  	v49 =	vmul.f32 v39, v39;
	v55 =	vld [tilespmem:s21+$0x1FF0];
	v13 =	vadd.f32 v63, v13;
	v18 =	vadd.f32 v25, v18  }
0xeb: {  	v52 =	vld [tilespmem:s21+$0x1EA0];
	v53 =	vmul.f32 v43, v43;
	v8 =	vsub.f32 v8, v7;
	v12 =	vadd.f32 v26, v12  }
0xec: {  	v59 =	vld [tilespmem:s21+$0x2000];
	v54 =	vmul.f32 v44, v44;
	v9 =	vadd.f32 v60, v9;
	v13 =	vadd.f32 v27, v13  }
0xed: {  	v61 =	vmul.f32 v51, v51;
	v56 =	vld [tilespmem:s21+$0x1EB0];
	v18 =	vadd.f32 v29, v18;
	v12 =	vadd.f32 v30, v12  }
0xee: {  	v57 =	vmul.f32 v47, v47;
	v63 =	vld [tilespmem:s21+$0x2010];
	v9 =	vadd.f32 v24, v9;
	v13 =	vadd.f32 v31, v13  }
0xef: {  	v42 =	vmul.f32 v32, v32;
	v60 =	vld [tilespmem:s21+$0x1EC0];
	v18 =	vadd.f32 v33, v18;
	v12 =	vadd.f32 v34, v12  }
0xf0: {  	v58 =	vmul.f32 v48, v48;
	v24 =	vld [tilespmem:s21+$0x1ED0];
	v9 =	vadd.f32 v28, v9;
	v13 =	vadd.f32 v35, v13  }
0xf1: {  	v25 =	vmul.f32 v55, v55;
	v35 =	vld [tilespmem:s21+$0x2080];
	v18 =	vadd.f32 v37, v18;
	v12 =	vadd.f32 v38, v12  }
0xf2: {  	v62 =	vmul.f32 v52, v52;
	v37 =	vld [tilespmem:s21+$0x2090];
	v9 =	vadd.f32 v32, v9;
	v13 =	vadd.f32 v39, v13  }
0xf3: {  	v29 =	vmul.f32 v59, v59;
	v31 =	vld [tilespmem:s21+$0x2030];
	v18 =	vadd.f32 v41, v18;
	v12 =	vadd.f32 v42, v12  }
0xf4: {  	v27 =	vld [tilespmem:s21+$0x2020];
	v26 =	vmul.f32 v56, v56;
	v9 =	vadd.f32 v36, v9;
	v13 =	vadd.f32 v43, v13  }
0xf5: {  	v33 =	vld [tilespmem:s21+$0x2040];
	v30 =	vmul.f32 v60, v60;
	v18 =	vadd.f32 v45, v18;
	v12 =	vadd.f32 v46, v12  }
0xf6: {  	v22 =	vld [tilespmem:s21+$0x2240];
	v32 =	vmul.f32 v63, v63;
	v9 =	vadd.f32 v40, v9;
	v13 =	vadd.f32 v47, v13  }
0xf7: {  	v34 =	vmul.f32 v24, v24;
	v40 =	vld [tilespmem:s21+$0x20A0];
	v16 =	vadd.f32 v37, v35;
	v18 =	vadd.f32 v49, v18  }
0xf8: {  	v38 =	vld [tilespmem:s21+$0x2050];
	v39 =	vmul.f32 v31, v31;
	v12 =	vadd.f32 v50, v12;
	v9 =	vadd.f32 v44, v9  }
0xf9: {  	v41 =	vld [tilespmem:s21+$0x2060];
	v36 =	vmul.f32 v27, v27;
	v13 =	vadd.f32 v51, v13;
	v18 =	vadd.f32 v53, v18  }
0xfa: {  	v43 =	vmul.f32 v33, v33;
	v44 =	vld [tilespmem:s21+$0x20B0];
	v12 =	vadd.f32 v54, v12;
	v9 =	vadd.f32 v48, v9  }
0xfb: {  	v46 =	vld [tilespmem:s21+$0x2070];
	v47 =	vmul.f32 v35, v35;
	v13 =	vadd.f32 v55, v13;
	v18 =	vadd.f32 v57, v18  }
0xfc: {  	v50 =	vld [tilespmem:s21+$0x20C0];
	v48 =	vmul.f32 v37, v37;
	v16 =	vadd.f32 v40, v16;
	v12 =	vadd.f32 v58, v12  }
0xfd: {  	v49 =	vmul.f32 v38, v38;
	v53 =	vld [tilespmem:s21+$0x20D0];
	v9 =	vadd.f32 v52, v9;
	v13 =	vadd.f32 v59, v13  }
0xfe: {  	v54 =	vmul.f32 v41, v41;
	v55 =	vld [tilespmem:s21+$0x2220];
	v51 =	vadd.f32 v48, v47;
	v18 =	vadd.f32 v61, v18  }
0xff: {  	v57 =	vld [tilespmem:s21+$0x2230];
	v52 =	vmul.f32 v40, v40;
	v11 =	vadd.f32 v44, v16;
	v12 =	vadd.f32 v62, v12  }
0x100: {  	v37 =	vld [tilespmem:s21+$0x2130];
	v21 =	vmul.f32 v46, v46;
	v9 =	vadd.f32 v56, v9;
	v13 =	vadd.f32 v63, v13  }
0x101: {  	v58 =	vld [tilespmem:s21+$0x20E0];
	v59 =	vmul.f32 v50, v50;
	v14 =	vadd.f32 v52, v51;
	v28 =	vadd.f32 v25, v18  }
0x102: {  	v40 =	vld [tilespmem:s21+$0x2290];
	v56 =	vmul.f32 v44, v44;
	v11 =	vadd.f32 v50, v11;
	v12 =	vadd.f32 v26, v12  }
0x103: {  	v48 =	vld [tilespmem:s21+$0x22B0];
	v62 =	vmul.f32 v53, v53;
	v9 =	vadd.f32 v60, v9;
	v13 =	vadd.f32 v27, v13  }
0x104: {  	v63 =	vld [tilespmem:s21+$0x2250];
	v25 =	vmul.f32 v55, v55;
	v14 =	vadd.f32 v56, v14;
	v18 =	vadd.f32 v57, v55  }
0x105: {  	v44 =	vld [tilespmem:s21+$0x22A0];
	v47 =	vmul.f32 v37, v37;
	v10 =	vadd.f32 v29, v28;
	v11 =	vadd.f32 v53, v11  }
0x106: {  	v52 =	vld [tilespmem:s21+$0x22C0];
	v26 =	vmul.f32 v57, v57;
	v12 =	vadd.f32 v30, v12;
	v9 =	vadd.f32 v24, v9  }
0x107: {  	v60 =	vld [tilespmem:s21+$0x20F0];
	v27 =	vmul.f32 v58, v58;
	v13 =	vadd.f32 v31, v13;
	v61 =	vadd.f32 v59, v14  }
0x108: {  	v56 =	vld [tilespmem:s21+$0x22D0];
	v50 =	vmul.f32 v40, v40;
	v20 =	vadd.f32 v26, v25;
	v18 =	vadd.f32 v22, v18  }
0x109: {  	v57 =	vld [tilespmem:s21+$0x2180];
	v30 =	vmul.f32 v22, v22;
	v10 =	vadd.f32 v32, v10;
	v11 =	vadd.f32 v58, v11  }
0x10a: {  	v28 =	vld [tilespmem:s21+$0x2260];
	v58 =	vmul.f32 v48, v48;
	v12 =	vadd.f32 v34, v12;
	v45 =	vadd.f32 v33, v13  }
0x10b: {  	v53 =	vld [tilespmem:s21+$0x2170];
	v9 =	vmul.f32 v9, v9;
	v13 =	vadd.f32 v62, v61;
	v20 =	vadd.f32 v30, v20  }
0x10c: {  	v24 =	vld [tilespmem:s21+$0x2100];
	v34 =	vmul.f32 v63, v63;
	v15 =	vadd.f32 v63, v18;
	v62 =	vmul.f32 v52, v52  }
0x10d: {  	v29 =	vld [tilespmem:s21+$0x2110];
	v10 =	vadd.f32 v36, v10;
	v31 =	vmul.f32 v60, v60;
	v11 =	vadd.f32 v60, v11  }
0x10e: {  	v32 =	vld [tilespmem:s21+$0x2270];
	v26 =	vmul.f32 v56, v56;
	v7 =	vsub.f32 v9, v12;
	v12 =	vadd.f32 v38, v45  }
0x10f: {  	v33 =	vld [tilespmem:s21+$0x2120];
	v13 =	vadd.f32 v27, v13;
	v20 =	vadd.f32 v34, v20;
	v38 =	vmul.f32 v28, v28  }
0x110: {  	v61 =	vld [tilespmem:s21+$0x2190];
	v15 =	vadd.f32 v28, v15;
	v63 =	vmul.f32 v53, v53;
	v42 =	vadd.f32 v39, v10  }
0x111: {  	v36 =	vld [tilespmem:s21+$0x2280];
	v27 =	vmul.f32 v57, v57;
	v11 =	vadd.f32 v24, v11;
	v12 =	vadd.f32 v41, v12  }
0x112: {  	v60 =	vld [tilespmem:s21+$0x22E0];
	v35 =	vmul.f32 v24, v24;
	v13 =	vadd.f32 v31, v13;
	v20 =	vadd.f32 v38, v20  }
0x113: {  	v25 =	vld [tilespmem:s21+$0x21A0];
	v39 =	vmul.f32 v29, v29;
	v15 =	vadd.f32 v32, v15;
	v9 =	vadd.f32 v43, v42  }
0x114: {  	v45 =	vld [tilespmem:s21+$0x2150];
	v11 =	vadd.f32 v29, v11;
	v42 =	vmul.f32 v32, v32;
	v43 =	vmul.f32 v33, v33  }
0x115: {  	v28 =	vld [tilespmem:s21+$0x2300];
	v31 =	vmul.f32 v61, v61;
	v10 =	vadd.f32 v46, v12;
	v13 =	vadd.f32 v35, v13  }
0x116: {  	v24 =	vld [tilespmem:s21+$0x22F0];
	v46 =	vmul.f32 v36, v36;
	v15 =	vadd.f32 v36, v15;
	v9 =	vadd.f32 v49, v9  }
0x117: {  	v41 =	vld [tilespmem:s21+$0x2140];
	v30 =	vmul.f32 v60, v60;
	v11 =	vadd.f32 v33, v11;
	v20 =	vadd.f32 v42, v20  }
0x118: {  	v29 =	vld [tilespmem:s21+$0x21B0];
	v35 =	vmul.f32 v25, v25;
	v13 =	vadd.f32 v39, v13;
	v15 =	vadd.f32 v40, v15  }
0x119: {  	v32 =	vld [tilespmem:s21+$0x2310];
	v55 =	vmul.f32 v45, v45;
	v9 =	vadd.f32 v54, v9;
	v11 =	vadd.f32 v37, v11  }
0x11a: {  	v36 =	vld [tilespmem:s21+$0x2320];
	v38 =	vmul.f32 v28, v28;
	v20 =	vadd.f32 v46, v20;
	v13 =	vadd.f32 v43, v13  }
0x11b: {  	v49 =	vld [tilespmem:s21+$0x2160];
	v10 =	vmul.f32 v10, v10;
	v15 =	vadd.f32 v44, v15;
	v9 =	vadd.f32 v21, v9  }
0x11c: {  	v33 =	vld [tilespmem:s21+$0x21C0];
	v54 =	vmul.f32 v44, v44;
	v11 =	vadd.f32 v41, v11;
	v20 =	vadd.f32 v50, v20  }
0x11d: {  	v40 =	vld [tilespmem:s21+$0x2330];
	v51 =	vmul.f32 v41, v41;
	v13 =	vadd.f32 v47, v13;
	v15 =	vadd.f32 v48, v15  }
0x11e: {  	v34 =	vmul.f32 v24, v24;
	v37 =	vld [tilespmem:s21+$0x21D0];
	v11 =	vadd.f32 v45, v11;
	v20 =	vadd.f32 v54, v20  }
0x11f: {  	v39 =	vmul.f32 v29, v29;
	v44 =	vld [tilespmem:s21+$0x2340];
	v10 =	vsub.f32 v10, v9;
	v13 =	vadd.f32 v51, v13  }
0x120: {  	v42 =	vmul.f32 v32, v32;
	v41 =	vld [tilespmem:s21+$0x21E0];
	v15 =	vadd.f32 v52, v15;
	v11 =	vadd.f32 v49, v11  }
0x121: {  	v59 =	vmul.f32 v49, v49;
	v48 =	vld [tilespmem:s21+$0x2350];
	v20 =	vadd.f32 v58, v20;
	v13 =	vadd.f32 v55, v13  }
0x122: {  	v46 =	vmul.f32 v36, v36;
	v45 =	vld [tilespmem:s21+$0x21F0];
	v15 =	vadd.f32 v56, v15;
	v11 =	vadd.f32 v53, v11  }
0x123: {  	v43 =	vmul.f32 v33, v33;
	v52 =	vld [tilespmem:s21+$0x2360];
	v20 =	vadd.f32 v62, v20;
	v13 =	vadd.f32 v59, v13  }
0x124: {  	v50 =	vmul.f32 v40, v40;
	v49 =	vld [tilespmem:s21+$0x2200];
	v15 =	vadd.f32 v60, v15;
	v11 =	vadd.f32 v57, v11  }
0x125: {  	v47 =	vmul.f32 v37, v37;
	v56 =	vld [tilespmem:s21+$0x2370];
	v20 =	vadd.f32 v26, v20;
	v13 =	vadd.f32 v63, v13  }
0x126: {  	v54 =	vmul.f32 v44, v44;
	v53 =	vld [tilespmem:s21+$0x2210];
	v15 =	vadd.f32 v24, v15;
	v11 =	vadd.f32 v61, v11  }
0x127: {  	v51 =	vmul.f32 v41, v41;
	v60 =	vld [tilespmem:s21+$0x2380];
	v20 =	vadd.f32 v30, v20;
	v13 =	vadd.f32 v27, v13  }
0x128: {  	v58 =	vmul.f32 v48, v48;
	v15 =	vadd.f32 v28, v15;
	v28 =	vld [tilespmem:s21+$0x23D0];
	v11 =	vadd.f32 v25, v11  }
0x129: {  	v55 =	vmul.f32 v45, v45;
	v20 =	vadd.f32 v34, v20;
	v25 =	vld [tilespmem:s21+$0x23C0];
	v13 =	vadd.f32 v31, v13  }
0x12a: {  	v62 =	vmul.f32 v52, v52;
	v15 =	vadd.f32 v32, v15;
	v11 =	vadd.f32 v29, v11  }
0x12b: {  	v59 =	vmul.f32 v49, v49;
	v63 =	vld [tilespmem:s21+$0x2390];
	v20 =	vadd.f32 v38, v20;
	v13 =	vadd.f32 v35, v13  }
0x12c: {  	v24 =	vmul.f32 v53, v53;
	v32 =	vld [tilespmem:s21+$0x23E0];
	v15 =	vadd.f32 v36, v15;
	v11 =	vadd.f32 v33, v11  }
0x12d: {  	v30 =	vld [tilespmem:s21+$0x23A0];
	v27 =	vmul.f32 v56, v56;
	v20 =	vadd.f32 v42, v20;
	v13 =	vadd.f32 v39, v13  }
0x12e: {  	v31 =	vmul.f32 v60, v60;
	v15 =	vadd.f32 v40, v15;
	v17 =	vadd.f32 v28, v25  }
0x12f: {  	v36 =	vld [tilespmem:s21+$0x23F0];
	v38 =	vmul.f32 v28, v28;
	v11 =	vadd.f32 v37, v11;
	v20 =	vadd.f32 v46, v20  }
0x130: {  	v33 =	vld [tilespmem:s21+$0x23B0];
	v37 =	vmul.f32 v25, v25;
	v13 =	vadd.f32 v43, v13;
	v15 =	vadd.f32 v44, v15  }
0x131: {  	v35 =	vmul.f32 v63, v63;
	v39 =	vld [tilespmem:s21+$0x2400];
	v17 =	vadd.f32 v32, v17;
	v11 =	vadd.f32 v41, v11  }
0x132: {  	v40 =	vmul.f32 v30, v30;
	v44 =	vld [tilespmem:s21+$0x2570];
	v20 =	vadd.f32 v50, v20;
	v42 =	vadd.f32 v38, v37  }
0x133: {  	v43 =	vmul.f32 v32, v32;
	v41 =	vld [tilespmem:s21+$0x2560];
	v13 =	vadd.f32 v47, v13;
	v15 =	vadd.f32 v48, v15  }
0x134: {  	v46 =	vmul.f32 v36, v36;
	v47 =	vld [tilespmem:s21+$0x2420];
	v11 =	vadd.f32 v45, v11;
	v57 =	vadd.f32 v54, v20  }
0x135: {  	v50 =	vld [tilespmem:s21+$0x2430];
	v23 =	vmul.f32 v33, v33;
	v13 =	vadd.f32 v51, v13;
	v15 =	vadd.f32 v52, v15  }
0x136: {  	v45 =	vld [tilespmem:s21+$0x2410];
	v48 =	vmul.f32 v39, v39;
	v11 =	vadd.f32 v49, v11;
	v61 =	vadd.f32 v58, v57  }
0x137: {  	v54 =	vld [tilespmem:s21+$0x25A0];
	v52 =	vmul.f32 v44, v44;
	v13 =	vadd.f32 v55, v13;
	v29 =	vadd.f32 v56, v15  }
0x138: {  	v49 =	vld [tilespmem:s21+$0x2590];
	v15 =	vadd.f32 v43, v42;
	v51 =	vmul.f32 v41, v41;
	v20 =	vadd.f32 v44, v41  }
0x139: {  	v58 =	vld [tilespmem:s21+$0x25B0];
	v11 =	vadd.f32 v53, v11;
	v26 =	vadd.f32 v62, v61;
	v57 =	vmul.f32 v47, v47  }
0x13a: {  	v38 =	vld [tilespmem:s21+$0x25F0];
	v61 =	vmul.f32 v50, v50;
	v13 =	vadd.f32 v59, v13;
	v14 =	vadd.f32 v60, v29  }
0x13b: {  	v55 =	vld [tilespmem:s21+$0x2440];
	v15 =	vadd.f32 v46, v15;
	v53 =	vmul.f32 v45, v45;
	v22 =	vadd.f32 v52, v51  }
0x13c: {  	v42 =	vld [tilespmem:s21+$0x2600];
	v28 =	vmul.f32 v54, v54;
	v12 =	vadd.f32 v27, v26;
	v13 =	vadd.f32 v24, v13  }
0x13d: {  	v62 =	vld [tilespmem:s21+$0x25C0];
	v11 =	vmul.f32 v11, v11;
	v14 =	vadd.f32 v63, v14;
	v15 =	vadd.f32 v48, v15  }
0x13e: {  	v24 =	vld [tilespmem:s21+$0x2580];
	v60 =	vmul.f32 v49, v49;
	v32 =	vmul.f32 v58, v58;
	v34 =	vadd.f32 v31, v12  }
0x13f: {  	v43 =	vld [tilespmem:s21+$0x24A0];
	v48 =	vmul.f32 v38, v38;
	v9 =	vsub.f32 v11, v13;
	v14 =	vadd.f32 v30, v14  }
0x140: {  	v59 =	vld [tilespmem:s21+$0x2450];
	v29 =	vmul.f32 v55, v55;
	v13 =	vadd.f32 v36, v17;
	v15 =	vadd.f32 v53, v15  }
0x141: {  	v46 =	vld [tilespmem:s21+$0x2610];
	v52 =	vmul.f32 v42, v42;
	v11 =	vadd.f32 v35, v34;
	v12 =	vadd.f32 v33, v14  }
0x142: {  	v63 =	vld [tilespmem:s21+$0x2460];
	v36 =	vmul.f32 v62, v62;
	v13 =	vadd.f32 v39, v13;
	v15 =	vadd.f32 v57, v15  }
0x143: {  	v31 =	vld [tilespmem:s21+$0x2470];
	v11 =	vadd.f32 v40, v11;
	v56 =	vmul.f32 v24, v24;
	v20 =	vadd.f32 v24, v20  }
0x144: {  	v51 =	vld [tilespmem:s21+$0x24C0];
	v53 =	vmul.f32 v43, v43;
	v13 =	vadd.f32 v45, v13;
	v15 =	vadd.f32 v61, v15  }
0x145: {  	v30 =	vld [tilespmem:s21+$0x25D0];
	v33 =	vmul.f32 v59, v59;
	v11 =	vadd.f32 v23, v11;
	v22 =	vadd.f32 v56, v22  }
0x146: {  	v26 =	vld [tilespmem:s21+$0x28C0];
	v12 =	vmul.f32 v12, v12;
	v17 =	vadd.f32 v49, v20;
	v13 =	vadd.f32 v47, v13  }
0x147: {  	v34 =	vld [tilespmem:s21+$0x25E0];
	v37 =	vmul.f32 v63, v63;
	v15 =	vadd.f32 v29, v15;
	v22 =	vadd.f32 v60, v22  }
0x148: {  	v35 =	vld [tilespmem:s21+$0x2480];
	v41 =	vmul.f32 v31, v31;
	v17 =	vadd.f32 v54, v17;
	v12 =	vsub.f32 v12, v11  }
0x149: {  	v39 =	vld [tilespmem:s21+$0x2490];
	v61 =	vmul.f32 v51, v51;
	v13 =	vadd.f32 v50, v13;
	v15 =	vadd.f32 v33, v15  }
0x14a: {  	v40 =	vmul.f32 v30, v30;
	v47 =	vld [tilespmem:s21+$0x24B0];
	v22 =	vadd.f32 v28, v22;
	v17 =	vadd.f32 v58, v17  }
0x14b: {  	v56 =	vmul.f32 v46, v46;
	v54 =	vld [tilespmem:s21+$0x2630];
	v13 =	vadd.f32 v55, v13;
	v15 =	vadd.f32 v37, v15  }
0x14c: {  	v44 =	vmul.f32 v34, v34;
	v50 =	vld [tilespmem:s21+$0x2620];
	v22 =	vadd.f32 v32, v22;
	v17 =	vadd.f32 v62, v17  }
0x14d: {  	v45 =	vmul.f32 v35, v35;
	v58 =	vld [tilespmem:s21+$0x2640];
	v13 =	vadd.f32 v59, v13;
	v15 =	vadd.f32 v41, v15  }
0x14e: {  	v49 =	vmul.f32 v39, v39;
	v55 =	vld [tilespmem:s21+$0x24D0];
	v22 =	vadd.f32 v36, v22;
	v17 =	vadd.f32 v30, v17  }
0x14f: {  	v57 =	vmul.f32 v47, v47;
	v62 =	vld [tilespmem:s21+$0x2650];
	v13 =	vadd.f32 v63, v13;
	v15 =	vadd.f32 v45, v15  }
0x150: {  	v59 =	vld [tilespmem:s21+$0x24E0];
	v28 =	vmul.f32 v54, v54;
	v22 =	vadd.f32 v40, v22;
	v17 =	vadd.f32 v34, v17  }
0x151: {  	v60 =	vmul.f32 v50, v50;
	v30 =	vld [tilespmem:s21+$0x2660];
	v13 =	vadd.f32 v31, v13;
	v15 =	vadd.f32 v49, v15  }
0x152: {  	v63 =	vld [tilespmem:s21+$0x24F0];
	v32 =	vmul.f32 v58, v58;
	v22 =	vadd.f32 v44, v22;
	v17 =	vadd.f32 v38, v17  }
0x153: {  	v29 =	vmul.f32 v55, v55;
	v34 =	vld [tilespmem:s21+$0x2670];
	v13 =	vadd.f32 v35, v13;
	v15 =	vadd.f32 v53, v15  }
0x154: {  	v31 =	vld [tilespmem:s21+$0x2500];
	v36 =	vmul.f32 v62, v62;
	v22 =	vadd.f32 v48, v22;
	v17 =	vadd.f32 v42, v17  }
0x155: {  	v33 =	vmul.f32 v59, v59;
	v38 =	vld [tilespmem:s21+$0x2680];
	v13 =	vadd.f32 v39, v13;
	v15 =	vadd.f32 v57, v15  }
0x156: {  	v35 =	vld [tilespmem:s21+$0x2510];
	v40 =	vmul.f32 v30, v30;
	v22 =	vadd.f32 v52, v22;
	v17 =	vadd.f32 v46, v17  }
0x157: {  	v37 =	vmul.f32 v63, v63;
	v42 =	vld [tilespmem:s21+$0x2690];
	v13 =	vadd.f32 v43, v13;
	v15 =	vadd.f32 v61, v15  }
0x158: {  	v39 =	vld [tilespmem:s21+$0x2520];
	v44 =	vmul.f32 v34, v34;
	v22 =	vadd.f32 v56, v22;
	v17 =	vadd.f32 v50, v17  }
0x159: {  	v41 =	vmul.f32 v31, v31;
	v46 =	vld [tilespmem:s21+$0x26A0];
	v13 =	vadd.f32 v47, v13;
	v15 =	vadd.f32 v29, v15  }
0x15a: {  	v43 =	vld [tilespmem:s21+$0x2530];
	v48 =	vmul.f32 v38, v38;
	v22 =	vadd.f32 v60, v22;
	v17 =	vadd.f32 v54, v17  }
0x15b: {  	v45 =	vmul.f32 v35, v35;
	v50 =	vld [tilespmem:s21+$0x26B0];
	v13 =	vadd.f32 v51, v13;
	v15 =	vadd.f32 v33, v15  }
0x15c: {  	v47 =	vld [tilespmem:s21+$0x2540];
	v52 =	vmul.f32 v42, v42;
	v22 =	vadd.f32 v28, v22;
	v17 =	vadd.f32 v58, v17  }
0x15d: {  	v49 =	vmul.f32 v39, v39;
	v54 =	vld [tilespmem:s21+$0x26C0];
	v13 =	vadd.f32 v55, v13;
	v15 =	vadd.f32 v37, v15  }
0x15e: {  	v51 =	vld [tilespmem:s21+$0x2550];
	v56 =	vmul.f32 v46, v46;
	v22 =	vadd.f32 v32, v22;
	v17 =	vadd.f32 v62, v17  }
0x15f: {  	v53 =	vmul.f32 v43, v43;
	v58 =	vld [tilespmem:s21+$0x26D0];
	v13 =	vadd.f32 v59, v13;
	v15 =	vadd.f32 v41, v15  }
0x160: {  	v60 =	vmul.f32 v50, v50;
	v32 =	vld [tilespmem:s21+$0x2720];
	v22 =	vadd.f32 v36, v22;
	v17 =	vadd.f32 v30, v17  }
0x161: {  	v28 =	vld [tilespmem:s21+$0x2710];
	v57 =	vmul.f32 v47, v47;
	v13 =	vadd.f32 v63, v13;
	v15 =	vadd.f32 v45, v15  }
0x162: {  	v27 =	vmul.f32 v54, v54;
	v63 =	vld [tilespmem:s21+$0x2700];
	v22 =	vadd.f32 v40, v22;
	v17 =	vadd.f32 v34, v17  }
0x163: {  	v33 =	vld [tilespmem:s21+$0x2730];
	v62 =	vmul.f32 v51, v51;
	v13 =	vadd.f32 v31, v13;
	v15 =	vadd.f32 v49, v15  }
0x164: {  	v61 =	vld [tilespmem:s21+$0x26E0];
	v31 =	vmul.f32 v58, v58;
	v22 =	vadd.f32 v44, v22;
	v17 =	vadd.f32 v38, v17  }
0x165: {  	v30 =	vld [tilespmem:s21+$0x26F0];
	v41 =	vmul.f32 v32, v32;
	v13 =	vadd.f32 v35, v13;
	v15 =	vadd.f32 v53, v15  }
0x166: {  	v40 =	vld [tilespmem:s21+$0x2740];
	v38 =	vmul.f32 v28, v28;
	v22 =	vadd.f32 v48, v22;
	v17 =	vadd.f32 v42, v17  }
0x167: {  	v36 =	vld [tilespmem:s21+$0x28A0];
	v37 =	vmul.f32 v63, v63;
	v19 =	vadd.f32 v28, v63;
	v13 =	vadd.f32 v39, v13  }
0x168: {  	v45 =	vld [tilespmem:s21+$0x28D0];
	v44 =	vmul.f32 v33, v33;
	v15 =	vadd.f32 v57, v15;
	v55 =	vadd.f32 v52, v22  }
0x169: {  	v35 =	vmul.f32 v61, v61;
	v63 =	vld [tilespmem:s21+$0x27A0];
	v17 =	vadd.f32 v46, v17;
	v18 =	vadd.f32 v38, v37  }
0x16a: {  	v25 =	vmul.f32 v30, v30;
	v39 =	vld [tilespmem:s21+$0x28B0];
	v42 =	vadd.f32 v32, v19;
	v13 =	vadd.f32 v43, v13  }
0x16b: {  	v49 =	vmul.f32 v40, v40;
	v46 =	vld [tilespmem:s21+$0x2760];
	v15 =	vadd.f32 v62, v15;
	v59 =	vadd.f32 v56, v55  }
0x16c: {  	v52 =	vmul.f32 v26, v26;
	v43 =	vld [tilespmem:s21+$0x2750];
	v17 =	vadd.f32 v50, v17;
	v18 =	vadd.f32 v41, v18  }
0x16d: {  	v38 =	vld [tilespmem:s21+$0x2940];
	v56 =	vmul.f32 v45, v45;
	v13 =	vadd.f32 v47, v13;
	v47 =	vmul.f32 v36, v36  }
0x16e: {  	v62 =	vld [tilespmem:s21+$0x2910];
	v37 =	vmul.f32 v63, v63;
	v14 =	vadd.f32 v60, v59;
	v29 =	vadd.f32 v54, v17  }
0x16f: {  	v50 =	vld [tilespmem:s21+$0x28E0];
	v48 =	vmul.f32 v39, v39;
	v18 =	vadd.f32 v44, v18;
	v13 =	vadd.f32 v51, v13  }
0x170: {  	v55 =	vld [tilespmem:s21+$0x2780];
	v57 =	vmul.f32 v46, v46;
	v14 =	vadd.f32 v27, v14;
	v16 =	vadd.f32 v58, v29  }
0x171: {  	v54 =	vld [tilespmem:s21+$0x28F0];
	v23 =	vadd.f32 v48, v47;
	v18 =	vadd.f32 v49, v18;
	v53 =	vmul.f32 v43, v43  }
0x172: {  	v51 =	vld [tilespmem:s21+$0x2770];
	v13 =	vmul.f32 v13, v13;
	v34 =	vadd.f32 v31, v14;
	v16 =	vadd.f32 v61, v16  }
0x173: {  	v59 =	vld [tilespmem:s21+$0x2790];
	v48 =	vmul.f32 v38, v38;
	v23 =	vadd.f32 v52, v23;
	v18 =	vadd.f32 v53, v18  }
0x174: {  	v58 =	vld [tilespmem:s21+$0x2900];
	v60 =	vmul.f32 v50, v50;
	v11 =	vsub.f32 v13, v15;
	v15 =	vadd.f32 v39, v36  }
0x175: {  	v47 =	vld [tilespmem:s21+$0x27F0];
	v29 =	vmul.f32 v55, v55;
	v13 =	vadd.f32 v35, v34;
	v14 =	vadd.f32 v30, v16  }
0x176: {  	v31 =	vld [tilespmem:s21+$0x27B0];
	v28 =	vmul.f32 v54, v54;
	v16 =	vadd.f32 v33, v42;
	v23 =	vadd.f32 v56, v23  }
0x177: {  	v39 =	vld [tilespmem:s21+$0x27D0];
	v18 =	vadd.f32 v57, v18;
	v61 =	vmul.f32 v51, v51;
	v15 =	vadd.f32 v26, v15  }
0x178: {  	v36 =	vmul.f32 v62, v62;
	v30 =	vld [tilespmem:s21+$0x2920];
	v13 =	vadd.f32 v25, v13;
	v16 =	vadd.f32 v40, v16  }
0x179: {  	v33 =	vmul.f32 v59, v59;
	v34 =	vld [tilespmem:s21+$0x2930];
	v23 =	vadd.f32 v60, v23;
	v18 =	vadd.f32 v61, v18  }
0x17a: {  	v35 =	vld [tilespmem:s21+$0x27C0];
	v14 =	vmul.f32 v14, v14;
	v15 =	vadd.f32 v45, v15;
	v16 =	vadd.f32 v43, v16  }
0x17b: {  	v42 =	vld [tilespmem:s21+$0x2950];
	v32 =	vmul.f32 v58, v58;
	v23 =	vadd.f32 v28, v23;
	v18 =	vadd.f32 v29, v18  }
0x17c: {  	v57 =	vmul.f32 v47, v47;
	v43 =	vld [tilespmem:s21+$0x27E0];
	v13 =	vsub.f32 v14, v13;
	v15 =	vadd.f32 v50, v15  }
0x17d: {  	v41 =	vmul.f32 v31, v31;
	v50 =	vld [tilespmem:s21+$0x2970];
	v16 =	vadd.f32 v46, v16;
	v23 =	vadd.f32 v32, v23  }
0x17e: {  	v49 =	vmul.f32 v39, v39;
	v18 =	vadd.f32 v33, v18;
	v46 =	vld [tilespmem:s21+$0x2960];
	v15 =	vadd.f32 v54, v15  }
0x17f: {  	v40 =	vmul.f32 v30, v30;
	v54 =	vld [tilespmem:s21+$0x2980];
	v16 =	vadd.f32 v51, v16;
	v23 =	vadd.f32 v36, v23  }
0x180: {  	v44 =	vmul.f32 v34, v34;
	v18 =	vadd.f32 v37, v18;
	v51 =	vld [tilespmem:s21+$0x2800];
	v15 =	vadd.f32 v58, v15  }
0x181: {  	v45 =	vmul.f32 v35, v35;
	v58 =	vld [tilespmem:s21+$0x2990];
	v16 =	vadd.f32 v55, v16;
	v23 =	vadd.f32 v40, v23  }
0x182: {  	v52 =	vmul.f32 v42, v42;
	v18 =	vadd.f32 v41, v18;
	v55 =	vld [tilespmem:s21+$0x2810];
	v15 =	vadd.f32 v62, v15  }
0x183: {  	v53 =	vmul.f32 v43, v43;
	v62 =	vld [tilespmem:s21+$0x29A0];
	v16 =	vadd.f32 v59, v16;
	v23 =	vadd.f32 v44, v23  }
0x184: {  	v60 =	vmul.f32 v50, v50;
	v18 =	vadd.f32 v45, v18;
	v59 =	vld [tilespmem:s21+$0x2820];
	v15 =	vadd.f32 v30, v15  }
0x185: {  	v56 =	vmul.f32 v46, v46;
	v30 =	vld [tilespmem:s21+$0x29B0];
	v16 =	vadd.f32 v63, v16;
	v23 =	vadd.f32 v48, v23  }
0x186: {  	v28 =	vmul.f32 v54, v54;
	v18 =	vadd.f32 v49, v18;
	v63 =	vld [tilespmem:s21+$0x2830];
	v15 =	vadd.f32 v34, v15  }
0x187: {  	v61 =	vmul.f32 v51, v51;
	v34 =	vld [tilespmem:s21+$0x29C0];
	v16 =	vadd.f32 v31, v16;
	v23 =	vadd.f32 v52, v23  }
0x188: {  	v32 =	vmul.f32 v58, v58;
	v18 =	vadd.f32 v53, v18;
	v31 =	vld [tilespmem:s21+$0x2840];
	v15 =	vadd.f32 v38, v15  }
0x189: {  	v29 =	vmul.f32 v55, v55;
	v38 =	vld [tilespmem:s21+$0x29D0];
	v16 =	vadd.f32 v35, v16;
	v23 =	vadd.f32 v56, v23  }
0x18a: {  	v36 =	vmul.f32 v62, v62;
	v18 =	vadd.f32 v57, v18;
	v35 =	vld [tilespmem:s21+$0x2850];
	v15 =	vadd.f32 v42, v15  }
0x18b: {  	v33 =	vmul.f32 v59, v59;
	v57 =	vld [tilespmem:s21+$0x2A20];
	v16 =	vadd.f32 v39, v16;
	v23 =	vadd.f32 v60, v23  }
0x18c: {  	v40 =	vmul.f32 v30, v30;
	v42 =	vld [tilespmem:s21+$0x29E0];
	v18 =	vadd.f32 v61, v18;
	v15 =	vadd.f32 v46, v15  }
0x18d: {  	v37 =	vmul.f32 v63, v63;
	v39 =	vld [tilespmem:s21+$0x2860];
	v16 =	vadd.f32 v43, v16;
	v23 =	vadd.f32 v28, v23  }
0x18e: {  	v44 =	vmul.f32 v34, v34;
	v61 =	vld [tilespmem:s21+$0x2A40];
	v18 =	vadd.f32 v29, v18;
	v15 =	vadd.f32 v50, v15  }
0x18f: {  	v41 =	vmul.f32 v31, v31;
	v46 =	vld [tilespmem:s21+$0x29F0];
	v16 =	vadd.f32 v47, v16;
	v23 =	vadd.f32 v32, v23  }
0x190: {  	v43 =	vld [tilespmem:s21+$0x2870];
	v48 =	vmul.f32 v38, v38;
	v18 =	vadd.f32 v33, v18;
	v15 =	vadd.f32 v54, v15  }
0x191: {  	v45 =	vmul.f32 v35, v35;
	v50 =	vld [tilespmem:s21+$0x2A00];
	v16 =	vadd.f32 v51, v16;
	v23 =	vadd.f32 v36, v23  }
0x192: {  	v47 =	vld [tilespmem:s21+$0x2880];
	v52 =	vmul.f32 v42, v42;
	v18 =	vadd.f32 v37, v18;
	v15 =	vadd.f32 v58, v15  }
0x193: {  	v33 =	vld [tilespmem:s21+$0x2BE0];
	v49 =	vmul.f32 v39, v39;
	v16 =	vadd.f32 v55, v16;
	v23 =	vadd.f32 v40, v23  }
0x194: {  	v51 =	vld [tilespmem:s21+$0x2890];
	v56 =	vmul.f32 v46, v46;
	v18 =	vadd.f32 v41, v18;
	v15 =	vadd.f32 v62, v15  }
0x195: {  	v28 =	vld [tilespmem:s21+$0x2A80];
	v53 =	vmul.f32 v43, v43;
	v16 =	vadd.f32 v59, v16;
	v23 =	vadd.f32 v44, v23  }
0x196: {  	v29 =	vld [tilespmem:s21+$0x2AA0];
	v60 =	vmul.f32 v50, v50;
	v18 =	vadd.f32 v45, v18;
	v15 =	vadd.f32 v30, v15  }
0x197: {  	v54 =	vld [tilespmem:s21+$0x2A10];
	v58 =	vmul.f32 v47, v47;
	v16 =	vadd.f32 v63, v16;
	v23 =	vadd.f32 v48, v23  }
0x198: {  	v19 =	vmul.f32 v33, v33;
	v18 =	vadd.f32 v49, v18;
	v63 =	vld [tilespmem:s21+$0x2A50];
	v15 =	vadd.f32 v34, v15  }
0x199: {  	v32 =	vld [tilespmem:s21+$0x2A60];
	v62 =	vmul.f32 v51, v51;
	v16 =	vadd.f32 v31, v16;
	v55 =	vadd.f32 v52, v23  }
0x19a: {  	v59 =	vld [tilespmem:s21+$0x2A30];
	v49 =	vmul.f32 v28, v28;
	v18 =	vadd.f32 v53, v18;
	v15 =	vadd.f32 v38, v15  }
0x19b: {  	v36 =	vld [tilespmem:s21+$0x2A70];
	v34 =	vmul.f32 v57, v57;
	v16 =	vadd.f32 v35, v16;
	v17 =	vadd.f32 v56, v55  }
0x19c: {  	v31 =	vmul.f32 v54, v54;
	v18 =	vadd.f32 v58, v18;
	v35 =	vld [tilespmem:s21+$0x2BF0];
	v15 =	vadd.f32 v42, v15  }
0x19d: {  	v48 =	vld [tilespmem:s21+$0x2C30];
	v27 =	vmul.f32 v63, v63;
	v40 =	vadd.f32 v63, v61;
	v16 =	vadd.f32 v39, v16  }
0x19e: {  	v38 =	vld [tilespmem:s21+$0x2C00];
	v17 =	vadd.f32 v60, v17;
	v18 =	vadd.f32 v62, v18;
	v39 =	vmul.f32 v61, v61  }
0x19f: {  	v41 =	vld [tilespmem:s21+$0x2C10];
	v37 =	vmul.f32 v59, v59;
	v15 =	vadd.f32 v46, v15;
	v16 =	vadd.f32 v43, v16  }
0x1a0: {  	v53 =	vld [tilespmem:s21+$0x2AC0];
	v56 =	vmul.f32 v29, v29;
	v17 =	vadd.f32 v31, v17;
	v21 =	vadd.f32 v27, v39  }
0x1a1: {  	v55 =	vld [tilespmem:s21+$0x2C50];
	v42 =	vmul.f32 v32, v32;
	v15 =	vadd.f32 v50, v15;
	v44 =	vadd.f32 v35, v33  }
0x1a2: {  	v58 =	vmul.f32 v48, v48;
	v46 =	vld [tilespmem:s21+$0x2C20];
	v16 =	vadd.f32 v47, v16;
	v17 =	vadd.f32 v34, v17  }
0x1a3: {  	v43 =	vld [tilespmem:s21+$0x2A90];
	v21 =	vadd.f32 v42, v21;
	v47 =	vmul.f32 v36, v36;
	v27 =	vadd.f32 v38, v44  }
0x1a4: {  	v63 =	vld [tilespmem:s21+$0x2C70];
	v45 =	vmul.f32 v35, v35;
	v15 =	vadd.f32 v54, v15;
	v16 =	vadd.f32 v51, v16  }
0x1a5: {  	v61 =	vld [tilespmem:s21+$0x2AE0];
	v20 =	vmul.f32 v38, v38;
	v21 =	vadd.f32 v47, v21;
	v27 =	vadd.f32 v41, v27  }
0x1a6: {  	v39 =	vld [tilespmem:s21+$0x2C90];
	v19 =	vadd.f32 v45, v19;
	v15 =	vadd.f32 v57, v15;
	v16 =	vmul.f32 v16, v16  }
0x1a7: {  	v50 =	vld [tilespmem:s21+$0x2AB0];
	v34 =	vmul.f32 v55, v55;
	v21 =	vadd.f32 v49, v21;
	v27 =	vadd.f32 v46, v27  }
0x1a8: {  	v51 =	vld [tilespmem:s21+$0x2C40];
	v52 =	vmul.f32 v43, v43;
	v14 =	vsub.f32 v16, v18;
	v16 =	vadd.f32 v59, v15  }
0x1a9: {  	v33 =	vld [tilespmem:s21+$0x2AF0];
	v42 =	vmul.f32 v63, v63;
	v15 =	vadd.f32 v37, v17;
	v17 =	vadd.f32 v32, v40  }
0x1aa: {  	v35 =	vld [tilespmem:s21+$0x2C80];
	v19 =	vadd.f32 v20, v19;
	v18 =	vmul.f32 v41, v41;
	v21 =	vadd.f32 v52, v21  }
0x1ab: {  	v54 =	vmul.f32 v46, v46;
	v57 =	vld [tilespmem:s21+$0x2AD0];
	v27 =	vadd.f32 v48, v27;
	v17 =	vadd.f32 v36, v17  }
0x1ac: {  	v60 =	vmul.f32 v50, v50;
	v59 =	vld [tilespmem:s21+$0x2C60];
	v18 =	vadd.f32 v18, v19;
	v21 =	vadd.f32 v56, v21  }
0x1ad: {  	v45 =	vld [tilespmem:s21+$0x2B20];
	v16 =	vmul.f32 v16, v16;
	v27 =	vadd.f32 v51, v27;
	v17 =	vadd.f32 v28, v17  }
0x1ae: {  	v47 =	vld [tilespmem:s21+$0x2CB0];
	v44 =	vmul.f32 v33, v33;
	v18 =	vadd.f32 v54, v18;
	v21 =	vadd.f32 v60, v21  }
0x1af: {  	v49 =	vld [tilespmem:s21+$0x2B30];
	v32 =	vmul.f32 v53, v53;
	v15 =	vsub.f32 v16, v15;
	v27 =	vadd.f32 v55, v27  }
0x1b0: {  	v37 =	vld [tilespmem:s21+$0x2B00];
	v62 =	vmul.f32 v51, v51;
	v17 =	vadd.f32 v43, v17;
	v18 =	vadd.f32 v58, v18  }
0x1b1: {  	v41 =	vld [tilespmem:s21+$0x2B10];
	v36 =	vmul.f32 v57, v57;
	v21 =	vadd.f32 v32, v21;
	v27 =	vadd.f32 v59, v27  }
0x1b2: {  	v46 =	vmul.f32 v35, v35;
	v51 =	vld [tilespmem:s21+$0x2CC0];
	v17 =	vadd.f32 v29, v17;
	v18 =	vadd.f32 v62, v18  }
0x1b3: {  	v40 =	vmul.f32 v61, v61;
	v55 =	vld [tilespmem:s21+$0x2CD0];
	v21 =	vadd.f32 v36, v21;
	v27 =	vadd.f32 v63, v27  }
0x1b4: {  	v38 =	vmul.f32 v59, v59;
	v43 =	vld [tilespmem:s21+$0x2CA0];
	v17 =	vadd.f32 v50, v17;
	v18 =	vadd.f32 v34, v18  }
0x1b5: {  	v56 =	vmul.f32 v45, v45;
	v32 =	vld [tilespmem:s21+$0x2B70];
	v21 =	vadd.f32 v40, v21;
	v27 =	vadd.f32 v35, v27  }
0x1b6: {  	v60 =	vmul.f32 v49, v49;
	v59 =	vld [tilespmem:s21+$0x2CE0];
	v17 =	vadd.f32 v53, v17;
	v18 =	vadd.f32 v38, v18  }
0x1b7: {  	v48 =	vmul.f32 v37, v37;
	v36 =	vld [tilespmem:s21+$0x2B80];
	v21 =	vadd.f32 v44, v21;
	v27 =	vadd.f32 v39, v27  }
0x1b8: {  	v52 =	vmul.f32 v41, v41;
	v63 =	vld [tilespmem:s21+$0x2CF0];
	v17 =	vadd.f32 v57, v17;
	v18 =	vadd.f32 v42, v18  }
0x1b9: {  	v58 =	vmul.f32 v47, v47;
	v53 =	vld [tilespmem:s21+$0x2B40];
	v21 =	vadd.f32 v48, v21;
	v27 =	vadd.f32 v43, v27  }
0x1ba: {  	v50 =	vmul.f32 v39, v39;
	v34 =	vld [tilespmem:s21+$0x2D00];
	v17 =	vadd.f32 v61, v17;
	v18 =	vadd.f32 v46, v18  }
0x1bb: {  	v62 =	vmul.f32 v51, v51;
	v40 =	vld [tilespmem:s21+$0x2B90];
	v21 =	vadd.f32 v52, v21;
	v27 =	vadd.f32 v47, v27  }
0x1bc: {  	v54 =	vmul.f32 v43, v43;
	v57 =	vld [tilespmem:s21+$0x2B50];
	v17 =	vadd.f32 v33, v17;
	v18 =	vadd.f32 v50, v18  }
0x1bd: {  	v38 =	vld [tilespmem:s21+$0x2D10];
	v43 =	vmul.f32 v32, v32;
	v21 =	vadd.f32 v56, v21;
	v27 =	vadd.f32 v51, v27  }
0x1be: {  	v61 =	vld [tilespmem:s21+$0x2B60];
	v31 =	vmul.f32 v53, v53;
	v17 =	vadd.f32 v37, v17;
	v18 =	vadd.f32 v54, v18  }
0x1bf: {  	v44 =	vld [tilespmem:s21+$0x2BA0];
	v47 =	vmul.f32 v36, v36;
	v21 =	vadd.f32 v60, v21;
	v27 =	vadd.f32 v55, v27  }
0x1c0: {  	v42 =	vld [tilespmem:s21+$0x2D20];
	v33 =	vmul.f32 v55, v55;
	v17 =	vadd.f32 v41, v17;
	v18 =	vadd.f32 v58, v18  }
0x1c1: {  	v48 =	vld [tilespmem:s21+$0x2BB0];
	v35 =	vmul.f32 v57, v57;
	v21 =	vadd.f32 v31, v21;
	v27 =	vadd.f32 v59, v27  }
0x1c2: {  	v46 =	vld [tilespmem:s21+$0x2D30];
	v51 =	vmul.f32 v40, v40;
	v17 =	vadd.f32 v45, v17;
	v18 =	vadd.f32 v62, v18  }
0x1c3: {  	v50 =	vld [tilespmem:s21+$0x2D40];
	v39 =	vmul.f32 v61, v61;
	v21 =	vadd.f32 v35, v21;
	v27 =	vadd.f32 v63, v27  }
0x1c4: {  	v37 =	vmul.f32 v59, v59;
	v55 =	vld [tilespmem:s21+$0x2BC0];
	v17 =	vadd.f32 v49, v17;
	v18 =	vadd.f32 v33, v18  }
0x1c5: {  	v52 =	vmul.f32 v42, v42;
	v59 =	vld [tilespmem:s21+$0x2BD0];
	v21 =	vadd.f32 v39, v21;
	v27 =	vadd.f32 v34, v27  }
0x1c6: {  	v41 =	vmul.f32 v63, v63;
	v63 =	vld [tilespmem:s21+$0x2D80];
	v17 =	vadd.f32 v53, v17;
	v18 =	vadd.f32 v37, v18  }
0x1c7: {  	v54 =	vmul.f32 v44, v44;
	v33 =	vld [tilespmem:s21+$0x2D90];
	v21 =	vadd.f32 v43, v21;
	v27 =	vadd.f32 v38, v27  }
0x1c8: {  	v45 =	vmul.f32 v34, v34;
	v53 =	vld [tilespmem:s21+$0x2D50];
	v17 =	vadd.f32 v57, v17;
	v18 =	vadd.f32 v41, v18  }
0x1c9: {  	v49 =	vmul.f32 v38, v38;
	v38 =	vld [tilespmem:s21+$0x2F20];
	v21 =	vadd.f32 v47, v21;
	v27 =	vadd.f32 v42, v27  }
0x1ca: {  	v56 =	vmul.f32 v46, v46;
	v41 =	vld [tilespmem:s21+$0x2F30];
	v17 =	vadd.f32 v61, v17;
	v18 =	vadd.f32 v45, v18  }
0x1cb: {  	v58 =	vmul.f32 v48, v48;
	v57 =	vld [tilespmem:s21+$0x2D60];
	v21 =	vadd.f32 v51, v21;
	v27 =	vadd.f32 v46, v27  }
0x1cc: {  	v60 =	vmul.f32 v50, v50;
	v47 =	vld [tilespmem:s21+$0x2DD0];
	v46 =	vadd.f32 v33, v63;
	v17 =	vadd.f32 v32, v17  }
0x1cd: {  	v31 =	vmul.f32 v55, v55;
	v45 =	vld [tilespmem:s21+$0x2F40];
	v18 =	vadd.f32 v49, v18;
	v21 =	vadd.f32 v54, v21  }
0x1ce: {  	v42 =	vld [tilespmem:s21+$0x2DC0];
	v51 =	vmul.f32 v38, v38;
	v27 =	vadd.f32 v50, v27;
	v17 =	vadd.f32 v36, v17  }
0x1cf: {  	v61 =	vld [tilespmem:s21+$0x2D70];
	v30 =	vmul.f32 v41, v41;
	v19 =	vadd.f32 v41, v38;
	v18 =	vadd.f32 v52, v18  }
0x1d0: {  	v37 =	vmul.f32 v59, v59;
	v49 =	vld [tilespmem:s21+$0x2F50];
	v21 =	vadd.f32 v58, v21;
	v17 =	vadd.f32 v40, v17  }
0x1d1: {  	v43 =	vmul.f32 v63, v63;
	v54 =	vld [tilespmem:s21+$0x2DF0];
	v62 =	vadd.f32 v53, v27;
	v27 =	vadd.f32 v30, v51  }
0x1d2: {  	v32 =	vmul.f32 v53, v53;
	v50 =	vld [tilespmem:s21+$0x2DE0];
	v19 =	vadd.f32 v45, v19;
	v17 =	vadd.f32 v44, v17  }
0x1d3: {  	v35 =	vmul.f32 v57, v57;
	v53 =	vld [tilespmem:s21+$0x2F60];
	v18 =	vadd.f32 v56, v18;
	v21 =	vadd.f32 v31, v21  }
0x1d4: {  	v34 =	vld [tilespmem:s21+$0x2DA0];
	v40 =	vmul.f32 v61, v61;
	v23 =	vadd.f32 v57, v62;
	v17 =	vadd.f32 v48, v17  }
0x1d5: {  	v36 =	vld [tilespmem:s21+$0x2DB0];
	v56 =	vmul.f32 v42, v42;
	v19 =	vadd.f32 v49, v19;
	v18 =	vadd.f32 v60, v18  }
0x1d6: {  	v57 =	vld [tilespmem:s21+$0x2F70];
	v21 =	vadd.f32 v37, v21;
	v44 =	vmul.f32 v33, v33;
	v17 =	vadd.f32 v55, v17  }
0x1d7: {  	v58 =	vld [tilespmem:s21+$0x2E00];
	v60 =	vmul.f32 v47, v47;
	v33 =	vmul.f32 v50, v50;
	v18 =	vadd.f32 v32, v18  }
0x1d8: {  	v37 =	vmul.f32 v54, v54;
	v19 =	vadd.f32 v53, v19;
	v17 =	vadd.f32 v59, v17  }
0x1d9: {  	v48 =	vmul.f32 v34, v34;
	v39 =	vadd.f32 v35, v18;
	v18 =	vadd.f32 v44, v43  }
0x1da: {  	v62 =	vld [tilespmem:s21+$0x2E10];
	v23 =	vadd.f32 v61, v23;
	v52 =	vmul.f32 v36, v36;
	v17 =	vmul.f32 v17, v17  }
0x1db: {  	v61 =	vld [tilespmem:s21+$0x2F80];
	v55 =	vmul.f32 v45, v45;
	v19 =	vadd.f32 v57, v19;
	v18 =	vadd.f32 v48, v18  }
0x1dc: {  	v41 =	vmul.f32 v58, v58;
	v17 =	vsub.f32 v17, v21;
	v21 =	vadd.f32 v34, v46  }
0x1dd: {  	v38 =	vld [tilespmem:s21+$0x2FA0];
	v27 =	vadd.f32 v55, v27;
	v59 =	vmul.f32 v49, v49;
	v18 =	vadd.f32 v52, v18  }
0x1de: {  	v63 =	vmul.f32 v53, v53;
	v35 =	vld [tilespmem:s21+$0x2E20];
	v16 =	vadd.f32 v40, v39;
	v20 =	vadd.f32 v36, v21  }
0x1df: {  	v23 =	vmul.f32 v23, v23;
	v27 =	vadd.f32 v59, v27;
	v18 =	vadd.f32 v56, v18;
	v34 =	vld [tilespmem:s21+$0x2F90]  }
0x1e0: {  	v43 =	vld [tilespmem:s21+$0x2E40];
	v45 =	vmul.f32 v62, v62;
	v19 =	vadd.f32 v61, v19;
	v20 =	vadd.f32 v42, v20  }
0x1e1: {  	v39 =	vld [tilespmem:s21+$0x2E30];
	v27 =	vadd.f32 v63, v27;
	v18 =	vadd.f32 v60, v18;
	v36 =	vmul.f32 v57, v57  }
0x1e2: {  	v40 =	vmul.f32 v61, v61;
	v16 =	vsub.f32 v23, v16;
	v46 =	vld [tilespmem:s21+$0x2FC0];
	v20 =	vadd.f32 v47, v20  }
0x1e3: {  	v48 =	vmul.f32 v38, v38;
	v18 =	vadd.f32 v33, v18;
	v27 =	vadd.f32 v36, v27;
	v42 =	vld [tilespmem:s21+$0x2FB0]  }
0x1e4: {  	v51 =	vld [tilespmem:s21+$0x2E60];
	v49 =	vmul.f32 v35, v35;
	v19 =	vadd.f32 v34, v19;
	v20 =	vadd.f32 v50, v20  }
0x1e5: {  	v55 =	vld [tilespmem:s21+$0x2E70];
	v44 =	vmul.f32 v34, v34;
	v18 =	vadd.f32 v37, v18;
	v27 =	vadd.f32 v40, v27  }
0x1e6: {  	v59 =	vld [tilespmem:s21+$0x2E80];
	v53 =	vmul.f32 v39, v39;
	v19 =	vadd.f32 v38, v19;
	v20 =	vadd.f32 v54, v20  }
0x1e7: {  	v57 =	vmul.f32 v43, v43;
	v18 =	vadd.f32 v41, v18;
	v27 =	vadd.f32 v44, v27;
	v50 =	vld [tilespmem:s21+$0x2FD0]  }
0x1e8: {  	v56 =	vmul.f32 v46, v46;
	v47 =	vld [tilespmem:s21+$0x2E50];
	v19 =	vadd.f32 v42, v19;
	v20 =	vadd.f32 v58, v20  }
0x1e9: {  	v52 =	vmul.f32 v42, v42;
	v18 =	vadd.f32 v45, v18;
	v27 =	vadd.f32 v48, v27;
	v54 =	vld [tilespmem:s21+$0x2FE0]  }
0x1ea: {  	v63 =	vld [tilespmem:s21+$0x2E90];
	v34 =	vmul.f32 v51, v51;
	v19 =	vadd.f32 v46, v19;
	v20 =	vadd.f32 v62, v20  }
0x1eb: {  	v38 =	vmul.f32 v55, v55;
	v18 =	vadd.f32 v49, v18;
	v27 =	vadd.f32 v52, v27;
	v58 =	vld [tilespmem:s21+$0x2FF0]  }
0x1ec: {  	v36 =	vld [tilespmem:s21+$0x2EA0];
	v42 =	vmul.f32 v59, v59;
	v19 =	vadd.f32 v50, v19;
	v20 =	vadd.f32 v35, v20  }
0x1ed: {  	v60 =	vmul.f32 v50, v50;
	v18 =	vadd.f32 v53, v18;
	v27 =	vadd.f32 v56, v27;
	v62 =	vld [tilespmem:s21+$0x3000]  }
0x1ee: {  	v40 =	vld [tilespmem:s21+$0x2EB0];
	v61 =	vmul.f32 v47, v47;
	v19 =	vadd.f32 v54, v19;
	v20 =	vadd.f32 v39, v20  }
0x1ef: {  	v33 =	vmul.f32 v54, v54;
	v18 =	vadd.f32 v57, v18;
	v27 =	vadd.f32 v60, v27;
	v35 =	vld [tilespmem:s21+$0x3010]  }
0x1f0: {  	v44 =	vld [tilespmem:s21+$0x2EC0];
	v46 =	vmul.f32 v63, v63;
	v19 =	vadd.f32 v58, v19;
	v20 =	vadd.f32 v43, v20  }
0x1f1: {  	v37 =	vmul.f32 v58, v58;
	v18 =	vadd.f32 v61, v18;
	v27 =	vadd.f32 v33, v27;
	v39 =	vld [tilespmem:s21+$0x3020]  }
0x1f2: {  	v48 =	vld [tilespmem:s21+$0x2ED0];
	v50 =	vmul.f32 v36, v36;
	v19 =	vadd.f32 v62, v19;
	v20 =	vadd.f32 v47, v20  }
0x1f3: {  	v41 =	vmul.f32 v62, v62;
	v18 =	vadd.f32 v34, v18;
	v27 =	vadd.f32 v37, v27;
	v43 =	vld [tilespmem:s21+$0x3030]  }
0x1f4: {  	v52 =	vld [tilespmem:s21+$0x2EE0];
	v54 =	vmul.f32 v40, v40;
	v19 =	vadd.f32 v35, v19;
	v20 =	vadd.f32 v51, v20  }
0x1f5: {  	v45 =	vmul.f32 v35, v35;
	v18 =	vadd.f32 v38, v18;
	v27 =	vadd.f32 v41, v27;
	v47 =	vld [tilespmem:s21+$0x3040]  }
0x1f6: {  	v60 =	vld [tilespmem:s21+$0x2F00];
	v58 =	vmul.f32 v44, v44;
	v19 =	vadd.f32 v39, v19;
	v20 =	vadd.f32 v55, v20  }
0x1f7: {  	v49 =	vmul.f32 v39, v39;
	v18 =	vadd.f32 v42, v18;
	v27 =	vadd.f32 v45, v27;
	v51 =	vld [tilespmem:s21+$0x3050]  }
0x1f8: {  	v33 =	vld [tilespmem:s21+$0x2F10];
	v62 =	vmul.f32 v48, v48;
	v19 =	vadd.f32 v43, v19;
	v20 =	vadd.f32 v59, v20  }
0x1f9: {  	v53 =	vmul.f32 v43, v43;
	v18 =	vadd.f32 v46, v18;
	v27 =	vadd.f32 v49, v27;
	v55 =	vld [tilespmem:s21+$0x3060]  }
0x1fa: {  	v35 =	vmul.f32 v52, v52;
	v41 =	vld [tilespmem:s21+$0x30B0];
	v19 =	vadd.f32 v47, v19;
	v20 =	vadd.f32 v63, v20  }
0x1fb: {  	v57 =	vmul.f32 v47, v47;
	v18 =	vadd.f32 v50, v18;
	v27 =	vadd.f32 v53, v27;
	v59 =	vld [tilespmem:s21+$0x3070]  }
0x1fc: {  	v56 =	vld [tilespmem:s21+$0x2EF0];
	v45 =	vmul.f32 v60, v60;
	v19 =	vadd.f32 v51, v19;
	v20 =	vadd.f32 v36, v20  }
0x1fd: {  	v61 =	vmul.f32 v51, v51;
	v18 =	vadd.f32 v54, v18;
	v27 =	vadd.f32 v57, v27;
	v63 =	vld [tilespmem:s21+$0x3080]  }
0x1fe: {  	v39 =	vld [tilespmem:s21+$0x30A0];
	v50 =	vmul.f32 v33, v33;
	v19 =	vadd.f32 v55, v19;
	v20 =	vadd.f32 v40, v20  }
0x1ff: {  	v34 =	vmul.f32 v55, v55;
	v18 =	vadd.f32 v58, v18;
	v27 =	vadd.f32 v61, v27;
	v36 =	vld [tilespmem:s21+$0x3090]  }
0x200: {  	v31 =	vld [tilespmem:s21+$0x30E0];
	v53 =	vmul.f32 v41, v41;
	v19 =	vadd.f32 v59, v19;
	v20 =	vadd.f32 v44, v20  }
0x201: {  	v46 =	vld [tilespmem:s21+$0x30D0];
	v38 =	vmul.f32 v59, v59;
	v18 =	vadd.f32 v62, v18;
	v37 =	vadd.f32 v34, v27  }
0x202: {  	v49 =	vld [tilespmem:s21+$0x3270];
	v40 =	vmul.f32 v56, v56;
	v19 =	vadd.f32 v63, v19;
	v20 =	vadd.f32 v48, v20  }
0x203: {  	v43 =	vmul.f32 v63, v63;
	v18 =	vadd.f32 v35, v18;
	v42 =	vadd.f32 v38, v37;
	v44 =	vld [tilespmem:s21+$0x30C0]  }
0x204: {  	v51 =	vmul.f32 v39, v39;
	v19 =	vadd.f32 v36, v19;
	v20 =	vadd.f32 v52, v20  }
0x205: {  	v54 =	vld [tilespmem:s21+$0x30F0];
	v47 =	vmul.f32 v36, v36;
	v18 =	vadd.f32 v40, v18;
	v21 =	vadd.f32 v43, v42  }
0x206: {  	v32 =	vmul.f32 v46, v46;
	v48 =	vld [tilespmem:s21+$0x3260];
	v19 =	vadd.f32 v39, v19;
	v20 =	vadd.f32 v56, v20  }
0x207: {  	v58 =	vmul.f32 v31, v31;
	v63 =	vld [tilespmem:s21+$0x32B0];
	v18 =	vadd.f32 v45, v18;
	v21 =	vadd.f32 v47, v21  }
0x208: {  	v34 =	vmul.f32 v49, v49;
	v52 =	vld [tilespmem:s21+$0x3280];
	v27 =	vadd.f32 v46, v44;
	v20 =	vadd.f32 v60, v20  }
0x209: {  	v59 =	vld [tilespmem:s21+$0x32A0];
	v55 =	vmul.f32 v44, v44;
	v18 =	vadd.f32 v50, v18;
	v24 =	vadd.f32 v51, v21  }
0x20a: {  	v62 =	vmul.f32 v54, v54;
	v21 =	vadd.f32 v41, v19;
	v20 =	vadd.f32 v33, v20;
	v33 =	vld [tilespmem:s21+$0x3290]  }
0x20b: {  	v56 =	vld [tilespmem:s21+$0x3100];
	v57 =	vmul.f32 v48, v48;
	v25 =	vadd.f32 v32, v55;
	v23 =	vadd.f32 v49, v48  }
0x20c: {  	v36 =	vld [tilespmem:s21+$0x3120];
	v45 =	vmul.f32 v63, v63;
	v27 =	vadd.f32 v31, v27;
	v19 =	vadd.f32 v53, v24  }
0x20d: {  	v60 =	vld [tilespmem:s21+$0x3110];
	v29 =	vadd.f32 v34, v57;
	v61 =	vmul.f32 v52, v52;
	v22 =	vadd.f32 v52, v23  }
0x20e: {  	v40 =	vld [tilespmem:s21+$0x3130];
	v41 =	vmul.f32 v59, v59;
	v25 =	vadd.f32 v58, v25;
	v27 =	vadd.f32 v54, v27  }
0x20f: {  	v39 =	vld [tilespmem:s21+$0x32C0];
	v29 =	vadd.f32 v61, v29;
	v37 =	vmul.f32 v33, v33;
	v22 =	vadd.f32 v33, v22  }
0x210: {  	v43 =	vld [tilespmem:s21+$0x32D0];
	v25 =	vadd.f32 v62, v25;
	v38 =	vmul.f32 v56, v56;
	v24 =	vadd.f32 v56, v27  }
0x211: {  	v47 =	vld [tilespmem:s21+$0x32E0];
	v46 =	vmul.f32 v36, v36;
	v29 =	vadd.f32 v37, v29;
	v22 =	vadd.f32 v59, v22  }
0x212: {  	v44 =	vld [tilespmem:s21+$0x3140];
	v25 =	vadd.f32 v38, v25;
	v42 =	vmul.f32 v60, v60;
	v24 =	vadd.f32 v60, v24  }
0x213: {  	v51 =	vmul.f32 v40, v40;
	v52 =	vld [tilespmem:s21+$0x32F0];
	v29 =	vadd.f32 v41, v29;
	v22 =	vadd.f32 v63, v22  }
0x214: {  	v49 =	vmul.f32 v39, v39;
	v56 =	vld [tilespmem:s21+$0x3300];
	v25 =	vadd.f32 v42, v25;
	v23 =	vadd.f32 v36, v24  }
0x215: {  	v48 =	vld [tilespmem:s21+$0x3150];
	v54 =	vmul.f32 v43, v43;
	v29 =	vadd.f32 v45, v29;
	v22 =	vadd.f32 v39, v22  }
0x216: {  	v58 =	vmul.f32 v47, v47;
	v60 =	vld [tilespmem:s21+$0x3310];
	v50 =	vadd.f32 v46, v25;
	v23 =	vadd.f32 v40, v23  }
0x217: {  	v53 =	vld [tilespmem:s21+$0x3160];
	v55 =	vmul.f32 v44, v44;
	v29 =	vadd.f32 v49, v29;
	v22 =	vadd.f32 v43, v22  }
0x218: {  	v62 =	vmul.f32 v52, v52;
	v36 =	vld [tilespmem:s21+$0x3320];
	v24 =	vadd.f32 v51, v50;
	v23 =	vadd.f32 v44, v23  }
0x219: {  	v57 =	vld [tilespmem:s21+$0x3170];
	v38 =	vmul.f32 v56, v56;
	v29 =	vadd.f32 v54, v29;
	v22 =	vadd.f32 v47, v22  }
0x21a: {  	v59 =	vmul.f32 v48, v48;
	v40 =	vld [tilespmem:s21+$0x3330];
	v24 =	vadd.f32 v55, v24;
	v23 =	vadd.f32 v48, v23  }
0x21b: {  	v61 =	vld [tilespmem:s21+$0x3180];
	v42 =	vmul.f32 v60, v60;
	v29 =	vadd.f32 v58, v29;
	v22 =	vadd.f32 v52, v22  }
0x21c: {  	v63 =	vmul.f32 v53, v53;
	v41 =	vld [tilespmem:s21+$0x31A0];
	v24 =	vadd.f32 v59, v24;
	v23 =	vadd.f32 v53, v23  }
0x21d: {  	v37 =	vld [tilespmem:s21+$0x3190];
	v46 =	vmul.f32 v36, v36;
	v29 =	vadd.f32 v62, v29;
	v22 =	vadd.f32 v56, v22  }
0x21e: {  	v44 =	vld [tilespmem:s21+$0x3340];
	v39 =	vmul.f32 v57, v57;
	v24 =	vadd.f32 v63, v24;
	v23 =	vadd.f32 v57, v23  }
0x21f: {  	v45 =	vld [tilespmem:s21+$0x31B0];
	v50 =	vmul.f32 v40, v40;
	v29 =	vadd.f32 v38, v29;
	v22 =	vadd.f32 v60, v22  }
0x220: {  	v48 =	vld [tilespmem:s21+$0x3350];
	v43 =	vmul.f32 v61, v61;
	v24 =	vadd.f32 v39, v24;
	v23 =	vadd.f32 v61, v23  }
0x221: {  	v49 =	vld [tilespmem:s21+$0x31C0];
	v51 =	vmul.f32 v41, v41;
	v29 =	vadd.f32 v42, v29;
	v22 =	vadd.f32 v36, v22  }
0x222: {  	v53 =	vld [tilespmem:s21+$0x31D0];
	v47 =	vmul.f32 v37, v37;
	v24 =	vadd.f32 v43, v24;
	v23 =	vadd.f32 v37, v23  }
0x223: {  	v54 =	vmul.f32 v44, v44;
	v57 =	vld [tilespmem:s21+$0x31E0];
	v29 =	vadd.f32 v46, v29;
	v22 =	vadd.f32 v40, v22  }
0x224: {  	v55 =	vmul.f32 v45, v45;
	v52 =	vld [tilespmem:s21+$0x3360];
	v24 =	vadd.f32 v47, v24;
	v23 =	vadd.f32 v41, v23  }
0x225: {  	v58 =	vmul.f32 v48, v48;
	v61 =	vld [tilespmem:s21+$0x31F0];
	v29 =	vadd.f32 v50, v29;
	v22 =	vadd.f32 v44, v22  }
0x226: {  	v59 =	vmul.f32 v49, v49;
	v56 =	vld [tilespmem:s21+$0x3370];
	v24 =	vadd.f32 v51, v24;
	v23 =	vadd.f32 v45, v23  }
0x227: {  	v63 =	vmul.f32 v53, v53;
	v37 =	vld [tilespmem:s21+$0x3200];
	v29 =	vadd.f32 v54, v29;
	v22 =	vadd.f32 v48, v22  }
0x228: {  	v39 =	vmul.f32 v57, v57;
	v60 =	vld [tilespmem:s21+$0x3380];
	v24 =	vadd.f32 v55, v24;
	v23 =	vadd.f32 v49, v23  }
0x229: {  	v41 =	vld [tilespmem:s21+$0x3210];
	v62 =	vmul.f32 v52, v52;
	v29 =	vadd.f32 v58, v29;
	v22 =	vadd.f32 v52, v22  }
0x22a: {  	v43 =	vmul.f32 v61, v61;
	v36 =	vld [tilespmem:s21+$0x3390];
	v24 =	vadd.f32 v59, v24;
	v23 =	vadd.f32 v53, v23  }
0x22b: {  	v45 =	vld [tilespmem:s21+$0x3220];
	v38 =	vmul.f32 v56, v56;
	v29 =	vadd.f32 v62, v29;
	v22 =	vadd.f32 v56, v22  }
0x22c: {  	v47 =	vmul.f32 v37, v37;
	v40 =	vld [tilespmem:s21+$0x33A0];
	v24 =	vadd.f32 v63, v24;
	v23 =	vadd.f32 v57, v23  }
0x22d: {  	v42 =	vmul.f32 v60, v60;
	v29 =	vadd.f32 v38, v29;
	v22 =	vadd.f32 v60, v22  }
0x22e: {  	v51 =	vmul.f32 v41, v41;
	v44 =	vld [tilespmem:s21+$0x33B0];
	v24 =	vadd.f32 v39, v24;
	v23 =	vadd.f32 v61, v23  }
0x22f: {  	v53 =	vld [tilespmem:s21+$0x3240];
	v46 =	vmul.f32 v36, v36;
	v29 =	vadd.f32 v42, v29;
	v22 =	vadd.f32 v36, v22  }
0x230: {  	v55 =	vmul.f32 v45, v45;
	v48 =	vld [tilespmem:s21+$0x33C0];
	v24 =	vadd.f32 v43, v24;
	v23 =	vadd.f32 v37, v23  }
0x231: {  	v49 =	vld [tilespmem:s21+$0x3230];
	v50 =	vmul.f32 v40, v40;
	v29 =	vadd.f32 v46, v29;
	v22 =	vadd.f32 v40, v22  }
0x232: {  	v52 =	vld [tilespmem:s21+$0x33D0];
	v39 =	vmul.f32 v21, v21;
	v24 =	vadd.f32 v47, v24;
	v23 =	vadd.f32 v41, v23  }
0x233: {  	(xrf2) =	vadd.scan.msk.f32 $0xffff, v8;
	v63 =	vld [tilespmem:s21+$0x3250];
	v54 =	vmul.f32 v44, v44;
	v29 =	vadd.f32 v50, v29;
	v57 =	vadd.f32 v44, v22  }
0x234: {  	(xrf2) =	vadd.scan.msk.f32 $0xffff, v7;
	v32 =	vmul.f32 v53, v53;
	v56 =	vld [tilespmem:s21+$0x33E0];
	v24 =	vadd.f32 v51, v24;
	v60 =	vadd.f32 v45, v23  }
0x235: {  	(xrf2) =	vadd.scan.msk.f32 $0xffff, v10;
	v59 =	vmul.f32 v48, v48;
	v58 =	vadd.f32 v54, v29;
	v8 =	vadd.f32 v48, v57  }
0x236: {  	(xrf2) =	vadd.scan.msk.f32 $0xffff, v9;
	v34 =	vld [tilespmem:s21+$0x33F0];
	v62 =	vmul.f32 v49, v49;
	v61 =	vadd.f32 v55, v24;
	v7 =	vadd.f32 v49, v60  }
0x237: {  	(xrf2) =	vadd.scan.msk.f32 $0xffff, v12;
	v29 =	vmul.f32 v52, v52;
	v22 =	vadd.f32 v59, v58;
	v8 =	vadd.f32 v52, v8  }
0x238: {  	(xrf2) =	vadd.scan.msk.f32 $0xffff, v11;
	v10 =	vmul.f32 v63, v63;
	v31 =	vadd.f32 v62, v61;
	v7 =	vadd.f32 v53, v7  }
0x239: {  	(xrf2) =	vadd.scan.msk.f32 $0xffff, v13;
	v36 =	vmul.f32 v56, v56;
	v35 =	vadd.f32 v29, v22;
	v8 =	vadd.f32 v56, v8  }
0x23a: {  	(xrf2) =	vadd.scan.msk.f32 $0xffff, v14;
	v38 =	vmul.f32 v20, v20;
	v9 =	vadd.f32 v32, v31;
	v7 =	vadd.f32 v63, v7  }
0x23b: {  	(xrf2) =	vadd.scan.msk.f32 $0xffff, v15;
	v40 =	vmul.f32 v34, v34;
	v37 =	vadd.f32 v36, v35;
	v8 =	vadd.f32 v34, v8  }
0x23c: {  	(xrf2) =	vadd.scan.msk.f32 $0xffff, v17;
	v12 =	vsub.f32 v38, v18;
	v9 =	vadd.f32 v10, v9;
	v7 =	vmul.f32 v7, v7  }
0x23d: {  	v13 =	vsub.f32 v39, v19;
	v41, _, _ =	vpop (xrf2);
	(xrf2) =	vadd.scan.msk.f32 $0xffff, v16;
	v11 =	vadd.f32 v40, v37;
	v8 =	vmul.f32 v8, v8  }
0x23e: {  	(v2sf) =	vpush v41, $0xF;
	v42, _, _ =	vpop (xrf2);
	(xrf2) =	vadd.scan.msk.f32 $0xffff, v12;
	v7 =	vsub.f32 v7, v9  }
0x23f: {  	(v2sf) =	vpush v42, $0xF;
	v43, _, _ =	vpop (xrf2);
	(xrf2) =	vadd.scan.msk.f32 $0xffff, v13;
	v8 =	vsub.f32 v8, v11  }
0x240: {  	(v2sf) =	vpush v43, $0xF;
	v44, _, _ =	vpop (xrf2);
	(xrf2) =	vadd.scan.msk.f32 $0xffff, v7  }
0x241: {  	v4 =	vadd.f32 v4, v5;
	(v2sf) =	vpush v44, $0xF;
	v45, _, _ =	vpop (xrf2);
	(xrf2) =	vadd.scan.msk.f32 $0xffff, v8  }
0x242: {  	v46, _, _ =	vpop (xrf2);
	(v2sf) =	vpush v45, $0xF  }
0x243: {  	v3 =	vadd.f32 v3, v4;
	v47, _, _ =	vpop (xrf2);
	(v2sf) =	vpush v46, $0xF  }
0x244: {  	v48, _, _ =	vpop (xrf2);
	(v2sf) =	vpush v47, $0xF  }
0x245: {  	v2 =	vadd.f32 v2, v3;
	v50 =	vld [tilespmem:s20+$0xEE00];
	v49, _, _ =	vpop (xrf2);
	(v2sf) =	vpush v48, $0xF  }
0x246: {  	v51, _, _ =	vpop (xrf2);
	(v2sf) =	vpush v49, $0xF  }
0x247: {  	v52 =	vld [tilespmem:s20+$0xEE80];
	v3, _, _ =	vpop (xrf2);
	(v2sf) =	vpush v51, $0xF  }
0x248: {  	v1 =	vadd.f32 v1, v2;
	v53, _, _ =	vpop (xrf2);
	(v2sf) =	vpush v3, $0xF  }
0x249: {  	v3 =	vld [tilespmem:s20+$0xEF00];
	v2, _, _ =	vpop (xrf2);
	(v2sf) =	vpush v53, $0xF  }
0x24a: {  	v1 =	vadd.f32 v50, v1;
	(v2sf) =	vpush v2, $0xF;
	v54, _, _ =	vpop (xrf2)  }
0x24b: {  	v2 =	vld [tilespmem:s20+$0xEF80];
	(v2sf) =	vpush v54, $0xF;
	v55, _, _ =	vpop (xrf2)  }
0x24c: {  	s21 =	spop (v2sf);
	v1 =	vadd.f32 v52, v1;
	(v2sf) =	vpush v55, $0xF  }
0x24d: {  	v56 =	vld [tilespmem:s20+$0xF000];
	s22 =	spop (v2sf)  }
0x24e: {  	s23 =	spop (v2sf);
	v1 =	vadd.f32 v3, v1  }
0x24f: {  	s24 =	spop (v2sf);
	v3 =	vld [tilespmem:s20+$0xF080]  }
0x250: {  	v1 =	vadd.f32 v2, v1;
	s25 =	spop (v2sf)  }
0x251: {  	v2 =	vld [tilespmem:s20+$0xF100];
	s26 =	spop (v2sf)  }
0x252: {  	v1 =	vadd.f32 v56, v1;
	s28 =	spop (v2sf)  }
0x253: {  	v57 =	vld [tilespmem:s20+$0xF180];
	s29 =	spop (v2sf)  }
0x254: {  	v1 =	vadd.f32 v3, v1;
	s30 =	spop (v2sf)  }
0x255: {  	v3 =	vld [tilespmem:s20+$0xF200];
	s31 =	spop (v2sf)  }
0x256: {  	v1 =	vadd.f32 v2, v1;
	s1 =	spop (v2sf)  }
0x257: {  	v2 =	vld [tilespmem:s20+$0xF280];
	s0 =	spop (v2sf)  }
0x258: {  	v1 =	vadd.f32 v57, v1;
	s12 =	spop (v2sf)  }
0x259: {  	v58 =	vld [tilespmem:s20+$0xF300];
	s14 =	spop (v2sf)  }
0x25a: {  	v1 =	vadd.f32 v3, v1;
	s17 =	spop (v2sf)  }
0x25b: {  	v3 =	vld [tilespmem:s20+$0xF380];
	s11 =	spop (v2sf)  }
0x25c: {  	v1 =	vadd.f32 v2, v1;
	s11 =	smul.f32 $5.000000000e-01, s11  }
0x25d: {  	s21 =	smul.f32 $5.000000000e-01, s21;
	v2 =	vld [tilespmem:s20+$0xF400]  }
0x25e: {  	s22 =	smul.f32 $5.000000000e-01, s22;
	v1 =	vadd.f32 v58, v1;
	v59 =	vmov s11  }
0x25f: {  	v60 =	vld [tilespmem:s20+$0xF480];
	s23 =	smul.f32 $5.000000000e-01, s23;
	v4 =	vsel vm0, s21, v59  }
0x260: {  	s24 =	smul.f32 $5.000000000e-01, s24;
	v1 =	vadd.f32 v3, v1;
	v3 =	vsel vm1, s22, v4  }
0x261: {  	v61 =	vld [tilespmem:s20+$0xF500];
	s25 =	smul.f32 $5.000000000e-01, s25;
	v3 =	vsel vm2, s23, v3  }
0x262: {  	v1 =	vadd.f32 v2, v1;
	s23 =	smul.f32 $5.000000000e-01, s26;
	v2 =	vsel vm3, s24, v3  }
0x263: {  	v3 =	vld [tilespmem:s20+$0xF580];
	s24 =	smul.f32 $5.000000000e-01, s28;
	v2 =	vsel vm4, s25, v2  }
0x264: {  	v1 =	vadd.f32 v60, v1;
	s25 =	smul.f32 $5.000000000e-01, s29;
	v2 =	vsel vm5, s23, v2  }
0x265: {  	v62 =	vld [tilespmem:s20+$0xF600];
	s26 =	smul.f32 $5.000000000e-01, s30;
	v2 =	vsel vm6, s24, v2  }
0x266: {  	v1 =	vadd.f32 v61, v1;
	s28 =	smul.f32 $5.000000000e-01, s31;
	v2 =	vsel vm7, s25, v2  }
0x267: {  	v63 =	vld [tilespmem:s20+$0xF680];
	s1 =	smul.f32 $5.000000000e-01, s1;
	v2 =	vsel vm8, s26, v2  }
0x268: {  	s0 =	smul.f32 $5.000000000e-01, s0;
	v1 =	vadd.f32 v3, v1;
	v2 =	vsel vm9, s28, v2  }
0x269: {  	s29 =	smul.f32 $5.000000000e-01, s12;
	v2 =	vsel vm10, s1, v2  }
0x26a: {  	s30 =	smul.f32 $5.000000000e-01, s14;
	v1 =	vadd.f32 v62, v1;
	v2 =	vsel vm11, s0, v2  }
0x26b: {  	p0 =	sne.s32 s19, $0x7;
	s31 =	smul.f32 $5.000000000e-01, s17;
	v2 =	vsel vm12, s29, v2  }
.Ltmp0:
0x26c: {  	v1 =	vadd.f32 v63, v1;
	v2 =	vsel vm13, s30, v2;
	(pc) =	sbr.rel @p0 .LBB2_2-.Ltmp0, $3  }
0x26d: {  	v2 =	vsel vm14, s31, v2  }
0x26e: {  	v1 =	vadd.f32 v2, v1;
	_ =	sdelay $0x1  }
0x26f: {  	s19 =	sadd.s32 $0x1, s19;
	[tilespmem:s20+$0xF700] =	vst v1  }
0x270: {  	s18 =	sadd.s32 $0x1, s18  }
0x271: {  	p0 =	sne.s32 s18, s9  }
.Ltmp1:
0x272: {  	s0 =	simm.s32 $0xF700;
	(pc) =	sbr.rel @p0 .LBB2_1-.Ltmp1, $4  }
0x273: {  	[hbm4b:s8+s2] =	stream.linear.scatter [tilespmem:s0], [sflag:$0x3], $0x80, $0x38;
	[tilespmem:$0xF790] =	vst v63  }
0x274: {  	_ =	swait.ge [sflag:s10], $0x80  }
0x275: {  	[sflag:s10] =	ssyncset.done $0x0  }
0x276: {  	[sflag:s10] =	ssyncadd.s32 $0xFFFFFF80  }
0x277: {  	_ =	sfence.sel $0x180000  }
0x278: {  	[bflag:$0x0] =	sbarrier.arrive $0xFFFF  }
0x279: {  	_ =	strace $0x90000047  }
0x27a: {  	s0 =	stileid.u32;
	[bflag:$0x2] =	sbarrier.arrive $0xFFFF  }
0x27b: {  	p0 =	sne.s32 s0, $0x0;
	s0 =	rddreg [dreg:$0x2]  }
0x27c: {  	s0 =	sadd.s32 @!p0 $0x100000, s0  }
0x27d: {  	[sflag:s0] =	ssyncadd.tile.s32 @!p0 $0x1;
	_ =	shalt  }
.Lfunc_end2:
_tile_overlayer_lowered:
.L_overlay_start_2:
0x27e: {  	(tag) =	ssettag $0x2  }
0x27f: {  	s0 =	rddreg [dreg:$0x0];
	s2 =	stileid.u32  }
0x280: {  	s1 =	rddreg [dreg:$0x1];
	p0 =	sne.s32 s2, $0x0  }
0x281: {  	s3 =	rddreg [dreg:$0x2];
	[bflag:$0x3] =	sbarrier.arrive $0xFFFF;
	s2 =	simm.s32 @!p0 $0x1C03  }
0x282: {  	[timem:s3], [sflag:s2] =	dma.local @!p0 [hbm:s0], s1  }
0x283: {  	s0 =	simm.s32 @!p0 $0x3  }
0x284: {  	_ =	swait.ge @!p0 [sflag:s0], s1  }
0x285: {  	s1 =	ssub.s32 @!p0 $0x0, s1;
	[sflag:s0] =	ssyncset.done @!p0 $0x0  }
0x286: {  	[sflag:s0] =	ssyncadd.s32 @!p0 s1  }
0x287: {  	[bflag:$0x3] =	sbarrier.arrive $0xFFFF  }
0x288: {  	_ =	shalt  }

</sc_bundles>
